<compile_context>
chip_gen: v7x
topology: tpu7x:2x2x1
jax: 0.10.2.dev20260603
libtpu: 0.0.44.dev20260713+nightly
codegen_flags: <defaults>
</compile_context>

<pallas_src>
import functools

import jax
import jax.numpy as jnp
from jax import lax
from jax.experimental import pallas as pl
from jax.experimental.pallas import tpu as pltpu
from jax.experimental.pallas import tpu_sc as plsc

VOCAB = 1000000
LENGTH = 200
DIM = 64
BATCH = 4096

B = BATCH * LENGTH
NC, NS = 2, 16
NW = NC * NS
SEQW = BATCH // NW
BPW = B // NW
STEP = 100
SEQ_PER_CHUNK = 2
CHUNK = SEQ_PER_CHUNK * LENGTH
CHUNK_STEPS = CHUNK // STEP
NCHUNK = BPW // CHUNK
NSTEPS = BPW // STEP
NBUF = 2

LPAD = LENGTH // 2 + 4
OUTROWS = BATCH * 2 * LPAD

CBLK = 16384
CGRID = (VOCAB + CBLK - 1) // CBLK


def _conv_body(tt_ref, out_ref, scr_ref):
    scr_ref[...] = tt_ref[...].T
    out_ref[...] = jnp.concatenate(
        [scr_ref[::2, :], scr_ref[1::2, :]], axis=1
    )


_convert = pl.pallas_call(
    _conv_body,
    grid=(CGRID,),
    in_specs=[pl.BlockSpec((DIM, CBLK), lambda i: (0, i))],
    out_specs=pl.BlockSpec((CBLK // 2, 2 * DIM), lambda i: (i, 0)),
    out_shape=jax.ShapeDtypeStruct((VOCAB // 2, 2 * DIM), jnp.float32),
    scratch_shapes=[pltpu.VMEM((CBLK, DIM), jnp.float32)],
)

SL = 4
BATCH_H = BATCH // SL
BH = BATCH_H * LENGTH
SEQW_H = BATCH_H // NW
BPW_H = BH // NW
NCHUNK_H = BPW_H // CHUNK
NSTEPS_H = BPW_H // STEP
OUTROWS_H = BATCH_H * 2 * LPAD

_mesh = plsc.VectorSubcoreMesh(core_axis_name="c", subcore_axis_name="s")


@functools.partial(
    pl.kernel,
    out_type=jax.ShapeDtypeStruct((OUTROWS_H, DIM), jnp.float32),
    mesh=_mesh,
    scratch_types=[
        pltpu.VMEM((NSTEPS_H, STEP), jnp.int32),
        pltpu.VMEM((NBUF, CHUNK, DIM), jnp.float32),
        pltpu.SemaphoreType.DMA((NBUF,)),
    ],
    compiler_params=pltpu.CompilerParams(use_tc_tiling_on_sc=False),
)
def _embed(x_hbm, tok_hbm, out_hbm, idx_v, dest_v, sems):
    wid = lax.axis_index("s") * NC + lax.axis_index("c")

    pltpu.sync_copy(x_hbm.at[pl.ds(wid * NSTEPS_H, NSTEPS_H)], idx_v)

    def fire(c, b):
        for s in range(CHUNK_STEPS):
            pltpu.async_copy(
                tok_hbm.at[idx_v.at[c * CHUNK_STEPS + s]],
                dest_v.at[b, pl.ds(s * STEP, STEP)],
                sems.at[b],
            )

    def drain(b):
        pltpu.make_async_copy(
            tok_hbm.at[pl.ds(0, CHUNK)], dest_v.at[b], sems.at[b]
        ).wait()

    for b in range(NBUF):
        fire(b, b)

    @pl.loop(0, NCHUNK_H, step=NBUF)
    def _chunks(c):
        for b in range(NBUF):
            cc = c + b
            drain(b)
            seq0 = wid * SEQW_H + cc * SEQ_PER_CHUNK
            for q in range(SEQ_PER_CHUNK):
                pltpu.sync_copy(
                    dest_v.at[b, pl.ds(q * LENGTH, LENGTH)],
                    out_hbm.at[pl.ds((seq0 + q) * 2 * LPAD, LENGTH)],
                )

            @pl.when(cc + NBUF < NCHUNK_H)
            def _refill():
                fire(cc + NBUF, b)


PB = 512
PL = 8
PGRID = (BATCH // PB, LPAD // PL)


def _post_body0(g_ref, pos_ref, out_ref):
    for k in range(PL):
        t = g_ref[:, k, :].T
        out_ref[2 * k, :, :] = t[0:DIM, :] + pos_ref[2 * k, :][:, None]
        out_ref[2 * k + 1, :, :] = t[DIM:, :] + pos_ref[2 * k + 1, :][:, None]


def _post_body1(g_ref, pos_ref, prev_ref, out_ref):
    del prev_ref
    _post_body0(g_ref, pos_ref, out_ref)


BB_H = BATCH_H // PB

def _make_post(s):
    in_specs = [
        pl.BlockSpec((PB, PL, 2 * DIM), lambda bb, lq: (bb, lq, 0)),
        pl.BlockSpec((2 * PL, DIM), lambda bb, lq: (lq, 0)),
    ]
    out_spec = pl.BlockSpec(
        (2 * PL, DIM, PB), lambda bb, lq, off=s * BB_H: (lq, 0, bb + off)
    )
    out_shape = jax.ShapeDtypeStruct((LENGTH, DIM, BATCH), jnp.float32)
    if s == 0:
        return pl.pallas_call(
            _post_body0, grid=(BB_H, LPAD // PL),
            in_specs=in_specs, out_specs=out_spec, out_shape=out_shape,
        )
    return pl.pallas_call(
        _post_body1, grid=(BB_H, LPAD // PL),
        in_specs=in_specs + [pl.BlockSpec(memory_space=pl.ANY)],
        out_specs=out_spec, out_shape=out_shape,
        input_output_aliases={2: 0},
    )


_posts = [_make_post(s) for s in range(SL)]


def kernel(x, token_table, pos_table):
    xi = x.reshape(B).astype(jnp.int32).reshape(SL, BH // STEP, STEP)
    tab_lin = _convert(token_table.T).reshape(VOCAB, DIM)
    gs = [
        _embed(xi[s], tab_lin).reshape(BATCH_H, LPAD, 2 * DIM)
        for s in range(SL)
    ]
    out = _posts[0](gs[0], pos_table)
    for s in range(1, SL):
        out = _posts[s](gs[s], pos_table, out)
    return jnp.transpose(out, (2, 0, 1))

# --- scband reference (transcript-rebuilt; emitter-appended) ---
"""Pipeline reference for scband-token-and-position-embedding-77129022702242 (READ-ONLY COPY).

The authoritative reference and input builder live on the scoring server;
editing this copy changes nothing except your own understanding.
"""

import jax, jax.numpy as jnp
import numpy as np

VOCAB = 1000000
LENGTH = 200
DIM = 64
BATCH = 4096

def setup_inputs(seed: int = 0) -> dict:
    key = jax.random.key(seed)
    k1, k2, k3 = jax.random.split(key, 3)
    x = jax.random.randint(k1, (BATCH, LENGTH), 0, VOCAB, dtype=jnp.int64 if jax.config.jax_enable_x64 else jnp.int32)
    token_table = jax.random.normal(k2, (VOCAB, DIM), dtype=jnp.float32) * 0.02
    pos_table = jax.random.normal(k3, (LENGTH, DIM), dtype=jnp.float32) * 0.02
    return {"x": x, "token_table": token_table, "pos_table": pos_table}

def reference(x, token_table, pos_table):
    # tokens(x): embedding lookup [B, L, D]
    tok = jnp.take(token_table, x, axis=0)
    # positions(arange(length)): [L, D], broadcast-added over batch
    indices = jnp.arange(0, LENGTH)
    pos = jnp.take(pos_table, indices, axis=0)
    return tok + pos[None, :, :]

if __name__ == "__main__":
    import jax
    _d = setup_inputs()
    print(jax.jit(kernel)(*tuple(_d.values())))

</pallas_src>

<mosaic_0001>
#map = affine_map<(d0, d1) -> (0, 0)>
module attributes {stable_mosaic.version = 14 : i64} {
  func.func @_embed(%arg0: i32, %arg1: i32, %arg2: memref<2048x100xi32, #tpu.memory_space<hbm>>, %arg3: memref<1000000x64xf32, #tpu.memory_space<hbm>>, %arg4: memref<212992x64xf32, #tpu.memory_space<hbm>>, %arg5: memref<64x100xi32, #tpu.memory_space<vmem>>, %arg6: memref<2x400x64xf32, #tpu.memory_space<vmem>>, %arg7: memref<2x!tpu.dma_semaphore, #tpu.memory_space<semaphore_mem>>) attributes {dimension_semantics = [#tpu.dimension_semantics<core_parallel>, #tpu.dimension_semantics<subcore_parallel>], iteration_bounds = array<i64: 2, 16>, scalar_prefetch = 0 : i64, scratch_operands = 3 : i64, tpu.core_type = #tpu.core_type<sc_vector_subcore>, window_params = [{transform_indices = #map}, {transform_indices = #map}, {transform_indices = #map}]} {
    %mul3A = arith.constant 2 : i32
    %mul3A_0 = arith.muli %arg1, %mul3A : i32
    %add3A = arith.addi %mul3A_0, %arg0 : i32
    %mul3A_1 = arith.constant 64 : i32
    %mul3A_2 = arith.muli %add3A, %mul3A_1 : i32
    "tpu.region"() ({
      %run_scoped3A = tpu.sem_alloc : memref<!tpu.dma_semaphore, #tpu.memory_space<semaphore_mem>>
      %dma_start3A_126 = arith.constant 0 : i32
      %dma_start3A_127 = tpu.memref_slice %arg2[%mul3A_2, %dma_start3A_126] : memref<2048x100xi32, #tpu.memory_space<hbm>> -> memref<64x100xi32, #tpu.memory_space<hbm>>
      %dma_start3A_128 = arith.constant 0 : i32
      %dma_start3A_129 = tpu.memref_slice %arg2[%mul3A_2, %dma_start3A_128] : memref<2048x100xi32, #tpu.memory_space<hbm>> -> memref<64x100xi32, #tpu.memory_space<hbm>>
      tpu.enqueue_dma source(%dma_start3A_129 : memref<64x100xi32, #tpu.memory_space<hbm>>) target(%arg5 : memref<64x100xi32, #tpu.memory_space<vmem>>) target_semaphore(%run_scoped3A : memref<!tpu.dma_semaphore, #tpu.memory_space<semaphore_mem>>)
      %dma_wait3A = arith.constant 0 : i32
      %dma_wait3A_130 = tpu.memref_slice %arg2[%mul3A_2, %dma_wait3A] : memref<2048x100xi32, #tpu.memory_space<hbm>> -> memref<64x100xi32, #tpu.memory_space<hbm>>
      %dma_wait3A_131 = arith.constant 0 : i32
      %dma_wait3A_132 = tpu.memref_slice %arg2[%mul3A_2, %dma_wait3A_131] : memref<2048x100xi32, #tpu.memory_space<hbm>> -> memref<64x100xi32, #tpu.memory_space<hbm>>
      tpu.wait_dma2 semaphore(%run_scoped3A : memref<!tpu.dma_semaphore, #tpu.memory_space<semaphore_mem>>) src(%dma_wait3A_132 : memref<64x100xi32, #tpu.memory_space<hbm>>) dst(%arg5 : memref<64x100xi32, #tpu.memory_space<vmem>>)
      tpu.yield
    }) : () -> ()
    %dma_start3A = arith.constant 0 : i32
    %dma_start3A_3 = arith.constant 0 : i32
    %dma_start3A_4 = arith.constant 0 : i32
    %dma_start3A_5 = arith.constant 0 : i32
    %dma_start3A_6 = arith.constant 0 : i32
    %dma_start3A_7 = tpu.memref_slice %arg6[%dma_start3A_3, %dma_start3A_5, %dma_start3A_6] : memref<2x400x64xf32, #tpu.memory_space<vmem>> -> memref<1x100x64xf32, #tpu.memory_space<vmem>>
    %dma_start3A_8 = tpu.memref_squeeze %dma_start3A_7 : memref<1x100x64xf32, #tpu.memory_space<vmem>> -> memref<100x64xf32, #tpu.memory_space<vmem>>
    %dma_start3A_9 = arith.constant 0 : i32
    %dma_start3A_10 = tpu.memref_slice %arg5[%dma_start3A, %dma_start3A_9] : memref<64x100xi32, #tpu.memory_space<vmem>> -> memref<1x100xi32, #tpu.memory_space<vmem>>
    %dma_start3A_11 = tpu.memref_squeeze %dma_start3A_10 : memref<1x100xi32, #tpu.memory_space<vmem>> -> memref<100xi32, #tpu.memory_space<vmem>>
    %dma_start3A_12 = arith.constant 0 : i32
    %dma_start3A_13 = arith.constant 0 : i32
    %dma_start3A_14 = tpu.memref_slice %arg3[%dma_start3A_12, %dma_start3A_13] : memref<1000000x64xf32, #tpu.memory_space<hbm>> -> memref<1000000x64xf32, #tpu.memory_space<hbm>>
    %dma_start3A_15 = tpu.memref_slice %arg7[%dma_start3A_4] : memref<2x!tpu.dma_semaphore, #tpu.memory_space<semaphore_mem>> -> memref<1x!tpu.dma_semaphore, #tpu.memory_space<semaphore_mem>>
    %dma_start3A_16 = tpu.memref_squeeze %dma_start3A_15 : memref<1x!tpu.dma_semaphore, #tpu.memory_space<semaphore_mem>> -> memref<!tpu.dma_semaphore, #tpu.memory_space<semaphore_mem>>
    tpu.enqueue_indirect_dma source(%dma_start3A_14 : memref<1000000x64xf32, #tpu.memory_space<hbm>>) target(%dma_start3A_8 : memref<100x64xf32, #tpu.memory_space<vmem>>) offsets(%dma_start3A_11 : memref<100xi32, #tpu.memory_space<vmem>>) semaphore(%dma_start3A_16 : memref<!tpu.dma_semaphore, #tpu.memory_space<semaphore_mem>>)
    %dma_start3A_17 = arith.constant 1 : i32
    %dma_start3A_18 = arith.constant 0 : i32
    %dma_start3A_19 = arith.constant 0 : i32
    %dma_start3A_20 = arith.constant 100 : i32
    %dma_start3A_21 = arith.constant 0 : i32
    %dma_start3A_22 = tpu.memref_slice %arg6[%dma_start3A_18, %dma_start3A_20, %dma_start3A_21] : memref<2x400x64xf32, #tpu.memory_space<vmem>> -> memref<1x100x64xf32, #tpu.memory_space<vmem>>
    %dma_start3A_23 = tpu.memref_squeeze %dma_start3A_22 : memref<1x100x64xf32, #tpu.memory_space<vmem>> -> memref<100x64xf32, #tpu.memory_space<vmem>>
    %dma_start3A_24 = arith.constant 0 : i32
    %dma_start3A_25 = tpu.memref_slice %arg5[%dma_start3A_17, %dma_start3A_24] : memref<64x100xi32, #tpu.memory_space<vmem>> -> memref<1x100xi32, #tpu.memory_space<vmem>>
    %dma_start3A_26 = tpu.memref_squeeze %dma_start3A_25 : memref<1x100xi32, #tpu.memory_space<vmem>> -> memref<100xi32, #tpu.memory_space<vmem>>
    %dma_start3A_27 = arith.constant 0 : i32
    %dma_start3A_28 = arith.constant 0 : i32
    %dma_start3A_29 = tpu.memref_slice %arg3[%dma_start3A_27, %dma_start3A_28] : memref<1000000x64xf32, #tpu.memory_space<hbm>> -> memref<1000000x64xf32, #tpu.memory_space<hbm>>
    %dma_start3A_30 = tpu.memref_slice %arg7[%dma_start3A_19] : memref<2x!tpu.dma_semaphore, #tpu.memory_space<semaphore_mem>> -> memref<1x!tpu.dma_semaphore, #tpu.memory_space<semaphore_mem>>
    %dma_start3A_31 = tpu.memref_squeeze %dma_start3A_30 : memref<1x!tpu.dma_semaphore, #tpu.memory_space<semaphore_mem>> -> memref<!tpu.dma_semaphore, #tpu.memory_space<semaphore_mem>>
    tpu.enqueue_indirect_dma source(%dma_start3A_29 : memref<1000000x64xf32, #tpu.memory_space<hbm>>) target(%dma_start3A_23 : memref<100x64xf32, #tpu.memory_space<vmem>>) offsets(%dma_start3A_26 : memref<100xi32, #tpu.memory_space<vmem>>) semaphore(%dma_start3A_31 : memref<!tpu.dma_semaphore, #tpu.memory_space<semaphore_mem>>)
    %dma_start3A_32 = arith.constant 2 : i32
    %dma_start3A_33 = arith.constant 0 : i32
    %dma_start3A_34 = arith.constant 0 : i32
    %dma_start3A_35 = arith.constant 200 : i32
    %dma_start3A_36 = arith.constant 0 : i32
    %dma_start3A_37 = tpu.memref_slice %arg6[%dma_start3A_33, %dma_start3A_35, %dma_start3A_36] : memref<2x400x64xf32, #tpu.memory_space<vmem>> -> memref<1x100x64xf32, #tpu.memory_space<vmem>>
    %dma_start3A_38 = tpu.memref_squeeze %dma_start3A_37 : memref<1x100x64xf32, #tpu.memory_space<vmem>> -> memref<100x64xf32, #tpu.memory_space<vmem>>
    %dma_start3A_39 = arith.constant 0 : i32
    %dma_start3A_40 = tpu.memref_slice %arg5[%dma_start3A_32, %dma_start3A_39] : memref<64x100xi32, #tpu.memory_space<vmem>> -> memref<1x100xi32, #tpu.memory_space<vmem>>
    %dma_start3A_41 = tpu.memref_squeeze %dma_start3A_40 : memref<1x100xi32, #tpu.memory_space<vmem>> -> memref<100xi32, #tpu.memory_space<vmem>>
    %dma_start3A_42 = arith.constant 0 : i32
    %dma_start3A_43 = arith.constant 0 : i32
    %dma_start3A_44 = tpu.memref_slice %arg3[%dma_start3A_42, %dma_start3A_43] : memref<1000000x64xf32, #tpu.memory_space<hbm>> -> memref<1000000x64xf32, #tpu.memory_space<hbm>>
    %dma_start3A_45 = tpu.memref_slice %arg7[%dma_start3A_34] : memref<2x!tpu.dma_semaphore, #tpu.memory_space<semaphore_mem>> -> memref<1x!tpu.dma_semaphore, #tpu.memory_space<semaphore_mem>>
    %dma_start3A_46 = tpu.memref_squeeze %dma_start3A_45 : memref<1x!tpu.dma_semaphore, #tpu.memory_space<semaphore_mem>> -> memref<!tpu.dma_semaphore, #tpu.memory_space<semaphore_mem>>
    tpu.enqueue_indirect_dma source(%dma_start3A_44 : memref<1000000x64xf32, #tpu.memory_space<hbm>>) target(%dma_start3A_38 : memref<100x64xf32, #tpu.memory_space<vmem>>) offsets(%dma_start3A_41 : memref<100xi32, #tpu.memory_space<vmem>>) semaphore(%dma_start3A_46 : memref<!tpu.dma_semaphore, #tpu.memory_space<semaphore_mem>>)
    %dma_start3A_47 = arith.constant 3 : i32
    %dma_start3A_48 = arith.constant 0 : i32
    %dma_start3A_49 = arith.constant 0 : i32
    %dma_start3A_50 = arith.constant 300 : i32
    %dma_start3A_51 = arith.constant 0 : i32
    %dma_start3A_52 = tpu.memref_slice %arg6[%dma_start3A_48, %dma_start3A_50, %dma_start3A_51] : memref<2x400x64xf32, #tpu.memory_space<vmem>> -> memref<1x100x64xf32, #tpu.memory_space<vmem>>
    %dma_start3A_53 = tpu.memref_squeeze %dma_start3A_52 : memref<1x100x64xf32, #tpu.memory_space<vmem>> -> memref<100x64xf32, #tpu.memory_space<vmem>>
    %dma_start3A_54 = arith.constant 0 : i32
    %dma_start3A_55 = tpu.memref_slice %arg5[%dma_start3A_47, %dma_start3A_54] : memref<64x100xi32, #tpu.memory_space<vmem>> -> memref<1x100xi32, #tpu.memory_space<vmem>>
    %dma_start3A_56 = tpu.memref_squeeze %dma_start3A_55 : memref<1x100xi32, #tpu.memory_space<vmem>> -> memref<100xi32, #tpu.memory_space<vmem>>
    %dma_start3A_57 = arith.constant 0 : i32
    %dma_start3A_58 = arith.constant 0 : i32
    %dma_start3A_59 = tpu.memref_slice %arg3[%dma_start3A_57, %dma_start3A_58] : memref<1000000x64xf32, #tpu.memory_space<hbm>> -> memref<1000000x64xf32, #tpu.memory_space<hbm>>
    %dma_start3A_60 = tpu.memref_slice %arg7[%dma_start3A_49] : memref<2x!tpu.dma_semaphore, #tpu.memory_space<semaphore_mem>> -> memref<1x!tpu.dma_semaphore, #tpu.memory_space<semaphore_mem>>
    %dma_start3A_61 = tpu.memref_squeeze %dma_start3A_60 : memref<1x!tpu.dma_semaphore, #tpu.memory_space<semaphore_mem>> -> memref<!tpu.dma_semaphore, #tpu.memory_space<semaphore_mem>>
    tpu.enqueue_indirect_dma source(%dma_start3A_59 : memref<1000000x64xf32, #tpu.memory_space<hbm>>) target(%dma_start3A_53 : memref<100x64xf32, #tpu.memory_space<vmem>>) offsets(%dma_start3A_56 : memref<100xi32, #tpu.memory_space<vmem>>) semaphore(%dma_start3A_61 : memref<!tpu.dma_semaphore, #tpu.memory_space<semaphore_mem>>)
    %dma_start3A_62 = arith.constant 4 : i32
    %dma_start3A_63 = arith.constant 1 : i32
    %dma_start3A_64 = arith.constant 1 : i32
    %dma_start3A_65 = arith.constant 0 : i32
    %dma_start3A_66 = arith.constant 0 : i32
    %dma_start3A_67 = tpu.memref_slice %arg6[%dma_start3A_63, %dma_start3A_65, %dma_start3A_66] : memref<2x400x64xf32, #tpu.memory_space<vmem>> -> memref<1x100x64xf32, #tpu.memory_space<vmem>>
    %dma_start3A_68 = tpu.memref_squeeze %dma_start3A_67 : memref<1x100x64xf32, #tpu.memory_space<vmem>> -> memref<100x64xf32, #tpu.memory_space<vmem>>
    %dma_start3A_69 = arith.constant 0 : i32
    %dma_start3A_70 = tpu.memref_slice %arg5[%dma_start3A_62, %dma_start3A_69] : memref<64x100xi32, #tpu.memory_space<vmem>> -> memref<1x100xi32, #tpu.memory_space<vmem>>
    %dma_start3A_71 = tpu.memref_squeeze %dma_start3A_70 : memref<1x100xi32, #tpu.memory_space<vmem>> -> memref<100xi32, #tpu.memory_space<vmem>>
    %dma_start3A_72 = arith.constant 0 : i32
    %dma_start3A_73 = arith.constant 0 : i32
    %dma_start3A_74 = tpu.memref_slice %arg3[%dma_start3A_72, %dma_start3A_73] : memref<1000000x64xf32, #tpu.memory_space<hbm>> -> memref<1000000x64xf32, #tpu.memory_space<hbm>>
    %dma_start3A_75 = tpu.memref_slice %arg7[%dma_start3A_64] : memref<2x!tpu.dma_semaphore, #tpu.memory_space<semaphore_mem>> -> memref<1x!tpu.dma_semaphore, #tpu.memory_space<semaphore_mem>>
    %dma_start3A_76 = tpu.memref_squeeze %dma_start3A_75 : memref<1x!tpu.dma_semaphore, #tpu.memory_space<semaphore_mem>> -> memref<!tpu.dma_semaphore, #tpu.memory_space<semaphore_mem>>
    tpu.enqueue_indirect_dma source(%dma_start3A_74 : memref<1000000x64xf32, #tpu.memory_space<hbm>>) target(%dma_start3A_68 : memref<100x64xf32, #tpu.memory_space<vmem>>) offsets(%dma_start3A_71 : memref<100xi32, #tpu.memory_space<vmem>>) semaphore(%dma_start3A_76 : memref<!tpu.dma_semaphore, #tpu.memory_space<semaphore_mem>>)
    %dma_start3A_77 = arith.constant 5 : i32
    %dma_start3A_78 = arith.constant 1 : i32
    %dma_start3A_79 = arith.constant 1 : i32
    %dma_start3A_80 = arith.constant 100 : i32
    %dma_start3A_81 = arith.constant 0 : i32
    %dma_start3A_82 = tpu.memref_slice %arg6[%dma_start3A_78, %dma_start3A_80, %dma_start3A_81] : memref<2x400x64xf32, #tpu.memory_space<vmem>> -> memref<1x100x64xf32, #tpu.memory_space<vmem>>
    %dma_start3A_83 = tpu.memref_squeeze %dma_start3A_82 : memref<1x100x64xf32, #tpu.memory_space<vmem>> -> memref<100x64xf32, #tpu.memory_space<vmem>>
    %dma_start3A_84 = arith.constant 0 : i32
    %dma_start3A_85 = tpu.memref_slice %arg5[%dma_start3A_77, %dma_start3A_84] : memref<64x100xi32, #tpu.memory_space<vmem>> -> memref<1x100xi32, #tpu.memory_space<vmem>>
    %dma_start3A_86 = tpu.memref_squeeze %dma_start3A_85 : memref<1x100xi32, #tpu.memory_space<vmem>> -> memref<100xi32, #tpu.memory_space<vmem>>
    %dma_start3A_87 = arith.constant 0 : i32
    %dma_start3A_88 = arith.constant 0 : i32
    %dma_start3A_89 = tpu.memref_slice %arg3[%dma_start3A_87, %dma_start3A_88] : memref<1000000x64xf32, #tpu.memory_space<hbm>> -> memref<1000000x64xf32, #tpu.memory_space<hbm>>
    %dma_start3A_90 = tpu.memref_slice %arg7[%dma_start3A_79] : memref<2x!tpu.dma_semaphore, #tpu.memory_space<semaphore_mem>> -> memref<1x!tpu.dma_semaphore, #tpu.memory_space<semaphore_mem>>
    %dma_start3A_91 = tpu.memref_squeeze %dma_start3A_90 : memref<1x!tpu.dma_semaphore, #tpu.memory_space<semaphore_mem>> -> memref<!tpu.dma_semaphore, #tpu.memory_space<semaphore_mem>>
    tpu.enqueue_indirect_dma source(%dma_start3A_89 : memref<1000000x64xf32, #tpu.memory_space<hbm>>) target(%dma_start3A_83 : memref<100x64xf32, #tpu.memory_space<vmem>>) offsets(%dma_start3A_86 : memref<100xi32, #tpu.memory_space<vmem>>) semaphore(%dma_start3A_91 : memref<!tpu.dma_semaphore, #tpu.memory_space<semaphore_mem>>)
    %dma_start3A_92 = arith.constant 6 : i32
    %dma_start3A_93 = arith.constant 1 : i32
    %dma_start3A_94 = arith.constant 1 : i32
    %dma_start3A_95 = arith.constant 200 : i32
    %dma_start3A_96 = arith.constant 0 : i32
    %dma_start3A_97 = tpu.memref_slice %arg6[%dma_start3A_93, %dma_start3A_95, %dma_start3A_96] : memref<2x400x64xf32, #tpu.memory_space<vmem>> -> memref<1x100x64xf32, #tpu.memory_space<vmem>>
    %dma_start3A_98 = tpu.memref_squeeze %dma_start3A_97 : memref<1x100x64xf32, #tpu.memory_space<vmem>> -> memref<100x64xf32, #tpu.memory_space<vmem>>
    %dma_start3A_99 = arith.constant 0 : i32
    %dma_start3A_100 = tpu.memref_slice %arg5[%dma_start3A_92, %dma_start3A_99] : memref<64x100xi32, #tpu.memory_space<vmem>> -> memref<1x100xi32, #tpu.memory_space<vmem>>
    %dma_start3A_101 = tpu.memref_squeeze %dma_start3A_100 : memref<1x100xi32, #tpu.memory_space<vmem>> -> memref<100xi32, #tpu.memory_space<vmem>>
    %dma_start3A_102 = arith.constant 0 : i32
    %dma_start3A_103 = arith.constant 0 : i32
    %dma_start3A_104 = tpu.memref_slice %arg3[%dma_start3A_102, %dma_start3A_103] : memref<1000000x64xf32, #tpu.memory_space<hbm>> -> memref<1000000x64xf32, #tpu.memory_space<hbm>>
    %dma_start3A_105 = tpu.memref_slice %arg7[%dma_start3A_94] : memref<2x!tpu.dma_semaphore, #tpu.memory_space<semaphore_mem>> -> memref<1x!tpu.dma_semaphore, #tpu.memory_space<semaphore_mem>>
    %dma_start3A_106 = tpu.memref_squeeze %dma_start3A_105 : memref<1x!tpu.dma_semaphore, #tpu.memory_space<semaphore_mem>> -> memref<!tpu.dma_semaphore, #tpu.memory_space<semaphore_mem>>
    tpu.enqueue_indirect_dma source(%dma_start3A_104 : memref<1000000x64xf32, #tpu.memory_space<hbm>>) target(%dma_start3A_98 : memref<100x64xf32, #tpu.memory_space<vmem>>) offsets(%dma_start3A_101 : memref<100xi32, #tpu.memory_space<vmem>>) semaphore(%dma_start3A_106 : memref<!tpu.dma_semaphore, #tpu.memory_space<semaphore_mem>>)
    %dma_start3A_107 = arith.constant 7 : i32
    %dma_start3A_108 = arith.constant 1 : i32
    %dma_start3A_109 = arith.constant 1 : i32
    %dma_start3A_110 = arith.constant 300 : i32
    %dma_start3A_111 = arith.constant 0 : i32
    %dma_start3A_112 = tpu.memref_slice %arg6[%dma_start3A_108, %dma_start3A_110, %dma_start3A_111] : memref<2x400x64xf32, #tpu.memory_space<vmem>> -> memref<1x100x64xf32, #tpu.memory_space<vmem>>
    %dma_start3A_113 = tpu.memref_squeeze %dma_start3A_112 : memref<1x100x64xf32, #tpu.memory_space<vmem>> -> memref<100x64xf32, #tpu.memory_space<vmem>>
    %dma_start3A_114 = arith.constant 0 : i32
    %dma_start3A_115 = tpu.memref_slice %arg5[%dma_start3A_107, %dma_start3A_114] : memref<64x100xi32, #tpu.memory_space<vmem>> -> memref<1x100xi32, #tpu.memory_space<vmem>>
    %dma_start3A_116 = tpu.memref_squeeze %dma_start3A_115 : memref<1x100xi32, #tpu.memory_space<vmem>> -> memref<100xi32, #tpu.memory_space<vmem>>
    %dma_start3A_117 = arith.constant 0 : i32
    %dma_start3A_118 = arith.constant 0 : i32
    %dma_start3A_119 = tpu.memref_slice %arg3[%dma_start3A_117, %dma_start3A_118] : memref<1000000x64xf32, #tpu.memory_space<hbm>> -> memref<1000000x64xf32, #tpu.memory_space<hbm>>
    %dma_start3A_120 = tpu.memref_slice %arg7[%dma_start3A_109] : memref<2x!tpu.dma_semaphore, #tpu.memory_space<semaphore_mem>> -> memref<1x!tpu.dma_semaphore, #tpu.memory_space<semaphore_mem>>
    %dma_start3A_121 = tpu.memref_squeeze %dma_start3A_120 : memref<1x!tpu.dma_semaphore, #tpu.memory_space<semaphore_mem>> -> memref<!tpu.dma_semaphore, #tpu.memory_space<semaphore_mem>>
    tpu.enqueue_indirect_dma source(%dma_start3A_119 : memref<1000000x64xf32, #tpu.memory_space<hbm>>) target(%dma_start3A_113 : memref<100x64xf32, #tpu.memory_space<vmem>>) offsets(%dma_start3A_116 : memref<100xi32, #tpu.memory_space<vmem>>) semaphore(%dma_start3A_121 : memref<!tpu.dma_semaphore, #tpu.memory_space<semaphore_mem>>)
    %scan3A = arith.constant 0 : i32
    %scan3A_122 = arith.constant 8 : i32
    %scan3A_123 = arith.addi %scan3A, %scan3A_122 : i32
    %scan3A_124 = arith.constant 1 : i32
    scf.for %scan3A_126 = %scan3A to %scan3A_123 step %scan3A_124  : i32 {
      %mul3A_127 = arith.constant 2 : i32
      %mul3A_128 = arith.muli %scan3A_126, %mul3A_127 : i32
      %add3A_129 = arith.constant 0 : i32
      %add3A_130 = arith.addi %add3A_129, %mul3A_128 : i32
      %add3A_131 = arith.constant 0 : i32
      %add3A_132 = arith.addi %add3A_130, %add3A_131 : i32
      %dma_wait3A = arith.constant 0 : i32
      %dma_wait3A_133 = arith.constant 0 : i32
      %dma_wait3A_134 = arith.constant 0 : i32
      %dma_wait3A_135 = arith.constant 0 : i32
      %dma_wait3A_136 = tpu.memref_slice %arg6[%dma_wait3A, %dma_wait3A_134, %dma_wait3A_135] : memref<2x400x64xf32, #tpu.memory_space<vmem>> -> memref<1x400x64xf32, #tpu.memory_space<vmem>>
      %dma_wait3A_137 = tpu.memref_squeeze %dma_wait3A_136 : memref<1x400x64xf32, #tpu.memory_space<vmem>> -> memref<400x64xf32, #tpu.memory_space<vmem>>
      %dma_wait3A_138 = arith.constant 0 : i32
      %dma_wait3A_139 = arith.constant 0 : i32
      %dma_wait3A_140 = tpu.memref_slice %arg3[%dma_wait3A_138, %dma_wait3A_139] : memref<1000000x64xf32, #tpu.memory_space<hbm>> -> memref<400x64xf32, #tpu.memory_space<hbm>>
      %dma_wait3A_141 = tpu.memref_slice %arg7[%dma_wait3A_133] : memref<2x!tpu.dma_semaphore, #tpu.memory_space<semaphore_mem>> -> memref<1x!tpu.dma_semaphore, #tpu.memory_space<semaphore_mem>>
      %dma_wait3A_142 = tpu.memref_squeeze %dma_wait3A_141 : memref<1x!tpu.dma_semaphore, #tpu.memory_space<semaphore_mem>> -> memref<!tpu.dma_semaphore, #tpu.memory_space<semaphore_mem>>
      %dma_wait3A_143 = arith.constant 0 : i32
      %dma_wait3A_144 = arith.constant 0 : i32
      %dma_wait3A_145 = tpu.memref_slice %arg6[%dma_wait3A, %dma_wait3A_143, %dma_wait3A_144] : memref<2x400x64xf32, #tpu.memory_space<vmem>> -> memref<1x400x64xf32, #tpu.memory_space<vmem>>
      %dma_wait3A_146 = tpu.memref_squeeze %dma_wait3A_145 : memref<1x400x64xf32, #tpu.memory_space<vmem>> -> memref<400x64xf32, #tpu.memory_space<vmem>>
      %dma_wait3A_147 = arith.constant 0 : i32
      %dma_wait3A_148 = arith.constant 0 : i32
      %dma_wait3A_149 = tpu.memref_slice %arg3[%dma_wait3A_147, %dma_wait3A_148] : memref<1000000x64xf32, #tpu.memory_space<hbm>> -> memref<400x64xf32, #tpu.memory_space<hbm>>
      tpu.wait_dma2 semaphore(%dma_wait3A_142 : memref<!tpu.dma_semaphore, #tpu.memory_space<semaphore_mem>>) src(%dma_wait3A_149 : memref<400x64xf32, #tpu.memory_space<hbm>>) dst(%dma_wait3A_146 : memref<400x64xf32, #tpu.memory_space<vmem>>)
      %mul3A_150 = arith.constant 32 : i32
      %mul3A_151 = arith.muli %add3A, %mul3A_150 : i32
      %mul3A_152 = arith.constant 2 : i32
      %mul3A_153 = arith.muli %add3A_132, %mul3A_152 : i32
      %add3A_154 = arith.addi %mul3A_151, %mul3A_153 : i32
      %add3A_155 = arith.constant 0 : i32
      %add3A_156 = arith.addi %add3A_154, %add3A_155 : i32
      %mul3A_157 = arith.constant 2 : i32
      %mul3A_158 = arith.muli %add3A_156, %mul3A_157 : i32
      %mul3A_159 = arith.constant 104 : i32
      %mul3A_160 = arith.muli %mul3A_158, %mul3A_159 : i32
      %run_scoped3A = arith.constant 0 : i32
      "tpu.region"() ({
        %run_scoped3A_218 = tpu.sem_alloc : memref<!tpu.dma_semaphore, #tpu.memory_space<semaphore_mem>>
        %dma_start3A_219 = arith.constant 0 : i32
        %dma_start3A_220 = arith.constant 0 : i32
        %dma_start3A_221 = tpu.memref_slice %arg6[%run_scoped3A, %dma_start3A_219, %dma_start3A_220] : memref<2x400x64xf32, #tpu.memory_space<vmem>> -> memref<1x200x64xf32, #tpu.memory_space<vmem>>
        %dma_start3A_222 = tpu.memref_squeeze %dma_start3A_221 : memref<1x200x64xf32, #tpu.memory_space<vmem>> -> memref<200x64xf32, #tpu.memory_space<vmem>>
        %dma_start3A_223 = arith.constant 0 : i32
        %dma_start3A_224 = tpu.memref_slice %arg4[%mul3A_160, %dma_start3A_223] : memref<212992x64xf32, #tpu.memory_space<hbm>> -> memref<200x64xf32, #tpu.memory_space<hbm>>
        %dma_start3A_225 = arith.constant 0 : i32
        %dma_start3A_226 = tpu.memref_slice %arg4[%mul3A_160, %dma_start3A_225] : memref<212992x64xf32, #tpu.memory_space<hbm>> -> memref<200x64xf32, #tpu.memory_space<hbm>>
        %dma_start3A_227 = arith.constant 0 : i32
        %dma_start3A_228 = arith.constant 0 : i32
        %dma_start3A_229 = tpu.memref_slice %arg6[%run_scoped3A, %dma_start3A_227, %dma_start3A_228] : memref<2x400x64xf32, #tpu.memory_space<vmem>> -> memref<1x200x64xf32, #tpu.memory_space<vmem>>
        %dma_start3A_230 = tpu.memref_squeeze %dma_start3A_229 : memref<1x200x64xf32, #tpu.memory_space<vmem>> -> memref<200x64xf32, #tpu.memory_space<vmem>>
        tpu.enqueue_dma source(%dma_start3A_230 : memref<200x64xf32, #tpu.memory_space<vmem>>) target(%dma_start3A_226 : memref<200x64xf32, #tpu.memory_space<hbm>>) target_semaphore(%run_scoped3A_218 : memref<!tpu.dma_semaphore, #tpu.memory_space<semaphore_mem>>)
        %dma_wait3A_231 = arith.constant 0 : i32
        %dma_wait3A_232 = arith.constant 0 : i32
        %dma_wait3A_233 = tpu.memref_slice %arg6[%run_scoped3A, %dma_wait3A_231, %dma_wait3A_232] : memref<2x400x64xf32, #tpu.memory_space<vmem>> -> memref<1x200x64xf32, #tpu.memory_space<vmem>>
        %dma_wait3A_234 = tpu.memref_squeeze %dma_wait3A_233 : memref<1x200x64xf32, #tpu.memory_space<vmem>> -> memref<200x64xf32, #tpu.memory_space<vmem>>
        %dma_wait3A_235 = arith.constant 0 : i32
        %dma_wait3A_236 = tpu.memref_slice %arg4[%mul3A_160, %dma_wait3A_235] : memref<212992x64xf32, #tpu.memory_space<hbm>> -> memref<200x64xf32, #tpu.memory_space<hbm>>
        %dma_wait3A_237 = arith.constant 0 : i32
        %dma_wait3A_238 = tpu.memref_slice %arg4[%mul3A_160, %dma_wait3A_237] : memref<212992x64xf32, #tpu.memory_space<hbm>> -> memref<200x64xf32, #tpu.memory_space<hbm>>
        %dma_wait3A_239 = arith.constant 0 : i32
        %dma_wait3A_240 = arith.constant 0 : i32
        %dma_wait3A_241 = tpu.memref_slice %arg6[%run_scoped3A, %dma_wait3A_239, %dma_wait3A_240] : memref<2x400x64xf32, #tpu.memory_space<vmem>> -> memref<1x200x64xf32, #tpu.memory_space<vmem>>
        %dma_wait3A_242 = tpu.memref_squeeze %dma_wait3A_241 : memref<1x200x64xf32, #tpu.memory_space<vmem>> -> memref<200x64xf32, #tpu.memory_space<vmem>>
        tpu.wait_dma2 semaphore(%run_scoped3A_218 : memref<!tpu.dma_semaphore, #tpu.memory_space<semaphore_mem>>) src(%dma_wait3A_242 : memref<200x64xf32, #tpu.memory_space<vmem>>) dst(%dma_wait3A_238 : memref<200x64xf32, #tpu.memory_space<hbm>>)
        tpu.yield
      }) : () -> ()
      %add3A_161 = arith.constant 1 : i32
      %add3A_162 = arith.addi %add3A_154, %add3A_161 : i32
      %mul3A_163 = arith.constant 2 : i32
      %mul3A_164 = arith.muli %add3A_162, %mul3A_163 : i32
      %mul3A_165 = arith.constant 104 : i32
      %mul3A_166 = arith.muli %mul3A_164, %mul3A_165 : i32
      %run_scoped3A_167 = arith.constant 0 : i32
      "tpu.region"() ({
        %run_scoped3A_218 = tpu.sem_alloc : memref<!tpu.dma_semaphore, #tpu.memory_space<semaphore_mem>>
        %dma_start3A_219 = arith.constant 200 : i32
        %dma_start3A_220 = arith.constant 0 : i32
        %dma_start3A_221 = tpu.memref_slice %arg6[%run_scoped3A_167, %dma_start3A_219, %dma_start3A_220] : memref<2x400x64xf32, #tpu.memory_space<vmem>> -> memref<1x200x64xf32, #tpu.memory_space<vmem>>
        %dma_start3A_222 = tpu.memref_squeeze %dma_start3A_221 : memref<1x200x64xf32, #tpu.memory_space<vmem>> -> memref<200x64xf32, #tpu.memory_space<vmem>>
        %dma_start3A_223 = arith.constant 0 : i32
        %dma_start3A_224 = tpu.memref_slice %arg4[%mul3A_166, %dma_start3A_223] : memref<212992x64xf32, #tpu.memory_space<hbm>> -> memref<200x64xf32, #tpu.memory_space<hbm>>
        %dma_start3A_225 = arith.constant 0 : i32
        %dma_start3A_226 = tpu.memref_slice %arg4[%mul3A_166, %dma_start3A_225] : memref<212992x64xf32, #tpu.memory_space<hbm>> -> memref<200x64xf32, #tpu.memory_space<hbm>>
        %dma_start3A_227 = arith.constant 200 : i32
        %dma_start3A_228 = arith.constant 0 : i32
        %dma_start3A_229 = tpu.memref_slice %arg6[%run_scoped3A_167, %dma_start3A_227, %dma_start3A_228] : memref<2x400x64xf32, #tpu.memory_space<vmem>> -> memref<1x200x64xf32, #tpu.memory_space<vmem>>
        %dma_start3A_230 = tpu.memref_squeeze %dma_start3A_229 : memref<1x200x64xf32, #tpu.memory_space<vmem>> -> memref<200x64xf32, #tpu.memory_space<vmem>>
        tpu.enqueue_dma source(%dma_start3A_230 : memref<200x64xf32, #tpu.memory_space<vmem>>) target(%dma_start3A_226 : memref<200x64xf32, #tpu.memory_space<hbm>>) target_semaphore(%run_scoped3A_218 : memref<!tpu.dma_semaphore, #tpu.memory_space<semaphore_mem>>)
        %dma_wait3A_231 = arith.constant 200 : i32
        %dma_wait3A_232 = arith.constant 0 : i32
        %dma_wait3A_233 = tpu.memref_slice %arg6[%run_scoped3A_167, %dma_wait3A_231, %dma_wait3A_232] : memref<2x400x64xf32, #tpu.memory_space<vmem>> -> memref<1x200x64xf32, #tpu.memory_space<vmem>>
        %dma_wait3A_234 = tpu.memref_squeeze %dma_wait3A_233 : memref<1x200x64xf32, #tpu.memory_space<vmem>> -> memref<200x64xf32, #tpu.memory_space<vmem>>
        %dma_wait3A_235 = arith.constant 0 : i32
        %dma_wait3A_236 = tpu.memref_slice %arg4[%mul3A_166, %dma_wait3A_235] : memref<212992x64xf32, #tpu.memory_space<hbm>> -> memref<200x64xf32, #tpu.memory_space<hbm>>
        %dma_wait3A_237 = arith.constant 0 : i32
        %dma_wait3A_238 = tpu.memref_slice %arg4[%mul3A_166, %dma_wait3A_237] : memref<212992x64xf32, #tpu.memory_space<hbm>> -> memref<200x64xf32, #tpu.memory_space<hbm>>
        %dma_wait3A_239 = arith.constant 200 : i32
        %dma_wait3A_240 = arith.constant 0 : i32
        %dma_wait3A_241 = tpu.memref_slice %arg6[%run_scoped3A_167, %dma_wait3A_239, %dma_wait3A_240] : memref<2x400x64xf32, #tpu.memory_space<vmem>> -> memref<1x200x64xf32, #tpu.memory_space<vmem>>
        %dma_wait3A_242 = tpu.memref_squeeze %dma_wait3A_241 : memref<1x200x64xf32, #tpu.memory_space<vmem>> -> memref<200x64xf32, #tpu.memory_space<vmem>>
        tpu.wait_dma2 semaphore(%run_scoped3A_218 : memref<!tpu.dma_semaphore, #tpu.memory_space<semaphore_mem>>) src(%dma_wait3A_242 : memref<200x64xf32, #tpu.memory_space<vmem>>) dst(%dma_wait3A_238 : memref<200x64xf32, #tpu.memory_space<hbm>>)
        tpu.yield
      }) : () -> ()
      %add3A_168 = arith.constant 2 : i32
      %add3A_169 = arith.addi %add3A_132, %add3A_168 : i32
      %lt3A = arith.constant 16 : i32
      %lt3A_170 = arith.cmpi slt, %add3A_169, %lt3A : i32
      %convert_element_type3A = arith.extui %lt3A_170 : i1 to i32
      %cond3A = arith.constant 0 : i32
      %cond3A_171 = arith.cmpi ne, %convert_element_type3A, %cond3A : i32
      scf.if %cond3A_171 {
        %add3A_218 = arith.constant 2 : i32
        %add3A_219 = arith.addi %add3A_132, %add3A_218 : i32
        %mul3A_220 = arith.constant 4 : i32
        %mul3A_221 = arith.muli %add3A_219, %mul3A_220 : i32
        %add3A_222 = arith.constant 0 : i32
        %add3A_223 = arith.addi %mul3A_221, %add3A_222 : i32
        %dma_start3A_224 = arith.constant 0 : i32
        %dma_start3A_225 = arith.constant 0 : i32
        %dma_start3A_226 = arith.constant 0 : i32
        %dma_start3A_227 = arith.constant 0 : i32
        %dma_start3A_228 = tpu.memref_slice %arg6[%dma_start3A_224, %dma_start3A_226, %dma_start3A_227] : memref<2x400x64xf32, #tpu.memory_space<vmem>> -> memref<1x100x64xf32, #tpu.memory_space<vmem>>
        %dma_start3A_229 = tpu.memref_squeeze %dma_start3A_228 : memref<1x100x64xf32, #tpu.memory_space<vmem>> -> memref<100x64xf32, #tpu.memory_space<vmem>>
        %dma_start3A_230 = arith.constant 0 : i32
        %dma_start3A_231 = tpu.memref_slice %arg5[%add3A_223, %dma_start3A_230] : memref<64x100xi32, #tpu.memory_space<vmem>> -> memref<1x100xi32, #tpu.memory_space<vmem>>
        %dma_start3A_232 = tpu.memref_squeeze %dma_start3A_231 : memref<1x100xi32, #tpu.memory_space<vmem>> -> memref<100xi32, #tpu.memory_space<vmem>>
        %dma_start3A_233 = arith.constant 0 : i32
        %dma_start3A_234 = arith.constant 0 : i32
        %dma_start3A_235 = tpu.memref_slice %arg3[%dma_start3A_233, %dma_start3A_234] : memref<1000000x64xf32, #tpu.memory_space<hbm>> -> memref<1000000x64xf32, #tpu.memory_space<hbm>>
        %dma_start3A_236 = tpu.memref_slice %arg7[%dma_start3A_225] : memref<2x!tpu.dma_semaphore, #tpu.memory_space<semaphore_mem>> -> memref<1x!tpu.dma_semaphore, #tpu.memory_space<semaphore_mem>>
        %dma_start3A_237 = tpu.memref_squeeze %dma_start3A_236 : memref<1x!tpu.dma_semaphore, #tpu.memory_space<semaphore_mem>> -> memref<!tpu.dma_semaphore, #tpu.memory_space<semaphore_mem>>
        tpu.enqueue_indirect_dma source(%dma_start3A_235 : memref<1000000x64xf32, #tpu.memory_space<hbm>>) target(%dma_start3A_229 : memref<100x64xf32, #tpu.memory_space<vmem>>) offsets(%dma_start3A_232 : memref<100xi32, #tpu.memory_space<vmem>>) semaphore(%dma_start3A_237 : memref<!tpu.dma_semaphore, #tpu.memory_space<semaphore_mem>>)
        %mul3A_238 = arith.constant 4 : i32
        %mul3A_239 = arith.muli %add3A_219, %mul3A_238 : i32
        %add3A_240 = arith.constant 1 : i32
        %add3A_241 = arith.addi %mul3A_239, %add3A_240 : i32
        %dma_start3A_242 = arith.constant 0 : i32
        %dma_start3A_243 = arith.constant 0 : i32
        %dma_start3A_244 = arith.constant 100 : i32
        %dma_start3A_245 = arith.constant 0 : i32
        %dma_start3A_246 = tpu.memref_slice %arg6[%dma_start3A_242, %dma_start3A_244, %dma_start3A_245] : memref<2x400x64xf32, #tpu.memory_space<vmem>> -> memref<1x100x64xf32, #tpu.memory_space<vmem>>
        %dma_start3A_247 = tpu.memref_squeeze %dma_start3A_246 : memref<1x100x64xf32, #tpu.memory_space<vmem>> -> memref<100x64xf32, #tpu.memory_space<vmem>>
        %dma_start3A_248 = arith.constant 0 : i32
        %dma_start3A_249 = tpu.memref_slice %arg5[%add3A_241, %dma_start3A_248] : memref<64x100xi32, #tpu.memory_space<vmem>> -> memref<1x100xi32, #tpu.memory_space<vmem>>
        %dma_start3A_250 = tpu.memref_squeeze %dma_start3A_249 : memref<1x100xi32, #tpu.memory_space<vmem>> -> memref<100xi32, #tpu.memory_space<vmem>>
        %dma_start3A_251 = arith.constant 0 : i32
        %dma_start3A_252 = arith.constant 0 : i32
        %dma_start3A_253 = tpu.memref_slice %arg3[%dma_start3A_251, %dma_start3A_252] : memref<1000000x64xf32, #tpu.memory_space<hbm>> -> memref<1000000x64xf32, #tpu.memory_space<hbm>>
        %dma_start3A_254 = tpu.memref_slice %arg7[%dma_start3A_243] : memref<2x!tpu.dma_semaphore, #tpu.memory_space<semaphore_mem>> -> memref<1x!tpu.dma_semaphore, #tpu.memory_space<semaphore_mem>>
        %dma_start3A_255 = tpu.memref_squeeze %dma_start3A_254 : memref<1x!tpu.dma_semaphore, #tpu.memory_space<semaphore_mem>> -> memref<!tpu.dma_semaphore, #tpu.memory_space<semaphore_mem>>
        tpu.enqueue_indirect_dma source(%dma_start3A_253 : memref<1000000x64xf32, #tpu.memory_space<hbm>>) target(%dma_start3A_247 : memref<100x64xf32, #tpu.memory_space<vmem>>) offsets(%dma_start3A_250 : memref<100xi32, #tpu.memory_space<vmem>>) semaphore(%dma_start3A_255 : memref<!tpu.dma_semaphore, #tpu.memory_space<semaphore_mem>>)
        %mul3A_256 = arith.constant 4 : i32
        %mul3A_257 = arith.muli %add3A_219, %mul3A_256 : i32
        %add3A_258 = arith.constant 2 : i32
        %add3A_259 = arith.addi %mul3A_257, %add3A_258 : i32
        %dma_start3A_260 = arith.constant 0 : i32
        %dma_start3A_261 = arith.constant 0 : i32
        %dma_start3A_262 = arith.constant 200 : i32
        %dma_start3A_263 = arith.constant 0 : i32
        %dma_start3A_264 = tpu.memref_slice %arg6[%dma_start3A_260, %dma_start3A_262, %dma_start3A_263] : memref<2x400x64xf32, #tpu.memory_space<vmem>> -> memref<1x100x64xf32, #tpu.memory_space<vmem>>
        %dma_start3A_265 = tpu.memref_squeeze %dma_start3A_264 : memref<1x100x64xf32, #tpu.memory_space<vmem>> -> memref<100x64xf32, #tpu.memory_space<vmem>>
        %dma_start3A_266 = arith.constant 0 : i32
        %dma_start3A_267 = tpu.memref_slice %arg5[%add3A_259, %dma_start3A_266] : memref<64x100xi32, #tpu.memory_space<vmem>> -> memref<1x100xi32, #tpu.memory_space<vmem>>
        %dma_start3A_268 = tpu.memref_squeeze %dma_start3A_267 : memref<1x100xi32, #tpu.memory_space<vmem>> -> memref<100xi32, #tpu.memory_space<vmem>>
        %dma_start3A_269 = arith.constant 0 : i32
        %dma_start3A_270 = arith.constant 0 : i32
        %dma_start3A_271 = tpu.memref_slice %arg3[%dma_start3A_269, %dma_start3A_270] : memref<1000000x64xf32, #tpu.memory_space<hbm>> -> memref<1000000x64xf32, #tpu.memory_space<hbm>>
        %dma_start3A_272 = tpu.memref_slice %arg7[%dma_start3A_261] : memref<2x!tpu.dma_semaphore, #tpu.memory_space<semaphore_mem>> -> memref<1x!tpu.dma_semaphore, #tpu.memory_space<semaphore_mem>>
        %dma_start3A_273 = tpu.memref_squeeze %dma_start3A_272 : memref<1x!tpu.dma_semaphore, #tpu.memory_space<semaphore_mem>> -> memref<!tpu.dma_semaphore, #tpu.memory_space<semaphore_mem>>
        tpu.enqueue_indirect_dma source(%dma_start3A_271 : memref<1000000x64xf32, #tpu.memory_space<hbm>>) target(%dma_start3A_265 : memref<100x64xf32, #tpu.memory_space<vmem>>) offsets(%dma_start3A_268 : memref<100xi32, #tpu.memory_space<vmem>>) semaphore(%dma_start3A_273 : memref<!tpu.dma_semaphore, #tpu.memory_space<semaphore_mem>>)
        %mul3A_274 = arith.constant 4 : i32
        %mul3A_275 = arith.muli %add3A_219, %mul3A_274 : i32
        %add3A_276 = arith.constant 3 : i32
        %add3A_277 = arith.addi %mul3A_275, %add3A_276 : i32
        %dma_start3A_278 = arith.constant 0 : i32
        %dma_start3A_279 = arith.constant 0 : i32
        %dma_start3A_280 = arith.constant 300 : i32
        %dma_start3A_281 = arith.constant 0 : i32
        %dma_start3A_282 = tpu.memref_slice %arg6[%dma_start3A_278, %dma_start3A_280, %dma_start3A_281] : memref<2x400x64xf32, #tpu.memory_space<vmem>> -> memref<1x100x64xf32, #tpu.memory_space<vmem>>
        %dma_start3A_283 = tpu.memref_squeeze %dma_start3A_282 : memref<1x100x64xf32, #tpu.memory_space<vmem>> -> memref<100x64xf32, #tpu.memory_space<vmem>>
        %dma_start3A_284 = arith.constant 0 : i32
        %dma_start3A_285 = tpu.memref_slice %arg5[%add3A_277, %dma_start3A_284] : memref<64x100xi32, #tpu.memory_space<vmem>> -> memref<1x100xi32, #tpu.memory_space<vmem>>
        %dma_start3A_286 = tpu.memref_squeeze %dma_start3A_285 : memref<1x100xi32, #tpu.memory_space<vmem>> -> memref<100xi32, #tpu.memory_space<vmem>>
        %dma_start3A_287 = arith.constant 0 : i32
        %dma_start3A_288 = arith.constant 0 : i32
        %dma_start3A_289 = tpu.memref_slice %arg3[%dma_start3A_287, %dma_start3A_288] : memref<1000000x64xf32, #tpu.memory_space<hbm>> -> memref<1000000x64xf32, #tpu.memory_space<hbm>>
        %dma_start3A_290 = tpu.memref_slice %arg7[%dma_start3A_279] : memref<2x!tpu.dma_semaphore, #tpu.memory_space<semaphore_mem>> -> memref<1x!tpu.dma_semaphore, #tpu.memory_space<semaphore_mem>>
        %dma_start3A_291 = tpu.memref_squeeze %dma_start3A_290 : memref<1x!tpu.dma_semaphore, #tpu.memory_space<semaphore_mem>> -> memref<!tpu.dma_semaphore, #tpu.memory_space<semaphore_mem>>
        tpu.enqueue_indirect_dma source(%dma_start3A_289 : memref<1000000x64xf32, #tpu.memory_space<hbm>>) target(%dma_start3A_283 : memref<100x64xf32, #tpu.memory_space<vmem>>) offsets(%dma_start3A_286 : memref<100xi32, #tpu.memory_space<vmem>>) semaphore(%dma_start3A_291 : memref<!tpu.dma_semaphore, #tpu.memory_space<semaphore_mem>>)
      } else {
      }
      %add3A_172 = arith.constant 1 : i32
      %add3A_173 = arith.addi %add3A_130, %add3A_172 : i32
      %dma_wait3A_174 = arith.constant 1 : i32
      %dma_wait3A_175 = arith.constant 1 : i32
      %dma_wait3A_176 = arith.constant 0 : i32
      %dma_wait3A_177 = arith.constant 0 : i32
      %dma_wait3A_178 = tpu.memref_slice %arg6[%dma_wait3A_174, %dma_wait3A_176, %dma_wait3A_177] : memref<2x400x64xf32, #tpu.memory_space<vmem>> -> memref<1x400x64xf32, #tpu.memory_space<vmem>>
      %dma_wait3A_179 = tpu.memref_squeeze %dma_wait3A_178 : memref<1x400x64xf32, #tpu.memory_space<vmem>> -> memref<400x64xf32, #tpu.memory_space<vmem>>
      %dma_wait3A_180 = arith.constant 0 : i32
      %dma_wait3A_181 = arith.constant 0 : i32
      %dma_wait3A_182 = tpu.memref_slice %arg3[%dma_wait3A_180, %dma_wait3A_181] : memref<1000000x64xf32, #tpu.memory_space<hbm>> -> memref<400x64xf32, #tpu.memory_space<hbm>>
      %dma_wait3A_183 = tpu.memref_slice %arg7[%dma_wait3A_175] : memref<2x!tpu.dma_semaphore, #tpu.memory_space<semaphore_mem>> -> memref<1x!tpu.dma_semaphore, #tpu.memory_space<semaphore_mem>>
      %dma_wait3A_184 = tpu.memref_squeeze %dma_wait3A_183 : memref<1x!tpu.dma_semaphore, #tpu.memory_space<semaphore_mem>> -> memref<!tpu.dma_semaphore, #tpu.memory_space<semaphore_mem>>
      %dma_wait3A_185 = arith.constant 0 : i32
      %dma_wait3A_186 = arith.constant 0 : i32
      %dma_wait3A_187 = tpu.memref_slice %arg6[%dma_wait3A_174, %dma_wait3A_185, %dma_wait3A_186] : memref<2x400x64xf32, #tpu.memory_space<vmem>> -> memref<1x400x64xf32, #tpu.memory_space<vmem>>
      %dma_wait3A_188 = tpu.memref_squeeze %dma_wait3A_187 : memref<1x400x64xf32, #tpu.memory_space<vmem>> -> memref<400x64xf32, #tpu.memory_space<vmem>>
      %dma_wait3A_189 = arith.constant 0 : i32
      %dma_wait3A_190 = arith.constant 0 : i32
      %dma_wait3A_191 = tpu.memref_slice %arg3[%dma_wait3A_189, %dma_wait3A_190] : memref<1000000x64xf32, #tpu.memory_space<hbm>> -> memref<400x64xf32, #tpu.memory_space<hbm>>
      tpu.wait_dma2 semaphore(%dma_wait3A_184 : memref<!tpu.dma_semaphore, #tpu.memory_space<semaphore_mem>>) src(%dma_wait3A_191 : memref<400x64xf32, #tpu.memory_space<hbm>>) dst(%dma_wait3A_188 : memref<400x64xf32, #tpu.memory_space<vmem>>)
      %mul3A_192 = arith.constant 32 : i32
      %mul3A_193 = arith.muli %add3A, %mul3A_192 : i32
      %mul3A_194 = arith.constant 2 : i32
      %mul3A_195 = arith.muli %add3A_173, %mul3A_194 : i32
      %add3A_196 = arith.addi %mul3A_193, %mul3A_195 : i32
      %add3A_197 = arith.constant 0 : i32
      %add3A_198 = arith.addi %add3A_196, %add3A_197 : i32
      %mul3A_199 = arith.constant 2 : i32
      %mul3A_200 = arith.muli %add3A_198, %mul3A_199 : i32
      %mul3A_201 = arith.constant 104 : i32
      %mul3A_202 = arith.muli %mul3A_200, %mul3A_201 : i32
      %run_scoped3A_203 = arith.constant 1 : i32
      "tpu.region"() ({
        %run_scoped3A_218 = tpu.sem_alloc : memref<!tpu.dma_semaphore, #tpu.memory_space<semaphore_mem>>
        %dma_start3A_219 = arith.constant 0 : i32
        %dma_start3A_220 = arith.constant 0 : i32
        %dma_start3A_221 = tpu.memref_slice %arg6[%run_scoped3A_203, %dma_start3A_219, %dma_start3A_220] : memref<2x400x64xf32, #tpu.memory_space<vmem>> -> memref<1x200x64xf32, #tpu.memory_space<vmem>>
        %dma_start3A_222 = tpu.memref_squeeze %dma_start3A_221 : memref<1x200x64xf32, #tpu.memory_space<vmem>> -> memref<200x64xf32, #tpu.memory_space<vmem>>
        %dma_start3A_223 = arith.constant 0 : i32
        %dma_start3A_224 = tpu.memref_slice %arg4[%mul3A_202, %dma_start3A_223] : memref<212992x64xf32, #tpu.memory_space<hbm>> -> memref<200x64xf32, #tpu.memory_space<hbm>>
        %dma_start3A_225 = arith.constant 0 : i32
        %dma_start3A_226 = tpu.memref_slice %arg4[%mul3A_202, %dma_start3A_225] : memref<212992x64xf32, #tpu.memory_space<hbm>> -> memref<200x64xf32, #tpu.memory_space<hbm>>
        %dma_start3A_227 = arith.constant 0 : i32
        %dma_start3A_228 = arith.constant 0 : i32
        %dma_start3A_229 = tpu.memref_slice %arg6[%run_scoped3A_203, %dma_start3A_227, %dma_start3A_228] : memref<2x400x64xf32, #tpu.memory_space<vmem>> -> memref<1x200x64xf32, #tpu.memory_space<vmem>>
        %dma_start3A_230 = tpu.memref_squeeze %dma_start3A_229 : memref<1x200x64xf32, #tpu.memory_space<vmem>> -> memref<200x64xf32, #tpu.memory_space<vmem>>
        tpu.enqueue_dma source(%dma_start3A_230 : memref<200x64xf32, #tpu.memory_space<vmem>>) target(%dma_start3A_226 : memref<200x64xf32, #tpu.memory_space<hbm>>) target_semaphore(%run_scoped3A_218 : memref<!tpu.dma_semaphore, #tpu.memory_space<semaphore_mem>>)
        %dma_wait3A_231 = arith.constant 0 : i32
        %dma_wait3A_232 = arith.constant 0 : i32
        %dma_wait3A_233 = tpu.memref_slice %arg6[%run_scoped3A_203, %dma_wait3A_231, %dma_wait3A_232] : memref<2x400x64xf32, #tpu.memory_space<vmem>> -> memref<1x200x64xf32, #tpu.memory_space<vmem>>
        %dma_wait3A_234 = tpu.memref_squeeze %dma_wait3A_233 : memref<1x200x64xf32, #tpu.memory_space<vmem>> -> memref<200x64xf32, #tpu.memory_space<vmem>>
        %dma_wait3A_235 = arith.constant 0 : i32
        %dma_wait3A_236 = tpu.memref_slice %arg4[%mul3A_202, %dma_wait3A_235] : memref<212992x64xf32, #tpu.memory_space<hbm>> -> memref<200x64xf32, #tpu.memory_space<hbm>>
        %dma_wait3A_237 = arith.constant 0 : i32
        %dma_wait3A_238 = tpu.memref_slice %arg4[%mul3A_202, %dma_wait3A_237] : memref<212992x64xf32, #tpu.memory_space<hbm>> -> memref<200x64xf32, #tpu.memory_space<hbm>>
        %dma_wait3A_239 = arith.constant 0 : i32
        %dma_wait3A_240 = arith.constant 0 : i32
        %dma_wait3A_241 = tpu.memref_slice %arg6[%run_scoped3A_203, %dma_wait3A_239, %dma_wait3A_240] : memref<2x400x64xf32, #tpu.memory_space<vmem>> -> memref<1x200x64xf32, #tpu.memory_space<vmem>>
        %dma_wait3A_242 = tpu.memref_squeeze %dma_wait3A_241 : memref<1x200x64xf32, #tpu.memory_space<vmem>> -> memref<200x64xf32, #tpu.memory_space<vmem>>
        tpu.wait_dma2 semaphore(%run_scoped3A_218 : memref<!tpu.dma_semaphore, #tpu.memory_space<semaphore_mem>>) src(%dma_wait3A_242 : memref<200x64xf32, #tpu.memory_space<vmem>>) dst(%dma_wait3A_238 : memref<200x64xf32, #tpu.memory_space<hbm>>)
        tpu.yield
      }) : () -> ()
      %add3A_204 = arith.constant 1 : i32
      %add3A_205 = arith.addi %add3A_196, %add3A_204 : i32
      %mul3A_206 = arith.constant 2 : i32
      %mul3A_207 = arith.muli %add3A_205, %mul3A_206 : i32
      %mul3A_208 = arith.constant 104 : i32
      %mul3A_209 = arith.muli %mul3A_207, %mul3A_208 : i32
      %run_scoped3A_210 = arith.constant 1 : i32
      "tpu.region"() ({
        %run_scoped3A_218 = tpu.sem_alloc : memref<!tpu.dma_semaphore, #tpu.memory_space<semaphore_mem>>
        %dma_start3A_219 = arith.constant 200 : i32
        %dma_start3A_220 = arith.constant 0 : i32
        %dma_start3A_221 = tpu.memref_slice %arg6[%run_scoped3A_210, %dma_start3A_219, %dma_start3A_220] : memref<2x400x64xf32, #tpu.memory_space<vmem>> -> memref<1x200x64xf32, #tpu.memory_space<vmem>>
        %dma_start3A_222 = tpu.memref_squeeze %dma_start3A_221 : memref<1x200x64xf32, #tpu.memory_space<vmem>> -> memref<200x64xf32, #tpu.memory_space<vmem>>
        %dma_start3A_223 = arith.constant 0 : i32
        %dma_start3A_224 = tpu.memref_slice %arg4[%mul3A_209, %dma_start3A_223] : memref<212992x64xf32, #tpu.memory_space<hbm>> -> memref<200x64xf32, #tpu.memory_space<hbm>>
        %dma_start3A_225 = arith.constant 0 : i32
        %dma_start3A_226 = tpu.memref_slice %arg4[%mul3A_209, %dma_start3A_225] : memref<212992x64xf32, #tpu.memory_space<hbm>> -> memref<200x64xf32, #tpu.memory_space<hbm>>
        %dma_start3A_227 = arith.constant 200 : i32
        %dma_start3A_228 = arith.constant 0 : i32
        %dma_start3A_229 = tpu.memref_slice %arg6[%run_scoped3A_210, %dma_start3A_227, %dma_start3A_228] : memref<2x400x64xf32, #tpu.memory_space<vmem>> -> memref<1x200x64xf32, #tpu.memory_space<vmem>>
        %dma_start3A_230 = tpu.memref_squeeze %dma_start3A_229 : memref<1x200x64xf32, #tpu.memory_space<vmem>> -> memref<200x64xf32, #tpu.memory_space<vmem>>
        tpu.enqueue_dma source(%dma_start3A_230 : memref<200x64xf32, #tpu.memory_space<vmem>>) target(%dma_start3A_226 : memref<200x64xf32, #tpu.memory_space<hbm>>) target_semaphore(%run_scoped3A_218 : memref<!tpu.dma_semaphore, #tpu.memory_space<semaphore_mem>>)
        %dma_wait3A_231 = arith.constant 200 : i32
        %dma_wait3A_232 = arith.constant 0 : i32
        %dma_wait3A_233 = tpu.memref_slice %arg6[%run_scoped3A_210, %dma_wait3A_231, %dma_wait3A_232] : memref<2x400x64xf32, #tpu.memory_space<vmem>> -> memref<1x200x64xf32, #tpu.memory_space<vmem>>
        %dma_wait3A_234 = tpu.memref_squeeze %dma_wait3A_233 : memref<1x200x64xf32, #tpu.memory_space<vmem>> -> memref<200x64xf32, #tpu.memory_space<vmem>>
        %dma_wait3A_235 = arith.constant 0 : i32
        %dma_wait3A_236 = tpu.memref_slice %arg4[%mul3A_209, %dma_wait3A_235] : memref<212992x64xf32, #tpu.memory_space<hbm>> -> memref<200x64xf32, #tpu.memory_space<hbm>>
        %dma_wait3A_237 = arith.constant 0 : i32
        %dma_wait3A_238 = tpu.memref_slice %arg4[%mul3A_209, %dma_wait3A_237] : memref<212992x64xf32, #tpu.memory_space<hbm>> -> memref<200x64xf32, #tpu.memory_space<hbm>>
        %dma_wait3A_239 = arith.constant 200 : i32
        %dma_wait3A_240 = arith.constant 0 : i32
        %dma_wait3A_241 = tpu.memref_slice %arg6[%run_scoped3A_210, %dma_wait3A_239, %dma_wait3A_240] : memref<2x400x64xf32, #tpu.memory_space<vmem>> -> memref<1x200x64xf32, #tpu.memory_space<vmem>>
        %dma_wait3A_242 = tpu.memref_squeeze %dma_wait3A_241 : memref<1x200x64xf32, #tpu.memory_space<vmem>> -> memref<200x64xf32, #tpu.memory_space<vmem>>
        tpu.wait_dma2 semaphore(%run_scoped3A_218 : memref<!tpu.dma_semaphore, #tpu.memory_space<semaphore_mem>>) src(%dma_wait3A_242 : memref<200x64xf32, #tpu.memory_space<vmem>>) dst(%dma_wait3A_238 : memref<200x64xf32, #tpu.memory_space<hbm>>)
        tpu.yield
      }) : () -> ()
      %add3A_211 = arith.constant 2 : i32
      %add3A_212 = arith.addi %add3A_173, %add3A_211 : i32
      %lt3A_213 = arith.constant 16 : i32
      %lt3A_214 = arith.cmpi slt, %add3A_212, %lt3A_213 : i32
      %convert_element_type3A_215 = arith.extui %lt3A_214 : i1 to i32
      %cond3A_216 = arith.constant 0 : i32
      %cond3A_217 = arith.cmpi ne, %convert_element_type3A_215, %cond3A_216 : i32
      scf.if %cond3A_217 {
        %add3A_218 = arith.constant 2 : i32
        %add3A_219 = arith.addi %add3A_173, %add3A_218 : i32
        %mul3A_220 = arith.constant 4 : i32
        %mul3A_221 = arith.muli %add3A_219, %mul3A_220 : i32
        %add3A_222 = arith.constant 0 : i32
        %add3A_223 = arith.addi %mul3A_221, %add3A_222 : i32
        %dma_start3A_224 = arith.constant 1 : i32
        %dma_start3A_225 = arith.constant 1 : i32
        %dma_start3A_226 = arith.constant 0 : i32
        %dma_start3A_227 = arith.constant 0 : i32
        %dma_start3A_228 = tpu.memref_slice %arg6[%dma_start3A_224, %dma_start3A_226, %dma_start3A_227] : memref<2x400x64xf32, #tpu.memory_space<vmem>> -> memref<1x100x64xf32, #tpu.memory_space<vmem>>
        %dma_start3A_229 = tpu.memref_squeeze %dma_start3A_228 : memref<1x100x64xf32, #tpu.memory_space<vmem>> -> memref<100x64xf32, #tpu.memory_space<vmem>>
        %dma_start3A_230 = arith.constant 0 : i32
        %dma_start3A_231 = tpu.memref_slice %arg5[%add3A_223, %dma_start3A_230] : memref<64x100xi32, #tpu.memory_space<vmem>> -> memref<1x100xi32, #tpu.memory_space<vmem>>
        %dma_start3A_232 = tpu.memref_squeeze %dma_start3A_231 : memref<1x100xi32, #tpu.memory_space<vmem>> -> memref<100xi32, #tpu.memory_space<vmem>>
        %dma_start3A_233 = arith.constant 0 : i32
        %dma_start3A_234 = arith.constant 0 : i32
        %dma_start3A_235 = tpu.memref_slice %arg3[%dma_start3A_233, %dma_start3A_234] : memref<1000000x64xf32, #tpu.memory_space<hbm>> -> memref<1000000x64xf32, #tpu.memory_space<hbm>>
        %dma_start3A_236 = tpu.memref_slice %arg7[%dma_start3A_225] : memref<2x!tpu.dma_semaphore, #tpu.memory_space<semaphore_mem>> -> memref<1x!tpu.dma_semaphore, #tpu.memory_space<semaphore_mem>>
        %dma_start3A_237 = tpu.memref_squeeze %dma_start3A_236 : memref<1x!tpu.dma_semaphore, #tpu.memory_space<semaphore_mem>> -> memref<!tpu.dma_semaphore, #tpu.memory_space<semaphore_mem>>
        tpu.enqueue_indirect_dma source(%dma_start3A_235 : memref<1000000x64xf32, #tpu.memory_space<hbm>>) target(%dma_start3A_229 : memref<100x64xf32, #tpu.memory_space<vmem>>) offsets(%dma_start3A_232 : memref<100xi32, #tpu.memory_space<vmem>>) semaphore(%dma_start3A_237 : memref<!tpu.dma_semaphore, #tpu.memory_space<semaphore_mem>>)
        %mul3A_238 = arith.constant 4 : i32
        %mul3A_239 = arith.muli %add3A_219, %mul3A_238 : i32
        %add3A_240 = arith.constant 1 : i32
        %add3A_241 = arith.addi %mul3A_239, %add3A_240 : i32
        %dma_start3A_242 = arith.constant 1 : i32
        %dma_start3A_243 = arith.constant 1 : i32
        %dma_start3A_244 = arith.constant 100 : i32
        %dma_start3A_245 = arith.constant 0 : i32
        %dma_start3A_246 = tpu.memref_slice %arg6[%dma_start3A_242, %dma_start3A_244, %dma_start3A_245] : memref<2x400x64xf32, #tpu.memory_space<vmem>> -> memref<1x100x64xf32, #tpu.memory_space<vmem>>
        %dma_start3A_247 = tpu.memref_squeeze %dma_start3A_246 : memref<1x100x64xf32, #tpu.memory_space<vmem>> -> memref<100x64xf32, #tpu.memory_space<vmem>>
        %dma_start3A_248 = arith.constant 0 : i32
        %dma_start3A_249 = tpu.memref_slice %arg5[%add3A_241, %dma_start3A_248] : memref<64x100xi32, #tpu.memory_space<vmem>> -> memref<1x100xi32, #tpu.memory_space<vmem>>
        %dma_start3A_250 = tpu.memref_squeeze %dma_start3A_249 : memref<1x100xi32, #tpu.memory_space<vmem>> -> memref<100xi32, #tpu.memory_space<vmem>>
        %dma_start3A_251 = arith.constant 0 : i32
        %dma_start3A_252 = arith.constant 0 : i32
        %dma_start3A_253 = tpu.memref_slice %arg3[%dma_start3A_251, %dma_start3A_252] : memref<1000000x64xf32, #tpu.memory_space<hbm>> -> memref<1000000x64xf32, #tpu.memory_space<hbm>>
        %dma_start3A_254 = tpu.memref_slice %arg7[%dma_start3A_243] : memref<2x!tpu.dma_semaphore, #tpu.memory_space<semaphore_mem>> -> memref<1x!tpu.dma_semaphore, #tpu.memory_space<semaphore_mem>>
        %dma_start3A_255 = tpu.memref_squeeze %dma_start3A_254 : memref<1x!tpu.dma_semaphore, #tpu.memory_space<semaphore_mem>> -> memref<!tpu.dma_semaphore, #tpu.memory_space<semaphore_mem>>
        tpu.enqueue_indirect_dma source(%dma_start3A_253 : memref<1000000x64xf32, #tpu.memory_space<hbm>>) target(%dma_start3A_247 : memref<100x64xf32, #tpu.memory_space<vmem>>) offsets(%dma_start3A_250 : memref<100xi32, #tpu.memory_space<vmem>>) semaphore(%dma_start3A_255 : memref<!tpu.dma_semaphore, #tpu.memory_space<semaphore_mem>>)
        %mul3A_256 = arith.constant 4 : i32
        %mul3A_257 = arith.muli %add3A_219, %mul3A_256 : i32
        %add3A_258 = arith.constant 2 : i32
        %add3A_259 = arith.addi %mul3A_257, %add3A_258 : i32
        %dma_start3A_260 = arith.constant 1 : i32
        %dma_start3A_261 = arith.constant 1 : i32
        %dma_start3A_262 = arith.constant 200 : i32
        %dma_start3A_263 = arith.constant 0 : i32
        %dma_start3A_264 = tpu.memref_slice %arg6[%dma_start3A_260, %dma_start3A_262, %dma_start3A_263] : memref<2x400x64xf32, #tpu.memory_space<vmem>> -> memref<1x100x64xf32, #tpu.memory_space<vmem>>
        %dma_start3A_265 = tpu.memref_squeeze %dma_start3A_264 : memref<1x100x64xf32, #tpu.memory_space<vmem>> -> memref<100x64xf32, #tpu.memory_space<vmem>>
        %dma_start3A_266 = arith.constant 0 : i32
        %dma_start3A_267 = tpu.memref_slice %arg5[%add3A_259, %dma_start3A_266] : memref<64x100xi32, #tpu.memory_space<vmem>> -> memref<1x100xi32, #tpu.memory_space<vmem>>
        %dma_start3A_268 = tpu.memref_squeeze %dma_start3A_267 : memref<1x100xi32, #tpu.memory_space<vmem>> -> memref<100xi32, #tpu.memory_space<vmem>>
        %dma_start3A_269 = arith.constant 0 : i32
        %dma_start3A_270 = arith.constant 0 : i32
        %dma_start3A_271 = tpu.memref_slice %arg3[%dma_start3A_269, %dma_start3A_270] : memref<1000000x64xf32, #tpu.memory_space<hbm>> -> memref<1000000x64xf32, #tpu.memory_space<hbm>>
        %dma_start3A_272 = tpu.memref_slice %arg7[%dma_start3A_261] : memref<2x!tpu.dma_semaphore, #tpu.memory_space<semaphore_mem>> -> memref<1x!tpu.dma_semaphore, #tpu.memory_space<semaphore_mem>>
        %dma_start3A_273 = tpu.memref_squeeze %dma_start3A_272 : memref<1x!tpu.dma_semaphore, #tpu.memory_space<semaphore_mem>> -> memref<!tpu.dma_semaphore, #tpu.memory_space<semaphore_mem>>
        tpu.enqueue_indirect_dma source(%dma_start3A_271 : memref<1000000x64xf32, #tpu.memory_space<hbm>>) target(%dma_start3A_265 : memref<100x64xf32, #tpu.memory_space<vmem>>) offsets(%dma_start3A_268 : memref<100xi32, #tpu.memory_space<vmem>>) semaphore(%dma_start3A_273 : memref<!tpu.dma_semaphore, #tpu.memory_space<semaphore_mem>>)
        %mul3A_274 = arith.constant 4 : i32
        %mul3A_275 = arith.muli %add3A_219, %mul3A_274 : i32
        %add3A_276 = arith.constant 3 : i32
        %add3A_277 = arith.addi %mul3A_275, %add3A_276 : i32
        %dma_start3A_278 = arith.constant 1 : i32
        %dma_start3A_279 = arith.constant 1 : i32
        %dma_start3A_280 = arith.constant 300 : i32
        %dma_start3A_281 = arith.constant 0 : i32
        %dma_start3A_282 = tpu.memref_slice %arg6[%dma_start3A_278, %dma_start3A_280, %dma_start3A_281] : memref<2x400x64xf32, #tpu.memory_space<vmem>> -> memref<1x100x64xf32, #tpu.memory_space<vmem>>
        %dma_start3A_283 = tpu.memref_squeeze %dma_start3A_282 : memref<1x100x64xf32, #tpu.memory_space<vmem>> -> memref<100x64xf32, #tpu.memory_space<vmem>>
        %dma_start3A_284 = arith.constant 0 : i32
        %dma_start3A_285 = tpu.memref_slice %arg5[%add3A_277, %dma_start3A_284] : memref<64x100xi32, #tpu.memory_space<vmem>> -> memref<1x100xi32, #tpu.memory_space<vmem>>
        %dma_start3A_286 = tpu.memref_squeeze %dma_start3A_285 : memref<1x100xi32, #tpu.memory_space<vmem>> -> memref<100xi32, #tpu.memory_space<vmem>>
        %dma_start3A_287 = arith.constant 0 : i32
        %dma_start3A_288 = arith.constant 0 : i32
        %dma_start3A_289 = tpu.memref_slice %arg3[%dma_start3A_287, %dma_start3A_288] : memref<1000000x64xf32, #tpu.memory_space<hbm>> -> memref<1000000x64xf32, #tpu.memory_space<hbm>>
        %dma_start3A_290 = tpu.memref_slice %arg7[%dma_start3A_279] : memref<2x!tpu.dma_semaphore, #tpu.memory_space<semaphore_mem>> -> memref<1x!tpu.dma_semaphore, #tpu.memory_space<semaphore_mem>>
        %dma_start3A_291 = tpu.memref_squeeze %dma_start3A_290 : memref<1x!tpu.dma_semaphore, #tpu.memory_space<semaphore_mem>> -> memref<!tpu.dma_semaphore, #tpu.memory_space<semaphore_mem>>
        tpu.enqueue_indirect_dma source(%dma_start3A_289 : memref<1000000x64xf32, #tpu.memory_space<hbm>>) target(%dma_start3A_283 : memref<100x64xf32, #tpu.memory_space<vmem>>) offsets(%dma_start3A_286 : memref<100xi32, #tpu.memory_space<vmem>>) semaphore(%dma_start3A_291 : memref<!tpu.dma_semaphore, #tpu.memory_space<semaphore_mem>>)
      } else {
      }
    }
    %scan3A_125 = arith.constant 8 : i32
    return
  }
}

#map = affine_map<(d0, d1) -> (0, 0)>
module attributes {stable_mosaic.version = 14 : i64} {
  func.func @_embed(%arg0: i32, %arg1: i32, %arg2: memref<2048x100xi32, #tpu.memory_space<hbm>>, %arg3: memref<1000000x64xf32, #tpu.memory_space<hbm>>, %arg4: memref<212992x64xf32, #tpu.memory_space<hbm>>, %arg5: memref<64x100xi32, #tpu.memory_space<vmem>>, %arg6: memref<2x400x64xf32, #tpu.memory_space<vmem>>, %arg7: memref<2x!tpu.dma_semaphore, #tpu.memory_space<semaphore_mem>>) attributes {dimension_semantics = [#tpu.dimension_semantics<core_parallel>, #tpu.dimension_semantics<subcore_parallel>], iteration_bounds = array<i64: 2, 16>, scalar_prefetch = 0 : i64, scratch_operands = 3 : i64, tpu.core_type = #tpu.core_type<sc_vector_subcore>, window_params = [{transform_indices = #map}, {transform_indices = #map}, {transform_indices = #map}]} {
    %mul3A = arith.constant 2 : i32
    %mul3A_0 = arith.muli %arg1, %mul3A : i32
    %add3A = arith.addi %mul3A_0, %arg0 : i32
    %mul3A_1 = arith.constant 64 : i32
    %mul3A_2 = arith.muli %add3A, %mul3A_1 : i32
    "tpu.region"() ({
      %run_scoped3A = tpu.sem_alloc : memref<!tpu.dma_semaphore, #tpu.memory_space<semaphore_mem>>
      %dma_start3A_126 = arith.constant 0 : i32
      %dma_start3A_127 = tpu.memref_slice %arg2[%mul3A_2, %dma_start3A_126] : memref<2048x100xi32, #tpu.memory_space<hbm>> -> memref<64x100xi32, #tpu.memory_space<hbm>>
      %dma_start3A_128 = arith.constant 0 : i32
      %dma_start3A_129 = tpu.memref_slice %arg2[%mul3A_2, %dma_start3A_128] : memref<2048x100xi32, #tpu.memory_space<hbm>> -> memref<64x100xi32, #tpu.memory_space<hbm>>
      tpu.enqueue_dma source(%dma_start3A_129 : memref<64x100xi32, #tpu.memory_space<hbm>>) target(%arg5 : memref<64x100xi32, #tpu.memory_space<vmem>>) target_semaphore(%run_scoped3A : memref<!tpu.dma_semaphore, #tpu.memory_space<semaphore_mem>>)
      %dma_wait3A = arith.constant 0 : i32
      %dma_wait3A_130 = tpu.memref_slice %arg2[%mul3A_2, %dma_wait3A] : memref<2048x100xi32, #tpu.memory_space<hbm>> -> memref<64x100xi32, #tpu.memory_space<hbm>>
      %dma_wait3A_131 = arith.constant 0 : i32
      %dma_wait3A_132 = tpu.memref_slice %arg2[%mul3A_2, %dma_wait3A_131] : memref<2048x100xi32, #tpu.memory_space<hbm>> -> memref<64x100xi32, #tpu.memory_space<hbm>>
      tpu.wait_dma2 semaphore(%run_scoped3A : memref<!tpu.dma_semaphore, #tpu.memory_space<semaphore_mem>>) src(%dma_wait3A_132 : memref<64x100xi32, #tpu.memory_space<hbm>>) dst(%arg5 : memref<64x100xi32, #tpu.memory_space<vmem>>)
      tpu.yield
    }) : () -> ()
    %dma_start3A = arith.constant 0 : i32
    %dma_start3A_3 = arith.constant 0 : i32
    %dma_start3A_4 = arith.constant 0 : i32
    %dma_start3A_5 = arith.constant 0 : i32
    %dma_start3A_6 = arith.constant 0 : i32
    %dma_start3A_7 = tpu.memref_slice %arg6[%dma_start3A_3, %dma_start3A_5, %dma_start3A_6] : memref<2x400x64xf32, #tpu.memory_space<vmem>> -> memref<1x100x64xf32, #tpu.memory_space<vmem>>
    %dma_start3A_8 = tpu.memref_squeeze %dma_start3A_7 : memref<1x100x64xf32, #tpu.memory_space<vmem>> -> memref<100x64xf32, #tpu.memory_space<vmem>>
    %dma_start3A_9 = arith.constant 0 : i32
    %dma_start3A_10 = tpu.memref_slice %arg5[%dma_start3A, %dma_start3A_9] : memref<64x100xi32, #tpu.memory_space<vmem>> -> memref<1x100xi32, #tpu.memory_space<vmem>>
    %dma_start3A_11 = tpu.memref_squeeze %dma_start3A_10 : memref<1x100xi32, #tpu.memory_space<vmem>> -> memref<100xi32, #tpu.memory_space<vmem>>
    %dma_start3A_12 = arith.constant 0 : i32
    %dma_start3A_13 = arith.constant 0 : i32
    %dma_start3A_14 = tpu.memref_slice %arg3[%dma_start3A_12, %dma_start3A_13] : memref<1000000x64xf32, #tpu.memory_space<hbm>> -> memref<1000000x64xf32, #tpu.memory_space<hbm>>
    %dma_start3A_15 = tpu.memref_slice %arg7[%dma_start3A_4] : memref<2x!tpu.dma_semaphore, #tpu.memory_space<semaphore_mem>> -> memref<1x!tpu.dma_semaphore, #tpu.memory_space<semaphore_mem>>
    %dma_start3A_16 = tpu.memref_squeeze %dma_start3A_15 : memref<1x!tpu.dma_semaphore, #tpu.memory_space<semaphore_mem>> -> memref<!tpu.dma_semaphore, #tpu.memory_space<semaphore_mem>>
    tpu.enqueue_indirect_dma source(%dma_start3A_14 : memref<1000000x64xf32, #tpu.memory_space<hbm>>) target(%dma_start3A_8 : memref<100x64xf32, #tpu.memory_space<vmem>>) offsets(%dma_start3A_11 : memref<100xi32, #tpu.memory_space<vmem>>) semaphore(%dma_start3A_16 : memref<!tpu.dma_semaphore, #tpu.memory_space<semaphore_mem>>)
    %dma_start3A_17 = arith.constant 1 : i32
    %dma_start3A_18 = arith.constant 0 : i32
    %dma_start3A_19 = arith.constant 0 : i32
    %dma_start3A_20 = arith.constant 100 : i32
    %dma_start3A_21 = arith.constant 0 : i32
    %dma_start3A_22 = tpu.memref_slice %arg6[%dma_start3A_18, %dma_start3A_20, %dma_start3A_21] : memref<2x400x64xf32, #tpu.memory_space<vmem>> -> memref<1x100x64xf32, #tpu.memory_space<vmem>>
    %dma_start3A_23 = tpu.memref_squeeze %dma_start3A_22 : memref<1x100x64xf32, #tpu.memory_space<vmem>> -> memref<100x64xf32, #tpu.memory_space<vmem>>
    %dma_start3A_24 = arith.constant 0 : i32
    %dma_start3A_25 = tpu.memref_slice %arg5[%dma_start3A_17, %dma_start3A_24] : memref<64x100xi32, #tpu.memory_space<vmem>> -> memref<1x100xi32, #tpu.memory_space<vmem>>
    %dma_start3A_26 = tpu.memref_squeeze %dma_start3A_25 : memref<1x100xi32, #tpu.memory_space<vmem>> -> memref<100xi32, #tpu.memory_space<vmem>>
    %dma_start3A_27 = arith.constant 0 : i32
    %dma_start3A_28 = arith.constant 0 : i32
    %dma_start3A_29 = tpu.memref_slice %arg3[%dma_start3A_27, %dma_start3A_28] : memref<1000000x64xf32, #tpu.memory_space<hbm>> -> memref<1000000x64xf32, #tpu.memory_space<hbm>>
    %dma_start3A_30 = tpu.memref_slice %arg7[%dma_start3A_19] : memref<2x!tpu.dma_semaphore, #tpu.memory_space<semaphore_mem>> -> memref<1x!tpu.dma_semaphore, #tpu.memory_space<semaphore_mem>>
    %dma_start3A_31 = tpu.memref_squeeze %dma_start3A_30 : memref<1x!tpu.dma_semaphore, #tpu.memory_space<semaphore_mem>> -> memref<!tpu.dma_semaphore, #tpu.memory_space<semaphore_mem>>
    tpu.enqueue_indirect_dma source(%dma_start3A_29 : memref<1000000x64xf32, #tpu.memory_space<hbm>>) target(%dma_start3A_23 : memref<100x64xf32, #tpu.memory_space<vmem>>) offsets(%dma_start3A_26 : memref<100xi32, #tpu.memory_space<vmem>>) semaphore(%dma_start3A_31 : memref<!tpu.dma_semaphore, #tpu.memory_space<semaphore_mem>>)
    %dma_start3A_32 = arith.constant 2 : i32
    %dma_start3A_33 = arith.constant 0 : i32
    %dma_start3A_34 = arith.constant 0 : i32
    %dma_start3A_35 = arith.constant 200 : i32
    %dma_start3A_36 = arith.constant 0 : i32
    %dma_start3A_37 = tpu.memref_slice %arg6[%dma_start3A_33, %dma_start3A_35, %dma_start3A_36] : memref<2x400x64xf32, #tpu.memory_space<vmem>> -> memref<1x100x64xf32, #tpu.memory_space<vmem>>
    %dma_start3A_38 = tpu.memref_squeeze %dma_start3A_37 : memref<1x100x64xf32, #tpu.memory_space<vmem>> -> memref<100x64xf32, #tpu.memory_space<vmem>>
    %dma_start3A_39 = arith.constant 0 : i32
    %dma_start3A_40 = tpu.memref_slice %arg5[%dma_start3A_32, %dma_start3A_39] : memref<64x100xi32, #tpu.memory_space<vmem>> -> memref<1x100xi32, #tpu.memory_space<vmem>>
    %dma_start3A_41 = tpu.memref_squeeze %dma_start3A_40 : memref<1x100xi32, #tpu.memory_space<vmem>> -> memref<100xi32, #tpu.memory_space<vmem>>
    %dma_start3A_42 = arith.constant 0 : i32
    %dma_start3A_43 = arith.constant 0 : i32
    %dma_start3A_44 = tpu.memref_slice %arg3[%dma_start3A_42, %dma_start3A_43] : memref<1000000x64xf32, #tpu.memory_space<hbm>> -> memref<1000000x64xf32, #tpu.memory_space<hbm>>
    %dma_start3A_45 = tpu.memref_slice %arg7[%dma_start3A_34] : memref<2x!tpu.dma_semaphore, #tpu.memory_space<semaphore_mem>> -> memref<1x!tpu.dma_semaphore, #tpu.memory_space<semaphore_mem>>
    %dma_start3A_46 = tpu.memref_squeeze %dma_start3A_45 : memref<1x!tpu.dma_semaphore, #tpu.memory_space<semaphore_mem>> -> memref<!tpu.dma_semaphore, #tpu.memory_space<semaphore_mem>>
    tpu.enqueue_indirect_dma source(%dma_start3A_44 : memref<1000000x64xf32, #tpu.memory_space<hbm>>) target(%dma_start3A_38 : memref<100x64xf32, #tpu.memory_space<vmem>>) offsets(%dma_start3A_41 : memref<100xi32, #tpu.memory_space<vmem>>) semaphore(%dma_start3A_46 : memref<!tpu.dma_semaphore, #tpu.memory_space<semaphore_mem>>)
    %dma_start3A_47 = arith.constant 3 : i32
    %dma_start3A_48 = arith.constant 0 : i32
    %dma_start3A_49 = arith.constant 0 : i32
    %dma_start3A_50 = arith.constant 300 : i32
    %dma_start3A_51 = arith.constant 0 : i32
    %dma_start3A_52 = tpu.memref_slice %arg6[%dma_start3A_48, %dma_start3A_50, %dma_start3A_51] : memref<2x400x64xf32, #tpu.memory_space<vmem>> -> memref<1x100x64xf32, #tpu.memory_space<vmem>>
    %dma_start3A_53 = tpu.memref_squeeze %dma_start3A_52 : memref<1x100x64xf32, #tpu.memory_space<vmem>> -> memref<100x64xf32, #tpu.memory_space<vmem>>
    %dma_start3A_54 = arith.constant 0 : i32
    %dma_start3A_55 = tpu.memref_slice %arg5[%dma_start3A_47, %dma_start3A_54] : memref<64x100xi32, #tpu.memory_space<vmem>> -> memref<1x100xi32, #tpu.memory_space<vmem>>
    %dma_start3A_56 = tpu.memref_squeeze %dma_start3A_55 : memref<1x100xi32, #tpu.memory_space<vmem>> -> memref<100xi32, #tpu.memory_space<vmem>>
    %dma_start3A_57 = arith.constant 0 : i32
    %dma_start3A_58 = arith.constant 0 : i32
    %dma_start3A_59 = tpu.memref_slice %arg3[%dma_start3A_57, %dma_start3A_58] : memref<1000000x64xf32, #tpu.memory_space<hbm>> -> memref<1000000x64xf32, #tpu.memory_space<hbm>>
    %dma_start3A_60 = tpu.memref_slice %arg7[%dma_start3A_49] : memref<2x!tpu.dma_semaphore, #tpu.memory_space<semaphore_mem>> -> memref<1x!tpu.dma_semaphore, #tpu.memory_space<semaphore_mem>>
    %dma_start3A_61 = tpu.memref_squeeze %dma_start3A_60 : memref<1x!tpu.dma_semaphore, #tpu.memory_space<semaphore_mem>> -> memref<!tpu.dma_semaphore, #tpu.memory_space<semaphore_mem>>
    tpu.enqueue_indirect_dma source(%dma_start3A_59 : memref<1000000x64xf32, #tpu.memory_space<hbm>>) target(%dma_start3A_53 : memref<100x64xf32, #tpu.memory_space<vmem>>) offsets(%dma_start3A_56 : memref<100xi32, #tpu.memory_space<vmem>>) semaphore(%dma_start3A_61 : memref<!tpu.dma_semaphore, #tpu.memory_space<semaphore_mem>>)
    %dma_start3A_62 = arith.constant 4 : i32
    %dma_start3A_63 = arith.constant 1 : i32
    %dma_start3A_64 = arith.constant 1 : i32
    %dma_start3A_65 = arith.constant 0 : i32
    %dma_start3A_66 = arith.constant 0 : i32
    %dma_start3A_67 = tpu.memref_slice %arg6[%dma_start3A_63, %dma_start3A_65, %dma_start3A_66] : memref<2x400x64xf32, #tpu.memory_space<vmem>> -> memref<1x100x64xf32, #tpu.memory_space<vmem>>
    %dma_start3A_68 = tpu.memref_squeeze %dma_start3A_67 : memref<1x100x64xf32, #tpu.memory_space<vmem>> -> memref<100x64xf32, #tpu.memory_space<vmem>>
    %dma_start3A_69 = arith.constant 0 : i32
    %dma_start3A_70 = tpu.memref_slice %arg5[%dma_start3A_62, %dma_start3A_69] : memref<64x100xi32, #tpu.memory_space<vmem>> -> memref<1x100xi32, #tpu.memory_space<vmem>>
    %dma_start3A_71 = tpu.memref_squeeze %dma_start3A_70 : memref<1x100xi32, #tpu.memory_space<vmem>> -> memref<100xi32, #tpu.memory_space<vmem>>
    %dma_start3A_72 = arith.constant 0 : i32
    %dma_start3A_73 = arith.constant 0 : i32
    %dma_start3A_74 = tpu.memref_slice %arg3[%dma_start3A_72, %dma_start3A_73] : memref<1000000x64xf32, #tpu.memory_space<hbm>> -> memref<1000000x64xf32, #tpu.memory_space<hbm>>
    %dma_start3A_75 = tpu.memref_slice %arg7[%dma_start3A_64] : memref<2x!tpu.dma_semaphore, #tpu.memory_space<semaphore_mem>> -> memref<1x!tpu.dma_semaphore, #tpu.memory_space<semaphore_mem>>
    %dma_start3A_76 = tpu.memref_squeeze %dma_start3A_75 : memref<1x!tpu.dma_semaphore, #tpu.memory_space<semaphore_mem>> -> memref<!tpu.dma_semaphore, #tpu.memory_space<semaphore_mem>>
    tpu.enqueue_indirect_dma source(%dma_start3A_74 : memref<1000000x64xf32, #tpu.memory_space<hbm>>) target(%dma_start3A_68 : memref<100x64xf32, #tpu.memory_space<vmem>>) offsets(%dma_start3A_71 : memref<100xi32, #tpu.memory_space<vmem>>) semaphore(%dma_start3A_76 : memref<!tpu.dma_semaphore, #tpu.memory_space<semaphore_mem>>)
    %dma_start3A_77 = arith.constant 5 : i32
    %dma_start3A_78 = arith.constant 1 : i32
    %dma_start3A_79 = arith.constant 1 : i32
    %dma_start3A_80 = arith.constant 100 : i32
    %dma_start3A_81 = arith.constant 0 : i32
    %dma_start3A_82 = tpu.memref_slice %arg6[%dma_start3A_78, %dma_start3A_80, %dma_start3A_81] : memref<2x400x64xf32, #tpu.memory_space<vmem>> -> memref<1x100x64xf32, #tpu.memory_space<vmem>>
    %dma_start3A_83 = tpu.memref_squeeze %dma_start3A_82 : memref<1x100x64xf32, #tpu.memory_space<vmem>> -> memref<100x64xf32, #tpu.memory_space<vmem>>
    %dma_start3A_84 = arith.constant 0 : i32
    %dma_start3A_85 = tpu.memref_slice %arg5[%dma_start3A_77, %dma_start3A_84] : memref<64x100xi32, #tpu.memory_space<vmem>> -> memref<1x100xi32, #tpu.memory_space<vmem>>
    %dma_start3A_86 = tpu.memref_squeeze %dma_start3A_85 : memref<1x100xi32, #tpu.memory_space<vmem>> -> memref<100xi32, #tpu.memory_space<vmem>>
    %dma_start3A_87 = arith.constant 0 : i32
    %dma_start3A_88 = arith.constant 0 : i32
    %dma_start3A_89 = tpu.memref_slice %arg3[%dma_start3A_87, %dma_start3A_88] : memref<1000000x64xf32, #tpu.memory_space<hbm>> -> memref<1000000x64xf32, #tpu.memory_space<hbm>>
    %dma_start3A_90 = tpu.memref_slice %arg7[%dma_start3A_79] : memref<2x!tpu.dma_semaphore, #tpu.memory_space<semaphore_mem>> -> memref<1x!tpu.dma_semaphore, #tpu.memory_space<semaphore_mem>>
    %dma_start3A_91 = tpu.memref_squeeze %dma_start3A_90 : memref<1x!tpu.dma_semaphore, #tpu.memory_space<semaphore_mem>> -> memref<!tpu.dma_semaphore, #tpu.memory_space<semaphore_mem>>
    tpu.enqueue_indirect_dma source(%dma_start3A_89 : memref<1000000x64xf32, #tpu.memory_space<hbm>>) target(%dma_start3A_83 : memref<100x64xf32, #tpu.memory_space<vmem>>) offsets(%dma_start3A_86 : memref<100xi32, #tpu.memory_space<vmem>>) semaphore(%dma_start3A_91 : memref<!tpu.dma_semaphore, #tpu.memory_space<semaphore_mem>>)
    %dma_start3A_92 = arith.constant 6 : i32
    %dma_start3A_93 = arith.constant 1 : i32
    %dma_start3A_94 = arith.constant 1 : i32
    %dma_start3A_95 = arith.constant 200 : i32
    %dma_start3A_96 = arith.constant 0 : i32
    %dma_start3A_97 = tpu.memref_slice %arg6[%dma_start3A_93, %dma_start3A_95, %dma_start3A_96] : memref<2x400x64xf32, #tpu.memory_space<vmem>> -> memref<1x100x64xf32, #tpu.memory_space<vmem>>
    %dma_start3A_98 = tpu.memref_squeeze %dma_start3A_97 : memref<1x100x64xf32, #tpu.memory_space<vmem>> -> memref<100x64xf32, #tpu.memory_space<vmem>>
    %dma_start3A_99 = arith.constant 0 : i32
    %dma_start3A_100 = tpu.memref_slice %arg5[%dma_start3A_92, %dma_start3A_99] : memref<64x100xi32, #tpu.memory_space<vmem>> -> memref<1x100xi32, #tpu.memory_space<vmem>>
    %dma_start3A_101 = tpu.memref_squeeze %dma_start3A_100 : memref<1x100xi32, #tpu.memory_space<vmem>> -> memref<100xi32, #tpu.memory_space<vmem>>
    %dma_start3A_102 = arith.constant 0 : i32
    %dma_start3A_103 = arith.constant 0 : i32
    %dma_start3A_104 = tpu.memref_slice %arg3[%dma_start3A_102, %dma_start3A_103] : memref<1000000x64xf32, #tpu.memory_space<hbm>> -> memref<1000000x64xf32, #tpu.memory_space<hbm>>
    %dma_start3A_105 = tpu.memref_slice %arg7[%dma_start3A_94] : memref<2x!tpu.dma_semaphore, #tpu.memory_space<semaphore_mem>> -> memref<1x!tpu.dma_semaphore, #tpu.memory_space<semaphore_mem>>
    %dma_start3A_106 = tpu.memref_squeeze %dma_start3A_105 : memref<1x!tpu.dma_semaphore, #tpu.memory_space<semaphore_mem>> -> memref<!tpu.dma_semaphore, #tpu.memory_space<semaphore_mem>>
    tpu.enqueue_indirect_dma source(%dma_start3A_104 : memref<1000000x64xf32, #tpu.memory_space<hbm>>) target(%dma_start3A_98 : memref<100x64xf32, #tpu.memory_space<vmem>>) offsets(%dma_start3A_101 : memref<100xi32, #tpu.memory_space<vmem>>) semaphore(%dma_start3A_106 : memref<!tpu.dma_semaphore, #tpu.memory_space<semaphore_mem>>)
    %dma_start3A_107 = arith.constant 7 : i32
    %dma_start3A_108 = arith.constant 1 : i32
    %dma_start3A_109 = arith.constant 1 : i32
    %dma_start3A_110 = arith.constant 300 : i32
    %dma_start3A_111 = arith.constant 0 : i32
    %dma_start3A_112 = tpu.memref_slice %arg6[%dma_start3A_108, %dma_start3A_110, %dma_start3A_111] : memref<2x400x64xf32, #tpu.memory_space<vmem>> -> memref<1x100x64xf32, #tpu.memory_space<vmem>>
    %dma_start3A_113 = tpu.memref_squeeze %dma_start3A_112 : memref<1x100x64xf32, #tpu.memory_space<vmem>> -> memref<100x64xf32, #tpu.memory_space<vmem>>
    %dma_start3A_114 = arith.constant 0 : i32
    %dma_start3A_115 = tpu.memref_slice %arg5[%dma_start3A_107, %dma_start3A_114] : memref<64x100xi32, #tpu.memory_space<vmem>> -> memref<1x100xi32, #tpu.memory_space<vmem>>
    %dma_start3A_116 = tpu.memref_squeeze %dma_start3A_115 : memref<1x100xi32, #tpu.memory_space<vmem>> -> memref<100xi32, #tpu.memory_space<vmem>>
    %dma_start3A_117 = arith.constant 0 : i32
    %dma_start3A_118 = arith.constant 0 : i32
    %dma_start3A_119 = tpu.memref_slice %arg3[%dma_start3A_117, %dma_start3A_118] : memref<1000000x64xf32, #tpu.memory_space<hbm>> -> memref<1000000x64xf32, #tpu.memory_space<hbm>>
    %dma_start3A_120 = tpu.memref_slice %arg7[%dma_start3A_109] : memref<2x!tpu.dma_semaphore, #tpu.memory_space<semaphore_mem>> -> memref<1x!tpu.dma_semaphore, #tpu.memory_space<semaphore_mem>>
    %dma_start3A_121 = tpu.memref_squeeze %dma_start3A_120 : memref<1x!tpu.dma_semaphore, #tpu.memory_space<semaphore_mem>> -> memref<!tpu.dma_semaphore, #tpu.memory_space<semaphore_mem>>
    tpu.enqueue_indirect_dma source(%dma_start3A_119 : memref<1000000x64xf32, #tpu.memory_space<hbm>>) target(%dma_start3A_113 : memref<100x64xf32, #tpu.memory_space<vmem>>) offsets(%dma_start3A_116 : memref<100xi32, #tpu.memory_space<vmem>>) semaphore(%dma_start3A_121 : memref<!tpu.dma_semaphore, #tpu.memory_space<semaphore_mem>>)
    %scan3A = arith.constant 0 : i32
    %scan3A_122 = arith.constant 8 : i32
    %scan3A_123 = arith.addi %scan3A, %scan3A_122 : i32
    %scan3A_124 = arith.constant 1 : i32
    scf.for %scan3A_126 = %scan3A to %scan3A_123 step %scan3A_124  : i32 {
      %mul3A_127 = arith.constant 2 : i32
      %mul3A_128 = arith.muli %scan3A_126, %mul3A_127 : i32
      %add3A_129 = arith.constant 0 : i32
      %add3A_130 = arith.addi %add3A_129, %mul3A_128 : i32
      %add3A_131 = arith.constant 0 : i32
      %add3A_132 = arith.addi %add3A_130, %add3A_131 : i32
      %dma_wait3A = arith.constant 0 : i32
      %dma_wait3A_133 = arith.constant 0 : i32
      %dma_wait3A_134 = arith.constant 0 : i32
      %dma_wait3A_135 = arith.constant 0 : i32
      %dma_wait3A_136 = tpu.memref_slice %arg6[%dma_wait3A, %dma_wait3A_134, %dma_wait3A_135] : memref<2x400x64xf32, #tpu.memory_space<vmem>> -> memref<1x400x64xf32, #tpu.memory_space<vmem>>
      %dma_wait3A_137 = tpu.memref_squeeze %dma_wait3A_136 : memref<1x400x64xf32, #tpu.memory_space<vmem>> -> memref<400x64xf32, #tpu.memory_space<vmem>>
      %dma_wait3A_138 = arith.constant 0 : i32
      %dma_wait3A_139 = arith.constant 0 : i32
      %dma_wait3A_140 = tpu.memref_slice %arg3[%dma_wait3A_138, %dma_wait3A_139] : memref<1000000x64xf32, #tpu.memory_space<hbm>> -> memref<400x64xf32, #tpu.memory_space<hbm>>
      %dma_wait3A_141 = tpu.memref_slice %arg7[%dma_wait3A_133] : memref<2x!tpu.dma_semaphore, #tpu.memory_space<semaphore_mem>> -> memref<1x!tpu.dma_semaphore, #tpu.memory_space<semaphore_mem>>
      %dma_wait3A_142 = tpu.memref_squeeze %dma_wait3A_141 : memref<1x!tpu.dma_semaphore, #tpu.memory_space<semaphore_mem>> -> memref<!tpu.dma_semaphore, #tpu.memory_space<semaphore_mem>>
      %dma_wait3A_143 = arith.constant 0 : i32
      %dma_wait3A_144 = arith.constant 0 : i32
      %dma_wait3A_145 = tpu.memref_slice %arg6[%dma_wait3A, %dma_wait3A_143, %dma_wait3A_144] : memref<2x400x64xf32, #tpu.memory_space<vmem>> -> memref<1x400x64xf32, #tpu.memory_space<vmem>>
      %dma_wait3A_146 = tpu.memref_squeeze %dma_wait3A_145 : memref<1x400x64xf32, #tpu.memory_space<vmem>> -> memref<400x64xf32, #tpu.memory_space<vmem>>
      %dma_wait3A_147 = arith.constant 0 : i32
      %dma_wait3A_148 = arith.constant 0 : i32
      %dma_wait3A_149 = tpu.memref_slice %arg3[%dma_wait3A_147, %dma_wait3A_148] : memref<1000000x64xf32, #tpu.memory_space<hbm>> -> memref<400x64xf32, #tpu.memory_space<hbm>>
      tpu.wait_dma2 semaphore(%dma_wait3A_142 : memref<!tpu.dma_semaphore, #tpu.memory_space<semaphore_mem>>) src(%dma_wait3A_149 : memref<400x64xf32, #tpu.memory_space<hbm>>) dst(%dma_wait3A_146 : memref<400x64xf32, #tpu.memory_space<vmem>>)
      %mul3A_150 = arith.constant 32 : i32
      %mul3A_151 = arith.muli %add3A, %mul3A_150 : i32
      %mul3A_152 = arith.constant 2 : i32
      %mul3A_153 = arith.muli %add3A_132, %mul3A_152 : i32
      %add3A_154 = arith.addi %mul3A_151, %mul3A_153 : i32
      %add3A_155 = arith.constant 0 : i32
      %add3A_156 = arith.addi %add3A_154, %add3A_155 : i32
      %mul3A_157 = arith.constant 2 : i32
      %mul3A_158 = arith.muli %add3A_156, %mul3A_157 : i32
      %mul3A_159 = arith.constant 104 : i32
      %mul3A_160 = arith.muli %mul3A_158, %mul3A_159 : i32
      %run_scoped3A = arith.constant 0 : i32
      "tpu.region"() ({
        %run_scoped3A_218 = tpu.sem_alloc : memref<!tpu.dma_semaphore, #tpu.memory_space<semaphore_mem>>
        %dma_start3A_219 = arith.constant 0 : i32
        %dma_start3A_220 = arith.constant 0 : i32
        %dma_start3A_221 = tpu.memref_slice %arg6[%run_scoped3A, %dma_start3A_219, %dma_start3A_220] : memref<2x400x64xf32, #tpu.memory_space<vmem>> -> memref<1x200x64xf32, #tpu.memory_space<vmem>>
        %dma_start3A_222 = tpu.memref_squeeze %dma_start3A_221 : memref<1x200x64xf32, #tpu.memory_space<vmem>> -> memref<200x64xf32, #tpu.memory_space<vmem>>
        %dma_start3A_223 = arith.constant 0 : i32
        %dma_start3A_224 = tpu.memref_slice %arg4[%mul3A_160, %dma_start3A_223] : memref<212992x64xf32, #tpu.memory_space<hbm>> -> memref<200x64xf32, #tpu.memory_space<hbm>>
        %dma_start3A_225 = arith.constant 0 : i32
        %dma_start3A_226 = tpu.memref_slice %arg4[%mul3A_160, %dma_start3A_225] : memref<212992x64xf32, #tpu.memory_space<hbm>> -> memref<200x64xf32, #tpu.memory_space<hbm>>
        %dma_start3A_227 = arith.constant 0 : i32
        %dma_start3A_228 = arith.constant 0 : i32
        %dma_start3A_229 = tpu.memref_slice %arg6[%run_scoped3A, %dma_start3A_227, %dma_start3A_228] : memref<2x400x64xf32, #tpu.memory_space<vmem>> -> memref<1x200x64xf32, #tpu.memory_space<vmem>>
        %dma_start3A_230 = tpu.memref_squeeze %dma_start3A_229 : memref<1x200x64xf32, #tpu.memory_space<vmem>> -> memref<200x64xf32, #tpu.memory_space<vmem>>
        tpu.enqueue_dma source(%dma_start3A_230 : memref<200x64xf32, #tpu.memory_space<vmem>>) target(%dma_start3A_226 : memref<200x64xf32, #tpu.memory_space<hbm>>) target_semaphore(%run_scoped3A_218 : memref<!tpu.dma_semaphore, #tpu.memory_space<semaphore_mem>>)
        %dma_wait3A_231 = arith.constant 0 : i32
        %dma_wait3A_232 = arith.constant 0 : i32
        %dma_wait3A_233 = tpu.memref_slice %arg6[%run_scoped3A, %dma_wait3A_231, %dma_wait3A_232] : memref<2x400x64xf32, #tpu.memory_space<vmem>> -> memref<1x200x64xf32, #tpu.memory_space<vmem>>
        %dma_wait3A_234 = tpu.memref_squeeze %dma_wait3A_233 : memref<1x200x64xf32, #tpu.memory_space<vmem>> -> memref<200x64xf32, #tpu.memory_space<vmem>>
        %dma_wait3A_235 = arith.constant 0 : i32
        %dma_wait3A_236 = tpu.memref_slice %arg4[%mul3A_160, %dma_wait3A_235] : memref<212992x64xf32, #tpu.memory_space<hbm>> -> memref<200x64xf32, #tpu.memory_space<hbm>>
        %dma_wait3A_237 = arith.constant 0 : i32
        %dma_wait3A_238 = tpu.memref_slice %arg4[%mul3A_160, %dma_wait3A_237] : memref<212992x64xf32, #tpu.memory_space<hbm>> -> memref<200x64xf32, #tpu.memory_space<hbm>>
        %dma_wait3A_239 = arith.constant 0 : i32
        %dma_wait3A_240 = arith.constant 0 : i32
        %dma_wait3A_241 = tpu.memref_slice %arg6[%run_scoped3A, %dma_wait3A_239, %dma_wait3A_240] : memref<2x400x64xf32, #tpu.memory_space<vmem>> -> memref<1x200x64xf32, #tpu.memory_space<vmem>>
        %dma_wait3A_242 = tpu.memref_squeeze %dma_wait3A_241 : memref<1x200x64xf32, #tpu.memory_space<vmem>> -> memref<200x64xf32, #tpu.memory_space<vmem>>
        tpu.wait_dma2 semaphore(%run_scoped3A_218 : memref<!tpu.dma_semaphore, #tpu.memory_space<semaphore_mem>>) src(%dma_wait3A_242 : memref<200x64xf32, #tpu.memory_space<vmem>>) dst(%dma_wait3A_238 : memref<200x64xf32, #tpu.memory_space<hbm>>)
        tpu.yield
      }) : () -> ()
      %add3A_161 = arith.constant 1 : i32
      %add3A_162 = arith.addi %add3A_154, %add3A_161 : i32
      %mul3A_163 = arith.constant 2 : i32
      %mul3A_164 = arith.muli %add3A_162, %mul3A_163 : i32
      %mul3A_165 = arith.constant 104 : i32
      %mul3A_166 = arith.muli %mul3A_164, %mul3A_165 : i32
      %run_scoped3A_167 = arith.constant 0 : i32
      "tpu.region"() ({
        %run_scoped3A_218 = tpu.sem_alloc : memref<!tpu.dma_semaphore, #tpu.memory_space<semaphore_mem>>
        %dma_start3A_219 = arith.constant 200 : i32
        %dma_start3A_220 = arith.constant 0 : i32
        %dma_start3A_221 = tpu.memref_slice %arg6[%run_scoped3A_167, %dma_start3A_219, %dma_start3A_220] : memref<2x400x64xf32, #tpu.memory_space<vmem>> -> memref<1x200x64xf32, #tpu.memory_space<vmem>>
        %dma_start3A_222 = tpu.memref_squeeze %dma_start3A_221 : memref<1x200x64xf32, #tpu.memory_space<vmem>> -> memref<200x64xf32, #tpu.memory_space<vmem>>
        %dma_start3A_223 = arith.constant 0 : i32
        %dma_start3A_224 = tpu.memref_slice %arg4[%mul3A_166, %dma_start3A_223] : memref<212992x64xf32, #tpu.memory_space<hbm>> -> memref<200x64xf32, #tpu.memory_space<hbm>>
        %dma_start3A_225 = arith.constant 0 : i32
        %dma_start3A_226 = tpu.memref_slice %arg4[%mul3A_166, %dma_start3A_225] : memref<212992x64xf32, #tpu.memory_space<hbm>> -> memref<200x64xf32, #tpu.memory_space<hbm>>
        %dma_start3A_227 = arith.constant 200 : i32
        %dma_start3A_228 = arith.constant 0 : i32
        %dma_start3A_229 = tpu.memref_slice %arg6[%run_scoped3A_167, %dma_start3A_227, %dma_start3A_228] : memref<2x400x64xf32, #tpu.memory_space<vmem>> -> memref<1x200x64xf32, #tpu.memory_space<vmem>>
        %dma_start3A_230 = tpu.memref_squeeze %dma_start3A_229 : memref<1x200x64xf32, #tpu.memory_space<vmem>> -> memref<200x64xf32, #tpu.memory_space<vmem>>
        tpu.enqueue_dma source(%dma_start3A_230 : memref<200x64xf32, #tpu.memory_space<vmem>>) target(%dma_start3A_226 : memref<200x64xf32, #tpu.memory_space<hbm>>) target_semaphore(%run_scoped3A_218 : memref<!tpu.dma_semaphore, #tpu.memory_space<semaphore_mem>>)
        %dma_wait3A_231 = arith.constant 200 : i32
        %dma_wait3A_232 = arith.constant 0 : i32
        %dma_wait3A_233 = tpu.memref_slice %arg6[%run_scoped3A_167, %dma_wait3A_231, %dma_wait3A_232] : memref<2x400x64xf32, #tpu.memory_space<vmem>> -> memref<1x200x64xf32, #tpu.memory_space<vmem>>
        %dma_wait3A_234 = tpu.memref_squeeze %dma_wait3A_233 : memref<1x200x64xf32, #tpu.memory_space<vmem>> -> memref<200x64xf32, #tpu.memory_space<vmem>>
        %dma_wait3A_235 = arith.constant 0 : i32
        %dma_wait3A_236 = tpu.memref_slice %arg4[%mul3A_166, %dma_wait3A_235] : memref<212992x64xf32, #tpu.memory_space<hbm>> -> memref<200x64xf32, #tpu.memory_space<hbm>>
        %dma_wait3A_237 = arith.constant 0 : i32
        %dma_wait3A_238 = tpu.memref_slice %arg4[%mul3A_166, %dma_wait3A_237] : memref<212992x64xf32, #tpu.memory_space<hbm>> -> memref<200x64xf32, #tpu.memory_space<hbm>>
        %dma_wait3A_239 = arith.constant 200 : i32
        %dma_wait3A_240 = arith.constant 0 : i32
        %dma_wait3A_241 = tpu.memref_slice %arg6[%run_scoped3A_167, %dma_wait3A_239, %dma_wait3A_240] : memref<2x400x64xf32, #tpu.memory_space<vmem>> -> memref<1x200x64xf32, #tpu.memory_space<vmem>>
        %dma_wait3A_242 = tpu.memref_squeeze %dma_wait3A_241 : memref<1x200x64xf32, #tpu.memory_space<vmem>> -> memref<200x64xf32, #tpu.memory_space<vmem>>
        tpu.wait_dma2 semaphore(%run_scoped3A_218 : memref<!tpu.dma_semaphore, #tpu.memory_space<semaphore_mem>>) src(%dma_wait3A_242 : memref<200x64xf32, #tpu.memory_space<vmem>>) dst(%dma_wait3A_238 : memref<200x64xf32, #tpu.memory_space<hbm>>)
        tpu.yield
      }) : () -> ()
      %add3A_168 = arith.constant 2 : i32
      %add3A_169 = arith.addi %add3A_132, %add3A_168 : i32
      %lt3A = arith.constant 16 : i32
      %lt3A_170 = arith.cmpi slt, %add3A_169, %lt3A : i32
      %convert_element_type3A = arith.extui %lt3A_170 : i1 to i32
      %cond3A = arith.constant 0 : i32
      %cond3A_171 = arith.cmpi ne, %convert_element_type3A, %cond3A : i32
      scf.if %cond3A_171 {
        %add3A_218 = arith.constant 2 : i32
        %add3A_219 = arith.addi %add3A_132, %add3A_218 : i32
        %mul3A_220 = arith.constant 4 : i32
        %mul3A_221 = arith.muli %add3A_219, %mul3A_220 : i32
        %add3A_222 = arith.constant 0 : i32
        %add3A_223 = arith.addi %mul3A_221, %add3A_222 : i32
        %dma_start3A_224 = arith.constant 0 : i32
        %dma_start3A_225 = arith.constant 0 : i32
        %dma_start3A_226 = arith.constant 0 : i32
        %dma_start3A_227 = arith.constant 0 : i32
        %dma_start3A_228 = tpu.memref_slice %arg6[%dma_start3A_224, %dma_start3A_226, %dma_start3A_227] : memref<2x400x64xf32, #tpu.memory_space<vmem>> -> memref<1x100x64xf32, #tpu.memory_space<vmem>>
        %dma_start3A_229 = tpu.memref_squeeze %dma_start3A_228 : memref<1x100x64xf32, #tpu.memory_space<vmem>> -> memref<100x64xf32, #tpu.memory_space<vmem>>
        %dma_start3A_230 = arith.constant 0 : i32
        %dma_start3A_231 = tpu.memref_slice %arg5[%add3A_223, %dma_start3A_230] : memref<64x100xi32, #tpu.memory_space<vmem>> -> memref<1x100xi32, #tpu.memory_space<vmem>>
        %dma_start3A_232 = tpu.memref_squeeze %dma_start3A_231 : memref<1x100xi32, #tpu.memory_space<vmem>> -> memref<100xi32, #tpu.memory_space<vmem>>
        %dma_start3A_233 = arith.constant 0 : i32
        %dma_start3A_234 = arith.constant 0 : i32
        %dma_start3A_235 = tpu.memref_slice %arg3[%dma_start3A_233, %dma_start3A_234] : memref<1000000x64xf32, #tpu.memory_space<hbm>> -> memref<1000000x64xf32, #tpu.memory_space<hbm>>
        %dma_start3A_236 = tpu.memref_slice %arg7[%dma_start3A_225] : memref<2x!tpu.dma_semaphore, #tpu.memory_space<semaphore_mem>> -> memref<1x!tpu.dma_semaphore, #tpu.memory_space<semaphore_mem>>
        %dma_start3A_237 = tpu.memref_squeeze %dma_start3A_236 : memref<1x!tpu.dma_semaphore, #tpu.memory_space<semaphore_mem>> -> memref<!tpu.dma_semaphore, #tpu.memory_space<semaphore_mem>>
        tpu.enqueue_indirect_dma source(%dma_start3A_235 : memref<1000000x64xf32, #tpu.memory_space<hbm>>) target(%dma_start3A_229 : memref<100x64xf32, #tpu.memory_space<vmem>>) offsets(%dma_start3A_232 : memref<100xi32, #tpu.memory_space<vmem>>) semaphore(%dma_start3A_237 : memref<!tpu.dma_semaphore, #tpu.memory_space<semaphore_mem>>)
        %mul3A_238 = arith.constant 4 : i32
        %mul3A_239 = arith.muli %add3A_219, %mul3A_238 : i32
        %add3A_240 = arith.constant 1 : i32
        %add3A_241 = arith.addi %mul3A_239, %add3A_240 : i32
        %dma_start3A_242 = arith.constant 0 : i32
        %dma_start3A_243 = arith.constant 0 : i32
        %dma_start3A_244 = arith.constant 100 : i32
        %dma_start3A_245 = arith.constant 0 : i32
        %dma_start3A_246 = tpu.memref_slice %arg6[%dma_start3A_242, %dma_start3A_244, %dma_start3A_245] : memref<2x400x64xf32, #tpu.memory_space<vmem>> -> memref<1x100x64xf32, #tpu.memory_space<vmem>>
        %dma_start3A_247 = tpu.memref_squeeze %dma_start3A_246 : memref<1x100x64xf32, #tpu.memory_space<vmem>> -> memref<100x64xf32, #tpu.memory_space<vmem>>
        %dma_start3A_248 = arith.constant 0 : i32
        %dma_start3A_249 = tpu.memref_slice %arg5[%add3A_241, %dma_start3A_248] : memref<64x100xi32, #tpu.memory_space<vmem>> -> memref<1x100xi32, #tpu.memory_space<vmem>>
        %dma_start3A_250 = tpu.memref_squeeze %dma_start3A_249 : memref<1x100xi32, #tpu.memory_space<vmem>> -> memref<100xi32, #tpu.memory_space<vmem>>
        %dma_start3A_251 = arith.constant 0 : i32
        %dma_start3A_252 = arith.constant 0 : i32
        %dma_start3A_253 = tpu.memref_slice %arg3[%dma_start3A_251, %dma_start3A_252] : memref<1000000x64xf32, #tpu.memory_space<hbm>> -> memref<1000000x64xf32, #tpu.memory_space<hbm>>
        %dma_start3A_254 = tpu.memref_slice %arg7[%dma_start3A_243] : memref<2x!tpu.dma_semaphore, #tpu.memory_space<semaphore_mem>> -> memref<1x!tpu.dma_semaphore, #tpu.memory_space<semaphore_mem>>
        %dma_start3A_255 = tpu.memref_squeeze %dma_start3A_254 : memref<1x!tpu.dma_semaphore, #tpu.memory_space<semaphore_mem>> -> memref<!tpu.dma_semaphore, #tpu.memory_space<semaphore_mem>>
        tpu.enqueue_indirect_dma source(%dma_start3A_253 : memref<1000000x64xf32, #tpu.memory_space<hbm>>) target(%dma_start3A_247 : memref<100x64xf32, #tpu.memory_space<vmem>>) offsets(%dma_start3A_250 : memref<100xi32, #tpu.memory_space<vmem>>) semaphore(%dma_start3A_255 : memref<!tpu.dma_semaphore, #tpu.memory_space<semaphore_mem>>)
        %mul3A_256 = arith.constant 4 : i32
        %mul3A_257 = arith.muli %add3A_219, %mul3A_256 : i32
        %add3A_258 = arith.constant 2 : i32
        %add3A_259 = arith.addi %mul3A_257, %add3A_258 : i32
        %dma_start3A_260 = arith.constant 0 : i32
        %dma_start3A_261 = arith.constant 0 : i32
        %dma_start3A_262 = arith.constant 200 : i32
        %dma_start3A_263 = arith.constant 0 : i32
        %dma_start3A_264 = tpu.memref_slice %arg6[%dma_start3A_260, %dma_start3A_262, %dma_start3A_263] : memref<2x400x64xf32, #tpu.memory_space<vmem>> -> memref<1x100x64xf32, #tpu.memory_space<vmem>>
        %dma_start3A_265 = tpu.memref_squeeze %dma_start3A_264 : memref<1x100x64xf32, #tpu.memory_space<vmem>> -> memref<100x64xf32, #tpu.memory_space<vmem>>
        %dma_start3A_266 = arith.constant 0 : i32
        %dma_start3A_267 = tpu.memref_slice %arg5[%add3A_259, %dma_start3A_266] : memref<64x100xi32, #tpu.memory_space<vmem>> -> memref<1x100xi32, #tpu.memory_space<vmem>>
        %dma_start3A_268 = tpu.memref_squeeze %dma_start3A_267 : memref<1x100xi32, #tpu.memory_space<vmem>> -> memref<100xi32, #tpu.memory_space<vmem>>
        %dma_start3A_269 = arith.constant 0 : i32
        %dma_start3A_270 = arith.constant 0 : i32
        %dma_start3A_271 = tpu.memref_slice %arg3[%dma_start3A_269, %dma_start3A_270] : memref<1000000x64xf32, #tpu.memory_space<hbm>> -> memref<1000000x64xf32, #tpu.memory_space<hbm>>
        %dma_start3A_272 = tpu.memref_slice %arg7[%dma_start3A_261] : memref<2x!tpu.dma_semaphore, #tpu.memory_space<semaphore_mem>> -> memref<1x!tpu.dma_semaphore, #tpu.memory_space<semaphore_mem>>
        %dma_start3A_273 = tpu.memref_squeeze %dma_start3A_272 : memref<1x!tpu.dma_semaphore, #tpu.memory_space<semaphore_mem>> -> memref<!tpu.dma_semaphore, #tpu.memory_space<semaphore_mem>>
        tpu.enqueue_indirect_dma source(%dma_start3A_271 : memref<1000000x64xf32, #tpu.memory_space<hbm>>) target(%dma_start3A_265 : memref<100x64xf32, #tpu.memory_space<vmem>>) offsets(%dma_start3A_268 : memref<100xi32, #tpu.memory_space<vmem>>) semaphore(%dma_start3A_273 : memref<!tpu.dma_semaphore, #tpu.memory_space<semaphore_mem>>)
        %mul3A_274 = arith.constant 4 : i32
        %mul3A_275 = arith.muli %add3A_219, %mul3A_274 : i32
        %add3A_276 = arith.constant 3 : i32
        %add3A_277 = arith.addi %mul3A_275, %add3A_276 : i32
        %dma_start3A_278 = arith.constant 0 : i32
        %dma_start3A_279 = arith.constant 0 : i32
        %dma_start3A_280 = arith.constant 300 : i32
        %dma_start3A_281 = arith.constant 0 : i32
        %dma_start3A_282 = tpu.memref_slice %arg6[%dma_start3A_278, %dma_start3A_280, %dma_start3A_281] : memref<2x400x64xf32, #tpu.memory_space<vmem>> -> memref<1x100x64xf32, #tpu.memory_space<vmem>>
        %dma_start3A_283 = tpu.memref_squeeze %dma_start3A_282 : memref<1x100x64xf32, #tpu.memory_space<vmem>> -> memref<100x64xf32, #tpu.memory_space<vmem>>
        %dma_start3A_284 = arith.constant 0 : i32
        %dma_start3A_285 = tpu.memref_slice %arg5[%add3A_277, %dma_start3A_284] : memref<64x100xi32, #tpu.memory_space<vmem>> -> memref<1x100xi32, #tpu.memory_space<vmem>>
        %dma_start3A_286 = tpu.memref_squeeze %dma_start3A_285 : memref<1x100xi32, #tpu.memory_space<vmem>> -> memref<100xi32, #tpu.memory_space<vmem>>
        %dma_start3A_287 = arith.constant 0 : i32
        %dma_start3A_288 = arith.constant 0 : i32
        %dma_start3A_289 = tpu.memref_slice %arg3[%dma_start3A_287, %dma_start3A_288] : memref<1000000x64xf32, #tpu.memory_space<hbm>> -> memref<1000000x64xf32, #tpu.memory_space<hbm>>
        %dma_start3A_290 = tpu.memref_slice %arg7[%dma_start3A_279] : memref<2x!tpu.dma_semaphore, #tpu.memory_space<semaphore_mem>> -> memref<1x!tpu.dma_semaphore, #tpu.memory_space<semaphore_mem>>
        %dma_start3A_291 = tpu.memref_squeeze %dma_start3A_290 : memref<1x!tpu.dma_semaphore, #tpu.memory_space<semaphore_mem>> -> memref<!tpu.dma_semaphore, #tpu.memory_space<semaphore_mem>>
        tpu.enqueue_indirect_dma source(%dma_start3A_289 : memref<1000000x64xf32, #tpu.memory_space<hbm>>) target(%dma_start3A_283 : memref<100x64xf32, #tpu.memory_space<vmem>>) offsets(%dma_start3A_286 : memref<100xi32, #tpu.memory_space<vmem>>) semaphore(%dma_start3A_291 : memref<!tpu.dma_semaphore, #tpu.memory_space<semaphore_mem>>)
      } else {
      }
      %add3A_172 = arith.constant 1 : i32
      %add3A_173 = arith.addi %add3A_130, %add3A_172 : i32
      %dma_wait3A_174 = arith.constant 1 : i32
      %dma_wait3A_175 = arith.constant 1 : i32
      %dma_wait3A_176 = arith.constant 0 : i32
      %dma_wait3A_177 = arith.constant 0 : i32
      %dma_wait3A_178 = tpu.memref_slice %arg6[%dma_wait3A_174, %dma_wait3A_176, %dma_wait3A_177] : memref<2x400x64xf32, #tpu.memory_space<vmem>> -> memref<1x400x64xf32, #tpu.memory_space<vmem>>
      %dma_wait3A_179 = tpu.memref_squeeze %dma_wait3A_178 : memref<1x400x64xf32, #tpu.memory_space<vmem>> -> memref<400x64xf32, #tpu.memory_space<vmem>>
      %dma_wait3A_180 = arith.constant 0 : i32
      %dma_wait3A_181 = arith.constant 0 : i32
      %dma_wait3A_182 = tpu.memref_slice %arg3[%dma_wait3A_180, %dma_wait3A_181] : memref<1000000x64xf32, #tpu.memory_space<hbm>> -> memref<400x64xf32, #tpu.memory_space<hbm>>
      %dma_wait3A_183 = tpu.memref_slice %arg7[%dma_wait3A_175] : memref<2x!tpu.dma_semaphore, #tpu.memory_space<semaphore_mem>> -> memref<1x!tpu.dma_semaphore, #tpu.memory_space<semaphore_mem>>
      %dma_wait3A_184 = tpu.memref_squeeze %dma_wait3A_183 : memref<1x!tpu.dma_semaphore, #tpu.memory_space<semaphore_mem>> -> memref<!tpu.dma_semaphore, #tpu.memory_space<semaphore_mem>>
      %dma_wait3A_185 = arith.constant 0 : i32
      %dma_wait3A_186 = arith.constant 0 : i32
      %dma_wait3A_187 = tpu.memref_slice %arg6[%dma_wait3A_174, %dma_wait3A_185, %dma_wait3A_186] : memref<2x400x64xf32, #tpu.memory_space<vmem>> -> memref<1x400x64xf32, #tpu.memory_space<vmem>>
      %dma_wait3A_188 = tpu.memref_squeeze %dma_wait3A_187 : memref<1x400x64xf32, #tpu.memory_space<vmem>> -> memref<400x64xf32, #tpu.memory_space<vmem>>
      %dma_wait3A_189 = arith.constant 0 : i32
      %dma_wait3A_190 = arith.constant 0 : i32
      %dma_wait3A_191 = tpu.memref_slice %arg3[%dma_wait3A_189, %dma_wait3A_190] : memref<1000000x64xf32, #tpu.memory_space<hbm>> -> memref<400x64xf32, #tpu.memory_space<hbm>>
      tpu.wait_dma2 semaphore(%dma_wait3A_184 : memref<!tpu.dma_semaphore, #tpu.memory_space<semaphore_mem>>) src(%dma_wait3A_191 : memref<400x64xf32, #tpu.memory_space<hbm>>) dst(%dma_wait3A_188 : memref<400x64xf32, #tpu.memory_space<vmem>>)
      %mul3A_192 = arith.constant 32 : i32
      %mul3A_193 = arith.muli %add3A, %mul3A_192 : i32
      %mul3A_194 = arith.constant 2 : i32
      %mul3A_195 = arith.muli %add3A_173, %mul3A_194 : i32
      %add3A_196 = arith.addi %mul3A_193, %mul3A_195 : i32
      %add3A_197 = arith.constant 0 : i32
      %add3A_198 = arith.addi %add3A_196, %add3A_197 : i32
      %mul3A_199 = arith.constant 2 : i32
      %mul3A_200 = arith.muli %add3A_198, %mul3A_199 : i32
      %mul3A_201 = arith.constant 104 : i32
      %mul3A_202 = arith.muli %mul3A_200, %mul3A_201 : i32
      %run_scoped3A_203 = arith.constant 1 : i32
      "tpu.region"() ({
        %run_scoped3A_218 = tpu.sem_alloc : memref<!tpu.dma_semaphore, #tpu.memory_space<semaphore_mem>>
        %dma_start3A_219 = arith.constant 0 : i32
        %dma_start3A_220 = arith.constant 0 : i32
        %dma_start3A_221 = tpu.memref_slice %arg6[%run_scoped3A_203, %dma_start3A_219, %dma_start3A_220] : memref<2x400x64xf32, #tpu.memory_space<vmem>> -> memref<1x200x64xf32, #tpu.memory_space<vmem>>
        %dma_start3A_222 = tpu.memref_squeeze %dma_start3A_221 : memref<1x200x64xf32, #tpu.memory_space<vmem>> -> memref<200x64xf32, #tpu.memory_space<vmem>>
        %dma_start3A_223 = arith.constant 0 : i32
        %dma_start3A_224 = tpu.memref_slice %arg4[%mul3A_202, %dma_start3A_223] : memref<212992x64xf32, #tpu.memory_space<hbm>> -> memref<200x64xf32, #tpu.memory_space<hbm>>
        %dma_start3A_225 = arith.constant 0 : i32
        %dma_start3A_226 = tpu.memref_slice %arg4[%mul3A_202, %dma_start3A_225] : memref<212992x64xf32, #tpu.memory_space<hbm>> -> memref<200x64xf32, #tpu.memory_space<hbm>>
        %dma_start3A_227 = arith.constant 0 : i32
        %dma_start3A_228 = arith.constant 0 : i32
        %dma_start3A_229 = tpu.memref_slice %arg6[%run_scoped3A_203, %dma_start3A_227, %dma_start3A_228] : memref<2x400x64xf32, #tpu.memory_space<vmem>> -> memref<1x200x64xf32, #tpu.memory_space<vmem>>
        %dma_start3A_230 = tpu.memref_squeeze %dma_start3A_229 : memref<1x200x64xf32, #tpu.memory_space<vmem>> -> memref<200x64xf32, #tpu.memory_space<vmem>>
        tpu.enqueue_dma source(%dma_start3A_230 : memref<200x64xf32, #tpu.memory_space<vmem>>) target(%dma_start3A_226 : memref<200x64xf32, #tpu.memory_space<hbm>>) target_semaphore(%run_scoped3A_218 : memref<!tpu.dma_semaphore, #tpu.memory_space<semaphore_mem>>)
        %dma_wait3A_231 = arith.constant 0 : i32
        %dma_wait3A_232 = arith.constant 0 : i32
        %dma_wait3A_233 = tpu.memref_slice %arg6[%run_scoped3A_203, %dma_wait3A_231, %dma_wait3A_232] : memref<2x400x64xf32, #tpu.memory_space<vmem>> -> memref<1x200x64xf32, #tpu.memory_space<vmem>>
        %dma_wait3A_234 = tpu.memref_squeeze %dma_wait3A_233 : memref<1x200x64xf32, #tpu.memory_space<vmem>> -> memref<200x64xf32, #tpu.memory_space<vmem>>
        %dma_wait3A_235 = arith.constant 0 : i32
        %dma_wait3A_236 = tpu.memref_slice %arg4[%mul3A_202, %dma_wait3A_235] : memref<212992x64xf32, #tpu.memory_space<hbm>> -> memref<200x64xf32, #tpu.memory_space<hbm>>
        %dma_wait3A_237 = arith.constant 0 : i32
        %dma_wait3A_238 = tpu.memref_slice %arg4[%mul3A_202, %dma_wait3A_237] : memref<212992x64xf32, #tpu.memory_space<hbm>> -> memref<200x64xf32, #tpu.memory_space<hbm>>
        %dma_wait3A_239 = arith.constant 0 : i32
        %dma_wait3A_240 = arith.constant 0 : i32
        %dma_wait3A_241 = tpu.memref_slice %arg6[%run_scoped3A_203, %dma_wait3A_239, %dma_wait3A_240] : memref<2x400x64xf32, #tpu.memory_space<vmem>> -> memref<1x200x64xf32, #tpu.memory_space<vmem>>
        %dma_wait3A_242 = tpu.memref_squeeze %dma_wait3A_241 : memref<1x200x64xf32, #tpu.memory_space<vmem>> -> memref<200x64xf32, #tpu.memory_space<vmem>>
        tpu.wait_dma2 semaphore(%run_scoped3A_218 : memref<!tpu.dma_semaphore, #tpu.memory_space<semaphore_mem>>) src(%dma_wait3A_242 : memref<200x64xf32, #tpu.memory_space<vmem>>) dst(%dma_wait3A_238 : memref<200x64xf32, #tpu.memory_space<hbm>>)
        tpu.yield
      }) : () -> ()
      %add3A_204 = arith.constant 1 : i32
      %add3A_205 = arith.addi %add3A_196, %add3A_204 : i32
      %mul3A_206 = arith.constant 2 : i32
      %mul3A_207 = arith.muli %add3A_205, %mul3A_206 : i32
      %mul3A_208 = arith.constant 104 : i32
      %mul3A_209 = arith.muli %mul3A_207, %mul3A_208 : i32
      %run_scoped3A_210 = arith.constant 1 : i32
      "tpu.region"() ({
        %run_scoped3A_218 = tpu.sem_alloc : memref<!tpu.dma_semaphore, #tpu.memory_space<semaphore_mem>>
        %dma_start3A_219 = arith.constant 200 : i32
        %dma_start3A_220 = arith.constant 0 : i32
        %dma_start3A_221 = tpu.memref_slice %arg6[%run_scoped3A_210, %dma_start3A_219, %dma_start3A_220] : memref<2x400x64xf32, #tpu.memory_space<vmem>> -> memref<1x200x64xf32, #tpu.memory_space<vmem>>
        %dma_start3A_222 = tpu.memref_squeeze %dma_start3A_221 : memref<1x200x64xf32, #tpu.memory_space<vmem>> -> memref<200x64xf32, #tpu.memory_space<vmem>>
        %dma_start3A_223 = arith.constant 0 : i32
        %dma_start3A_224 = tpu.memref_slice %arg4[%mul3A_209, %dma_start3A_223] : memref<212992x64xf32, #tpu.memory_space<hbm>> -> memref<200x64xf32, #tpu.memory_space<hbm>>
        %dma_start3A_225 = arith.constant 0 : i32
        %dma_start3A_226 = tpu.memref_slice %arg4[%mul3A_209, %dma_start3A_225] : memref<212992x64xf32, #tpu.memory_space<hbm>> -> memref<200x64xf32, #tpu.memory_space<hbm>>
        %dma_start3A_227 = arith.constant 200 : i32
        %dma_start3A_228 = arith.constant 0 : i32
        %dma_start3A_229 = tpu.memref_slice %arg6[%run_scoped3A_210, %dma_start3A_227, %dma_start3A_228] : memref<2x400x64xf32, #tpu.memory_space<vmem>> -> memref<1x200x64xf32, #tpu.memory_space<vmem>>
        %dma_start3A_230 = tpu.memref_squeeze %dma_start3A_229 : memref<1x200x64xf32, #tpu.memory_space<vmem>> -> memref<200x64xf32, #tpu.memory_space<vmem>>
        tpu.enqueue_dma source(%dma_start3A_230 : memref<200x64xf32, #tpu.memory_space<vmem>>) target(%dma_start3A_226 : memref<200x64xf32, #tpu.memory_space<hbm>>) target_semaphore(%run_scoped3A_218 : memref<!tpu.dma_semaphore, #tpu.memory_space<semaphore_mem>>)
        %dma_wait3A_231 = arith.constant 200 : i32
        %dma_wait3A_232 = arith.constant 0 : i32
        %dma_wait3A_233 = tpu.memref_slice %arg6[%run_scoped3A_210, %dma_wait3A_231, %dma_wait3A_232] : memref<2x400x64xf32, #tpu.memory_space<vmem>> -> memref<1x200x64xf32, #tpu.memory_space<vmem>>
        %dma_wait3A_234 = tpu.memref_squeeze %dma_wait3A_233 : memref<1x200x64xf32, #tpu.memory_space<vmem>> -> memref<200x64xf32, #tpu.memory_space<vmem>>
        %dma_wait3A_235 = arith.constant 0 : i32
        %dma_wait3A_236 = tpu.memref_slice %arg4[%mul3A_209, %dma_wait3A_235] : memref<212992x64xf32, #tpu.memory_space<hbm>> -> memref<200x64xf32, #tpu.memory_space<hbm>>
        %dma_wait3A_237 = arith.constant 0 : i32
        %dma_wait3A_238 = tpu.memref_slice %arg4[%mul3A_209, %dma_wait3A_237] : memref<212992x64xf32, #tpu.memory_space<hbm>> -> memref<200x64xf32, #tpu.memory_space<hbm>>
        %dma_wait3A_239 = arith.constant 200 : i32
        %dma_wait3A_240 = arith.constant 0 : i32
        %dma_wait3A_241 = tpu.memref_slice %arg6[%run_scoped3A_210, %dma_wait3A_239, %dma_wait3A_240] : memref<2x400x64xf32, #tpu.memory_space<vmem>> -> memref<1x200x64xf32, #tpu.memory_space<vmem>>
        %dma_wait3A_242 = tpu.memref_squeeze %dma_wait3A_241 : memref<1x200x64xf32, #tpu.memory_space<vmem>> -> memref<200x64xf32, #tpu.memory_space<vmem>>
        tpu.wait_dma2 semaphore(%run_scoped3A_218 : memref<!tpu.dma_semaphore, #tpu.memory_space<semaphore_mem>>) src(%dma_wait3A_242 : memref<200x64xf32, #tpu.memory_space<vmem>>) dst(%dma_wait3A_238 : memref<200x64xf32, #tpu.memory_space<hbm>>)
        tpu.yield
      }) : () -> ()
      %add3A_211 = arith.constant 2 : i32
      %add3A_212 = arith.addi %add3A_173, %add3A_211 : i32
      %lt3A_213 = arith.constant 16 : i32
      %lt3A_214 = arith.cmpi slt, %add3A_212, %lt3A_213 : i32
      %convert_element_type3A_215 = arith.extui %lt3A_214 : i1 to i32
      %cond3A_216 = arith.constant 0 : i32
      %cond3A_217 = arith.cmpi ne, %convert_element_type3A_215, %cond3A_216 : i32
      scf.if %cond3A_217 {
        %add3A_218 = arith.constant 2 : i32
        %add3A_219 = arith.addi %add3A_173, %add3A_218 : i32
        %mul3A_220 = arith.constant 4 : i32
        %mul3A_221 = arith.muli %add3A_219, %mul3A_220 : i32
        %add3A_222 = arith.constant 0 : i32
        %add3A_223 = arith.addi %mul3A_221, %add3A_222 : i32
        %dma_start3A_224 = arith.constant 1 : i32
        %dma_start3A_225 = arith.constant 1 : i32
        %dma_start3A_226 = arith.constant 0 : i32
        %dma_start3A_227 = arith.constant 0 : i32
        %dma_start3A_228 = tpu.memref_slice %arg6[%dma_start3A_224, %dma_start3A_226, %dma_start3A_227] : memref<2x400x64xf32, #tpu.memory_space<vmem>> -> memref<1x100x64xf32, #tpu.memory_space<vmem>>
        %dma_start3A_229 = tpu.memref_squeeze %dma_start3A_228 : memref<1x100x64xf32, #tpu.memory_space<vmem>> -> memref<100x64xf32, #tpu.memory_space<vmem>>
        %dma_start3A_230 = arith.constant 0 : i32
        %dma_start3A_231 = tpu.memref_slice %arg5[%add3A_223, %dma_start3A_230] : memref<64x100xi32, #tpu.memory_space<vmem>> -> memref<1x100xi32, #tpu.memory_space<vmem>>
        %dma_start3A_232 = tpu.memref_squeeze %dma_start3A_231 : memref<1x100xi32, #tpu.memory_space<vmem>> -> memref<100xi32, #tpu.memory_space<vmem>>
        %dma_start3A_233 = arith.constant 0 : i32
        %dma_start3A_234 = arith.constant 0 : i32
        %dma_start3A_235 = tpu.memref_slice %arg3[%dma_start3A_233, %dma_start3A_234] : memref<1000000x64xf32, #tpu.memory_space<hbm>> -> memref<1000000x64xf32, #tpu.memory_space<hbm>>
        %dma_start3A_236 = tpu.memref_slice %arg7[%dma_start3A_225] : memref<2x!tpu.dma_semaphore, #tpu.memory_space<semaphore_mem>> -> memref<1x!tpu.dma_semaphore, #tpu.memory_space<semaphore_mem>>
        %dma_start3A_237 = tpu.memref_squeeze %dma_start3A_236 : memref<1x!tpu.dma_semaphore, #tpu.memory_space<semaphore_mem>> -> memref<!tpu.dma_semaphore, #tpu.memory_space<semaphore_mem>>
        tpu.enqueue_indirect_dma source(%dma_start3A_235 : memref<1000000x64xf32, #tpu.memory_space<hbm>>) target(%dma_start3A_229 : memref<100x64xf32, #tpu.memory_space<vmem>>) offsets(%dma_start3A_232 : memref<100xi32, #tpu.memory_space<vmem>>) semaphore(%dma_start3A_237 : memref<!tpu.dma_semaphore, #tpu.memory_space<semaphore_mem>>)
        %mul3A_238 = arith.constant 4 : i32
        %mul3A_239 = arith.muli %add3A_219, %mul3A_238 : i32
        %add3A_240 = arith.constant 1 : i32
        %add3A_241 = arith.addi %mul3A_239, %add3A_240 : i32
        %dma_start3A_242 = arith.constant 1 : i32
        %dma_start3A_243 = arith.constant 1 : i32
        %dma_start3A_244 = arith.constant 100 : i32
        %dma_start3A_245 = arith.constant 0 : i32
        %dma_start3A_246 = tpu.memref_slice %arg6[%dma_start3A_242, %dma_start3A_244, %dma_start3A_245] : memref<2x400x64xf32, #tpu.memory_space<vmem>> -> memref<1x100x64xf32, #tpu.memory_space<vmem>>
        %dma_start3A_247 = tpu.memref_squeeze %dma_start3A_246 : memref<1x100x64xf32, #tpu.memory_space<vmem>> -> memref<100x64xf32, #tpu.memory_space<vmem>>
        %dma_start3A_248 = arith.constant 0 : i32
        %dma_start3A_249 = tpu.memref_slice %arg5[%add3A_241, %dma_start3A_248] : memref<64x100xi32, #tpu.memory_space<vmem>> -> memref<1x100xi32, #tpu.memory_space<vmem>>
        %dma_start3A_250 = tpu.memref_squeeze %dma_start3A_249 : memref<1x100xi32, #tpu.memory_space<vmem>> -> memref<100xi32, #tpu.memory_space<vmem>>
        %dma_start3A_251 = arith.constant 0 : i32
        %dma_start3A_252 = arith.constant 0 : i32
        %dma_start3A_253 = tpu.memref_slice %arg3[%dma_start3A_251, %dma_start3A_252] : memref<1000000x64xf32, #tpu.memory_space<hbm>> -> memref<1000000x64xf32, #tpu.memory_space<hbm>>
        %dma_start3A_254 = tpu.memref_slice %arg7[%dma_start3A_243] : memref<2x!tpu.dma_semaphore, #tpu.memory_space<semaphore_mem>> -> memref<1x!tpu.dma_semaphore, #tpu.memory_space<semaphore_mem>>
        %dma_start3A_255 = tpu.memref_squeeze %dma_start3A_254 : memref<1x!tpu.dma_semaphore, #tpu.memory_space<semaphore_mem>> -> memref<!tpu.dma_semaphore, #tpu.memory_space<semaphore_mem>>
        tpu.enqueue_indirect_dma source(%dma_start3A_253 : memref<1000000x64xf32, #tpu.memory_space<hbm>>) target(%dma_start3A_247 : memref<100x64xf32, #tpu.memory_space<vmem>>) offsets(%dma_start3A_250 : memref<100xi32, #tpu.memory_space<vmem>>) semaphore(%dma_start3A_255 : memref<!tpu.dma_semaphore, #tpu.memory_space<semaphore_mem>>)
        %mul3A_256 = arith.constant 4 : i32
        %mul3A_257 = arith.muli %add3A_219, %mul3A_256 : i32
        %add3A_258 = arith.constant 2 : i32
        %add3A_259 = arith.addi %mul3A_257, %add3A_258 : i32
        %dma_start3A_260 = arith.constant 1 : i32
        %dma_start3A_261 = arith.constant 1 : i32
        %dma_start3A_262 = arith.constant 200 : i32
        %dma_start3A_263 = arith.constant 0 : i32
        %dma_start3A_264 = tpu.memref_slice %arg6[%dma_start3A_260, %dma_start3A_262, %dma_start3A_263] : memref<2x400x64xf32, #tpu.memory_space<vmem>> -> memref<1x100x64xf32, #tpu.memory_space<vmem>>
        %dma_start3A_265 = tpu.memref_squeeze %dma_start3A_264 : memref<1x100x64xf32, #tpu.memory_space<vmem>> -> memref<100x64xf32, #tpu.memory_space<vmem>>
        %dma_start3A_266 = arith.constant 0 : i32
        %dma_start3A_267 = tpu.memref_slice %arg5[%add3A_259, %dma_start3A_266] : memref<64x100xi32, #tpu.memory_space<vmem>> -> memref<1x100xi32, #tpu.memory_space<vmem>>
        %dma_start3A_268 = tpu.memref_squeeze %dma_start3A_267 : memref<1x100xi32, #tpu.memory_space<vmem>> -> memref<100xi32, #tpu.memory_space<vmem>>
        %dma_start3A_269 = arith.constant 0 : i32
        %dma_start3A_270 = arith.constant 0 : i32
        %dma_start3A_271 = tpu.memref_slice %arg3[%dma_start3A_269, %dma_start3A_270] : memref<1000000x64xf32, #tpu.memory_space<hbm>> -> memref<1000000x64xf32, #tpu.memory_space<hbm>>
        %dma_start3A_272 = tpu.memref_slice %arg7[%dma_start3A_261] : memref<2x!tpu.dma_semaphore, #tpu.memory_space<semaphore_mem>> -> memref<1x!tpu.dma_semaphore, #tpu.memory_space<semaphore_mem>>
        %dma_start3A_273 = tpu.memref_squeeze %dma_start3A_272 : memref<1x!tpu.dma_semaphore, #tpu.memory_space<semaphore_mem>> -> memref<!tpu.dma_semaphore, #tpu.memory_space<semaphore_mem>>
        tpu.enqueue_indirect_dma source(%dma_start3A_271 : memref<1000000x64xf32, #tpu.memory_space<hbm>>) target(%dma_start3A_265 : memref<100x64xf32, #tpu.memory_space<vmem>>) offsets(%dma_start3A_268 : memref<100xi32, #tpu.memory_space<vmem>>) semaphore(%dma_start3A_273 : memref<!tpu.dma_semaphore, #tpu.memory_space<semaphore_mem>>)
        %mul3A_274 = arith.constant 4 : i32
        %mul3A_275 = arith.muli %add3A_219, %mul3A_274 : i32
        %add3A_276 = arith.constant 3 : i32
        %add3A_277 = arith.addi %mul3A_275, %add3A_276 : i32
        %dma_start3A_278 = arith.constant 1 : i32
        %dma_start3A_279 = arith.constant 1 : i32
        %dma_start3A_280 = arith.constant 300 : i32
        %dma_start3A_281 = arith.constant 0 : i32
        %dma_start3A_282 = tpu.memref_slice %arg6[%dma_start3A_278, %dma_start3A_280, %dma_start3A_281] : memref<2x400x64xf32, #tpu.memory_space<vmem>> -> memref<1x100x64xf32, #tpu.memory_space<vmem>>
        %dma_start3A_283 = tpu.memref_squeeze %dma_start3A_282 : memref<1x100x64xf32, #tpu.memory_space<vmem>> -> memref<100x64xf32, #tpu.memory_space<vmem>>
        %dma_start3A_284 = arith.constant 0 : i32
        %dma_start3A_285 = tpu.memref_slice %arg5[%add3A_277, %dma_start3A_284] : memref<64x100xi32, #tpu.memory_space<vmem>> -> memref<1x100xi32, #tpu.memory_space<vmem>>
        %dma_start3A_286 = tpu.memref_squeeze %dma_start3A_285 : memref<1x100xi32, #tpu.memory_space<vmem>> -> memref<100xi32, #tpu.memory_space<vmem>>
        %dma_start3A_287 = arith.constant 0 : i32
        %dma_start3A_288 = arith.constant 0 : i32
        %dma_start3A_289 = tpu.memref_slice %arg3[%dma_start3A_287, %dma_start3A_288] : memref<1000000x64xf32, #tpu.memory_space<hbm>> -> memref<1000000x64xf32, #tpu.memory_space<hbm>>
        %dma_start3A_290 = tpu.memref_slice %arg7[%dma_start3A_279] : memref<2x!tpu.dma_semaphore, #tpu.memory_space<semaphore_mem>> -> memref<1x!tpu.dma_semaphore, #tpu.memory_space<semaphore_mem>>
        %dma_start3A_291 = tpu.memref_squeeze %dma_start3A_290 : memref<1x!tpu.dma_semaphore, #tpu.memory_space<semaphore_mem>> -> memref<!tpu.dma_semaphore, #tpu.memory_space<semaphore_mem>>
        tpu.enqueue_indirect_dma source(%dma_start3A_289 : memref<1000000x64xf32, #tpu.memory_space<hbm>>) target(%dma_start3A_283 : memref<100x64xf32, #tpu.memory_space<vmem>>) offsets(%dma_start3A_286 : memref<100xi32, #tpu.memory_space<vmem>>) semaphore(%dma_start3A_291 : memref<!tpu.dma_semaphore, #tpu.memory_space<semaphore_mem>>)
      } else {
      }
    }
    %scan3A_125 = arith.constant 8 : i32
    return
  }
}

#map = affine_map<(d0, d1) -> (0, 0)>
module attributes {stable_mosaic.version = 14 : i64} {
  func.func @_embed(%arg0: i32, %arg1: i32, %arg2: memref<2048x100xi32, #tpu.memory_space<hbm>>, %arg3: memref<1000000x64xf32, #tpu.memory_space<hbm>>, %arg4: memref<212992x64xf32, #tpu.memory_space<hbm>>, %arg5: memref<64x100xi32, #tpu.memory_space<vmem>>, %arg6: memref<2x400x64xf32, #tpu.memory_space<vmem>>, %arg7: memref<2x!tpu.dma_semaphore, #tpu.memory_space<semaphore_mem>>) attributes {dimension_semantics = [#tpu.dimension_semantics<core_parallel>, #tpu.dimension_semantics<subcore_parallel>], iteration_bounds = array<i64: 2, 16>, scalar_prefetch = 0 : i64, scratch_operands = 3 : i64, tpu.core_type = #tpu.core_type<sc_vector_subcore>, window_params = [{transform_indices = #map}, {transform_indices = #map}, {transform_indices = #map}]} {
    %mul3A = arith.constant 2 : i32
    %mul3A_0 = arith.muli %arg1, %mul3A : i32
    %add3A = arith.addi %mul3A_0, %arg0 : i32
    %mul3A_1 = arith.constant 64 : i32
    %mul3A_2 = arith.muli %add3A, %mul3A_1 : i32
    "tpu.region"() ({
      %run_scoped3A = tpu.sem_alloc : memref<!tpu.dma_semaphore, #tpu.memory_space<semaphore_mem>>
      %dma_start3A_126 = arith.constant 0 : i32
      %dma_start3A_127 = tpu.memref_slice %arg2[%mul3A_2, %dma_start3A_126] : memref<2048x100xi32, #tpu.memory_space<hbm>> -> memref<64x100xi32, #tpu.memory_space<hbm>>
      %dma_start3A_128 = arith.constant 0 : i32
      %dma_start3A_129 = tpu.memref_slice %arg2[%mul3A_2, %dma_start3A_128] : memref<2048x100xi32, #tpu.memory_space<hbm>> -> memref<64x100xi32, #tpu.memory_space<hbm>>
      tpu.enqueue_dma source(%dma_start3A_129 : memref<64x100xi32, #tpu.memory_space<hbm>>) target(%arg5 : memref<64x100xi32, #tpu.memory_space<vmem>>) target_semaphore(%run_scoped3A : memref<!tpu.dma_semaphore, #tpu.memory_space<semaphore_mem>>)
      %dma_wait3A = arith.constant 0 : i32
      %dma_wait3A_130 = tpu.memref_slice %arg2[%mul3A_2, %dma_wait3A] : memref<2048x100xi32, #tpu.memory_space<hbm>> -> memref<64x100xi32, #tpu.memory_space<hbm>>
      %dma_wait3A_131 = arith.constant 0 : i32
      %dma_wait3A_132 = tpu.memref_slice %arg2[%mul3A_2, %dma_wait3A_131] : memref<2048x100xi32, #tpu.memory_space<hbm>> -> memref<64x100xi32, #tpu.memory_space<hbm>>
      tpu.wait_dma2 semaphore(%run_scoped3A : memref<!tpu.dma_semaphore, #tpu.memory_space<semaphore_mem>>) src(%dma_wait3A_132 : memref<64x100xi32, #tpu.memory_space<hbm>>) dst(%arg5 : memref<64x100xi32, #tpu.memory_space<vmem>>)
      tpu.yield
    }) : () -> ()
    %dma_start3A = arith.constant 0 : i32
    %dma_start3A_3 = arith.constant 0 : i32
    %dma_start3A_4 = arith.constant 0 : i32
    %dma_start3A_5 = arith.constant 0 : i32
    %dma_start3A_6 = arith.constant 0 : i32
    %dma_start3A_7 = tpu.memref_slice %arg6[%dma_start3A_3, %dma_start3A_5, %dma_start3A_6] : memref<2x400x64xf32, #tpu.memory_space<vmem>> -> memref<1x100x64xf32, #tpu.memory_space<vmem>>
    %dma_start3A_8 = tpu.memref_squeeze %dma_start3A_7 : memref<1x100x64xf32, #tpu.memory_space<vmem>> -> memref<100x64xf32, #tpu.memory_space<vmem>>
    %dma_start3A_9 = arith.constant 0 : i32
    %dma_start3A_10 = tpu.memref_slice %arg5[%dma_start3A, %dma_start3A_9] : memref<64x100xi32, #tpu.memory_space<vmem>> -> memref<1x100xi32, #tpu.memory_space<vmem>>
    %dma_start3A_11 = tpu.memref_squeeze %dma_start3A_10 : memref<1x100xi32, #tpu.memory_space<vmem>> -> memref<100xi32, #tpu.memory_space<vmem>>
    %dma_start3A_12 = arith.constant 0 : i32
    %dma_start3A_13 = arith.constant 0 : i32
    %dma_start3A_14 = tpu.memref_slice %arg3[%dma_start3A_12, %dma_start3A_13] : memref<1000000x64xf32, #tpu.memory_space<hbm>> -> memref<1000000x64xf32, #tpu.memory_space<hbm>>
    %dma_start3A_15 = tpu.memref_slice %arg7[%dma_start3A_4] : memref<2x!tpu.dma_semaphore, #tpu.memory_space<semaphore_mem>> -> memref<1x!tpu.dma_semaphore, #tpu.memory_space<semaphore_mem>>
    %dma_start3A_16 = tpu.memref_squeeze %dma_start3A_15 : memref<1x!tpu.dma_semaphore, #tpu.memory_space<semaphore_mem>> -> memref<!tpu.dma_semaphore, #tpu.memory_space<semaphore_mem>>
    tpu.enqueue_indirect_dma source(%dma_start3A_14 : memref<1000000x64xf32, #tpu.memory_space<hbm>>) target(%dma_start3A_8 : memref<100x64xf32, #tpu.memory_space<vmem>>) offsets(%dma_start3A_11 : memref<100xi32, #tpu.memory_space<vmem>>) semaphore(%dma_start3A_16 : memref<!tpu.dma_semaphore, #tpu.memory_space<semaphore_mem>>)
    %dma_start3A_17 = arith.constant 1 : i32
    %dma_start3A_18 = arith.constant 0 : i32
    %dma_start3A_19 = arith.constant 0 : i32
    %dma_start3A_20 = arith.constant 100 : i32
    %dma_start3A_21 = arith.constant 0 : i32
    %dma_start3A_22 = tpu.memref_slice %arg6[%dma_start3A_18, %dma_start3A_20, %dma_start3A_21] : memref<2x400x64xf32, #tpu.memory_space<vmem>> -> memref<1x100x64xf32, #tpu.memory_space<vmem>>
    %dma_start3A_23 = tpu.memref_squeeze %dma_start3A_22 : memref<1x100x64xf32, #tpu.memory_space<vmem>> -> memref<100x64xf32, #tpu.memory_space<vmem>>
    %dma_start3A_24 = arith.constant 0 : i32
    %dma_start3A_25 = tpu.memref_slice %arg5[%dma_start3A_17, %dma_start3A_24] : memref<64x100xi32, #tpu.memory_space<vmem>> -> memref<1x100xi32, #tpu.memory_space<vmem>>
    %dma_start3A_26 = tpu.memref_squeeze %dma_start3A_25 : memref<1x100xi32, #tpu.memory_space<vmem>> -> memref<100xi32, #tpu.memory_space<vmem>>
    %dma_start3A_27 = arith.constant 0 : i32
    %dma_start3A_28 = arith.constant 0 : i32
    %dma_start3A_29 = tpu.memref_slice %arg3[%dma_start3A_27, %dma_start3A_28] : memref<1000000x64xf32, #tpu.memory_space<hbm>> -> memref<1000000x64xf32, #tpu.memory_space<hbm>>
    %dma_start3A_30 = tpu.memref_slice %arg7[%dma_start3A_19] : memref<2x!tpu.dma_semaphore, #tpu.memory_space<semaphore_mem>> -> memref<1x!tpu.dma_semaphore, #tpu.memory_space<semaphore_mem>>
    %dma_start3A_31 = tpu.memref_squeeze %dma_start3A_30 : memref<1x!tpu.dma_semaphore, #tpu.memory_space<semaphore_mem>> -> memref<!tpu.dma_semaphore, #tpu.memory_space<semaphore_mem>>
    tpu.enqueue_indirect_dma source(%dma_start3A_29 : memref<1000000x64xf32, #tpu.memory_space<hbm>>) target(%dma_start3A_23 : memref<100x64xf32, #tpu.memory_space<vmem>>) offsets(%dma_start3A_26 : memref<100xi32, #tpu.memory_space<vmem>>) semaphore(%dma_start3A_31 : memref<!tpu.dma_semaphore, #tpu.memory_space<semaphore_mem>>)
    %dma_start3A_32 = arith.constant 2 : i32
    %dma_start3A_33 = arith.constant 0 : i32
    %dma_start3A_34 = arith.constant 0 : i32
    %dma_start3A_35 = arith.constant 200 : i32
    %dma_start3A_36 = arith.constant 0 : i32
    %dma_start3A_37 = tpu.memref_slice %arg6[%dma_start3A_33, %dma_start3A_35, %dma_start3A_36] : memref<2x400x64xf32, #tpu.memory_space<vmem>> -> memref<1x100x64xf32, #tpu.memory_space<vmem>>
    %dma_start3A_38 = tpu.memref_squeeze %dma_start3A_37 : memref<1x100x64xf32, #tpu.memory_space<vmem>> -> memref<100x64xf32, #tpu.memory_space<vmem>>
    %dma_start3A_39 = arith.constant 0 : i32
    %dma_start3A_40 = tpu.memref_slice %arg5[%dma_start3A_32, %dma_start3A_39] : memref<64x100xi32, #tpu.memory_space<vmem>> -> memref<1x100xi32, #tpu.memory_space<vmem>>
    %dma_start3A_41 = tpu.memref_squeeze %dma_start3A_40 : memref<1x100xi32, #tpu.memory_space<vmem>> -> memref<100xi32, #tpu.memory_space<vmem>>
    %dma_start3A_42 = arith.constant 0 : i32
    %dma_start3A_43 = arith.constant 0 : i32
    %dma_start3A_44 = tpu.memref_slice %arg3[%dma_start3A_42, %dma_start3A_43] : memref<1000000x64xf32, #tpu.memory_space<hbm>> -> memref<1000000x64xf32, #tpu.memory_space<hbm>>
    %dma_start3A_45 = tpu.memref_slice %arg7[%dma_start3A_34] : memref<2x!tpu.dma_semaphore, #tpu.memory_space<semaphore_mem>> -> memref<1x!tpu.dma_semaphore, #tpu.memory_space<semaphore_mem>>
    %dma_start3A_46 = tpu.memref_squeeze %dma_start3A_45 : memref<1x!tpu.dma_semaphore, #tpu.memory_space<semaphore_mem>> -> memref<!tpu.dma_semaphore, #tpu.memory_space<semaphore_mem>>
    tpu.enqueue_indirect_dma source(%dma_start3A_44 : memref<1000000x64xf32, #tpu.memory_space<hbm>>) target(%dma_start3A_38 : memref<100x64xf32, #tpu.memory_space<vmem>>) offsets(%dma_start3A_41 : memref<100xi32, #tpu.memory_space<vmem>>) semaphore(%dma_start3A_46 : memref<!tpu.dma_semaphore, #tpu.memory_space<semaphore_mem>>)
    %dma_start3A_47 = arith.constant 3 : i32
    %dma_start3A_48 = arith.constant 0 : i32
    %dma_start3A_49 = arith.constant 0 : i32
    %dma_start3A_50 = arith.constant 300 : i32
    %dma_start3A_51 = arith.constant 0 : i32
    %dma_start3A_52 = tpu.memref_slice %arg6[%dma_start3A_48, %dma_start3A_50, %dma_start3A_51] : memref<2x400x64xf32, #tpu.memory_space<vmem>> -> memref<1x100x64xf32, #tpu.memory_space<vmem>>
    %dma_start3A_53 = tpu.memref_squeeze %dma_start3A_52 : memref<1x100x64xf32, #tpu.memory_space<vmem>> -> memref<100x64xf32, #tpu.memory_space<vmem>>
    %dma_start3A_54 = arith.constant 0 : i32
    %dma_start3A_55 = tpu.memref_slice %arg5[%dma_start3A_47, %dma_start3A_54] : memref<64x100xi32, #tpu.memory_space<vmem>> -> memref<1x100xi32, #tpu.memory_space<vmem>>
    %dma_start3A_56 = tpu.memref_squeeze %dma_start3A_55 : memref<1x100xi32, #tpu.memory_space<vmem>> -> memref<100xi32, #tpu.memory_space<vmem>>
    %dma_start3A_57 = arith.constant 0 : i32
    %dma_start3A_58 = arith.constant 0 : i32
    %dma_start3A_59 = tpu.memref_slice %arg3[%dma_start3A_57, %dma_start3A_58] : memref<1000000x64xf32, #tpu.memory_space<hbm>> -> memref<1000000x64xf32, #tpu.memory_space<hbm>>
    %dma_start3A_60 = tpu.memref_slice %arg7[%dma_start3A_49] : memref<2x!tpu.dma_semaphore, #tpu.memory_space<semaphore_mem>> -> memref<1x!tpu.dma_semaphore, #tpu.memory_space<semaphore_mem>>
    %dma_start3A_61 = tpu.memref_squeeze %dma_start3A_60 : memref<1x!tpu.dma_semaphore, #tpu.memory_space<semaphore_mem>> -> memref<!tpu.dma_semaphore, #tpu.memory_space<semaphore_mem>>
    tpu.enqueue_indirect_dma source(%dma_start3A_59 : memref<1000000x64xf32, #tpu.memory_space<hbm>>) target(%dma_start3A_53 : memref<100x64xf32, #tpu.memory_space<vmem>>) offsets(%dma_start3A_56 : memref<100xi32, #tpu.memory_space<vmem>>) semaphore(%dma_start3A_61 : memref<!tpu.dma_semaphore, #tpu.memory_space<semaphore_mem>>)
    %dma_start3A_62 = arith.constant 4 : i32
    %dma_start3A_63 = arith.constant 1 : i32
    %dma_start3A_64 = arith.constant 1 : i32
    %dma_start3A_65 = arith.constant 0 : i32
    %dma_start3A_66 = arith.constant 0 : i32
    %dma_start3A_67 = tpu.memref_slice %arg6[%dma_start3A_63, %dma_start3A_65, %dma_start3A_66] : memref<2x400x64xf32, #tpu.memory_space<vmem>> -> memref<1x100x64xf32, #tpu.memory_space<vmem>>
    %dma_start3A_68 = tpu.memref_squeeze %dma_start3A_67 : memref<1x100x64xf32, #tpu.memory_space<vmem>> -> memref<100x64xf32, #tpu.memory_space<vmem>>
    %dma_start3A_69 = arith.constant 0 : i32
    %dma_start3A_70 = tpu.memref_slice %arg5[%dma_start3A_62, %dma_start3A_69] : memref<64x100xi32, #tpu.memory_space<vmem>> -> memref<1x100xi32, #tpu.memory_space<vmem>>
    %dma_start3A_71 = tpu.memref_squeeze %dma_start3A_70 : memref<1x100xi32, #tpu.memory_space<vmem>> -> memref<100xi32, #tpu.memory_space<vmem>>
    %dma_start3A_72 = arith.constant 0 : i32
    %dma_start3A_73 = arith.constant 0 : i32
    %dma_start3A_74 = tpu.memref_slice %arg3[%dma_start3A_72, %dma_start3A_73] : memref<1000000x64xf32, #tpu.memory_space<hbm>> -> memref<1000000x64xf32, #tpu.memory_space<hbm>>
    %dma_start3A_75 = tpu.memref_slice %arg7[%dma_start3A_64] : memref<2x!tpu.dma_semaphore, #tpu.memory_space<semaphore_mem>> -> memref<1x!tpu.dma_semaphore, #tpu.memory_space<semaphore_mem>>
    %dma_start3A_76 = tpu.memref_squeeze %dma_start3A_75 : memref<1x!tpu.dma_semaphore, #tpu.memory_space<semaphore_mem>> -> memref<!tpu.dma_semaphore, #tpu.memory_space<semaphore_mem>>
    tpu.enqueue_indirect_dma source(%dma_start3A_74 : memref<1000000x64xf32, #tpu.memory_space<hbm>>) target(%dma_start3A_68 : memref<100x64xf32, #tpu.memory_space<vmem>>) offsets(%dma_start3A_71 : memref<100xi32, #tpu.memory_space<vmem>>) semaphore(%dma_start3A_76 : memref<!tpu.dma_semaphore, #tpu.memory_space<semaphore_mem>>)
    %dma_start3A_77 = arith.constant 5 : i32
    %dma_start3A_78 = arith.constant 1 : i32
    %dma_start3A_79 = arith.constant 1 : i32
    %dma_start3A_80 = arith.constant 100 : i32
    %dma_start3A_81 = arith.constant 0 : i32
    %dma_start3A_82 = tpu.memref_slice %arg6[%dma_start3A_78, %dma_start3A_80, %dma_start3A_81] : memref<2x400x64xf32, #tpu.memory_space<vmem>> -> memref<1x100x64xf32, #tpu.memory_space<vmem>>
    %dma_start3A_83 = tpu.memref_squeeze %dma_start3A_82 : memref<1x100x64xf32, #tpu.memory_space<vmem>> -> memref<100x64xf32, #tpu.memory_space<vmem>>
    %dma_start3A_84 = arith.constant 0 : i32
    %dma_start3A_85 = tpu.memref_slice %arg5[%dma_start3A_77, %dma_start3A_84] : memref<64x100xi32, #tpu.memory_space<vmem>> -> memref<1x100xi32, #tpu.memory_space<vmem>>
    %dma_start3A_86 = tpu.memref_squeeze %dma_start3A_85 : memref<1x100xi32, #tpu.memory_space<vmem>> -> memref<100xi32, #tpu.memory_space<vmem>>
    %dma_start3A_87 = arith.constant 0 : i32
    %dma_start3A_88 = arith.constant 0 : i32
    %dma_start3A_89 = tpu.memref_slice %arg3[%dma_start3A_87, %dma_start3A_88] : memref<1000000x64xf32, #tpu.memory_space<hbm>> -> memref<1000000x64xf32, #tpu.memory_space<hbm>>
    %dma_start3A_90 = tpu.memref_slice %arg7[%dma_start3A_79] : memref<2x!tpu.dma_semaphore, #tpu.memory_space<semaphore_mem>> -> memref<1x!tpu.dma_semaphore, #tpu.memory_space<semaphore_mem>>
    %dma_start3A_91 = tpu.memref_squeeze %dma_start3A_90 : memref<1x!tpu.dma_semaphore, #tpu.memory_space<semaphore_mem>> -> memref<!tpu.dma_semaphore, #tpu.memory_space<semaphore_mem>>
    tpu.enqueue_indirect_dma source(%dma_start3A_89 : memref<1000000x64xf32, #tpu.memory_space<hbm>>) target(%dma_start3A_83 : memref<100x64xf32, #tpu.memory_space<vmem>>) offsets(%dma_start3A_86 : memref<100xi32, #tpu.memory_space<vmem>>) semaphore(%dma_start3A_91 : memref<!tpu.dma_semaphore, #tpu.memory_space<semaphore_mem>>)
    %dma_start3A_92 = arith.constant 6 : i32
    %dma_start3A_93 = arith.constant 1 : i32
    %dma_start3A_94 = arith.constant 1 : i32
    %dma_start3A_95 = arith.constant 200 : i32
    %dma_start3A_96 = arith.constant 0 : i32
    %dma_start3A_97 = tpu.memref_slice %arg6[%dma_start3A_93, %dma_start3A_95, %dma_start3A_96] : memref<2x400x64xf32, #tpu.memory_space<vmem>> -> memref<1x100x64xf32, #tpu.memory_space<vmem>>
    %dma_start3A_98 = tpu.memref_squeeze %dma_start3A_97 : memref<1x100x64xf32, #tpu.memory_space<vmem>> -> memref<100x64xf32, #tpu.memory_space<vmem>>
    %dma_start3A_99 = arith.constant 0 : i32
    %dma_start3A_100 = tpu.memref_slice %arg5[%dma_start3A_92, %dma_start3A_99] : memref<64x100xi32, #tpu.memory_space<vmem>> -> memref<1x100xi32, #tpu.memory_space<vmem>>
    %dma_start3A_101 = tpu.memref_squeeze %dma_start3A_100 : memref<1x100xi32, #tpu.memory_space<vmem>> -> memref<100xi32, #tpu.memory_space<vmem>>
    %dma_start3A_102 = arith.constant 0 : i32
    %dma_start3A_103 = arith.constant 0 : i32
    %dma_start3A_104 = tpu.memref_slice %arg3[%dma_start3A_102, %dma_start3A_103] : memref<1000000x64xf32, #tpu.memory_space<hbm>> -> memref<1000000x64xf32, #tpu.memory_space<hbm>>
    %dma_start3A_105 = tpu.memref_slice %arg7[%dma_start3A_94] : memref<2x!tpu.dma_semaphore, #tpu.memory_space<semaphore_mem>> -> memref<1x!tpu.dma_semaphore, #tpu.memory_space<semaphore_mem>>
    %dma_start3A_106 = tpu.memref_squeeze %dma_start3A_105 : memref<1x!tpu.dma_semaphore, #tpu.memory_space<semaphore_mem>> -> memref<!tpu.dma_semaphore, #tpu.memory_space<semaphore_mem>>
    tpu.enqueue_indirect_dma source(%dma_start3A_104 : memref<1000000x64xf32, #tpu.memory_space<hbm>>) target(%dma_start3A_98 : memref<100x64xf32, #tpu.memory_space<vmem>>) offsets(%dma_start3A_101 : memref<100xi32, #tpu.memory_space<vmem>>) semaphore(%dma_start3A_106 : memref<!tpu.dma_semaphore, #tpu.memory_space<semaphore_mem>>)
    %dma_start3A_107 = arith.constant 7 : i32
    %dma_start3A_108 = arith.constant 1 : i32
    %dma_start3A_109 = arith.constant 1 : i32
    %dma_start3A_110 = arith.constant 300 : i32
    %dma_start3A_111 = arith.constant 0 : i32
    %dma_start3A_112 = tpu.memref_slice %arg6[%dma_start3A_108, %dma_start3A_110, %dma_start3A_111] : memref<2x400x64xf32, #tpu.memory_space<vmem>> -> memref<1x100x64xf32, #tpu.memory_space<vmem>>
    %dma_start3A_113 = tpu.memref_squeeze %dma_start3A_112 : memref<1x100x64xf32, #tpu.memory_space<vmem>> -> memref<100x64xf32, #tpu.memory_space<vmem>>
    %dma_start3A_114 = arith.constant 0 : i32
    %dma_start3A_115 = tpu.memref_slice %arg5[%dma_start3A_107, %dma_start3A_114] : memref<64x100xi32, #tpu.memory_space<vmem>> -> memref<1x100xi32, #tpu.memory_space<vmem>>
    %dma_start3A_116 = tpu.memref_squeeze %dma_start3A_115 : memref<1x100xi32, #tpu.memory_space<vmem>> -> memref<100xi32, #tpu.memory_space<vmem>>
    %dma_start3A_117 = arith.constant 0 : i32
    %dma_start3A_118 = arith.constant 0 : i32
    %dma_start3A_119 = tpu.memref_slice %arg3[%dma_start3A_117, %dma_start3A_118] : memref<1000000x64xf32, #tpu.memory_space<hbm>> -> memref<1000000x64xf32, #tpu.memory_space<hbm>>
    %dma_start3A_120 = tpu.memref_slice %arg7[%dma_start3A_109] : memref<2x!tpu.dma_semaphore, #tpu.memory_space<semaphore_mem>> -> memref<1x!tpu.dma_semaphore, #tpu.memory_space<semaphore_mem>>
    %dma_start3A_121 = tpu.memref_squeeze %dma_start3A_120 : memref<1x!tpu.dma_semaphore, #tpu.memory_space<semaphore_mem>> -> memref<!tpu.dma_semaphore, #tpu.memory_space<semaphore_mem>>
    tpu.enqueue_indirect_dma source(%dma_start3A_119 : memref<1000000x64xf32, #tpu.memory_space<hbm>>) target(%dma_start3A_113 : memref<100x64xf32, #tpu.memory_space<vmem>>) offsets(%dma_start3A_116 : memref<100xi32, #tpu.memory_space<vmem>>) semaphore(%dma_start3A_121 : memref<!tpu.dma_semaphore, #tpu.memory_space<semaphore_mem>>)
    %scan3A = arith.constant 0 : i32
    %scan3A_122 = arith.constant 8 : i32
    %scan3A_123 = arith.addi %scan3A, %scan3A_122 : i32
    %scan3A_124 = arith.constant 1 : i32
    scf.for %scan3A_126 = %scan3A to %scan3A_123 step %scan3A_124  : i32 {
      %mul3A_127 = arith.constant 2 : i32
      %mul3A_128 = arith.muli %scan3A_126, %mul3A_127 : i32
      %add3A_129 = arith.constant 0 : i32
      %add3A_130 = arith.addi %add3A_129, %mul3A_128 : i32
      %add3A_131 = arith.constant 0 : i32
      %add3A_132 = arith.addi %add3A_130, %add3A_131 : i32
      %dma_wait3A = arith.constant 0 : i32
      %dma_wait3A_133 = arith.constant 0 : i32
      %dma_wait3A_134 = arith.constant 0 : i32
      %dma_wait3A_135 = arith.constant 0 : i32
      %dma_wait3A_136 = tpu.memref_slice %arg6[%dma_wait3A, %dma_wait3A_134, %dma_wait3A_135] : memref<2x400x64xf32, #tpu.memory_space<vmem>> -> memref<1x400x64xf32, #tpu.memory_space<vmem>>
      %dma_wait3A_137 = tpu.memref_squeeze %dma_wait3A_136 : memref<1x400x64xf32, #tpu.memory_space<vmem>> -> memref<400x64xf32, #tpu.memory_space<vmem>>
      %dma_wait3A_138 = arith.constant 0 : i32
      %dma_wait3A_139 = arith.constant 0 : i32
      %dma_wait3A_140 = tpu.memref_slice %arg3[%dma_wait3A_138, %dma_wait3A_139] : memref<1000000x64xf32, #tpu.memory_space<hbm>> -> memref<400x64xf32, #tpu.memory_space<hbm>>
      %dma_wait3A_141 = tpu.memref_slice %arg7[%dma_wait3A_133] : memref<2x!tpu.dma_semaphore, #tpu.memory_space<semaphore_mem>> -> memref<1x!tpu.dma_semaphore, #tpu.memory_space<semaphore_mem>>
      %dma_wait3A_142 = tpu.memref_squeeze %dma_wait3A_141 : memref<1x!tpu.dma_semaphore, #tpu.memory_space<semaphore_mem>> -> memref<!tpu.dma_semaphore, #tpu.memory_space<semaphore_mem>>
      %dma_wait3A_143 = arith.constant 0 : i32
      %dma_wait3A_144 = arith.constant 0 : i32
      %dma_wait3A_145 = tpu.memref_slice %arg6[%dma_wait3A, %dma_wait3A_143, %dma_wait3A_144] : memref<2x400x64xf32, #tpu.memory_space<vmem>> -> memref<1x400x64xf32, #tpu.memory_space<vmem>>
      %dma_wait3A_146 = tpu.memref_squeeze %dma_wait3A_145 : memref<1x400x64xf32, #tpu.memory_space<vmem>> -> memref<400x64xf32, #tpu.memory_space<vmem>>
      %dma_wait3A_147 = arith.constant 0 : i32
      %dma_wait3A_148 = arith.constant 0 : i32
      %dma_wait3A_149 = tpu.memref_slice %arg3[%dma_wait3A_147, %dma_wait3A_148] : memref<1000000x64xf32, #tpu.memory_space<hbm>> -> memref<400x64xf32, #tpu.memory_space<hbm>>
      tpu.wait_dma2 semaphore(%dma_wait3A_142 : memref<!tpu.dma_semaphore, #tpu.memory_space<semaphore_mem>>) src(%dma_wait3A_149 : memref<400x64xf32, #tpu.memory_space<hbm>>) dst(%dma_wait3A_146 : memref<400x64xf32, #tpu.memory_space<vmem>>)
      %mul3A_150 = arith.constant 32 : i32
      %mul3A_151 = arith.muli %add3A, %mul3A_150 : i32
      %mul3A_152 = arith.constant 2 : i32
      %mul3A_153 = arith.muli %add3A_132, %mul3A_152 : i32
      %add3A_154 = arith.addi %mul3A_151, %mul3A_153 : i32
      %add3A_155 = arith.constant 0 : i32
      %add3A_156 = arith.addi %add3A_154, %add3A_155 : i32
      %mul3A_157 = arith.constant 2 : i32
      %mul3A_158 = arith.muli %add3A_156, %mul3A_157 : i32
      %mul3A_159 = arith.constant 104 : i32
      %mul3A_160 = arith.muli %mul3A_158, %mul3A_159 : i32
      %run_scoped3A = arith.constant 0 : i32
      "tpu.region"() ({
        %run_scoped3A_218 = tpu.sem_alloc : memref<!tpu.dma_semaphore, #tpu.memory_space<semaphore_mem>>
        %dma_start3A_219 = arith.constant 0 : i32
        %dma_start3A_220 = arith.constant 0 : i32
        %dma_start3A_221 = tpu.memref_slice %arg6[%run_scoped3A, %dma_start3A_219, %dma_start3A_220] : memref<2x400x64xf32, #tpu.memory_space<vmem>> -> memref<1x200x64xf32, #tpu.memory_space<vmem>>
        %dma_start3A_222 = tpu.memref_squeeze %dma_start3A_221 : memref<1x200x64xf32, #tpu.memory_space<vmem>> -> memref<200x64xf32, #tpu.memory_space<vmem>>
        %dma_start3A_223 = arith.constant 0 : i32
        %dma_start3A_224 = tpu.memref_slice %arg4[%mul3A_160, %dma_start3A_223] : memref<212992x64xf32, #tpu.memory_space<hbm>> -> memref<200x64xf32, #tpu.memory_space<hbm>>
        %dma_start3A_225 = arith.constant 0 : i32
        %dma_start3A_226 = tpu.memref_slice %arg4[%mul3A_160, %dma_start3A_225] : memref<212992x64xf32, #tpu.memory_space<hbm>> -> memref<200x64xf32, #tpu.memory_space<hbm>>
        %dma_start3A_227 = arith.constant 0 : i32
        %dma_start3A_228 = arith.constant 0 : i32
        %dma_start3A_229 = tpu.memref_slice %arg6[%run_scoped3A, %dma_start3A_227, %dma_start3A_228] : memref<2x400x64xf32, #tpu.memory_space<vmem>> -> memref<1x200x64xf32, #tpu.memory_space<vmem>>
        %dma_start3A_230 = tpu.memref_squeeze %dma_start3A_229 : memref<1x200x64xf32, #tpu.memory_space<vmem>> -> memref<200x64xf32, #tpu.memory_space<vmem>>
        tpu.enqueue_dma source(%dma_start3A_230 : memref<200x64xf32, #tpu.memory_space<vmem>>) target(%dma_start3A_226 : memref<200x64xf32, #tpu.memory_space<hbm>>) target_semaphore(%run_scoped3A_218 : memref<!tpu.dma_semaphore, #tpu.memory_space<semaphore_mem>>)
        %dma_wait3A_231 = arith.constant 0 : i32
        %dma_wait3A_232 = arith.constant 0 : i32
        %dma_wait3A_233 = tpu.memref_slice %arg6[%run_scoped3A, %dma_wait3A_231, %dma_wait3A_232] : memref<2x400x64xf32, #tpu.memory_space<vmem>> -> memref<1x200x64xf32, #tpu.memory_space<vmem>>
        %dma_wait3A_234 = tpu.memref_squeeze %dma_wait3A_233 : memref<1x200x64xf32, #tpu.memory_space<vmem>> -> memref<200x64xf32, #tpu.memory_space<vmem>>
        %dma_wait3A_235 = arith.constant 0 : i32
        %dma_wait3A_236 = tpu.memref_slice %arg4[%mul3A_160, %dma_wait3A_235] : memref<212992x64xf32, #tpu.memory_space<hbm>> -> memref<200x64xf32, #tpu.memory_space<hbm>>
        %dma_wait3A_237 = arith.constant 0 : i32
        %dma_wait3A_238 = tpu.memref_slice %arg4[%mul3A_160, %dma_wait3A_237] : memref<212992x64xf32, #tpu.memory_space<hbm>> -> memref<200x64xf32, #tpu.memory_space<hbm>>
        %dma_wait3A_239 = arith.constant 0 : i32
        %dma_wait3A_240 = arith.constant 0 : i32
        %dma_wait3A_241 = tpu.memref_slice %arg6[%run_scoped3A, %dma_wait3A_239, %dma_wait3A_240] : memref<2x400x64xf32, #tpu.memory_space<vmem>> -> memref<1x200x64xf32, #tpu.memory_space<vmem>>
        %dma_wait3A_242 = tpu.memref_squeeze %dma_wait3A_241 : memref<1x200x64xf32, #tpu.memory_space<vmem>> -> memref<200x64xf32, #tpu.memory_space<vmem>>
        tpu.wait_dma2 semaphore(%run_scoped3A_218 : memref<!tpu.dma_semaphore, #tpu.memory_space<semaphore_mem>>) src(%dma_wait3A_242 : memref<200x64xf32, #tpu.memory_space<vmem>>) dst(%dma_wait3A_238 : memref<200x64xf32, #tpu.memory_space<hbm>>)
        tpu.yield
      }) : () -> ()
      %add3A_161 = arith.constant 1 : i32
      %add3A_162 = arith.addi %add3A_154, %add3A_161 : i32
      %mul3A_163 = arith.constant 2 : i32
      %mul3A_164 = arith.muli %add3A_162, %mul3A_163 : i32
      %mul3A_165 = arith.constant 104 : i32
      %mul3A_166 = arith.muli %mul3A_164, %mul3A_165 : i32
      %run_scoped3A_167 = arith.constant 0 : i32
      "tpu.region"() ({
        %run_scoped3A_218 = tpu.sem_alloc : memref<!tpu.dma_semaphore, #tpu.memory_space<semaphore_mem>>
        %dma_start3A_219 = arith.constant 200 : i32
        %dma_start3A_220 = arith.constant 0 : i32
        %dma_start3A_221 = tpu.memref_slice %arg6[%run_scoped3A_167, %dma_start3A_219, %dma_start3A_220] : memref<2x400x64xf32, #tpu.memory_space<vmem>> -> memref<1x200x64xf32, #tpu.memory_space<vmem>>
        %dma_start3A_222 = tpu.memref_squeeze %dma_start3A_221 : memref<1x200x64xf32, #tpu.memory_space<vmem>> -> memref<200x64xf32, #tpu.memory_space<vmem>>
        %dma_start3A_223 = arith.constant 0 : i32
        %dma_start3A_224 = tpu.memref_slice %arg4[%mul3A_166, %dma_start3A_223] : memref<212992x64xf32, #tpu.memory_space<hbm>> -> memref<200x64xf32, #tpu.memory_space<hbm>>
        %dma_start3A_225 = arith.constant 0 : i32
        %dma_start3A_226 = tpu.memref_slice %arg4[%mul3A_166, %dma_start3A_225] : memref<212992x64xf32, #tpu.memory_space<hbm>> -> memref<200x64xf32, #tpu.memory_space<hbm>>
        %dma_start3A_227 = arith.constant 200 : i32
        %dma_start3A_228 = arith.constant 0 : i32
        %dma_start3A_229 = tpu.memref_slice %arg6[%run_scoped3A_167, %dma_start3A_227, %dma_start3A_228] : memref<2x400x64xf32, #tpu.memory_space<vmem>> -> memref<1x200x64xf32, #tpu.memory_space<vmem>>
        %dma_start3A_230 = tpu.memref_squeeze %dma_start3A_229 : memref<1x200x64xf32, #tpu.memory_space<vmem>> -> memref<200x64xf32, #tpu.memory_space<vmem>>
        tpu.enqueue_dma source(%dma_start3A_230 : memref<200x64xf32, #tpu.memory_space<vmem>>) target(%dma_start3A_226 : memref<200x64xf32, #tpu.memory_space<hbm>>) target_semaphore(%run_scoped3A_218 : memref<!tpu.dma_semaphore, #tpu.memory_space<semaphore_mem>>)
        %dma_wait3A_231 = arith.constant 200 : i32
        %dma_wait3A_232 = arith.constant 0 : i32
        %dma_wait3A_233 = tpu.memref_slice %arg6[%run_scoped3A_167, %dma_wait3A_231, %dma_wait3A_232] : memref<2x400x64xf32, #tpu.memory_space<vmem>> -> memref<1x200x64xf32, #tpu.memory_space<vmem>>
        %dma_wait3A_234 = tpu.memref_squeeze %dma_wait3A_233 : memref<1x200x64xf32, #tpu.memory_space<vmem>> -> memref<200x64xf32, #tpu.memory_space<vmem>>
        %dma_wait3A_235 = arith.constant 0 : i32
        %dma_wait3A_236 = tpu.memref_slice %arg4[%mul3A_166, %dma_wait3A_235] : memref<212992x64xf32, #tpu.memory_space<hbm>> -> memref<200x64xf32, #tpu.memory_space<hbm>>
        %dma_wait3A_237 = arith.constant 0 : i32
        %dma_wait3A_238 = tpu.memref_slice %arg4[%mul3A_166, %dma_wait3A_237] : memref<212992x64xf32, #tpu.memory_space<hbm>> -> memref<200x64xf32, #tpu.memory_space<hbm>>
        %dma_wait3A_239 = arith.constant 200 : i32
        %dma_wait3A_240 = arith.constant 0 : i32
        %dma_wait3A_241 = tpu.memref_slice %arg6[%run_scoped3A_167, %dma_wait3A_239, %dma_wait3A_240] : memref<2x400x64xf32, #tpu.memory_space<vmem>> -> memref<1x200x64xf32, #tpu.memory_space<vmem>>
        %dma_wait3A_242 = tpu.memref_squeeze %dma_wait3A_241 : memref<1x200x64xf32, #tpu.memory_space<vmem>> -> memref<200x64xf32, #tpu.memory_space<vmem>>
        tpu.wait_dma2 semaphore(%run_scoped3A_218 : memref<!tpu.dma_semaphore, #tpu.memory_space<semaphore_mem>>) src(%dma_wait3A_242 : memref<200x64xf32, #tpu.memory_space<vmem>>) dst(%dma_wait3A_238 : memref<200x64xf32, #tpu.memory_space<hbm>>)
        tpu.yield
      }) : () -> ()
      %add3A_168 = arith.constant 2 : i32
      %add3A_169 = arith.addi %add3A_132, %add3A_168 : i32
      %lt3A = arith.constant 16 : i32
      %lt3A_170 = arith.cmpi slt, %add3A_169, %lt3A : i32
      %convert_element_type3A = arith.extui %lt3A_170 : i1 to i32
      %cond3A = arith.constant 0 : i32
      %cond3A_171 = arith.cmpi ne, %convert_element_type3A, %cond3A : i32
      scf.if %cond3A_171 {
        %add3A_218 = arith.constant 2 : i32
        %add3A_219 = arith.addi %add3A_132, %add3A_218 : i32
        %mul3A_220 = arith.constant 4 : i32
        %mul3A_221 = arith.muli %add3A_219, %mul3A_220 : i32
        %add3A_222 = arith.constant 0 : i32
        %add3A_223 = arith.addi %mul3A_221, %add3A_222 : i32
        %dma_start3A_224 = arith.constant 0 : i32
        %dma_start3A_225 = arith.constant 0 : i32
        %dma_start3A_226 = arith.constant 0 : i32
        %dma_start3A_227 = arith.constant 0 : i32
        %dma_start3A_228 = tpu.memref_slice %arg6[%dma_start3A_224, %dma_start3A_226, %dma_start3A_227] : memref<2x400x64xf32, #tpu.memory_space<vmem>> -> memref<1x100x64xf32, #tpu.memory_space<vmem>>
        %dma_start3A_229 = tpu.memref_squeeze %dma_start3A_228 : memref<1x100x64xf32, #tpu.memory_space<vmem>> -> memref<100x64xf32, #tpu.memory_space<vmem>>
        %dma_start3A_230 = arith.constant 0 : i32
        %dma_start3A_231 = tpu.memref_slice %arg5[%add3A_223, %dma_start3A_230] : memref<64x100xi32, #tpu.memory_space<vmem>> -> memref<1x100xi32, #tpu.memory_space<vmem>>
        %dma_start3A_232 = tpu.memref_squeeze %dma_start3A_231 : memref<1x100xi32, #tpu.memory_space<vmem>> -> memref<100xi32, #tpu.memory_space<vmem>>
        %dma_start3A_233 = arith.constant 0 : i32
        %dma_start3A_234 = arith.constant 0 : i32
        %dma_start3A_235 = tpu.memref_slice %arg3[%dma_start3A_233, %dma_start3A_234] : memref<1000000x64xf32, #tpu.memory_space<hbm>> -> memref<1000000x64xf32, #tpu.memory_space<hbm>>
        %dma_start3A_236 = tpu.memref_slice %arg7[%dma_start3A_225] : memref<2x!tpu.dma_semaphore, #tpu.memory_space<semaphore_mem>> -> memref<1x!tpu.dma_semaphore, #tpu.memory_space<semaphore_mem>>
        %dma_start3A_237 = tpu.memref_squeeze %dma_start3A_236 : memref<1x!tpu.dma_semaphore, #tpu.memory_space<semaphore_mem>> -> memref<!tpu.dma_semaphore, #tpu.memory_space<semaphore_mem>>
        tpu.enqueue_indirect_dma source(%dma_start3A_235 : memref<1000000x64xf32, #tpu.memory_space<hbm>>) target(%dma_start3A_229 : memref<100x64xf32, #tpu.memory_space<vmem>>) offsets(%dma_start3A_232 : memref<100xi32, #tpu.memory_space<vmem>>) semaphore(%dma_start3A_237 : memref<!tpu.dma_semaphore, #tpu.memory_space<semaphore_mem>>)
        %mul3A_238 = arith.constant 4 : i32
        %mul3A_239 = arith.muli %add3A_219, %mul3A_238 : i32
        %add3A_240 = arith.constant 1 : i32
        %add3A_241 = arith.addi %mul3A_239, %add3A_240 : i32
        %dma_start3A_242 = arith.constant 0 : i32
        %dma_start3A_243 = arith.constant 0 : i32
        %dma_start3A_244 = arith.constant 100 : i32
        %dma_start3A_245 = arith.constant 0 : i32
        %dma_start3A_246 = tpu.memref_slice %arg6[%dma_start3A_242, %dma_start3A_244, %dma_start3A_245] : memref<2x400x64xf32, #tpu.memory_space<vmem>> -> memref<1x100x64xf32, #tpu.memory_space<vmem>>
        %dma_start3A_247 = tpu.memref_squeeze %dma_start3A_246 : memref<1x100x64xf32, #tpu.memory_space<vmem>> -> memref<100x64xf32, #tpu.memory_space<vmem>>
        %dma_start3A_248 = arith.constant 0 : i32
        %dma_start3A_249 = tpu.memref_slice %arg5[%add3A_241, %dma_start3A_248] : memref<64x100xi32, #tpu.memory_space<vmem>> -> memref<1x100xi32, #tpu.memory_space<vmem>>
        %dma_start3A_250 = tpu.memref_squeeze %dma_start3A_249 : memref<1x100xi32, #tpu.memory_space<vmem>> -> memref<100xi32, #tpu.memory_space<vmem>>
        %dma_start3A_251 = arith.constant 0 : i32
        %dma_start3A_252 = arith.constant 0 : i32
        %dma_start3A_253 = tpu.memref_slice %arg3[%dma_start3A_251, %dma_start3A_252] : memref<1000000x64xf32, #tpu.memory_space<hbm>> -> memref<1000000x64xf32, #tpu.memory_space<hbm>>
        %dma_start3A_254 = tpu.memref_slice %arg7[%dma_start3A_243] : memref<2x!tpu.dma_semaphore, #tpu.memory_space<semaphore_mem>> -> memref<1x!tpu.dma_semaphore, #tpu.memory_space<semaphore_mem>>
        %dma_start3A_255 = tpu.memref_squeeze %dma_start3A_254 : memref<1x!tpu.dma_semaphore, #tpu.memory_space<semaphore_mem>> -> memref<!tpu.dma_semaphore, #tpu.memory_space<semaphore_mem>>
        tpu.enqueue_indirect_dma source(%dma_start3A_253 : memref<1000000x64xf32, #tpu.memory_space<hbm>>) target(%dma_start3A_247 : memref<100x64xf32, #tpu.memory_space<vmem>>) offsets(%dma_start3A_250 : memref<100xi32, #tpu.memory_space<vmem>>) semaphore(%dma_start3A_255 : memref<!tpu.dma_semaphore, #tpu.memory_space<semaphore_mem>>)
        %mul3A_256 = arith.constant 4 : i32
        %mul3A_257 = arith.muli %add3A_219, %mul3A_256 : i32
        %add3A_258 = arith.constant 2 : i32
        %add3A_259 = arith.addi %mul3A_257, %add3A_258 : i32
        %dma_start3A_260 = arith.constant 0 : i32
        %dma_start3A_261 = arith.constant 0 : i32
        %dma_start3A_262 = arith.constant 200 : i32
        %dma_start3A_263 = arith.constant 0 : i32
        %dma_start3A_264 = tpu.memref_slice %arg6[%dma_start3A_260, %dma_start3A_262, %dma_start3A_263] : memref<2x400x64xf32, #tpu.memory_space<vmem>> -> memref<1x100x64xf32, #tpu.memory_space<vmem>>
        %dma_start3A_265 = tpu.memref_squeeze %dma_start3A_264 : memref<1x100x64xf32, #tpu.memory_space<vmem>> -> memref<100x64xf32, #tpu.memory_space<vmem>>
        %dma_start3A_266 = arith.constant 0 : i32
        %dma_start3A_267 = tpu.memref_slice %arg5[%add3A_259, %dma_start3A_266] : memref<64x100xi32, #tpu.memory_space<vmem>> -> memref<1x100xi32, #tpu.memory_space<vmem>>
        %dma_start3A_268 = tpu.memref_squeeze %dma_start3A_267 : memref<1x100xi32, #tpu.memory_space<vmem>> -> memref<100xi32, #tpu.memory_space<vmem>>
        %dma_start3A_269 = arith.constant 0 : i32
        %dma_start3A_270 = arith.constant 0 : i32
        %dma_start3A_271 = tpu.memref_slice %arg3[%dma_start3A_269, %dma_start3A_270] : memref<1000000x64xf32, #tpu.memory_space<hbm>> -> memref<1000000x64xf32, #tpu.memory_space<hbm>>
        %dma_start3A_272 = tpu.memref_slice %arg7[%dma_start3A_261] : memref<2x!tpu.dma_semaphore, #tpu.memory_space<semaphore_mem>> -> memref<1x!tpu.dma_semaphore, #tpu.memory_space<semaphore_mem>>
        %dma_start3A_273 = tpu.memref_squeeze %dma_start3A_272 : memref<1x!tpu.dma_semaphore, #tpu.memory_space<semaphore_mem>> -> memref<!tpu.dma_semaphore, #tpu.memory_space<semaphore_mem>>
        tpu.enqueue_indirect_dma source(%dma_start3A_271 : memref<1000000x64xf32, #tpu.memory_space<hbm>>) target(%dma_start3A_265 : memref<100x64xf32, #tpu.memory_space<vmem>>) offsets(%dma_start3A_268 : memref<100xi32, #tpu.memory_space<vmem>>) semaphore(%dma_start3A_273 : memref<!tpu.dma_semaphore, #tpu.memory_space<semaphore_mem>>)
        %mul3A_274 = arith.constant 4 : i32
        %mul3A_275 = arith.muli %add3A_219, %mul3A_274 : i32
        %add3A_276 = arith.constant 3 : i32
        %add3A_277 = arith.addi %mul3A_275, %add3A_276 : i32
        %dma_start3A_278 = arith.constant 0 : i32
        %dma_start3A_279 = arith.constant 0 : i32
        %dma_start3A_280 = arith.constant 300 : i32
        %dma_start3A_281 = arith.constant 0 : i32
        %dma_start3A_282 = tpu.memref_slice %arg6[%dma_start3A_278, %dma_start3A_280, %dma_start3A_281] : memref<2x400x64xf32, #tpu.memory_space<vmem>> -> memref<1x100x64xf32, #tpu.memory_space<vmem>>
        %dma_start3A_283 = tpu.memref_squeeze %dma_start3A_282 : memref<1x100x64xf32, #tpu.memory_space<vmem>> -> memref<100x64xf32, #tpu.memory_space<vmem>>
        %dma_start3A_284 = arith.constant 0 : i32
        %dma_start3A_285 = tpu.memref_slice %arg5[%add3A_277, %dma_start3A_284] : memref<64x100xi32, #tpu.memory_space<vmem>> -> memref<1x100xi32, #tpu.memory_space<vmem>>
        %dma_start3A_286 = tpu.memref_squeeze %dma_start3A_285 : memref<1x100xi32, #tpu.memory_space<vmem>> -> memref<100xi32, #tpu.memory_space<vmem>>
        %dma_start3A_287 = arith.constant 0 : i32
        %dma_start3A_288 = arith.constant 0 : i32
        %dma_start3A_289 = tpu.memref_slice %arg3[%dma_start3A_287, %dma_start3A_288] : memref<1000000x64xf32, #tpu.memory_space<hbm>> -> memref<1000000x64xf32, #tpu.memory_space<hbm>>
        %dma_start3A_290 = tpu.memref_slice %arg7[%dma_start3A_279] : memref<2x!tpu.dma_semaphore, #tpu.memory_space<semaphore_mem>> -> memref<1x!tpu.dma_semaphore, #tpu.memory_space<semaphore_mem>>
        %dma_start3A_291 = tpu.memref_squeeze %dma_start3A_290 : memref<1x!tpu.dma_semaphore, #tpu.memory_space<semaphore_mem>> -> memref<!tpu.dma_semaphore, #tpu.memory_space<semaphore_mem>>
        tpu.enqueue_indirect_dma source(%dma_start3A_289 : memref<1000000x64xf32, #tpu.memory_space<hbm>>) target(%dma_start3A_283 : memref<100x64xf32, #tpu.memory_space<vmem>>) offsets(%dma_start3A_286 : memref<100xi32, #tpu.memory_space<vmem>>) semaphore(%dma_start3A_291 : memref<!tpu.dma_semaphore, #tpu.memory_space<semaphore_mem>>)
      } else {
      }
      %add3A_172 = arith.constant 1 : i32
      %add3A_173 = arith.addi %add3A_130, %add3A_172 : i32
      %dma_wait3A_174 = arith.constant 1 : i32
      %dma_wait3A_175 = arith.constant 1 : i32
      %dma_wait3A_176 = arith.constant 0 : i32
      %dma_wait3A_177 = arith.constant 0 : i32
      %dma_wait3A_178 = tpu.memref_slice %arg6[%dma_wait3A_174, %dma_wait3A_176, %dma_wait3A_177] : memref<2x400x64xf32, #tpu.memory_space<vmem>> -> memref<1x400x64xf32, #tpu.memory_space<vmem>>
      %dma_wait3A_179 = tpu.memref_squeeze %dma_wait3A_178 : memref<1x400x64xf32, #tpu.memory_space<vmem>> -> memref<400x64xf32, #tpu.memory_space<vmem>>
      %dma_wait3A_180 = arith.constant 0 : i32
      %dma_wait3A_181 = arith.constant 0 : i32
      %dma_wait3A_182 = tpu.memref_slice %arg3[%dma_wait3A_180, %dma_wait3A_181] : memref<1000000x64xf32, #tpu.memory_space<hbm>> -> memref<400x64xf32, #tpu.memory_space<hbm>>
      %dma_wait3A_183 = tpu.memref_slice %arg7[%dma_wait3A_175] : memref<2x!tpu.dma_semaphore, #tpu.memory_space<semaphore_mem>> -> memref<1x!tpu.dma_semaphore, #tpu.memory_space<semaphore_mem>>
      %dma_wait3A_184 = tpu.memref_squeeze %dma_wait3A_183 : memref<1x!tpu.dma_semaphore, #tpu.memory_space<semaphore_mem>> -> memref<!tpu.dma_semaphore, #tpu.memory_space<semaphore_mem>>
      %dma_wait3A_185 = arith.constant 0 : i32
      %dma_wait3A_186 = arith.constant 0 : i32
      %dma_wait3A_187 = tpu.memref_slice %arg6[%dma_wait3A_174, %dma_wait3A_185, %dma_wait3A_186] : memref<2x400x64xf32, #tpu.memory_space<vmem>> -> memref<1x400x64xf32, #tpu.memory_space<vmem>>
      %dma_wait3A_188 = tpu.memref_squeeze %dma_wait3A_187 : memref<1x400x64xf32, #tpu.memory_space<vmem>> -> memref<400x64xf32, #tpu.memory_space<vmem>>
      %dma_wait3A_189 = arith.constant 0 : i32
      %dma_wait3A_190 = arith.constant 0 : i32
      %dma_wait3A_191 = tpu.memref_slice %arg3[%dma_wait3A_189, %dma_wait3A_190] : memref<1000000x64xf32, #tpu.memory_space<hbm>> -> memref<400x64xf32, #tpu.memory_space<hbm>>
      tpu.wait_dma2 semaphore(%dma_wait3A_184 : memref<!tpu.dma_semaphore, #tpu.memory_space<semaphore_mem>>) src(%dma_wait3A_191 : memref<400x64xf32, #tpu.memory_space<hbm>>) dst(%dma_wait3A_188 : memref<400x64xf32, #tpu.memory_space<vmem>>)
      %mul3A_192 = arith.constant 32 : i32
      %mul3A_193 = arith.muli %add3A, %mul3A_192 : i32
      %mul3A_194 = arith.constant 2 : i32
      %mul3A_195 = arith.muli %add3A_173, %mul3A_194 : i32
      %add3A_196 = arith.addi %mul3A_193, %mul3A_195 : i32
      %add3A_197 = arith.constant 0 : i32
      %add3A_198 = arith.addi %add3A_196, %add3A_197 : i32
      %mul3A_199 = arith.constant 2 : i32
      %mul3A_200 = arith.muli %add3A_198, %mul3A_199 : i32
      %mul3A_201 = arith.constant 104 : i32
      %mul3A_202 = arith.muli %mul3A_200, %mul3A_201 : i32
      %run_scoped3A_203 = arith.constant 1 : i32
      "tpu.region"() ({
        %run_scoped3A_218 = tpu.sem_alloc : memref<!tpu.dma_semaphore, #tpu.memory_space<semaphore_mem>>
        %dma_start3A_219 = arith.constant 0 : i32
        %dma_start3A_220 = arith.constant 0 : i32
        %dma_start3A_221 = tpu.memref_slice %arg6[%run_scoped3A_203, %dma_start3A_219, %dma_start3A_220] : memref<2x400x64xf32, #tpu.memory_space<vmem>> -> memref<1x200x64xf32, #tpu.memory_space<vmem>>
        %dma_start3A_222 = tpu.memref_squeeze %dma_start3A_221 : memref<1x200x64xf32, #tpu.memory_space<vmem>> -> memref<200x64xf32, #tpu.memory_space<vmem>>
        %dma_start3A_223 = arith.constant 0 : i32
        %dma_start3A_224 = tpu.memref_slice %arg4[%mul3A_202, %dma_start3A_223] : memref<212992x64xf32, #tpu.memory_space<hbm>> -> memref<200x64xf32, #tpu.memory_space<hbm>>
        %dma_start3A_225 = arith.constant 0 : i32
        %dma_start3A_226 = tpu.memref_slice %arg4[%mul3A_202, %dma_start3A_225] : memref<212992x64xf32, #tpu.memory_space<hbm>> -> memref<200x64xf32, #tpu.memory_space<hbm>>
        %dma_start3A_227 = arith.constant 0 : i32
        %dma_start3A_228 = arith.constant 0 : i32
        %dma_start3A_229 = tpu.memref_slice %arg6[%run_scoped3A_203, %dma_start3A_227, %dma_start3A_228] : memref<2x400x64xf32, #tpu.memory_space<vmem>> -> memref<1x200x64xf32, #tpu.memory_space<vmem>>
        %dma_start3A_230 = tpu.memref_squeeze %dma_start3A_229 : memref<1x200x64xf32, #tpu.memory_space<vmem>> -> memref<200x64xf32, #tpu.memory_space<vmem>>
        tpu.enqueue_dma source(%dma_start3A_230 : memref<200x64xf32, #tpu.memory_space<vmem>>) target(%dma_start3A_226 : memref<200x64xf32, #tpu.memory_space<hbm>>) target_semaphore(%run_scoped3A_218 : memref<!tpu.dma_semaphore, #tpu.memory_space<semaphore_mem>>)
        %dma_wait3A_231 = arith.constant 0 : i32
        %dma_wait3A_232 = arith.constant 0 : i32
        %dma_wait3A_233 = tpu.memref_slice %arg6[%run_scoped3A_203, %dma_wait3A_231, %dma_wait3A_232] : memref<2x400x64xf32, #tpu.memory_space<vmem>> -> memref<1x200x64xf32, #tpu.memory_space<vmem>>
        %dma_wait3A_234 = tpu.memref_squeeze %dma_wait3A_233 : memref<1x200x64xf32, #tpu.memory_space<vmem>> -> memref<200x64xf32, #tpu.memory_space<vmem>>
        %dma_wait3A_235 = arith.constant 0 : i32
        %dma_wait3A_236 = tpu.memref_slice %arg4[%mul3A_202, %dma_wait3A_235] : memref<212992x64xf32, #tpu.memory_space<hbm>> -> memref<200x64xf32, #tpu.memory_space<hbm>>
        %dma_wait3A_237 = arith.constant 0 : i32
        %dma_wait3A_238 = tpu.memref_slice %arg4[%mul3A_202, %dma_wait3A_237] : memref<212992x64xf32, #tpu.memory_space<hbm>> -> memref<200x64xf32, #tpu.memory_space<hbm>>
        %dma_wait3A_239 = arith.constant 0 : i32
        %dma_wait3A_240 = arith.constant 0 : i32
        %dma_wait3A_241 = tpu.memref_slice %arg6[%run_scoped3A_203, %dma_wait3A_239, %dma_wait3A_240] : memref<2x400x64xf32, #tpu.memory_space<vmem>> -> memref<1x200x64xf32, #tpu.memory_space<vmem>>
        %dma_wait3A_242 = tpu.memref_squeeze %dma_wait3A_241 : memref<1x200x64xf32, #tpu.memory_space<vmem>> -> memref<200x64xf32, #tpu.memory_space<vmem>>
        tpu.wait_dma2 semaphore(%run_scoped3A_218 : memref<!tpu.dma_semaphore, #tpu.memory_space<semaphore_mem>>) src(%dma_wait3A_242 : memref<200x64xf32, #tpu.memory_space<vmem>>) dst(%dma_wait3A_238 : memref<200x64xf32, #tpu.memory_space<hbm>>)
        tpu.yield
      }) : () -> ()
      %add3A_204 = arith.constant 1 : i32
      %add3A_205 = arith.addi %add3A_196, %add3A_204 : i32
      %mul3A_206 = arith.constant 2 : i32
      %mul3A_207 = arith.muli %add3A_205, %mul3A_206 : i32
      %mul3A_208 = arith.constant 104 : i32
      %mul3A_209 = arith.muli %mul3A_207, %mul3A_208 : i32
      %run_scoped3A_210 = arith.constant 1 : i32
      "tpu.region"() ({
        %run_scoped3A_218 = tpu.sem_alloc : memref<!tpu.dma_semaphore, #tpu.memory_space<semaphore_mem>>
        %dma_start3A_219 = arith.constant 200 : i32
        %dma_start3A_220 = arith.constant 0 : i32
        %dma_start3A_221 = tpu.memref_slice %arg6[%run_scoped3A_210, %dma_start3A_219, %dma_start3A_220] : memref<2x400x64xf32, #tpu.memory_space<vmem>> -> memref<1x200x64xf32, #tpu.memory_space<vmem>>
        %dma_start3A_222 = tpu.memref_squeeze %dma_start3A_221 : memref<1x200x64xf32, #tpu.memory_space<vmem>> -> memref<200x64xf32, #tpu.memory_space<vmem>>
        %dma_start3A_223 = arith.constant 0 : i32
        %dma_start3A_224 = tpu.memref_slice %arg4[%mul3A_209, %dma_start3A_223] : memref<212992x64xf32, #tpu.memory_space<hbm>> -> memref<200x64xf32, #tpu.memory_space<hbm>>
        %dma_start3A_225 = arith.constant 0 : i32
        %dma_start3A_226 = tpu.memref_slice %arg4[%mul3A_209, %dma_start3A_225] : memref<212992x64xf32, #tpu.memory_space<hbm>> -> memref<200x64xf32, #tpu.memory_space<hbm>>
        %dma_start3A_227 = arith.constant 200 : i32
        %dma_start3A_228 = arith.constant 0 : i32
        %dma_start3A_229 = tpu.memref_slice %arg6[%run_scoped3A_210, %dma_start3A_227, %dma_start3A_228] : memref<2x400x64xf32, #tpu.memory_space<vmem>> -> memref<1x200x64xf32, #tpu.memory_space<vmem>>
        %dma_start3A_230 = tpu.memref_squeeze %dma_start3A_229 : memref<1x200x64xf32, #tpu.memory_space<vmem>> -> memref<200x64xf32, #tpu.memory_space<vmem>>
        tpu.enqueue_dma source(%dma_start3A_230 : memref<200x64xf32, #tpu.memory_space<vmem>>) target(%dma_start3A_226 : memref<200x64xf32, #tpu.memory_space<hbm>>) target_semaphore(%run_scoped3A_218 : memref<!tpu.dma_semaphore, #tpu.memory_space<semaphore_mem>>)
        %dma_wait3A_231 = arith.constant 200 : i32
        %dma_wait3A_232 = arith.constant 0 : i32
        %dma_wait3A_233 = tpu.memref_slice %arg6[%run_scoped3A_210, %dma_wait3A_231, %dma_wait3A_232] : memref<2x400x64xf32, #tpu.memory_space<vmem>> -> memref<1x200x64xf32, #tpu.memory_space<vmem>>
        %dma_wait3A_234 = tpu.memref_squeeze %dma_wait3A_233 : memref<1x200x64xf32, #tpu.memory_space<vmem>> -> memref<200x64xf32, #tpu.memory_space<vmem>>
        %dma_wait3A_235 = arith.constant 0 : i32
        %dma_wait3A_236 = tpu.memref_slice %arg4[%mul3A_209, %dma_wait3A_235] : memref<212992x64xf32, #tpu.memory_space<hbm>> -> memref<200x64xf32, #tpu.memory_space<hbm>>
        %dma_wait3A_237 = arith.constant 0 : i32
        %dma_wait3A_238 = tpu.memref_slice %arg4[%mul3A_209, %dma_wait3A_237] : memref<212992x64xf32, #tpu.memory_space<hbm>> -> memref<200x64xf32, #tpu.memory_space<hbm>>
        %dma_wait3A_239 = arith.constant 200 : i32
        %dma_wait3A_240 = arith.constant 0 : i32
        %dma_wait3A_241 = tpu.memref_slice %arg6[%run_scoped3A_210, %dma_wait3A_239, %dma_wait3A_240] : memref<2x400x64xf32, #tpu.memory_space<vmem>> -> memref<1x200x64xf32, #tpu.memory_space<vmem>>
        %dma_wait3A_242 = tpu.memref_squeeze %dma_wait3A_241 : memref<1x200x64xf32, #tpu.memory_space<vmem>> -> memref<200x64xf32, #tpu.memory_space<vmem>>
        tpu.wait_dma2 semaphore(%run_scoped3A_218 : memref<!tpu.dma_semaphore, #tpu.memory_space<semaphore_mem>>) src(%dma_wait3A_242 : memref<200x64xf32, #tpu.memory_space<vmem>>) dst(%dma_wait3A_238 : memref<200x64xf32, #tpu.memory_space<hbm>>)
        tpu.yield
      }) : () -> ()
      %add3A_211 = arith.constant 2 : i32
      %add3A_212 = arith.addi %add3A_173, %add3A_211 : i32
      %lt3A_213 = arith.constant 16 : i32
      %lt3A_214 = arith.cmpi slt, %add3A_212, %lt3A_213 : i32
      %convert_element_type3A_215 = arith.extui %lt3A_214 : i1 to i32
      %cond3A_216 = arith.constant 0 : i32
      %cond3A_217 = arith.cmpi ne, %convert_element_type3A_215, %cond3A_216 : i32
      scf.if %cond3A_217 {
        %add3A_218 = arith.constant 2 : i32
        %add3A_219 = arith.addi %add3A_173, %add3A_218 : i32
        %mul3A_220 = arith.constant 4 : i32
        %mul3A_221 = arith.muli %add3A_219, %mul3A_220 : i32
        %add3A_222 = arith.constant 0 : i32
        %add3A_223 = arith.addi %mul3A_221, %add3A_222 : i32
        %dma_start3A_224 = arith.constant 1 : i32
        %dma_start3A_225 = arith.constant 1 : i32
        %dma_start3A_226 = arith.constant 0 : i32
        %dma_start3A_227 = arith.constant 0 : i32
        %dma_start3A_228 = tpu.memref_slice %arg6[%dma_start3A_224, %dma_start3A_226, %dma_start3A_227] : memref<2x400x64xf32, #tpu.memory_space<vmem>> -> memref<1x100x64xf32, #tpu.memory_space<vmem>>
        %dma_start3A_229 = tpu.memref_squeeze %dma_start3A_228 : memref<1x100x64xf32, #tpu.memory_space<vmem>> -> memref<100x64xf32, #tpu.memory_space<vmem>>
        %dma_start3A_230 = arith.constant 0 : i32
        %dma_start3A_231 = tpu.memref_slice %arg5[%add3A_223, %dma_start3A_230] : memref<64x100xi32, #tpu.memory_space<vmem>> -> memref<1x100xi32, #tpu.memory_space<vmem>>
        %dma_start3A_232 = tpu.memref_squeeze %dma_start3A_231 : memref<1x100xi32, #tpu.memory_space<vmem>> -> memref<100xi32, #tpu.memory_space<vmem>>
        %dma_start3A_233 = arith.constant 0 : i32
        %dma_start3A_234 = arith.constant 0 : i32
        %dma_start3A_235 = tpu.memref_slice %arg3[%dma_start3A_233, %dma_start3A_234] : memref<1000000x64xf32, #tpu.memory_space<hbm>> -> memref<1000000x64xf32, #tpu.memory_space<hbm>>
        %dma_start3A_236 = tpu.memref_slice %arg7[%dma_start3A_225] : memref<2x!tpu.dma_semaphore, #tpu.memory_space<semaphore_mem>> -> memref<1x!tpu.dma_semaphore, #tpu.memory_space<semaphore_mem>>
        %dma_start3A_237 = tpu.memref_squeeze %dma_start3A_236 : memref<1x!tpu.dma_semaphore, #tpu.memory_space<semaphore_mem>> -> memref<!tpu.dma_semaphore, #tpu.memory_space<semaphore_mem>>
        tpu.enqueue_indirect_dma source(%dma_start3A_235 : memref<1000000x64xf32, #tpu.memory_space<hbm>>) target(%dma_start3A_229 : memref<100x64xf32, #tpu.memory_space<vmem>>) offsets(%dma_start3A_232 : memref<100xi32, #tpu.memory_space<vmem>>) semaphore(%dma_start3A_237 : memref<!tpu.dma_semaphore, #tpu.memory_space<semaphore_mem>>)
        %mul3A_238 = arith.constant 4 : i32
        %mul3A_239 = arith.muli %add3A_219, %mul3A_238 : i32
        %add3A_240 = arith.constant 1 : i32
        %add3A_241 = arith.addi %mul3A_239, %add3A_240 : i32
        %dma_start3A_242 = arith.constant 1 : i32
        %dma_start3A_243 = arith.constant 1 : i32
        %dma_start3A_244 = arith.constant 100 : i32
        %dma_start3A_245 = arith.constant 0 : i32
        %dma_start3A_246 = tpu.memref_slice %arg6[%dma_start3A_242, %dma_start3A_244, %dma_start3A_245] : memref<2x400x64xf32, #tpu.memory_space<vmem>> -> memref<1x100x64xf32, #tpu.memory_space<vmem>>
        %dma_start3A_247 = tpu.memref_squeeze %dma_start3A_246 : memref<1x100x64xf32, #tpu.memory_space<vmem>> -> memref<100x64xf32, #tpu.memory_space<vmem>>
        %dma_start3A_248 = arith.constant 0 : i32
        %dma_start3A_249 = tpu.memref_slice %arg5[%add3A_241, %dma_start3A_248] : memref<64x100xi32, #tpu.memory_space<vmem>> -> memref<1x100xi32, #tpu.memory_space<vmem>>
        %dma_start3A_250 = tpu.memref_squeeze %dma_start3A_249 : memref<1x100xi32, #tpu.memory_space<vmem>> -> memref<100xi32, #tpu.memory_space<vmem>>
        %dma_start3A_251 = arith.constant 0 : i32
        %dma_start3A_252 = arith.constant 0 : i32
        %dma_start3A_253 = tpu.memref_slice %arg3[%dma_start3A_251, %dma_start3A_252] : memref<1000000x64xf32, #tpu.memory_space<hbm>> -> memref<1000000x64xf32, #tpu.memory_space<hbm>>
        %dma_start3A_254 = tpu.memref_slice %arg7[%dma_start3A_243] : memref<2x!tpu.dma_semaphore, #tpu.memory_space<semaphore_mem>> -> memref<1x!tpu.dma_semaphore, #tpu.memory_space<semaphore_mem>>
        %dma_start3A_255 = tpu.memref_squeeze %dma_start3A_254 : memref<1x!tpu.dma_semaphore, #tpu.memory_space<semaphore_mem>> -> memref<!tpu.dma_semaphore, #tpu.memory_space<semaphore_mem>>
        tpu.enqueue_indirect_dma source(%dma_start3A_253 : memref<1000000x64xf32, #tpu.memory_space<hbm>>) target(%dma_start3A_247 : memref<100x64xf32, #tpu.memory_space<vmem>>) offsets(%dma_start3A_250 : memref<100xi32, #tpu.memory_space<vmem>>) semaphore(%dma_start3A_255 : memref<!tpu.dma_semaphore, #tpu.memory_space<semaphore_mem>>)
        %mul3A_256 = arith.constant 4 : i32
        %mul3A_257 = arith.muli %add3A_219, %mul3A_256 : i32
        %add3A_258 = arith.constant 2 : i32
        %add3A_259 = arith.addi %mul3A_257, %add3A_258 : i32
        %dma_start3A_260 = arith.constant 1 : i32
        %dma_start3A_261 = arith.constant 1 : i32
        %dma_start3A_262 = arith.constant 200 : i32
        %dma_start3A_263 = arith.constant 0 : i32
        %dma_start3A_264 = tpu.memref_slice %arg6[%dma_start3A_260, %dma_start3A_262, %dma_start3A_263] : memref<2x400x64xf32, #tpu.memory_space<vmem>> -> memref<1x100x64xf32, #tpu.memory_space<vmem>>
        %dma_start3A_265 = tpu.memref_squeeze %dma_start3A_264 : memref<1x100x64xf32, #tpu.memory_space<vmem>> -> memref<100x64xf32, #tpu.memory_space<vmem>>
        %dma_start3A_266 = arith.constant 0 : i32
        %dma_start3A_267 = tpu.memref_slice %arg5[%add3A_259, %dma_start3A_266] : memref<64x100xi32, #tpu.memory_space<vmem>> -> memref<1x100xi32, #tpu.memory_space<vmem>>
        %dma_start3A_268 = tpu.memref_squeeze %dma_start3A_267 : memref<1x100xi32, #tpu.memory_space<vmem>> -> memref<100xi32, #tpu.memory_space<vmem>>
        %dma_start3A_269 = arith.constant 0 : i32
        %dma_start3A_270 = arith.constant 0 : i32
        %dma_start3A_271 = tpu.memref_slice %arg3[%dma_start3A_269, %dma_start3A_270] : memref<1000000x64xf32, #tpu.memory_space<hbm>> -> memref<1000000x64xf32, #tpu.memory_space<hbm>>
        %dma_start3A_272 = tpu.memref_slice %arg7[%dma_start3A_261] : memref<2x!tpu.dma_semaphore, #tpu.memory_space<semaphore_mem>> -> memref<1x!tpu.dma_semaphore, #tpu.memory_space<semaphore_mem>>
        %dma_start3A_273 = tpu.memref_squeeze %dma_start3A_272 : memref<1x!tpu.dma_semaphore, #tpu.memory_space<semaphore_mem>> -> memref<!tpu.dma_semaphore, #tpu.memory_space<semaphore_mem>>
        tpu.enqueue_indirect_dma source(%dma_start3A_271 : memref<1000000x64xf32, #tpu.memory_space<hbm>>) target(%dma_start3A_265 : memref<100x64xf32, #tpu.memory_space<vmem>>) offsets(%dma_start3A_268 : memref<100xi32, #tpu.memory_space<vmem>>) semaphore(%dma_start3A_273 : memref<!tpu.dma_semaphore, #tpu.memory_space<semaphore_mem>>)
        %mul3A_274 = arith.constant 4 : i32
        %mul3A_275 = arith.muli %add3A_219, %mul3A_274 : i32
        %add3A_276 = arith.constant 3 : i32
        %add3A_277 = arith.addi %mul3A_275, %add3A_276 : i32
        %dma_start3A_278 = arith.constant 1 : i32
        %dma_start3A_279 = arith.constant 1 : i32
        %dma_start3A_280 = arith.constant 300 : i32
        %dma_start3A_281 = arith.constant 0 : i32
        %dma_start3A_282 = tpu.memref_slice %arg6[%dma_start3A_278, %dma_start3A_280, %dma_start3A_281] : memref<2x400x64xf32, #tpu.memory_space<vmem>> -> memref<1x100x64xf32, #tpu.memory_space<vmem>>
        %dma_start3A_283 = tpu.memref_squeeze %dma_start3A_282 : memref<1x100x64xf32, #tpu.memory_space<vmem>> -> memref<100x64xf32, #tpu.memory_space<vmem>>
        %dma_start3A_284 = arith.constant 0 : i32
        %dma_start3A_285 = tpu.memref_slice %arg5[%add3A_277, %dma_start3A_284] : memref<64x100xi32, #tpu.memory_space<vmem>> -> memref<1x100xi32, #tpu.memory_space<vmem>>
        %dma_start3A_286 = tpu.memref_squeeze %dma_start3A_285 : memref<1x100xi32, #tpu.memory_space<vmem>> -> memref<100xi32, #tpu.memory_space<vmem>>
        %dma_start3A_287 = arith.constant 0 : i32
        %dma_start3A_288 = arith.constant 0 : i32
        %dma_start3A_289 = tpu.memref_slice %arg3[%dma_start3A_287, %dma_start3A_288] : memref<1000000x64xf32, #tpu.memory_space<hbm>> -> memref<1000000x64xf32, #tpu.memory_space<hbm>>
        %dma_start3A_290 = tpu.memref_slice %arg7[%dma_start3A_279] : memref<2x!tpu.dma_semaphore, #tpu.memory_space<semaphore_mem>> -> memref<1x!tpu.dma_semaphore, #tpu.memory_space<semaphore_mem>>
        %dma_start3A_291 = tpu.memref_squeeze %dma_start3A_290 : memref<1x!tpu.dma_semaphore, #tpu.memory_space<semaphore_mem>> -> memref<!tpu.dma_semaphore, #tpu.memory_space<semaphore_mem>>
        tpu.enqueue_indirect_dma source(%dma_start3A_289 : memref<1000000x64xf32, #tpu.memory_space<hbm>>) target(%dma_start3A_283 : memref<100x64xf32, #tpu.memory_space<vmem>>) offsets(%dma_start3A_286 : memref<100xi32, #tpu.memory_space<vmem>>) semaphore(%dma_start3A_291 : memref<!tpu.dma_semaphore, #tpu.memory_space<semaphore_mem>>)
      } else {
      }
    }
    %scan3A_125 = arith.constant 8 : i32
    return
  }
}

#map = affine_map<(d0, d1) -> (0, 0)>
module attributes {stable_mosaic.version = 14 : i64} {
  func.func @_embed(%arg0: i32, %arg1: i32, %arg2: memref<2048x100xi32, #tpu.memory_space<hbm>>, %arg3: memref<1000000x64xf32, #tpu.memory_space<hbm>>, %arg4: memref<212992x64xf32, #tpu.memory_space<hbm>>, %arg5: memref<64x100xi32, #tpu.memory_space<vmem>>, %arg6: memref<2x400x64xf32, #tpu.memory_space<vmem>>, %arg7: memref<2x!tpu.dma_semaphore, #tpu.memory_space<semaphore_mem>>) attributes {dimension_semantics = [#tpu.dimension_semantics<core_parallel>, #tpu.dimension_semantics<subcore_parallel>], iteration_bounds = array<i64: 2, 16>, scalar_prefetch = 0 : i64, scratch_operands = 3 : i64, tpu.core_type = #tpu.core_type<sc_vector_subcore>, window_params = [{transform_indices = #map}, {transform_indices = #map}, {transform_indices = #map}]} {
    %mul3A = arith.constant 2 : i32
    %mul3A_0 = arith.muli %arg1, %mul3A : i32
    %add3A = arith.addi %mul3A_0, %arg0 : i32
    %mul3A_1 = arith.constant 64 : i32
    %mul3A_2 = arith.muli %add3A, %mul3A_1 : i32
    "tpu.region"() ({
      %run_scoped3A = tpu.sem_alloc : memref<!tpu.dma_semaphore, #tpu.memory_space<semaphore_mem>>
      %dma_start3A_126 = arith.constant 0 : i32
      %dma_start3A_127 = tpu.memref_slice %arg2[%mul3A_2, %dma_start3A_126] : memref<2048x100xi32, #tpu.memory_space<hbm>> -> memref<64x100xi32, #tpu.memory_space<hbm>>
      %dma_start3A_128 = arith.constant 0 : i32
      %dma_start3A_129 = tpu.memref_slice %arg2[%mul3A_2, %dma_start3A_128] : memref<2048x100xi32, #tpu.memory_space<hbm>> -> memref<64x100xi32, #tpu.memory_space<hbm>>
      tpu.enqueue_dma source(%dma_start3A_129 : memref<64x100xi32, #tpu.memory_space<hbm>>) target(%arg5 : memref<64x100xi32, #tpu.memory_space<vmem>>) target_semaphore(%run_scoped3A : memref<!tpu.dma_semaphore, #tpu.memory_space<semaphore_mem>>)
      %dma_wait3A = arith.constant 0 : i32
      %dma_wait3A_130 = tpu.memref_slice %arg2[%mul3A_2, %dma_wait3A] : memref<2048x100xi32, #tpu.memory_space<hbm>> -> memref<64x100xi32, #tpu.memory_space<hbm>>
      %dma_wait3A_131 = arith.constant 0 : i32
      %dma_wait3A_132 = tpu.memref_slice %arg2[%mul3A_2, %dma_wait3A_131] : memref<2048x100xi32, #tpu.memory_space<hbm>> -> memref<64x100xi32, #tpu.memory_space<hbm>>
      tpu.wait_dma2 semaphore(%run_scoped3A : memref<!tpu.dma_semaphore, #tpu.memory_space<semaphore_mem>>) src(%dma_wait3A_132 : memref<64x100xi32, #tpu.memory_space<hbm>>) dst(%arg5 : memref<64x100xi32, #tpu.memory_space<vmem>>)
      tpu.yield
    }) : () -> ()
    %dma_start3A = arith.constant 0 : i32
    %dma_start3A_3 = arith.constant 0 : i32
    %dma_start3A_4 = arith.constant 0 : i32
    %dma_start3A_5 = arith.constant 0 : i32
    %dma_start3A_6 = arith.constant 0 : i32
    %dma_start3A_7 = tpu.memref_slice %arg6[%dma_start3A_3, %dma_start3A_5, %dma_start3A_6] : memref<2x400x64xf32, #tpu.memory_space<vmem>> -> memref<1x100x64xf32, #tpu.memory_space<vmem>>
    %dma_start3A_8 = tpu.memref_squeeze %dma_start3A_7 : memref<1x100x64xf32, #tpu.memory_space<vmem>> -> memref<100x64xf32, #tpu.memory_space<vmem>>
    %dma_start3A_9 = arith.constant 0 : i32
    %dma_start3A_10 = tpu.memref_slice %arg5[%dma_start3A, %dma_start3A_9] : memref<64x100xi32, #tpu.memory_space<vmem>> -> memref<1x100xi32, #tpu.memory_space<vmem>>
    %dma_start3A_11 = tpu.memref_squeeze %dma_start3A_10 : memref<1x100xi32, #tpu.memory_space<vmem>> -> memref<100xi32, #tpu.memory_space<vmem>>
    %dma_start3A_12 = arith.constant 0 : i32
    %dma_start3A_13 = arith.constant 0 : i32
    %dma_start3A_14 = tpu.memref_slice %arg3[%dma_start3A_12, %dma_start3A_13] : memref<1000000x64xf32, #tpu.memory_space<hbm>> -> memref<1000000x64xf32, #tpu.memory_space<hbm>>
    %dma_start3A_15 = tpu.memref_slice %arg7[%dma_start3A_4] : memref<2x!tpu.dma_semaphore, #tpu.memory_space<semaphore_mem>> -> memref<1x!tpu.dma_semaphore, #tpu.memory_space<semaphore_mem>>
    %dma_start3A_16 = tpu.memref_squeeze %dma_start3A_15 : memref<1x!tpu.dma_semaphore, #tpu.memory_space<semaphore_mem>> -> memref<!tpu.dma_semaphore, #tpu.memory_space<semaphore_mem>>
    tpu.enqueue_indirect_dma source(%dma_start3A_14 : memref<1000000x64xf32, #tpu.memory_space<hbm>>) target(%dma_start3A_8 : memref<100x64xf32, #tpu.memory_space<vmem>>) offsets(%dma_start3A_11 : memref<100xi32, #tpu.memory_space<vmem>>) semaphore(%dma_start3A_16 : memref<!tpu.dma_semaphore, #tpu.memory_space<semaphore_mem>>)
    %dma_start3A_17 = arith.constant 1 : i32
    %dma_start3A_18 = arith.constant 0 : i32
    %dma_start3A_19 = arith.constant 0 : i32
    %dma_start3A_20 = arith.constant 100 : i32
    %dma_start3A_21 = arith.constant 0 : i32
    %dma_start3A_22 = tpu.memref_slice %arg6[%dma_start3A_18, %dma_start3A_20, %dma_start3A_21] : memref<2x400x64xf32, #tpu.memory_space<vmem>> -> memref<1x100x64xf32, #tpu.memory_space<vmem>>
    %dma_start3A_23 = tpu.memref_squeeze %dma_start3A_22 : memref<1x100x64xf32, #tpu.memory_space<vmem>> -> memref<100x64xf32, #tpu.memory_space<vmem>>
    %dma_start3A_24 = arith.constant 0 : i32
    %dma_start3A_25 = tpu.memref_slice %arg5[%dma_start3A_17, %dma_start3A_24] : memref<64x100xi32, #tpu.memory_space<vmem>> -> memref<1x100xi32, #tpu.memory_space<vmem>>
    %dma_start3A_26 = tpu.memref_squeeze %dma_start3A_25 : memref<1x100xi32, #tpu.memory_space<vmem>> -> memref<100xi32, #tpu.memory_space<vmem>>
    %dma_start3A_27 = arith.constant 0 : i32
    %dma_start3A_28 = arith.constant 0 : i32
    %dma_start3A_29 = tpu.memref_slice %arg3[%dma_start3A_27, %dma_start3A_28] : memref<1000000x64xf32, #tpu.memory_space<hbm>> -> memref<1000000x64xf32, #tpu.memory_space<hbm>>
    %dma_start3A_30 = tpu.memref_slice %arg7[%dma_start3A_19] : memref<2x!tpu.dma_semaphore, #tpu.memory_space<semaphore_mem>> -> memref<1x!tpu.dma_semaphore, #tpu.memory_space<semaphore_mem>>
    %dma_start3A_31 = tpu.memref_squeeze %dma_start3A_30 : memref<1x!tpu.dma_semaphore, #tpu.memory_space<semaphore_mem>> -> memref<!tpu.dma_semaphore, #tpu.memory_space<semaphore_mem>>
    tpu.enqueue_indirect_dma source(%dma_start3A_29 : memref<1000000x64xf32, #tpu.memory_space<hbm>>) target(%dma_start3A_23 : memref<100x64xf32, #tpu.memory_space<vmem>>) offsets(%dma_start3A_26 : memref<100xi32, #tpu.memory_space<vmem>>) semaphore(%dma_start3A_31 : memref<!tpu.dma_semaphore, #tpu.memory_space<semaphore_mem>>)
    %dma_start3A_32 = arith.constant 2 : i32
    %dma_start3A_33 = arith.constant 0 : i32
    %dma_start3A_34 = arith.constant 0 : i32
    %dma_start3A_35 = arith.constant 200 : i32
    %dma_start3A_36 = arith.constant 0 : i32
    %dma_start3A_37 = tpu.memref_slice %arg6[%dma_start3A_33, %dma_start3A_35, %dma_start3A_36] : memref<2x400x64xf32, #tpu.memory_space<vmem>> -> memref<1x100x64xf32, #tpu.memory_space<vmem>>
    %dma_start3A_38 = tpu.memref_squeeze %dma_start3A_37 : memref<1x100x64xf32, #tpu.memory_space<vmem>> -> memref<100x64xf32, #tpu.memory_space<vmem>>
    %dma_start3A_39 = arith.constant 0 : i32
    %dma_start3A_40 = tpu.memref_slice %arg5[%dma_start3A_32, %dma_start3A_39] : memref<64x100xi32, #tpu.memory_space<vmem>> -> memref<1x100xi32, #tpu.memory_space<vmem>>
    %dma_start3A_41 = tpu.memref_squeeze %dma_start3A_40 : memref<1x100xi32, #tpu.memory_space<vmem>> -> memref<100xi32, #tpu.memory_space<vmem>>
    %dma_start3A_42 = arith.constant 0 : i32
    %dma_start3A_43 = arith.constant 0 : i32
    %dma_start3A_44 = tpu.memref_slice %arg3[%dma_start3A_42, %dma_start3A_43] : memref<1000000x64xf32, #tpu.memory_space<hbm>> -> memref<1000000x64xf32, #tpu.memory_space<hbm>>
    %dma_start3A_45 = tpu.memref_slice %arg7[%dma_start3A_34] : memref<2x!tpu.dma_semaphore, #tpu.memory_space<semaphore_mem>> -> memref<1x!tpu.dma_semaphore, #tpu.memory_space<semaphore_mem>>
    %dma_start3A_46 = tpu.memref_squeeze %dma_start3A_45 : memref<1x!tpu.dma_semaphore, #tpu.memory_space<semaphore_mem>> -> memref<!tpu.dma_semaphore, #tpu.memory_space<semaphore_mem>>
    tpu.enqueue_indirect_dma source(%dma_start3A_44 : memref<1000000x64xf32, #tpu.memory_space<hbm>>) target(%dma_start3A_38 : memref<100x64xf32, #tpu.memory_space<vmem>>) offsets(%dma_start3A_41 : memref<100xi32, #tpu.memory_space<vmem>>) semaphore(%dma_start3A_46 : memref<!tpu.dma_semaphore, #tpu.memory_space<semaphore_mem>>)
    %dma_start3A_47 = arith.constant 3 : i32
    %dma_start3A_48 = arith.constant 0 : i32
    %dma_start3A_49 = arith.constant 0 : i32
    %dma_start3A_50 = arith.constant 300 : i32
    %dma_start3A_51 = arith.constant 0 : i32
    %dma_start3A_52 = tpu.memref_slice %arg6[%dma_start3A_48, %dma_start3A_50, %dma_start3A_51] : memref<2x400x64xf32, #tpu.memory_space<vmem>> -> memref<1x100x64xf32, #tpu.memory_space<vmem>>
    %dma_start3A_53 = tpu.memref_squeeze %dma_start3A_52 : memref<1x100x64xf32, #tpu.memory_space<vmem>> -> memref<100x64xf32, #tpu.memory_space<vmem>>
    %dma_start3A_54 = arith.constant 0 : i32
    %dma_start3A_55 = tpu.memref_slice %arg5[%dma_start3A_47, %dma_start3A_54] : memref<64x100xi32, #tpu.memory_space<vmem>> -> memref<1x100xi32, #tpu.memory_space<vmem>>
    %dma_start3A_56 = tpu.memref_squeeze %dma_start3A_55 : memref<1x100xi32, #tpu.memory_space<vmem>> -> memref<100xi32, #tpu.memory_space<vmem>>
    %dma_start3A_57 = arith.constant 0 : i32
    %dma_start3A_58 = arith.constant 0 : i32
    %dma_start3A_59 = tpu.memref_slice %arg3[%dma_start3A_57, %dma_start3A_58] : memref<1000000x64xf32, #tpu.memory_space<hbm>> -> memref<1000000x64xf32, #tpu.memory_space<hbm>>
    %dma_start3A_60 = tpu.memref_slice %arg7[%dma_start3A_49] : memref<2x!tpu.dma_semaphore, #tpu.memory_space<semaphore_mem>> -> memref<1x!tpu.dma_semaphore, #tpu.memory_space<semaphore_mem>>
    %dma_start3A_61 = tpu.memref_squeeze %dma_start3A_60 : memref<1x!tpu.dma_semaphore, #tpu.memory_space<semaphore_mem>> -> memref<!tpu.dma_semaphore, #tpu.memory_space<semaphore_mem>>
    tpu.enqueue_indirect_dma source(%dma_start3A_59 : memref<1000000x64xf32, #tpu.memory_space<hbm>>) target(%dma_start3A_53 : memref<100x64xf32, #tpu.memory_space<vmem>>) offsets(%dma_start3A_56 : memref<100xi32, #tpu.memory_space<vmem>>) semaphore(%dma_start3A_61 : memref<!tpu.dma_semaphore, #tpu.memory_space<semaphore_mem>>)
    %dma_start3A_62 = arith.constant 4 : i32
    %dma_start3A_63 = arith.constant 1 : i32
    %dma_start3A_64 = arith.constant 1 : i32
    %dma_start3A_65 = arith.constant 0 : i32
    %dma_start3A_66 = arith.constant 0 : i32
    %dma_start3A_67 = tpu.memref_slice %arg6[%dma_start3A_63, %dma_start3A_65, %dma_start3A_66] : memref<2x400x64xf32, #tpu.memory_space<vmem>> -> memref<1x100x64xf32, #tpu.memory_space<vmem>>
    %dma_start3A_68 = tpu.memref_squeeze %dma_start3A_67 : memref<1x100x64xf32, #tpu.memory_space<vmem>> -> memref<100x64xf32, #tpu.memory_space<vmem>>
    %dma_start3A_69 = arith.constant 0 : i32
    %dma_start3A_70 = tpu.memref_slice %arg5[%dma_start3A_62, %dma_start3A_69] : memref<64x100xi32, #tpu.memory_space<vmem>> -> memref<1x100xi32, #tpu.memory_space<vmem>>
    %dma_start3A_71 = tpu.memref_squeeze %dma_start3A_70 : memref<1x100xi32, #tpu.memory_space<vmem>> -> memref<100xi32, #tpu.memory_space<vmem>>
    %dma_start3A_72 = arith.constant 0 : i32
    %dma_start3A_73 = arith.constant 0 : i32
    %dma_start3A_74 = tpu.memref_slice %arg3[%dma_start3A_72, %dma_start3A_73] : memref<1000000x64xf32, #tpu.memory_space<hbm>> -> memref<1000000x64xf32, #tpu.memory_space<hbm>>
    %dma_start3A_75 = tpu.memref_slice %arg7[%dma_start3A_64] : memref<2x!tpu.dma_semaphore, #tpu.memory_space<semaphore_mem>> -> memref<1x!tpu.dma_semaphore, #tpu.memory_space<semaphore_mem>>
    %dma_start3A_76 = tpu.memref_squeeze %dma_start3A_75 : memref<1x!tpu.dma_semaphore, #tpu.memory_space<semaphore_mem>> -> memref<!tpu.dma_semaphore, #tpu.memory_space<semaphore_mem>>
    tpu.enqueue_indirect_dma source(%dma_start3A_74 : memref<1000000x64xf32, #tpu.memory_space<hbm>>) target(%dma_start3A_68 : memref<100x64xf32, #tpu.memory_space<vmem>>) offsets(%dma_start3A_71 : memref<100xi32, #tpu.memory_space<vmem>>) semaphore(%dma_start3A_76 : memref<!tpu.dma_semaphore, #tpu.memory_space<semaphore_mem>>)
    %dma_start3A_77 = arith.constant 5 : i32
    %dma_start3A_78 = arith.constant 1 : i32
    %dma_start3A_79 = arith.constant 1 : i32
    %dma_start3A_80 = arith.constant 100 : i32
    %dma_start3A_81 = arith.constant 0 : i32
    %dma_start3A_82 = tpu.memref_slice %arg6[%dma_start3A_78, %dma_start3A_80, %dma_start3A_81] : memref<2x400x64xf32, #tpu.memory_space<vmem>> -> memref<1x100x64xf32, #tpu.memory_space<vmem>>
    %dma_start3A_83 = tpu.memref_squeeze %dma_start3A_82 : memref<1x100x64xf32, #tpu.memory_space<vmem>> -> memref<100x64xf32, #tpu.memory_space<vmem>>
    %dma_start3A_84 = arith.constant 0 : i32
    %dma_start3A_85 = tpu.memref_slice %arg5[%dma_start3A_77, %dma_start3A_84] : memref<64x100xi32, #tpu.memory_space<vmem>> -> memref<1x100xi32, #tpu.memory_space<vmem>>
    %dma_start3A_86 = tpu.memref_squeeze %dma_start3A_85 : memref<1x100xi32, #tpu.memory_space<vmem>> -> memref<100xi32, #tpu.memory_space<vmem>>
    %dma_start3A_87 = arith.constant 0 : i32
    %dma_start3A_88 = arith.constant 0 : i32
    %dma_start3A_89 = tpu.memref_slice %arg3[%dma_start3A_87, %dma_start3A_88] : memref<1000000x64xf32, #tpu.memory_space<hbm>> -> memref<1000000x64xf32, #tpu.memory_space<hbm>>
    %dma_start3A_90 = tpu.memref_slice %arg7[%dma_start3A_79] : memref<2x!tpu.dma_semaphore, #tpu.memory_space<semaphore_mem>> -> memref<1x!tpu.dma_semaphore, #tpu.memory_space<semaphore_mem>>
    %dma_start3A_91 = tpu.memref_squeeze %dma_start3A_90 : memref<1x!tpu.dma_semaphore, #tpu.memory_space<semaphore_mem>> -> memref<!tpu.dma_semaphore, #tpu.memory_space<semaphore_mem>>
    tpu.enqueue_indirect_dma source(%dma_start3A_89 : memref<1000000x64xf32, #tpu.memory_space<hbm>>) target(%dma_start3A_83 : memref<100x64xf32, #tpu.memory_space<vmem>>) offsets(%dma_start3A_86 : memref<100xi32, #tpu.memory_space<vmem>>) semaphore(%dma_start3A_91 : memref<!tpu.dma_semaphore, #tpu.memory_space<semaphore_mem>>)
    %dma_start3A_92 = arith.constant 6 : i32
    %dma_start3A_93 = arith.constant 1 : i32
    %dma_start3A_94 = arith.constant 1 : i32
    %dma_start3A_95 = arith.constant 200 : i32
    %dma_start3A_96 = arith.constant 0 : i32
    %dma_start3A_97 = tpu.memref_slice %arg6[%dma_start3A_93, %dma_start3A_95, %dma_start3A_96] : memref<2x400x64xf32, #tpu.memory_space<vmem>> -> memref<1x100x64xf32, #tpu.memory_space<vmem>>
    %dma_start3A_98 = tpu.memref_squeeze %dma_start3A_97 : memref<1x100x64xf32, #tpu.memory_space<vmem>> -> memref<100x64xf32, #tpu.memory_space<vmem>>
    %dma_start3A_99 = arith.constant 0 : i32
    %dma_start3A_100 = tpu.memref_slice %arg5[%dma_start3A_92, %dma_start3A_99] : memref<64x100xi32, #tpu.memory_space<vmem>> -> memref<1x100xi32, #tpu.memory_space<vmem>>
    %dma_start3A_101 = tpu.memref_squeeze %dma_start3A_100 : memref<1x100xi32, #tpu.memory_space<vmem>> -> memref<100xi32, #tpu.memory_space<vmem>>
    %dma_start3A_102 = arith.constant 0 : i32
    %dma_start3A_103 = arith.constant 0 : i32
    %dma_start3A_104 = tpu.memref_slice %arg3[%dma_start3A_102, %dma_start3A_103] : memref<1000000x64xf32, #tpu.memory_space<hbm>> -> memref<1000000x64xf32, #tpu.memory_space<hbm>>
    %dma_start3A_105 = tpu.memref_slice %arg7[%dma_start3A_94] : memref<2x!tpu.dma_semaphore, #tpu.memory_space<semaphore_mem>> -> memref<1x!tpu.dma_semaphore, #tpu.memory_space<semaphore_mem>>
    %dma_start3A_106 = tpu.memref_squeeze %dma_start3A_105 : memref<1x!tpu.dma_semaphore, #tpu.memory_space<semaphore_mem>> -> memref<!tpu.dma_semaphore, #tpu.memory_space<semaphore_mem>>
    tpu.enqueue_indirect_dma source(%dma_start3A_104 : memref<1000000x64xf32, #tpu.memory_space<hbm>>) target(%dma_start3A_98 : memref<100x64xf32, #tpu.memory_space<vmem>>) offsets(%dma_start3A_101 : memref<100xi32, #tpu.memory_space<vmem>>) semaphore(%dma_start3A_106 : memref<!tpu.dma_semaphore, #tpu.memory_space<semaphore_mem>>)
    %dma_start3A_107 = arith.constant 7 : i32
    %dma_start3A_108 = arith.constant 1 : i32
    %dma_start3A_109 = arith.constant 1 : i32
    %dma_start3A_110 = arith.constant 300 : i32
    %dma_start3A_111 = arith.constant 0 : i32
    %dma_start3A_112 = tpu.memref_slice %arg6[%dma_start3A_108, %dma_start3A_110, %dma_start3A_111] : memref<2x400x64xf32, #tpu.memory_space<vmem>> -> memref<1x100x64xf32, #tpu.memory_space<vmem>>
    %dma_start3A_113 = tpu.memref_squeeze %dma_start3A_112 : memref<1x100x64xf32, #tpu.memory_space<vmem>> -> memref<100x64xf32, #tpu.memory_space<vmem>>
    %dma_start3A_114 = arith.constant 0 : i32
    %dma_start3A_115 = tpu.memref_slice %arg5[%dma_start3A_107, %dma_start3A_114] : memref<64x100xi32, #tpu.memory_space<vmem>> -> memref<1x100xi32, #tpu.memory_space<vmem>>
    %dma_start3A_116 = tpu.memref_squeeze %dma_start3A_115 : memref<1x100xi32, #tpu.memory_space<vmem>> -> memref<100xi32, #tpu.memory_space<vmem>>
    %dma_start3A_117 = arith.constant 0 : i32
    %dma_start3A_118 = arith.constant 0 : i32
    %dma_start3A_119 = tpu.memref_slice %arg3[%dma_start3A_117, %dma_start3A_118] : memref<1000000x64xf32, #tpu.memory_space<hbm>> -> memref<1000000x64xf32, #tpu.memory_space<hbm>>
    %dma_start3A_120 = tpu.memref_slice %arg7[%dma_start3A_109] : memref<2x!tpu.dma_semaphore, #tpu.memory_space<semaphore_mem>> -> memref<1x!tpu.dma_semaphore, #tpu.memory_space<semaphore_mem>>
    %dma_start3A_121 = tpu.memref_squeeze %dma_start3A_120 : memref<1x!tpu.dma_semaphore, #tpu.memory_space<semaphore_mem>> -> memref<!tpu.dma_semaphore, #tpu.memory_space<semaphore_mem>>
    tpu.enqueue_indirect_dma source(%dma_start3A_119 : memref<1000000x64xf32, #tpu.memory_space<hbm>>) target(%dma_start3A_113 : memref<100x64xf32, #tpu.memory_space<vmem>>) offsets(%dma_start3A_116 : memref<100xi32, #tpu.memory_space<vmem>>) semaphore(%dma_start3A_121 : memref<!tpu.dma_semaphore, #tpu.memory_space<semaphore_mem>>)
    %scan3A = arith.constant 0 : i32
    %scan3A_122 = arith.constant 8 : i32
    %scan3A_123 = arith.addi %scan3A, %scan3A_122 : i32
    %scan3A_124 = arith.constant 1 : i32
    scf.for %scan3A_126 = %scan3A to %scan3A_123 step %scan3A_124  : i32 {
      %mul3A_127 = arith.constant 2 : i32
      %mul3A_128 = arith.muli %scan3A_126, %mul3A_127 : i32
      %add3A_129 = arith.constant 0 : i32
      %add3A_130 = arith.addi %add3A_129, %mul3A_128 : i32
      %add3A_131 = arith.constant 0 : i32
      %add3A_132 = arith.addi %add3A_130, %add3A_131 : i32
      %dma_wait3A = arith.constant 0 : i32
      %dma_wait3A_133 = arith.constant 0 : i32
      %dma_wait3A_134 = arith.constant 0 : i32
      %dma_wait3A_135 = arith.constant 0 : i32
      %dma_wait3A_136 = tpu.memref_slice %arg6[%dma_wait3A, %dma_wait3A_134, %dma_wait3A_135] : memref<2x400x64xf32, #tpu.memory_space<vmem>> -> memref<1x400x64xf32, #tpu.memory_space<vmem>>
      %dma_wait3A_137 = tpu.memref_squeeze %dma_wait3A_136 : memref<1x400x64xf32, #tpu.memory_space<vmem>> -> memref<400x64xf32, #tpu.memory_space<vmem>>
      %dma_wait3A_138 = arith.constant 0 : i32
      %dma_wait3A_139 = arith.constant 0 : i32
      %dma_wait3A_140 = tpu.memref_slice %arg3[%dma_wait3A_138, %dma_wait3A_139] : memref<1000000x64xf32, #tpu.memory_space<hbm>> -> memref<400x64xf32, #tpu.memory_space<hbm>>
      %dma_wait3A_141 = tpu.memref_slice %arg7[%dma_wait3A_133] : memref<2x!tpu.dma_semaphore, #tpu.memory_space<semaphore_mem>> -> memref<1x!tpu.dma_semaphore, #tpu.memory_space<semaphore_mem>>
      %dma_wait3A_142 = tpu.memref_squeeze %dma_wait3A_141 : memref<1x!tpu.dma_semaphore, #tpu.memory_space<semaphore_mem>> -> memref<!tpu.dma_semaphore, #tpu.memory_space<semaphore_mem>>
      %dma_wait3A_143 = arith.constant 0 : i32
      %dma_wait3A_144 = arith.constant 0 : i32
      %dma_wait3A_145 = tpu.memref_slice %arg6[%dma_wait3A, %dma_wait3A_143, %dma_wait3A_144] : memref<2x400x64xf32, #tpu.memory_space<vmem>> -> memref<1x400x64xf32, #tpu.memory_space<vmem>>
      %dma_wait3A_146 = tpu.memref_squeeze %dma_wait3A_145 : memref<1x400x64xf32, #tpu.memory_space<vmem>> -> memref<400x64xf32, #tpu.memory_space<vmem>>
      %dma_wait3A_147 = arith.constant 0 : i32
      %dma_wait3A_148 = arith.constant 0 : i32
      %dma_wait3A_149 = tpu.memref_slice %arg3[%dma_wait3A_147, %dma_wait3A_148] : memref<1000000x64xf32, #tpu.memory_space<hbm>> -> memref<400x64xf32, #tpu.memory_space<hbm>>
      tpu.wait_dma2 semaphore(%dma_wait3A_142 : memref<!tpu.dma_semaphore, #tpu.memory_space<semaphore_mem>>) src(%dma_wait3A_149 : memref<400x64xf32, #tpu.memory_space<hbm>>) dst(%dma_wait3A_146 : memref<400x64xf32, #tpu.memory_space<vmem>>)
      %mul3A_150 = arith.constant 32 : i32
      %mul3A_151 = arith.muli %add3A, %mul3A_150 : i32
      %mul3A_152 = arith.constant 2 : i32
      %mul3A_153 = arith.muli %add3A_132, %mul3A_152 : i32
      %add3A_154 = arith.addi %mul3A_151, %mul3A_153 : i32
      %add3A_155 = arith.constant 0 : i32
      %add3A_156 = arith.addi %add3A_154, %add3A_155 : i32
      %mul3A_157 = arith.constant 2 : i32
      %mul3A_158 = arith.muli %add3A_156, %mul3A_157 : i32
      %mul3A_159 = arith.constant 104 : i32
      %mul3A_160 = arith.muli %mul3A_158, %mul3A_159 : i32
      %run_scoped3A = arith.constant 0 : i32
      "tpu.region"() ({
        %run_scoped3A_218 = tpu.sem_alloc : memref<!tpu.dma_semaphore, #tpu.memory_space<semaphore_mem>>
        %dma_start3A_219 = arith.constant 0 : i32
        %dma_start3A_220 = arith.constant 0 : i32
        %dma_start3A_221 = tpu.memref_slice %arg6[%run_scoped3A, %dma_start3A_219, %dma_start3A_220] : memref<2x400x64xf32, #tpu.memory_space<vmem>> -> memref<1x200x64xf32, #tpu.memory_space<vmem>>
        %dma_start3A_222 = tpu.memref_squeeze %dma_start3A_221 : memref<1x200x64xf32, #tpu.memory_space<vmem>> -> memref<200x64xf32, #tpu.memory_space<vmem>>
        %dma_start3A_223 = arith.constant 0 : i32
        %dma_start3A_224 = tpu.memref_slice %arg4[%mul3A_160, %dma_start3A_223] : memref<212992x64xf32, #tpu.memory_space<hbm>> -> memref<200x64xf32, #tpu.memory_space<hbm>>
        %dma_start3A_225 = arith.constant 0 : i32
        %dma_start3A_226 = tpu.memref_slice %arg4[%mul3A_160, %dma_start3A_225] : memref<212992x64xf32, #tpu.memory_space<hbm>> -> memref<200x64xf32, #tpu.memory_space<hbm>>
        %dma_start3A_227 = arith.constant 0 : i32
        %dma_start3A_228 = arith.constant 0 : i32
        %dma_start3A_229 = tpu.memref_slice %arg6[%run_scoped3A, %dma_start3A_227, %dma_start3A_228] : memref<2x400x64xf32, #tpu.memory_space<vmem>> -> memref<1x200x64xf32, #tpu.memory_space<vmem>>
        %dma_start3A_230 = tpu.memref_squeeze %dma_start3A_229 : memref<1x200x64xf32, #tpu.memory_space<vmem>> -> memref<200x64xf32, #tpu.memory_space<vmem>>
        tpu.enqueue_dma source(%dma_start3A_230 : memref<200x64xf32, #tpu.memory_space<vmem>>) target(%dma_start3A_226 : memref<200x64xf32, #tpu.memory_space<hbm>>) target_semaphore(%run_scoped3A_218 : memref<!tpu.dma_semaphore, #tpu.memory_space<semaphore_mem>>)
        %dma_wait3A_231 = arith.constant 0 : i32
        %dma_wait3A_232 = arith.constant 0 : i32
        %dma_wait3A_233 = tpu.memref_slice %arg6[%run_scoped3A, %dma_wait3A_231, %dma_wait3A_232] : memref<2x400x64xf32, #tpu.memory_space<vmem>> -> memref<1x200x64xf32, #tpu.memory_space<vmem>>
        %dma_wait3A_234 = tpu.memref_squeeze %dma_wait3A_233 : memref<1x200x64xf32, #tpu.memory_space<vmem>> -> memref<200x64xf32, #tpu.memory_space<vmem>>
        %dma_wait3A_235 = arith.constant 0 : i32
        %dma_wait3A_236 = tpu.memref_slice %arg4[%mul3A_160, %dma_wait3A_235] : memref<212992x64xf32, #tpu.memory_space<hbm>> -> memref<200x64xf32, #tpu.memory_space<hbm>>
        %dma_wait3A_237 = arith.constant 0 : i32
        %dma_wait3A_238 = tpu.memref_slice %arg4[%mul3A_160, %dma_wait3A_237] : memref<212992x64xf32, #tpu.memory_space<hbm>> -> memref<200x64xf32, #tpu.memory_space<hbm>>
        %dma_wait3A_239 = arith.constant 0 : i32
        %dma_wait3A_240 = arith.constant 0 : i32
        %dma_wait3A_241 = tpu.memref_slice %arg6[%run_scoped3A, %dma_wait3A_239, %dma_wait3A_240] : memref<2x400x64xf32, #tpu.memory_space<vmem>> -> memref<1x200x64xf32, #tpu.memory_space<vmem>>
        %dma_wait3A_242 = tpu.memref_squeeze %dma_wait3A_241 : memref<1x200x64xf32, #tpu.memory_space<vmem>> -> memref<200x64xf32, #tpu.memory_space<vmem>>
        tpu.wait_dma2 semaphore(%run_scoped3A_218 : memref<!tpu.dma_semaphore, #tpu.memory_space<semaphore_mem>>) src(%dma_wait3A_242 : memref<200x64xf32, #tpu.memory_space<vmem>>) dst(%dma_wait3A_238 : memref<200x64xf32, #tpu.memory_space<hbm>>)
        tpu.yield
      }) : () -> ()
      %add3A_161 = arith.constant 1 : i32
      %add3A_162 = arith.addi %add3A_154, %add3A_161 : i32
      %mul3A_163 = arith.constant 2 : i32
      %mul3A_164 = arith.muli %add3A_162, %mul3A_163 : i32
      %mul3A_165 = arith.constant 104 : i32
      %mul3A_166 = arith.muli %mul3A_164, %mul3A_165 : i32
      %run_scoped3A_167 = arith.constant 0 : i32
      "tpu.region"() ({
        %run_scoped3A_218 = tpu.sem_alloc : memref<!tpu.dma_semaphore, #tpu.memory_space<semaphore_mem>>
        %dma_start3A_219 = arith.constant 200 : i32
        %dma_start3A_220 = arith.constant 0 : i32
        %dma_start3A_221 = tpu.memref_slice %arg6[%run_scoped3A_167, %dma_start3A_219, %dma_start3A_220] : memref<2x400x64xf32, #tpu.memory_space<vmem>> -> memref<1x200x64xf32, #tpu.memory_space<vmem>>
        %dma_start3A_222 = tpu.memref_squeeze %dma_start3A_221 : memref<1x200x64xf32, #tpu.memory_space<vmem>> -> memref<200x64xf32, #tpu.memory_space<vmem>>
        %dma_start3A_223 = arith.constant 0 : i32
        %dma_start3A_224 = tpu.memref_slice %arg4[%mul3A_166, %dma_start3A_223] : memref<212992x64xf32, #tpu.memory_space<hbm>> -> memref<200x64xf32, #tpu.memory_space<hbm>>
        %dma_start3A_225 = arith.constant 0 : i32
        %dma_start3A_226 = tpu.memref_slice %arg4[%mul3A_166, %dma_start3A_225] : memref<212992x64xf32, #tpu.memory_space<hbm>> -> memref<200x64xf32, #tpu.memory_space<hbm>>
        %dma_start3A_227 = arith.constant 200 : i32
        %dma_start3A_228 = arith.constant 0 : i32
        %dma_start3A_229 = tpu.memref_slice %arg6[%run_scoped3A_167, %dma_start3A_227, %dma_start3A_228] : memref<2x400x64xf32, #tpu.memory_space<vmem>> -> memref<1x200x64xf32, #tpu.memory_space<vmem>>
        %dma_start3A_230 = tpu.memref_squeeze %dma_start3A_229 : memref<1x200x64xf32, #tpu.memory_space<vmem>> -> memref<200x64xf32, #tpu.memory_space<vmem>>
        tpu.enqueue_dma source(%dma_start3A_230 : memref<200x64xf32, #tpu.memory_space<vmem>>) target(%dma_start3A_226 : memref<200x64xf32, #tpu.memory_space<hbm>>) target_semaphore(%run_scoped3A_218 : memref<!tpu.dma_semaphore, #tpu.memory_space<semaphore_mem>>)
        %dma_wait3A_231 = arith.constant 200 : i32
        %dma_wait3A_232 = arith.constant 0 : i32
        %dma_wait3A_233 = tpu.memref_slice %arg6[%run_scoped3A_167, %dma_wait3A_231, %dma_wait3A_232] : memref<2x400x64xf32, #tpu.memory_space<vmem>> -> memref<1x200x64xf32, #tpu.memory_space<vmem>>
        %dma_wait3A_234 = tpu.memref_squeeze %dma_wait3A_233 : memref<1x200x64xf32, #tpu.memory_space<vmem>> -> memref<200x64xf32, #tpu.memory_space<vmem>>
        %dma_wait3A_235 = arith.constant 0 : i32
        %dma_wait3A_236 = tpu.memref_slice %arg4[%mul3A_166, %dma_wait3A_235] : memref<212992x64xf32, #tpu.memory_space<hbm>> -> memref<200x64xf32, #tpu.memory_space<hbm>>
        %dma_wait3A_237 = arith.constant 0 : i32
        %dma_wait3A_238 = tpu.memref_slice %arg4[%mul3A_166, %dma_wait3A_237] : memref<212992x64xf32, #tpu.memory_space<hbm>> -> memref<200x64xf32, #tpu.memory_space<hbm>>
        %dma_wait3A_239 = arith.constant 200 : i32
        %dma_wait3A_240 = arith.constant 0 : i32
        %dma_wait3A_241 = tpu.memref_slice %arg6[%run_scoped3A_167, %dma_wait3A_239, %dma_wait3A_240] : memref<2x400x64xf32, #tpu.memory_space<vmem>> -> memref<1x200x64xf32, #tpu.memory_space<vmem>>
        %dma_wait3A_242 = tpu.memref_squeeze %dma_wait3A_241 : memref<1x200x64xf32, #tpu.memory_space<vmem>> -> memref<200x64xf32, #tpu.memory_space<vmem>>
        tpu.wait_dma2 semaphore(%run_scoped3A_218 : memref<!tpu.dma_semaphore, #tpu.memory_space<semaphore_mem>>) src(%dma_wait3A_242 : memref<200x64xf32, #tpu.memory_space<vmem>>) dst(%dma_wait3A_238 : memref<200x64xf32, #tpu.memory_space<hbm>>)
        tpu.yield
      }) : () -> ()
      %add3A_168 = arith.constant 2 : i32
      %add3A_169 = arith.addi %add3A_132, %add3A_168 : i32
      %lt3A = arith.constant 16 : i32
      %lt3A_170 = arith.cmpi slt, %add3A_169, %lt3A : i32
      %convert_element_type3A = arith.extui %lt3A_170 : i1 to i32
      %cond3A = arith.constant 0 : i32
      %cond3A_171 = arith.cmpi ne, %convert_element_type3A, %cond3A : i32
      scf.if %cond3A_171 {
        %add3A_218 = arith.constant 2 : i32
        %add3A_219 = arith.addi %add3A_132, %add3A_218 : i32
        %mul3A_220 = arith.constant 4 : i32
        %mul3A_221 = arith.muli %add3A_219, %mul3A_220 : i32
        %add3A_222 = arith.constant 0 : i32
        %add3A_223 = arith.addi %mul3A_221, %add3A_222 : i32
        %dma_start3A_224 = arith.constant 0 : i32
        %dma_start3A_225 = arith.constant 0 : i32
        %dma_start3A_226 = arith.constant 0 : i32
        %dma_start3A_227 = arith.constant 0 : i32
        %dma_start3A_228 = tpu.memref_slice %arg6[%dma_start3A_224, %dma_start3A_226, %dma_start3A_227] : memref<2x400x64xf32, #tpu.memory_space<vmem>> -> memref<1x100x64xf32, #tpu.memory_space<vmem>>
        %dma_start3A_229 = tpu.memref_squeeze %dma_start3A_228 : memref<1x100x64xf32, #tpu.memory_space<vmem>> -> memref<100x64xf32, #tpu.memory_space<vmem>>
        %dma_start3A_230 = arith.constant 0 : i32
        %dma_start3A_231 = tpu.memref_slice %arg5[%add3A_223, %dma_start3A_230] : memref<64x100xi32, #tpu.memory_space<vmem>> -> memref<1x100xi32, #tpu.memory_space<vmem>>
        %dma_start3A_232 = tpu.memref_squeeze %dma_start3A_231 : memref<1x100xi32, #tpu.memory_space<vmem>> -> memref<100xi32, #tpu.memory_space<vmem>>
        %dma_start3A_233 = arith.constant 0 : i32
        %dma_start3A_234 = arith.constant 0 : i32
        %dma_start3A_235 = tpu.memref_slice %arg3[%dma_start3A_233, %dma_start3A_234] : memref<1000000x64xf32, #tpu.memory_space<hbm>> -> memref<1000000x64xf32, #tpu.memory_space<hbm>>
        %dma_start3A_236 = tpu.memref_slice %arg7[%dma_start3A_225] : memref<2x!tpu.dma_semaphore, #tpu.memory_space<semaphore_mem>> -> memref<1x!tpu.dma_semaphore, #tpu.memory_space<semaphore_mem>>
        %dma_start3A_237 = tpu.memref_squeeze %dma_start3A_236 : memref<1x!tpu.dma_semaphore, #tpu.memory_space<semaphore_mem>> -> memref<!tpu.dma_semaphore, #tpu.memory_space<semaphore_mem>>
        tpu.enqueue_indirect_dma source(%dma_start3A_235 : memref<1000000x64xf32, #tpu.memory_space<hbm>>) target(%dma_start3A_229 : memref<100x64xf32, #tpu.memory_space<vmem>>) offsets(%dma_start3A_232 : memref<100xi32, #tpu.memory_space<vmem>>) semaphore(%dma_start3A_237 : memref<!tpu.dma_semaphore, #tpu.memory_space<semaphore_mem>>)
        %mul3A_238 = arith.constant 4 : i32
        %mul3A_239 = arith.muli %add3A_219, %mul3A_238 : i32
        %add3A_240 = arith.constant 1 : i32
        %add3A_241 = arith.addi %mul3A_239, %add3A_240 : i32
        %dma_start3A_242 = arith.constant 0 : i32
        %dma_start3A_243 = arith.constant 0 : i32
        %dma_start3A_244 = arith.constant 100 : i32
        %dma_start3A_245 = arith.constant 0 : i32
        %dma_start3A_246 = tpu.memref_slice %arg6[%dma_start3A_242, %dma_start3A_244, %dma_start3A_245] : memref<2x400x64xf32, #tpu.memory_space<vmem>> -> memref<1x100x64xf32, #tpu.memory_space<vmem>>
        %dma_start3A_247 = tpu.memref_squeeze %dma_start3A_246 : memref<1x100x64xf32, #tpu.memory_space<vmem>> -> memref<100x64xf32, #tpu.memory_space<vmem>>
        %dma_start3A_248 = arith.constant 0 : i32
        %dma_start3A_249 = tpu.memref_slice %arg5[%add3A_241, %dma_start3A_248] : memref<64x100xi32, #tpu.memory_space<vmem>> -> memref<1x100xi32, #tpu.memory_space<vmem>>
        %dma_start3A_250 = tpu.memref_squeeze %dma_start3A_249 : memref<1x100xi32, #tpu.memory_space<vmem>> -> memref<100xi32, #tpu.memory_space<vmem>>
        %dma_start3A_251 = arith.constant 0 : i32
        %dma_start3A_252 = arith.constant 0 : i32
        %dma_start3A_253 = tpu.memref_slice %arg3[%dma_start3A_251, %dma_start3A_252] : memref<1000000x64xf32, #tpu.memory_space<hbm>> -> memref<1000000x64xf32, #tpu.memory_space<hbm>>
        %dma_start3A_254 = tpu.memref_slice %arg7[%dma_start3A_243] : memref<2x!tpu.dma_semaphore, #tpu.memory_space<semaphore_mem>> -> memref<1x!tpu.dma_semaphore, #tpu.memory_space<semaphore_mem>>
        %dma_start3A_255 = tpu.memref_squeeze %dma_start3A_254 : memref<1x!tpu.dma_semaphore, #tpu.memory_space<semaphore_mem>> -> memref<!tpu.dma_semaphore, #tpu.memory_space<semaphore_mem>>
        tpu.enqueue_indirect_dma source(%dma_start3A_253 : memref<1000000x64xf32, #tpu.memory_space<hbm>>) target(%dma_start3A_247 : memref<100x64xf32, #tpu.memory_space<vmem>>) offsets(%dma_start3A_250 : memref<100xi32, #tpu.memory_space<vmem>>) semaphore(%dma_start3A_255 : memref<!tpu.dma_semaphore, #tpu.memory_space<semaphore_mem>>)
        %mul3A_256 = arith.constant 4 : i32
        %mul3A_257 = arith.muli %add3A_219, %mul3A_256 : i32
        %add3A_258 = arith.constant 2 : i32
        %add3A_259 = arith.addi %mul3A_257, %add3A_258 : i32
        %dma_start3A_260 = arith.constant 0 : i32
        %dma_start3A_261 = arith.constant 0 : i32
        %dma_start3A_262 = arith.constant 200 : i32
        %dma_start3A_263 = arith.constant 0 : i32
        %dma_start3A_264 = tpu.memref_slice %arg6[%dma_start3A_260, %dma_start3A_262, %dma_start3A_263] : memref<2x400x64xf32, #tpu.memory_space<vmem>> -> memref<1x100x64xf32, #tpu.memory_space<vmem>>
        %dma_start3A_265 = tpu.memref_squeeze %dma_start3A_264 : memref<1x100x64xf32, #tpu.memory_space<vmem>> -> memref<100x64xf32, #tpu.memory_space<vmem>>
        %dma_start3A_266 = arith.constant 0 : i32
        %dma_start3A_267 = tpu.memref_slice %arg5[%add3A_259, %dma_start3A_266] : memref<64x100xi32, #tpu.memory_space<vmem>> -> memref<1x100xi32, #tpu.memory_space<vmem>>
        %dma_start3A_268 = tpu.memref_squeeze %dma_start3A_267 : memref<1x100xi32, #tpu.memory_space<vmem>> -> memref<100xi32, #tpu.memory_space<vmem>>
        %dma_start3A_269 = arith.constant 0 : i32
        %dma_start3A_270 = arith.constant 0 : i32
        %dma_start3A_271 = tpu.memref_slice %arg3[%dma_start3A_269, %dma_start3A_270] : memref<1000000x64xf32, #tpu.memory_space<hbm>> -> memref<1000000x64xf32, #tpu.memory_space<hbm>>
        %dma_start3A_272 = tpu.memref_slice %arg7[%dma_start3A_261] : memref<2x!tpu.dma_semaphore, #tpu.memory_space<semaphore_mem>> -> memref<1x!tpu.dma_semaphore, #tpu.memory_space<semaphore_mem>>
        %dma_start3A_273 = tpu.memref_squeeze %dma_start3A_272 : memref<1x!tpu.dma_semaphore, #tpu.memory_space<semaphore_mem>> -> memref<!tpu.dma_semaphore, #tpu.memory_space<semaphore_mem>>
        tpu.enqueue_indirect_dma source(%dma_start3A_271 : memref<1000000x64xf32, #tpu.memory_space<hbm>>) target(%dma_start3A_265 : memref<100x64xf32, #tpu.memory_space<vmem>>) offsets(%dma_start3A_268 : memref<100xi32, #tpu.memory_space<vmem>>) semaphore(%dma_start3A_273 : memref<!tpu.dma_semaphore, #tpu.memory_space<semaphore_mem>>)
        %mul3A_274 = arith.constant 4 : i32
        %mul3A_275 = arith.muli %add3A_219, %mul3A_274 : i32
        %add3A_276 = arith.constant 3 : i32
        %add3A_277 = arith.addi %mul3A_275, %add3A_276 : i32
        %dma_start3A_278 = arith.constant 0 : i32
        %dma_start3A_279 = arith.constant 0 : i32
        %dma_start3A_280 = arith.constant 300 : i32
        %dma_start3A_281 = arith.constant 0 : i32
        %dma_start3A_282 = tpu.memref_slice %arg6[%dma_start3A_278, %dma_start3A_280, %dma_start3A_281] : memref<2x400x64xf32, #tpu.memory_space<vmem>> -> memref<1x100x64xf32, #tpu.memory_space<vmem>>
        %dma_start3A_283 = tpu.memref_squeeze %dma_start3A_282 : memref<1x100x64xf32, #tpu.memory_space<vmem>> -> memref<100x64xf32, #tpu.memory_space<vmem>>
        %dma_start3A_284 = arith.constant 0 : i32
        %dma_start3A_285 = tpu.memref_slice %arg5[%add3A_277, %dma_start3A_284] : memref<64x100xi32, #tpu.memory_space<vmem>> -> memref<1x100xi32, #tpu.memory_space<vmem>>
        %dma_start3A_286 = tpu.memref_squeeze %dma_start3A_285 : memref<1x100xi32, #tpu.memory_space<vmem>> -> memref<100xi32, #tpu.memory_space<vmem>>
        %dma_start3A_287 = arith.constant 0 : i32
        %dma_start3A_288 = arith.constant 0 : i32
        %dma_start3A_289 = tpu.memref_slice %arg3[%dma_start3A_287, %dma_start3A_288] : memref<1000000x64xf32, #tpu.memory_space<hbm>> -> memref<1000000x64xf32, #tpu.memory_space<hbm>>
        %dma_start3A_290 = tpu.memref_slice %arg7[%dma_start3A_279] : memref<2x!tpu.dma_semaphore, #tpu.memory_space<semaphore_mem>> -> memref<1x!tpu.dma_semaphore, #tpu.memory_space<semaphore_mem>>
        %dma_start3A_291 = tpu.memref_squeeze %dma_start3A_290 : memref<1x!tpu.dma_semaphore, #tpu.memory_space<semaphore_mem>> -> memref<!tpu.dma_semaphore, #tpu.memory_space<semaphore_mem>>
        tpu.enqueue_indirect_dma source(%dma_start3A_289 : memref<1000000x64xf32, #tpu.memory_space<hbm>>) target(%dma_start3A_283 : memref<100x64xf32, #tpu.memory_space<vmem>>) offsets(%dma_start3A_286 : memref<100xi32, #tpu.memory_space<vmem>>) semaphore(%dma_start3A_291 : memref<!tpu.dma_semaphore, #tpu.memory_space<semaphore_mem>>)
      } else {
      }
      %add3A_172 = arith.constant 1 : i32
      %add3A_173 = arith.addi %add3A_130, %add3A_172 : i32
      %dma_wait3A_174 = arith.constant 1 : i32
      %dma_wait3A_175 = arith.constant 1 : i32
      %dma_wait3A_176 = arith.constant 0 : i32
      %dma_wait3A_177 = arith.constant 0 : i32
      %dma_wait3A_178 = tpu.memref_slice %arg6[%dma_wait3A_174, %dma_wait3A_176, %dma_wait3A_177] : memref<2x400x64xf32, #tpu.memory_space<vmem>> -> memref<1x400x64xf32, #tpu.memory_space<vmem>>
      %dma_wait3A_179 = tpu.memref_squeeze %dma_wait3A_178 : memref<1x400x64xf32, #tpu.memory_space<vmem>> -> memref<400x64xf32, #tpu.memory_space<vmem>>
      %dma_wait3A_180 = arith.constant 0 : i32
      %dma_wait3A_181 = arith.constant 0 : i32
      %dma_wait3A_182 = tpu.memref_slice %arg3[%dma_wait3A_180, %dma_wait3A_181] : memref<1000000x64xf32, #tpu.memory_space<hbm>> -> memref<400x64xf32, #tpu.memory_space<hbm>>
      %dma_wait3A_183 = tpu.memref_slice %arg7[%dma_wait3A_175] : memref<2x!tpu.dma_semaphore, #tpu.memory_space<semaphore_mem>> -> memref<1x!tpu.dma_semaphore, #tpu.memory_space<semaphore_mem>>
      %dma_wait3A_184 = tpu.memref_squeeze %dma_wait3A_183 : memref<1x!tpu.dma_semaphore, #tpu.memory_space<semaphore_mem>> -> memref<!tpu.dma_semaphore, #tpu.memory_space<semaphore_mem>>
      %dma_wait3A_185 = arith.constant 0 : i32
      %dma_wait3A_186 = arith.constant 0 : i32
      %dma_wait3A_187 = tpu.memref_slice %arg6[%dma_wait3A_174, %dma_wait3A_185, %dma_wait3A_186] : memref<2x400x64xf32, #tpu.memory_space<vmem>> -> memref<1x400x64xf32, #tpu.memory_space<vmem>>
      %dma_wait3A_188 = tpu.memref_squeeze %dma_wait3A_187 : memref<1x400x64xf32, #tpu.memory_space<vmem>> -> memref<400x64xf32, #tpu.memory_space<vmem>>
      %dma_wait3A_189 = arith.constant 0 : i32
      %dma_wait3A_190 = arith.constant 0 : i32
      %dma_wait3A_191 = tpu.memref_slice %arg3[%dma_wait3A_189, %dma_wait3A_190] : memref<1000000x64xf32, #tpu.memory_space<hbm>> -> memref<400x64xf32, #tpu.memory_space<hbm>>
      tpu.wait_dma2 semaphore(%dma_wait3A_184 : memref<!tpu.dma_semaphore, #tpu.memory_space<semaphore_mem>>) src(%dma_wait3A_191 : memref<400x64xf32, #tpu.memory_space<hbm>>) dst(%dma_wait3A_188 : memref<400x64xf32, #tpu.memory_space<vmem>>)
      %mul3A_192 = arith.constant 32 : i32
      %mul3A_193 = arith.muli %add3A, %mul3A_192 : i32
      %mul3A_194 = arith.constant 2 : i32
      %mul3A_195 = arith.muli %add3A_173, %mul3A_194 : i32
      %add3A_196 = arith.addi %mul3A_193, %mul3A_195 : i32
      %add3A_197 = arith.constant 0 : i32
      %add3A_198 = arith.addi %add3A_196, %add3A_197 : i32
      %mul3A_199 = arith.constant 2 : i32
      %mul3A_200 = arith.muli %add3A_198, %mul3A_199 : i32
      %mul3A_201 = arith.constant 104 : i32
      %mul3A_202 = arith.muli %mul3A_200, %mul3A_201 : i32
      %run_scoped3A_203 = arith.constant 1 : i32
      "tpu.region"() ({
        %run_scoped3A_218 = tpu.sem_alloc : memref<!tpu.dma_semaphore, #tpu.memory_space<semaphore_mem>>
        %dma_start3A_219 = arith.constant 0 : i32
        %dma_start3A_220 = arith.constant 0 : i32
        %dma_start3A_221 = tpu.memref_slice %arg6[%run_scoped3A_203, %dma_start3A_219, %dma_start3A_220] : memref<2x400x64xf32, #tpu.memory_space<vmem>> -> memref<1x200x64xf32, #tpu.memory_space<vmem>>
        %dma_start3A_222 = tpu.memref_squeeze %dma_start3A_221 : memref<1x200x64xf32, #tpu.memory_space<vmem>> -> memref<200x64xf32, #tpu.memory_space<vmem>>
        %dma_start3A_223 = arith.constant 0 : i32
        %dma_start3A_224 = tpu.memref_slice %arg4[%mul3A_202, %dma_start3A_223] : memref<212992x64xf32, #tpu.memory_space<hbm>> -> memref<200x64xf32, #tpu.memory_space<hbm>>
        %dma_start3A_225 = arith.constant 0 : i32
        %dma_start3A_226 = tpu.memref_slice %arg4[%mul3A_202, %dma_start3A_225] : memref<212992x64xf32, #tpu.memory_space<hbm>> -> memref<200x64xf32, #tpu.memory_space<hbm>>
        %dma_start3A_227 = arith.constant 0 : i32
        %dma_start3A_228 = arith.constant 0 : i32
        %dma_start3A_229 = tpu.memref_slice %arg6[%run_scoped3A_203, %dma_start3A_227, %dma_start3A_228] : memref<2x400x64xf32, #tpu.memory_space<vmem>> -> memref<1x200x64xf32, #tpu.memory_space<vmem>>
        %dma_start3A_230 = tpu.memref_squeeze %dma_start3A_229 : memref<1x200x64xf32, #tpu.memory_space<vmem>> -> memref<200x64xf32, #tpu.memory_space<vmem>>
        tpu.enqueue_dma source(%dma_start3A_230 : memref<200x64xf32, #tpu.memory_space<vmem>>) target(%dma_start3A_226 : memref<200x64xf32, #tpu.memory_space<hbm>>) target_semaphore(%run_scoped3A_218 : memref<!tpu.dma_semaphore, #tpu.memory_space<semaphore_mem>>)
        %dma_wait3A_231 = arith.constant 0 : i32
        %dma_wait3A_232 = arith.constant 0 : i32
        %dma_wait3A_233 = tpu.memref_slice %arg6[%run_scoped3A_203, %dma_wait3A_231, %dma_wait3A_232] : memref<2x400x64xf32, #tpu.memory_space<vmem>> -> memref<1x200x64xf32, #tpu.memory_space<vmem>>
        %dma_wait3A_234 = tpu.memref_squeeze %dma_wait3A_233 : memref<1x200x64xf32, #tpu.memory_space<vmem>> -> memref<200x64xf32, #tpu.memory_space<vmem>>
        %dma_wait3A_235 = arith.constant 0 : i32
        %dma_wait3A_236 = tpu.memref_slice %arg4[%mul3A_202, %dma_wait3A_235] : memref<212992x64xf32, #tpu.memory_space<hbm>> -> memref<200x64xf32, #tpu.memory_space<hbm>>
        %dma_wait3A_237 = arith.constant 0 : i32
        %dma_wait3A_238 = tpu.memref_slice %arg4[%mul3A_202, %dma_wait3A_237] : memref<212992x64xf32, #tpu.memory_space<hbm>> -> memref<200x64xf32, #tpu.memory_space<hbm>>
        %dma_wait3A_239 = arith.constant 0 : i32
        %dma_wait3A_240 = arith.constant 0 : i32
        %dma_wait3A_241 = tpu.memref_slice %arg6[%run_scoped3A_203, %dma_wait3A_239, %dma_wait3A_240] : memref<2x400x64xf32, #tpu.memory_space<vmem>> -> memref<1x200x64xf32, #tpu.memory_space<vmem>>
        %dma_wait3A_242 = tpu.memref_squeeze %dma_wait3A_241 : memref<1x200x64xf32, #tpu.memory_space<vmem>> -> memref<200x64xf32, #tpu.memory_space<vmem>>
        tpu.wait_dma2 semaphore(%run_scoped3A_218 : memref<!tpu.dma_semaphore, #tpu.memory_space<semaphore_mem>>) src(%dma_wait3A_242 : memref<200x64xf32, #tpu.memory_space<vmem>>) dst(%dma_wait3A_238 : memref<200x64xf32, #tpu.memory_space<hbm>>)
        tpu.yield
      }) : () -> ()
      %add3A_204 = arith.constant 1 : i32
      %add3A_205 = arith.addi %add3A_196, %add3A_204 : i32
      %mul3A_206 = arith.constant 2 : i32
      %mul3A_207 = arith.muli %add3A_205, %mul3A_206 : i32
      %mul3A_208 = arith.constant 104 : i32
      %mul3A_209 = arith.muli %mul3A_207, %mul3A_208 : i32
      %run_scoped3A_210 = arith.constant 1 : i32
      "tpu.region"() ({
        %run_scoped3A_218 = tpu.sem_alloc : memref<!tpu.dma_semaphore, #tpu.memory_space<semaphore_mem>>
        %dma_start3A_219 = arith.constant 200 : i32
        %dma_start3A_220 = arith.constant 0 : i32
        %dma_start3A_221 = tpu.memref_slice %arg6[%run_scoped3A_210, %dma_start3A_219, %dma_start3A_220] : memref<2x400x64xf32, #tpu.memory_space<vmem>> -> memref<1x200x64xf32, #tpu.memory_space<vmem>>
        %dma_start3A_222 = tpu.memref_squeeze %dma_start3A_221 : memref<1x200x64xf32, #tpu.memory_space<vmem>> -> memref<200x64xf32, #tpu.memory_space<vmem>>
        %dma_start3A_223 = arith.constant 0 : i32
        %dma_start3A_224 = tpu.memref_slice %arg4[%mul3A_209, %dma_start3A_223] : memref<212992x64xf32, #tpu.memory_space<hbm>> -> memref<200x64xf32, #tpu.memory_space<hbm>>
        %dma_start3A_225 = arith.constant 0 : i32
        %dma_start3A_226 = tpu.memref_slice %arg4[%mul3A_209, %dma_start3A_225] : memref<212992x64xf32, #tpu.memory_space<hbm>> -> memref<200x64xf32, #tpu.memory_space<hbm>>
        %dma_start3A_227 = arith.constant 200 : i32
        %dma_start3A_228 = arith.constant 0 : i32
        %dma_start3A_229 = tpu.memref_slice %arg6[%run_scoped3A_210, %dma_start3A_227, %dma_start3A_228] : memref<2x400x64xf32, #tpu.memory_space<vmem>> -> memref<1x200x64xf32, #tpu.memory_space<vmem>>
        %dma_start3A_230 = tpu.memref_squeeze %dma_start3A_229 : memref<1x200x64xf32, #tpu.memory_space<vmem>> -> memref<200x64xf32, #tpu.memory_space<vmem>>
        tpu.enqueue_dma source(%dma_start3A_230 : memref<200x64xf32, #tpu.memory_space<vmem>>) target(%dma_start3A_226 : memref<200x64xf32, #tpu.memory_space<hbm>>) target_semaphore(%run_scoped3A_218 : memref<!tpu.dma_semaphore, #tpu.memory_space<semaphore_mem>>)
        %dma_wait3A_231 = arith.constant 200 : i32
        %dma_wait3A_232 = arith.constant 0 : i32
        %dma_wait3A_233 = tpu.memref_slice %arg6[%run_scoped3A_210, %dma_wait3A_231, %dma_wait3A_232] : memref<2x400x64xf32, #tpu.memory_space<vmem>> -> memref<1x200x64xf32, #tpu.memory_space<vmem>>
        %dma_wait3A_234 = tpu.memref_squeeze %dma_wait3A_233 : memref<1x200x64xf32, #tpu.memory_space<vmem>> -> memref<200x64xf32, #tpu.memory_space<vmem>>
        %dma_wait3A_235 = arith.constant 0 : i32
        %dma_wait3A_236 = tpu.memref_slice %arg4[%mul3A_209, %dma_wait3A_235] : memref<212992x64xf32, #tpu.memory_space<hbm>> -> memref<200x64xf32, #tpu.memory_space<hbm>>
        %dma_wait3A_237 = arith.constant 0 : i32
        %dma_wait3A_238 = tpu.memref_slice %arg4[%mul3A_209, %dma_wait3A_237] : memref<212992x64xf32, #tpu.memory_space<hbm>> -> memref<200x64xf32, #tpu.memory_space<hbm>>
        %dma_wait3A_239 = arith.constant 200 : i32
        %dma_wait3A_240 = arith.constant 0 : i32
        %dma_wait3A_241 = tpu.memref_slice %arg6[%run_scoped3A_210, %dma_wait3A_239, %dma_wait3A_240] : memref<2x400x64xf32, #tpu.memory_space<vmem>> -> memref<1x200x64xf32, #tpu.memory_space<vmem>>
        %dma_wait3A_242 = tpu.memref_squeeze %dma_wait3A_241 : memref<1x200x64xf32, #tpu.memory_space<vmem>> -> memref<200x64xf32, #tpu.memory_space<vmem>>
        tpu.wait_dma2 semaphore(%run_scoped3A_218 : memref<!tpu.dma_semaphore, #tpu.memory_space<semaphore_mem>>) src(%dma_wait3A_242 : memref<200x64xf32, #tpu.memory_space<vmem>>) dst(%dma_wait3A_238 : memref<200x64xf32, #tpu.memory_space<hbm>>)
        tpu.yield
      }) : () -> ()
      %add3A_211 = arith.constant 2 : i32
      %add3A_212 = arith.addi %add3A_173, %add3A_211 : i32
      %lt3A_213 = arith.constant 16 : i32
      %lt3A_214 = arith.cmpi slt, %add3A_212, %lt3A_213 : i32
      %convert_element_type3A_215 = arith.extui %lt3A_214 : i1 to i32
      %cond3A_216 = arith.constant 0 : i32
      %cond3A_217 = arith.cmpi ne, %convert_element_type3A_215, %cond3A_216 : i32
      scf.if %cond3A_217 {
        %add3A_218 = arith.constant 2 : i32
        %add3A_219 = arith.addi %add3A_173, %add3A_218 : i32
        %mul3A_220 = arith.constant 4 : i32
        %mul3A_221 = arith.muli %add3A_219, %mul3A_220 : i32
        %add3A_222 = arith.constant 0 : i32
        %add3A_223 = arith.addi %mul3A_221, %add3A_222 : i32
        %dma_start3A_224 = arith.constant 1 : i32
        %dma_start3A_225 = arith.constant 1 : i32
        %dma_start3A_226 = arith.constant 0 : i32
        %dma_start3A_227 = arith.constant 0 : i32
        %dma_start3A_228 = tpu.memref_slice %arg6[%dma_start3A_224, %dma_start3A_226, %dma_start3A_227] : memref<2x400x64xf32, #tpu.memory_space<vmem>> -> memref<1x100x64xf32, #tpu.memory_space<vmem>>
        %dma_start3A_229 = tpu.memref_squeeze %dma_start3A_228 : memref<1x100x64xf32, #tpu.memory_space<vmem>> -> memref<100x64xf32, #tpu.memory_space<vmem>>
        %dma_start3A_230 = arith.constant 0 : i32
        %dma_start3A_231 = tpu.memref_slice %arg5[%add3A_223, %dma_start3A_230] : memref<64x100xi32, #tpu.memory_space<vmem>> -> memref<1x100xi32, #tpu.memory_space<vmem>>
        %dma_start3A_232 = tpu.memref_squeeze %dma_start3A_231 : memref<1x100xi32, #tpu.memory_space<vmem>> -> memref<100xi32, #tpu.memory_space<vmem>>
        %dma_start3A_233 = arith.constant 0 : i32
        %dma_start3A_234 = arith.constant 0 : i32
        %dma_start3A_235 = tpu.memref_slice %arg3[%dma_start3A_233, %dma_start3A_234] : memref<1000000x64xf32, #tpu.memory_space<hbm>> -> memref<1000000x64xf32, #tpu.memory_space<hbm>>
        %dma_start3A_236 = tpu.memref_slice %arg7[%dma_start3A_225] : memref<2x!tpu.dma_semaphore, #tpu.memory_space<semaphore_mem>> -> memref<1x!tpu.dma_semaphore, #tpu.memory_space<semaphore_mem>>
        %dma_start3A_237 = tpu.memref_squeeze %dma_start3A_236 : memref<1x!tpu.dma_semaphore, #tpu.memory_space<semaphore_mem>> -> memref<!tpu.dma_semaphore, #tpu.memory_space<semaphore_mem>>
        tpu.enqueue_indirect_dma source(%dma_start3A_235 : memref<1000000x64xf32, #tpu.memory_space<hbm>>) target(%dma_start3A_229 : memref<100x64xf32, #tpu.memory_space<vmem>>) offsets(%dma_start3A_232 : memref<100xi32, #tpu.memory_space<vmem>>) semaphore(%dma_start3A_237 : memref<!tpu.dma_semaphore, #tpu.memory_space<semaphore_mem>>)
        %mul3A_238 = arith.constant 4 : i32
        %mul3A_239 = arith.muli %add3A_219, %mul3A_238 : i32
        %add3A_240 = arith.constant 1 : i32
        %add3A_241 = arith.addi %mul3A_239, %add3A_240 : i32
        %dma_start3A_242 = arith.constant 1 : i32
        %dma_start3A_243 = arith.constant 1 : i32
        %dma_start3A_244 = arith.constant 100 : i32
        %dma_start3A_245 = arith.constant 0 : i32
        %dma_start3A_246 = tpu.memref_slice %arg6[%dma_start3A_242, %dma_start3A_244, %dma_start3A_245] : memref<2x400x64xf32, #tpu.memory_space<vmem>> -> memref<1x100x64xf32, #tpu.memory_space<vmem>>
        %dma_start3A_247 = tpu.memref_squeeze %dma_start3A_246 : memref<1x100x64xf32, #tpu.memory_space<vmem>> -> memref<100x64xf32, #tpu.memory_space<vmem>>
        %dma_start3A_248 = arith.constant 0 : i32
        %dma_start3A_249 = tpu.memref_slice %arg5[%add3A_241, %dma_start3A_248] : memref<64x100xi32, #tpu.memory_space<vmem>> -> memref<1x100xi32, #tpu.memory_space<vmem>>
        %dma_start3A_250 = tpu.memref_squeeze %dma_start3A_249 : memref<1x100xi32, #tpu.memory_space<vmem>> -> memref<100xi32, #tpu.memory_space<vmem>>
        %dma_start3A_251 = arith.constant 0 : i32
        %dma_start3A_252 = arith.constant 0 : i32
        %dma_start3A_253 = tpu.memref_slice %arg3[%dma_start3A_251, %dma_start3A_252] : memref<1000000x64xf32, #tpu.memory_space<hbm>> -> memref<1000000x64xf32, #tpu.memory_space<hbm>>
        %dma_start3A_254 = tpu.memref_slice %arg7[%dma_start3A_243] : memref<2x!tpu.dma_semaphore, #tpu.memory_space<semaphore_mem>> -> memref<1x!tpu.dma_semaphore, #tpu.memory_space<semaphore_mem>>
        %dma_start3A_255 = tpu.memref_squeeze %dma_start3A_254 : memref<1x!tpu.dma_semaphore, #tpu.memory_space<semaphore_mem>> -> memref<!tpu.dma_semaphore, #tpu.memory_space<semaphore_mem>>
        tpu.enqueue_indirect_dma source(%dma_start3A_253 : memref<1000000x64xf32, #tpu.memory_space<hbm>>) target(%dma_start3A_247 : memref<100x64xf32, #tpu.memory_space<vmem>>) offsets(%dma_start3A_250 : memref<100xi32, #tpu.memory_space<vmem>>) semaphore(%dma_start3A_255 : memref<!tpu.dma_semaphore, #tpu.memory_space<semaphore_mem>>)
        %mul3A_256 = arith.constant 4 : i32
        %mul3A_257 = arith.muli %add3A_219, %mul3A_256 : i32
        %add3A_258 = arith.constant 2 : i32
        %add3A_259 = arith.addi %mul3A_257, %add3A_258 : i32
        %dma_start3A_260 = arith.constant 1 : i32
        %dma_start3A_261 = arith.constant 1 : i32
        %dma_start3A_262 = arith.constant 200 : i32
        %dma_start3A_263 = arith.constant 0 : i32
        %dma_start3A_264 = tpu.memref_slice %arg6[%dma_start3A_260, %dma_start3A_262, %dma_start3A_263] : memref<2x400x64xf32, #tpu.memory_space<vmem>> -> memref<1x100x64xf32, #tpu.memory_space<vmem>>
        %dma_start3A_265 = tpu.memref_squeeze %dma_start3A_264 : memref<1x100x64xf32, #tpu.memory_space<vmem>> -> memref<100x64xf32, #tpu.memory_space<vmem>>
        %dma_start3A_266 = arith.constant 0 : i32
        %dma_start3A_267 = tpu.memref_slice %arg5[%add3A_259, %dma_start3A_266] : memref<64x100xi32, #tpu.memory_space<vmem>> -> memref<1x100xi32, #tpu.memory_space<vmem>>
        %dma_start3A_268 = tpu.memref_squeeze %dma_start3A_267 : memref<1x100xi32, #tpu.memory_space<vmem>> -> memref<100xi32, #tpu.memory_space<vmem>>
        %dma_start3A_269 = arith.constant 0 : i32
        %dma_start3A_270 = arith.constant 0 : i32
        %dma_start3A_271 = tpu.memref_slice %arg3[%dma_start3A_269, %dma_start3A_270] : memref<1000000x64xf32, #tpu.memory_space<hbm>> -> memref<1000000x64xf32, #tpu.memory_space<hbm>>
        %dma_start3A_272 = tpu.memref_slice %arg7[%dma_start3A_261] : memref<2x!tpu.dma_semaphore, #tpu.memory_space<semaphore_mem>> -> memref<1x!tpu.dma_semaphore, #tpu.memory_space<semaphore_mem>>
        %dma_start3A_273 = tpu.memref_squeeze %dma_start3A_272 : memref<1x!tpu.dma_semaphore, #tpu.memory_space<semaphore_mem>> -> memref<!tpu.dma_semaphore, #tpu.memory_space<semaphore_mem>>
        tpu.enqueue_indirect_dma source(%dma_start3A_271 : memref<1000000x64xf32, #tpu.memory_space<hbm>>) target(%dma_start3A_265 : memref<100x64xf32, #tpu.memory_space<vmem>>) offsets(%dma_start3A_268 : memref<100xi32, #tpu.memory_space<vmem>>) semaphore(%dma_start3A_273 : memref<!tpu.dma_semaphore, #tpu.memory_space<semaphore_mem>>)
        %mul3A_274 = arith.constant 4 : i32
        %mul3A_275 = arith.muli %add3A_219, %mul3A_274 : i32
        %add3A_276 = arith.constant 3 : i32
        %add3A_277 = arith.addi %mul3A_275, %add3A_276 : i32
        %dma_start3A_278 = arith.constant 1 : i32
        %dma_start3A_279 = arith.constant 1 : i32
        %dma_start3A_280 = arith.constant 300 : i32
        %dma_start3A_281 = arith.constant 0 : i32
        %dma_start3A_282 = tpu.memref_slice %arg6[%dma_start3A_278, %dma_start3A_280, %dma_start3A_281] : memref<2x400x64xf32, #tpu.memory_space<vmem>> -> memref<1x100x64xf32, #tpu.memory_space<vmem>>
        %dma_start3A_283 = tpu.memref_squeeze %dma_start3A_282 : memref<1x100x64xf32, #tpu.memory_space<vmem>> -> memref<100x64xf32, #tpu.memory_space<vmem>>
        %dma_start3A_284 = arith.constant 0 : i32
        %dma_start3A_285 = tpu.memref_slice %arg5[%add3A_277, %dma_start3A_284] : memref<64x100xi32, #tpu.memory_space<vmem>> -> memref<1x100xi32, #tpu.memory_space<vmem>>
        %dma_start3A_286 = tpu.memref_squeeze %dma_start3A_285 : memref<1x100xi32, #tpu.memory_space<vmem>> -> memref<100xi32, #tpu.memory_space<vmem>>
        %dma_start3A_287 = arith.constant 0 : i32
        %dma_start3A_288 = arith.constant 0 : i32
        %dma_start3A_289 = tpu.memref_slice %arg3[%dma_start3A_287, %dma_start3A_288] : memref<1000000x64xf32, #tpu.memory_space<hbm>> -> memref<1000000x64xf32, #tpu.memory_space<hbm>>
        %dma_start3A_290 = tpu.memref_slice %arg7[%dma_start3A_279] : memref<2x!tpu.dma_semaphore, #tpu.memory_space<semaphore_mem>> -> memref<1x!tpu.dma_semaphore, #tpu.memory_space<semaphore_mem>>
        %dma_start3A_291 = tpu.memref_squeeze %dma_start3A_290 : memref<1x!tpu.dma_semaphore, #tpu.memory_space<semaphore_mem>> -> memref<!tpu.dma_semaphore, #tpu.memory_space<semaphore_mem>>
        tpu.enqueue_indirect_dma source(%dma_start3A_289 : memref<1000000x64xf32, #tpu.memory_space<hbm>>) target(%dma_start3A_283 : memref<100x64xf32, #tpu.memory_space<vmem>>) offsets(%dma_start3A_286 : memref<100xi32, #tpu.memory_space<vmem>>) semaphore(%dma_start3A_291 : memref<!tpu.dma_semaphore, #tpu.memory_space<semaphore_mem>>)
      } else {
      }
    }
    %scan3A_125 = arith.constant 8 : i32
    return
  }
}

module attributes {stable_mosaic.version = 14 : i64} {
  func.func @_conv_body(%arg0: i32, %arg1: memref<64x16384xf32, #tpu.memory_space<vmem>>, %arg2: memref<8192x128xf32, #tpu.memory_space<vmem>>, %arg3: memref<16384x64xf32, #tpu.memory_space<vmem>>) attributes {dimension_semantics = [#tpu.dimension_semantics<arbitrary>], iteration_bounds = array<i64: 62>, scalar_prefetch = 0 : i64, scratch_operands = 1 : i64, tpu.core_type = #tpu.core_type<tc>, window_params = [{transform_indices = @transform_0, window_bounds = array<i64: 64, 16384>}, {transform_indices = @transform_1, window_bounds = array<i64: 8192, 128>}]} {
    %get3A = arith.constant 0 : index
    %get3A_0 = arith.constant 0 : index
    %get3A_1 = vector.load %arg1[%get3A, %get3A_0] : memref<64x16384xf32, #tpu.memory_space<vmem>>, vector<64x16384xf32>
    %transpose3A = tpu.transpose %get3A_1, [1, 0] : vector<64x16384xf32> -> vector<16384x64xf32>
    %swap3A = arith.constant 0 : index
    %swap3A_2 = arith.constant 0 : index
    %swap3A_3 = vector.load %arg3[%swap3A, %swap3A_2] : memref<16384x64xf32, #tpu.memory_space<vmem>>, vector<16384x64xf32>
    tpu.vector_store %arg3[%swap3A, %swap3A_2], %transpose3A {strides = array<i32>} : memref<16384x64xf32, #tpu.memory_space<vmem>>, vector<16384x64xf32>,
    %get3A_4 = arith.constant 0 : index
    %get3A_5 = arith.constant 0 : index
    %get3A_6 = tpu.strided_load %arg3[%get3A_4, %get3A_5] {strides = array<i32: 2, 1>} : memref<16384x64xf32, #tpu.memory_space<vmem>>, vector<8192x64xf32>
    %get3A_7 = arith.constant 1 : index
    %get3A_8 = arith.constant 0 : index
    %get3A_9 = tpu.strided_load %arg3[%get3A_7, %get3A_8] {strides = array<i32: 2, 1>} : memref<16384x64xf32, #tpu.memory_space<vmem>>, vector<8192x64xf32>
    %concatenate3A = tpu.concatenate %get3A_6, %get3A_9 in 1 : vector<8192x64xf32>, vector<8192x64xf32> -> vector<8192x128xf32>
    %swap3A_10 = arith.constant 0 : index
    %swap3A_11 = arith.constant 0 : index
    %swap3A_12 = vector.load %arg2[%swap3A_10, %swap3A_11] : memref<8192x128xf32, #tpu.memory_space<vmem>>, vector<8192x128xf32>
    tpu.vector_store %arg2[%swap3A_10, %swap3A_11], %concatenate3A {strides = array<i32>} : memref<8192x128xf32, #tpu.memory_space<vmem>>, vector<8192x128xf32>,
    return
  }
  func.func @transform_0(%arg0: i32) -> (i32, i32) {
    %c0_i32 = arith.constant 0 : i32
    %c0_i32_0 = arith.constant 0 : i32
    return %c0_i32, %arg0 : i32, i32
  }
  func.func @transform_1(%arg0: i32) -> (i32, i32) {
    %c0_i32 = arith.constant 0 : i32
    %c0_i32_0 = arith.constant 0 : i32
    return %arg0, %c0_i32 : i32, i32
  }
}

module attributes {stable_mosaic.version = 14 : i64} {
  func.func @_post_body0(%arg0: i32, %arg1: i32, %arg2: memref<512x8x128xf32, #tpu.memory_space<vmem>>, %arg3: memref<16x64xf32, #tpu.memory_space<vmem>>, %arg4: memref<16x64x512xf32, #tpu.memory_space<vmem>>) attributes {dimension_semantics = [#tpu.dimension_semantics<arbitrary>, #tpu.dimension_semantics<arbitrary>], iteration_bounds = array<i64: 2, 13>, scalar_prefetch = 0 : i64, scratch_operands = 0 : i64, tpu.core_type = #tpu.core_type<tc>, window_params = [{transform_indices = @transform_0, window_bounds = array<i64: 512, 8, 128>}, {transform_indices = @transform_1, window_bounds = array<i64: 16, 64>}, {transform_indices = @transform_2, window_bounds = array<i64: 16, 64, 512>}]} {
    %get3A = arith.constant 0 : index
    %get3A_0 = arith.constant 0 : index
    %get3A_1 = arith.constant 0 : index
    %get3A_2 = vector.load %arg2[%get3A, %get3A_0, %get3A_1] : memref<512x8x128xf32, #tpu.memory_space<vmem>>, vector<512x1x128xf32>
    %get3A_3 = vector.shape_cast %get3A_2 : vector<512x1x128xf32> to vector<512x128xf32>
    %transpose3A = tpu.transpose %get3A_3, [1, 0] : vector<512x128xf32> -> vector<128x512xf32>
    %slice3A = vector.extract_strided_slice %transpose3A {offsets = [0, 0], sizes = [64, 512], strides = [1, 1]} : vector<128x512xf32> to vector<64x512xf32>
    %get3A_4 = arith.constant 0 : index
    %get3A_5 = arith.constant 0 : index
    %get3A_6 = vector.load %arg3[%get3A_4, %get3A_5] : memref<16x64xf32, #tpu.memory_space<vmem>>, vector<1x64xf32>
    %get3A_7 = vector.shape_cast %get3A_6 : vector<1x64xf32> to vector<64xf32>
    %broadcast_in_dim3A = vector.shape_cast %get3A_7 : vector<64xf32> to vector<64x1xf32>
    %add3A = vector.broadcast %broadcast_in_dim3A : vector<64x1xf32> to vector<64x512xf32>
    %add3A_8 = arith.addf %slice3A, %add3A : vector<64x512xf32>
    %swap3A = arith.constant 0 : index
    %swap3A_9 = arith.constant 0 : index
    %swap3A_10 = arith.constant 0 : index
    %swap3A_11 = vector.load %arg4[%swap3A, %swap3A_9, %swap3A_10] : memref<16x64x512xf32, #tpu.memory_space<vmem>>, vector<1x64x512xf32>
    %swap3A_12 = vector.shape_cast %swap3A_11 : vector<1x64x512xf32> to vector<64x512xf32>
    %swap3A_13 = vector.shape_cast %add3A_8 : vector<64x512xf32> to vector<1x64x512xf32>
    tpu.vector_store %arg4[%swap3A, %swap3A_9, %swap3A_10], %swap3A_13 {strides = array<i32>} : memref<16x64x512xf32, #tpu.memory_space<vmem>>, vector<1x64x512xf32>,
    %slice3A_14 = vector.extract_strided_slice %transpose3A {offsets = [64, 0], sizes = [64, 512], strides = [1, 1]} : vector<128x512xf32> to vector<64x512xf32>
    %get3A_15 = arith.constant 1 : index
    %get3A_16 = arith.constant 0 : index
    %get3A_17 = vector.load %arg3[%get3A_15, %get3A_16] : memref<16x64xf32, #tpu.memory_space<vmem>>, vector<1x64xf32>
    %get3A_18 = vector.shape_cast %get3A_17 : vector<1x64xf32> to vector<64xf32>
    %broadcast_in_dim3A_19 = vector.shape_cast %get3A_18 : vector<64xf32> to vector<64x1xf32>
    %add3A_20 = vector.broadcast %broadcast_in_dim3A_19 : vector<64x1xf32> to vector<64x512xf32>
    %add3A_21 = arith.addf %slice3A_14, %add3A_20 : vector<64x512xf32>
    %swap3A_22 = arith.constant 1 : index
    %swap3A_23 = arith.constant 0 : index
    %swap3A_24 = arith.constant 0 : index
    %swap3A_25 = vector.load %arg4[%swap3A_22, %swap3A_23, %swap3A_24] : memref<16x64x512xf32, #tpu.memory_space<vmem>>, vector<1x64x512xf32>
    %swap3A_26 = vector.shape_cast %swap3A_25 : vector<1x64x512xf32> to vector<64x512xf32>
    %swap3A_27 = vector.shape_cast %add3A_21 : vector<64x512xf32> to vector<1x64x512xf32>
    tpu.vector_store %arg4[%swap3A_22, %swap3A_23, %swap3A_24], %swap3A_27 {strides = array<i32>} : memref<16x64x512xf32, #tpu.memory_space<vmem>>, vector<1x64x512xf32>,
    %get3A_28 = arith.constant 0 : index
    %get3A_29 = arith.constant 1 : index
    %get3A_30 = arith.constant 0 : index
    %get3A_31 = vector.load %arg2[%get3A_28, %get3A_29, %get3A_30] : memref<512x8x128xf32, #tpu.memory_space<vmem>>, vector<512x1x128xf32>
    %get3A_32 = vector.shape_cast %get3A_31 : vector<512x1x128xf32> to vector<512x128xf32>
    %transpose3A_33 = tpu.transpose %get3A_32, [1, 0] : vector<512x128xf32> -> vector<128x512xf32>
    %slice3A_34 = vector.extract_strided_slice %transpose3A_33 {offsets = [0, 0], sizes = [64, 512], strides = [1, 1]} : vector<128x512xf32> to vector<64x512xf32>
    %get3A_35 = arith.constant 2 : index
    %get3A_36 = arith.constant 0 : index
    %get3A_37 = vector.load %arg3[%get3A_35, %get3A_36] : memref<16x64xf32, #tpu.memory_space<vmem>>, vector<1x64xf32>
    %get3A_38 = vector.shape_cast %get3A_37 : vector<1x64xf32> to vector<64xf32>
    %broadcast_in_dim3A_39 = vector.shape_cast %get3A_38 : vector<64xf32> to vector<64x1xf32>
    %add3A_40 = vector.broadcast %broadcast_in_dim3A_39 : vector<64x1xf32> to vector<64x512xf32>
    %add3A_41 = arith.addf %slice3A_34, %add3A_40 : vector<64x512xf32>
    %swap3A_42 = arith.constant 2 : index
    %swap3A_43 = arith.constant 0 : index
    %swap3A_44 = arith.constant 0 : index
    %swap3A_45 = vector.load %arg4[%swap3A_42, %swap3A_43, %swap3A_44] : memref<16x64x512xf32, #tpu.memory_space<vmem>>, vector<1x64x512xf32>
    %swap3A_46 = vector.shape_cast %swap3A_45 : vector<1x64x512xf32> to vector<64x512xf32>
    %swap3A_47 = vector.shape_cast %add3A_41 : vector<64x512xf32> to vector<1x64x512xf32>
    tpu.vector_store %arg4[%swap3A_42, %swap3A_43, %swap3A_44], %swap3A_47 {strides = array<i32>} : memref<16x64x512xf32, #tpu.memory_space<vmem>>, vector<1x64x512xf32>,
    %slice3A_48 = vector.extract_strided_slice %transpose3A_33 {offsets = [64, 0], sizes = [64, 512], strides = [1, 1]} : vector<128x512xf32> to vector<64x512xf32>
    %get3A_49 = arith.constant 3 : index
    %get3A_50 = arith.constant 0 : index
    %get3A_51 = vector.load %arg3[%get3A_49, %get3A_50] : memref<16x64xf32, #tpu.memory_space<vmem>>, vector<1x64xf32>
    %get3A_52 = vector.shape_cast %get3A_51 : vector<1x64xf32> to vector<64xf32>
    %broadcast_in_dim3A_53 = vector.shape_cast %get3A_52 : vector<64xf32> to vector<64x1xf32>
    %add3A_54 = vector.broadcast %broadcast_in_dim3A_53 : vector<64x1xf32> to vector<64x512xf32>
    %add3A_55 = arith.addf %slice3A_48, %add3A_54 : vector<64x512xf32>
    %swap3A_56 = arith.constant 3 : index
    %swap3A_57 = arith.constant 0 : index
    %swap3A_58 = arith.constant 0 : index
    %swap3A_59 = vector.load %arg4[%swap3A_56, %swap3A_57, %swap3A_58] : memref<16x64x512xf32, #tpu.memory_space<vmem>>, vector<1x64x512xf32>
    %swap3A_60 = vector.shape_cast %swap3A_59 : vector<1x64x512xf32> to vector<64x512xf32>
    %swap3A_61 = vector.shape_cast %add3A_55 : vector<64x512xf32> to vector<1x64x512xf32>
    tpu.vector_store %arg4[%swap3A_56, %swap3A_57, %swap3A_58], %swap3A_61 {strides = array<i32>} : memref<16x64x512xf32, #tpu.memory_space<vmem>>, vector<1x64x512xf32>,
    %get3A_62 = arith.constant 0 : index
    %get3A_63 = arith.constant 2 : index
    %get3A_64 = arith.constant 0 : index
    %get3A_65 = vector.load %arg2[%get3A_62, %get3A_63, %get3A_64] : memref<512x8x128xf32, #tpu.memory_space<vmem>>, vector<512x1x128xf32>
    %get3A_66 = vector.shape_cast %get3A_65 : vector<512x1x128xf32> to vector<512x128xf32>
    %transpose3A_67 = tpu.transpose %get3A_66, [1, 0] : vector<512x128xf32> -> vector<128x512xf32>
    %slice3A_68 = vector.extract_strided_slice %transpose3A_67 {offsets = [0, 0], sizes = [64, 512], strides = [1, 1]} : vector<128x512xf32> to vector<64x512xf32>
    %get3A_69 = arith.constant 4 : index
    %get3A_70 = arith.constant 0 : index
    %get3A_71 = vector.load %arg3[%get3A_69, %get3A_70] : memref<16x64xf32, #tpu.memory_space<vmem>>, vector<1x64xf32>
    %get3A_72 = vector.shape_cast %get3A_71 : vector<1x64xf32> to vector<64xf32>
    %broadcast_in_dim3A_73 = vector.shape_cast %get3A_72 : vector<64xf32> to vector<64x1xf32>
    %add3A_74 = vector.broadcast %broadcast_in_dim3A_73 : vector<64x1xf32> to vector<64x512xf32>
    %add3A_75 = arith.addf %slice3A_68, %add3A_74 : vector<64x512xf32>
    %swap3A_76 = arith.constant 4 : index
    %swap3A_77 = arith.constant 0 : index
    %swap3A_78 = arith.constant 0 : index
    %swap3A_79 = vector.load %arg4[%swap3A_76, %swap3A_77, %swap3A_78] : memref<16x64x512xf32, #tpu.memory_space<vmem>>, vector<1x64x512xf32>
    %swap3A_80 = vector.shape_cast %swap3A_79 : vector<1x64x512xf32> to vector<64x512xf32>
    %swap3A_81 = vector.shape_cast %add3A_75 : vector<64x512xf32> to vector<1x64x512xf32>
    tpu.vector_store %arg4[%swap3A_76, %swap3A_77, %swap3A_78], %swap3A_81 {strides = array<i32>} : memref<16x64x512xf32, #tpu.memory_space<vmem>>, vector<1x64x512xf32>,
    %slice3A_82 = vector.extract_strided_slice %transpose3A_67 {offsets = [64, 0], sizes = [64, 512], strides = [1, 1]} : vector<128x512xf32> to vector<64x512xf32>
    %get3A_83 = arith.constant 5 : index
    %get3A_84 = arith.constant 0 : index
    %get3A_85 = vector.load %arg3[%get3A_83, %get3A_84] : memref<16x64xf32, #tpu.memory_space<vmem>>, vector<1x64xf32>
    %get3A_86 = vector.shape_cast %get3A_85 : vector<1x64xf32> to vector<64xf32>
    %broadcast_in_dim3A_87 = vector.shape_cast %get3A_86 : vector<64xf32> to vector<64x1xf32>
    %add3A_88 = vector.broadcast %broadcast_in_dim3A_87 : vector<64x1xf32> to vector<64x512xf32>
    %add3A_89 = arith.addf %slice3A_82, %add3A_88 : vector<64x512xf32>
    %swap3A_90 = arith.constant 5 : index
    %swap3A_91 = arith.constant 0 : index
    %swap3A_92 = arith.constant 0 : index
    %swap3A_93 = vector.load %arg4[%swap3A_90, %swap3A_91, %swap3A_92] : memref<16x64x512xf32, #tpu.memory_space<vmem>>, vector<1x64x512xf32>
    %swap3A_94 = vector.shape_cast %swap3A_93 : vector<1x64x512xf32> to vector<64x512xf32>
    %swap3A_95 = vector.shape_cast %add3A_89 : vector<64x512xf32> to vector<1x64x512xf32>
    tpu.vector_store %arg4[%swap3A_90, %swap3A_91, %swap3A_92], %swap3A_95 {strides = array<i32>} : memref<16x64x512xf32, #tpu.memory_space<vmem>>, vector<1x64x512xf32>,
    %get3A_96 = arith.constant 0 : index
    %get3A_97 = arith.constant 3 : index
    %get3A_98 = arith.constant 0 : index
    %get3A_99 = vector.load %arg2[%get3A_96, %get3A_97, %get3A_98] : memref<512x8x128xf32, #tpu.memory_space<vmem>>, vector<512x1x128xf32>
    %get3A_100 = vector.shape_cast %get3A_99 : vector<512x1x128xf32> to vector<512x128xf32>
    %transpose3A_101 = tpu.transpose %get3A_100, [1, 0] : vector<512x128xf32> -> vector<128x512xf32>
    %slice3A_102 = vector.extract_strided_slice %transpose3A_101 {offsets = [0, 0], sizes = [64, 512], strides = [1, 1]} : vector<128x512xf32> to vector<64x512xf32>
    %get3A_103 = arith.constant 6 : index
    %get3A_104 = arith.constant 0 : index
    %get3A_105 = vector.load %arg3[%get3A_103, %get3A_104] : memref<16x64xf32, #tpu.memory_space<vmem>>, vector<1x64xf32>
    %get3A_106 = vector.shape_cast %get3A_105 : vector<1x64xf32> to vector<64xf32>
    %broadcast_in_dim3A_107 = vector.shape_cast %get3A_106 : vector<64xf32> to vector<64x1xf32>
    %add3A_108 = vector.broadcast %broadcast_in_dim3A_107 : vector<64x1xf32> to vector<64x512xf32>
    %add3A_109 = arith.addf %slice3A_102, %add3A_108 : vector<64x512xf32>
    %swap3A_110 = arith.constant 6 : index
    %swap3A_111 = arith.constant 0 : index
    %swap3A_112 = arith.constant 0 : index
    %swap3A_113 = vector.load %arg4[%swap3A_110, %swap3A_111, %swap3A_112] : memref<16x64x512xf32, #tpu.memory_space<vmem>>, vector<1x64x512xf32>
    %swap3A_114 = vector.shape_cast %swap3A_113 : vector<1x64x512xf32> to vector<64x512xf32>
    %swap3A_115 = vector.shape_cast %add3A_109 : vector<64x512xf32> to vector<1x64x512xf32>
    tpu.vector_store %arg4[%swap3A_110, %swap3A_111, %swap3A_112], %swap3A_115 {strides = array<i32>} : memref<16x64x512xf32, #tpu.memory_space<vmem>>, vector<1x64x512xf32>,
    %slice3A_116 = vector.extract_strided_slice %transpose3A_101 {offsets = [64, 0], sizes = [64, 512], strides = [1, 1]} : vector<128x512xf32> to vector<64x512xf32>
    %get3A_117 = arith.constant 7 : index
    %get3A_118 = arith.constant 0 : index
    %get3A_119 = vector.load %arg3[%get3A_117, %get3A_118] : memref<16x64xf32, #tpu.memory_space<vmem>>, vector<1x64xf32>
    %get3A_120 = vector.shape_cast %get3A_119 : vector<1x64xf32> to vector<64xf32>
    %broadcast_in_dim3A_121 = vector.shape_cast %get3A_120 : vector<64xf32> to vector<64x1xf32>
    %add3A_122 = vector.broadcast %broadcast_in_dim3A_121 : vector<64x1xf32> to vector<64x512xf32>
    %add3A_123 = arith.addf %slice3A_116, %add3A_122 : vector<64x512xf32>
    %swap3A_124 = arith.constant 7 : index
    %swap3A_125 = arith.constant 0 : index
    %swap3A_126 = arith.constant 0 : index
    %swap3A_127 = vector.load %arg4[%swap3A_124, %swap3A_125, %swap3A_126] : memref<16x64x512xf32, #tpu.memory_space<vmem>>, vector<1x64x512xf32>
    %swap3A_128 = vector.shape_cast %swap3A_127 : vector<1x64x512xf32> to vector<64x512xf32>
    %swap3A_129 = vector.shape_cast %add3A_123 : vector<64x512xf32> to vector<1x64x512xf32>
    tpu.vector_store %arg4[%swap3A_124, %swap3A_125, %swap3A_126], %swap3A_129 {strides = array<i32>} : memref<16x64x512xf32, #tpu.memory_space<vmem>>, vector<1x64x512xf32>,
    %get3A_130 = arith.constant 0 : index
    %get3A_131 = arith.constant 4 : index
    %get3A_132 = arith.constant 0 : index
    %get3A_133 = vector.load %arg2[%get3A_130, %get3A_131, %get3A_132] : memref<512x8x128xf32, #tpu.memory_space<vmem>>, vector<512x1x128xf32>
    %get3A_134 = vector.shape_cast %get3A_133 : vector<512x1x128xf32> to vector<512x128xf32>
    %transpose3A_135 = tpu.transpose %get3A_134, [1, 0] : vector<512x128xf32> -> vector<128x512xf32>
    %slice3A_136 = vector.extract_strided_slice %transpose3A_135 {offsets = [0, 0], sizes = [64, 512], strides = [1, 1]} : vector<128x512xf32> to vector<64x512xf32>
    %get3A_137 = arith.constant 8 : index
    %get3A_138 = arith.constant 0 : index
    %get3A_139 = vector.load %arg3[%get3A_137, %get3A_138] : memref<16x64xf32, #tpu.memory_space<vmem>>, vector<1x64xf32>
    %get3A_140 = vector.shape_cast %get3A_139 : vector<1x64xf32> to vector<64xf32>
    %broadcast_in_dim3A_141 = vector.shape_cast %get3A_140 : vector<64xf32> to vector<64x1xf32>
    %add3A_142 = vector.broadcast %broadcast_in_dim3A_141 : vector<64x1xf32> to vector<64x512xf32>
    %add3A_143 = arith.addf %slice3A_136, %add3A_142 : vector<64x512xf32>
    %swap3A_144 = arith.constant 8 : index
    %swap3A_145 = arith.constant 0 : index
    %swap3A_146 = arith.constant 0 : index
    %swap3A_147 = vector.load %arg4[%swap3A_144, %swap3A_145, %swap3A_146] : memref<16x64x512xf32, #tpu.memory_space<vmem>>, vector<1x64x512xf32>
    %swap3A_148 = vector.shape_cast %swap3A_147 : vector<1x64x512xf32> to vector<64x512xf32>
    %swap3A_149 = vector.shape_cast %add3A_143 : vector<64x512xf32> to vector<1x64x512xf32>
    tpu.vector_store %arg4[%swap3A_144, %swap3A_145, %swap3A_146], %swap3A_149 {strides = array<i32>} : memref<16x64x512xf32, #tpu.memory_space<vmem>>, vector<1x64x512xf32>,
    %slice3A_150 = vector.extract_strided_slice %transpose3A_135 {offsets = [64, 0], sizes = [64, 512], strides = [1, 1]} : vector<128x512xf32> to vector<64x512xf32>
    %get3A_151 = arith.constant 9 : index
    %get3A_152 = arith.constant 0 : index
    %get3A_153 = vector.load %arg3[%get3A_151, %get3A_152] : memref<16x64xf32, #tpu.memory_space<vmem>>, vector<1x64xf32>
    %get3A_154 = vector.shape_cast %get3A_153 : vector<1x64xf32> to vector<64xf32>
    %broadcast_in_dim3A_155 = vector.shape_cast %get3A_154 : vector<64xf32> to vector<64x1xf32>
    %add3A_156 = vector.broadcast %broadcast_in_dim3A_155 : vector<64x1xf32> to vector<64x512xf32>
    %add3A_157 = arith.addf %slice3A_150, %add3A_156 : vector<64x512xf32>
    %swap3A_158 = arith.constant 9 : index
    %swap3A_159 = arith.constant 0 : index
    %swap3A_160 = arith.constant 0 : index
    %swap3A_161 = vector.load %arg4[%swap3A_158, %swap3A_159, %swap3A_160] : memref<16x64x512xf32, #tpu.memory_space<vmem>>, vector<1x64x512xf32>
    %swap3A_162 = vector.shape_cast %swap3A_161 : vector<1x64x512xf32> to vector<64x512xf32>
    %swap3A_163 = vector.shape_cast %add3A_157 : vector<64x512xf32> to vector<1x64x512xf32>
    tpu.vector_store %arg4[%swap3A_158, %swap3A_159, %swap3A_160], %swap3A_163 {strides = array<i32>} : memref<16x64x512xf32, #tpu.memory_space<vmem>>, vector<1x64x512xf32>,
    %get3A_164 = arith.constant 0 : index
    %get3A_165 = arith.constant 5 : index
    %get3A_166 = arith.constant 0 : index
    %get3A_167 = vector.load %arg2[%get3A_164, %get3A_165, %get3A_166] : memref<512x8x128xf32, #tpu.memory_space<vmem>>, vector<512x1x128xf32>
    %get3A_168 = vector.shape_cast %get3A_167 : vector<512x1x128xf32> to vector<512x128xf32>
    %transpose3A_169 = tpu.transpose %get3A_168, [1, 0] : vector<512x128xf32> -> vector<128x512xf32>
    %slice3A_170 = vector.extract_strided_slice %transpose3A_169 {offsets = [0, 0], sizes = [64, 512], strides = [1, 1]} : vector<128x512xf32> to vector<64x512xf32>
    %get3A_171 = arith.constant 10 : index
    %get3A_172 = arith.constant 0 : index
    %get3A_173 = vector.load %arg3[%get3A_171, %get3A_172] : memref<16x64xf32, #tpu.memory_space<vmem>>, vector<1x64xf32>
    %get3A_174 = vector.shape_cast %get3A_173 : vector<1x64xf32> to vector<64xf32>
    %broadcast_in_dim3A_175 = vector.shape_cast %get3A_174 : vector<64xf32> to vector<64x1xf32>
    %add3A_176 = vector.broadcast %broadcast_in_dim3A_175 : vector<64x1xf32> to vector<64x512xf32>
    %add3A_177 = arith.addf %slice3A_170, %add3A_176 : vector<64x512xf32>
    %swap3A_178 = arith.constant 10 : index
    %swap3A_179 = arith.constant 0 : index
    %swap3A_180 = arith.constant 0 : index
    %swap3A_181 = vector.load %arg4[%swap3A_178, %swap3A_179, %swap3A_180] : memref<16x64x512xf32, #tpu.memory_space<vmem>>, vector<1x64x512xf32>
    %swap3A_182 = vector.shape_cast %swap3A_181 : vector<1x64x512xf32> to vector<64x512xf32>
    %swap3A_183 = vector.shape_cast %add3A_177 : vector<64x512xf32> to vector<1x64x512xf32>
    tpu.vector_store %arg4[%swap3A_178, %swap3A_179, %swap3A_180], %swap3A_183 {strides = array<i32>} : memref<16x64x512xf32, #tpu.memory_space<vmem>>, vector<1x64x512xf32>,
    %slice3A_184 = vector.extract_strided_slice %transpose3A_169 {offsets = [64, 0], sizes = [64, 512], strides = [1, 1]} : vector<128x512xf32> to vector<64x512xf32>
    %get3A_185 = arith.constant 11 : index
    %get3A_186 = arith.constant 0 : index
    %get3A_187 = vector.load %arg3[%get3A_185, %get3A_186] : memref<16x64xf32, #tpu.memory_space<vmem>>, vector<1x64xf32>
    %get3A_188 = vector.shape_cast %get3A_187 : vector<1x64xf32> to vector<64xf32>
    %broadcast_in_dim3A_189 = vector.shape_cast %get3A_188 : vector<64xf32> to vector<64x1xf32>
    %add3A_190 = vector.broadcast %broadcast_in_dim3A_189 : vector<64x1xf32> to vector<64x512xf32>
    %add3A_191 = arith.addf %slice3A_184, %add3A_190 : vector<64x512xf32>
    %swap3A_192 = arith.constant 11 : index
    %swap3A_193 = arith.constant 0 : index
    %swap3A_194 = arith.constant 0 : index
    %swap3A_195 = vector.load %arg4[%swap3A_192, %swap3A_193, %swap3A_194] : memref<16x64x512xf32, #tpu.memory_space<vmem>>, vector<1x64x512xf32>
    %swap3A_196 = vector.shape_cast %swap3A_195 : vector<1x64x512xf32> to vector<64x512xf32>
    %swap3A_197 = vector.shape_cast %add3A_191 : vector<64x512xf32> to vector<1x64x512xf32>
    tpu.vector_store %arg4[%swap3A_192, %swap3A_193, %swap3A_194], %swap3A_197 {strides = array<i32>} : memref<16x64x512xf32, #tpu.memory_space<vmem>>, vector<1x64x512xf32>,
    %get3A_198 = arith.constant 0 : index
    %get3A_199 = arith.constant 6 : index
    %get3A_200 = arith.constant 0 : index
    %get3A_201 = vector.load %arg2[%get3A_198, %get3A_199, %get3A_200] : memref<512x8x128xf32, #tpu.memory_space<vmem>>, vector<512x1x128xf32>
    %get3A_202 = vector.shape_cast %get3A_201 : vector<512x1x128xf32> to vector<512x128xf32>
    %transpose3A_203 = tpu.transpose %get3A_202, [1, 0] : vector<512x128xf32> -> vector<128x512xf32>
    %slice3A_204 = vector.extract_strided_slice %transpose3A_203 {offsets = [0, 0], sizes = [64, 512], strides = [1, 1]} : vector<128x512xf32> to vector<64x512xf32>
    %get3A_205 = arith.constant 12 : index
    %get3A_206 = arith.constant 0 : index
    %get3A_207 = vector.load %arg3[%get3A_205, %get3A_206] : memref<16x64xf32, #tpu.memory_space<vmem>>, vector<1x64xf32>
    %get3A_208 = vector.shape_cast %get3A_207 : vector<1x64xf32> to vector<64xf32>
    %broadcast_in_dim3A_209 = vector.shape_cast %get3A_208 : vector<64xf32> to vector<64x1xf32>
    %add3A_210 = vector.broadcast %broadcast_in_dim3A_209 : vector<64x1xf32> to vector<64x512xf32>
    %add3A_211 = arith.addf %slice3A_204, %add3A_210 : vector<64x512xf32>
    %swap3A_212 = arith.constant 12 : index
    %swap3A_213 = arith.constant 0 : index
    %swap3A_214 = arith.constant 0 : index
    %swap3A_215 = vector.load %arg4[%swap3A_212, %swap3A_213, %swap3A_214] : memref<16x64x512xf32, #tpu.memory_space<vmem>>, vector<1x64x512xf32>
    %swap3A_216 = vector.shape_cast %swap3A_215 : vector<1x64x512xf32> to vector<64x512xf32>
    %swap3A_217 = vector.shape_cast %add3A_211 : vector<64x512xf32> to vector<1x64x512xf32>
    tpu.vector_store %arg4[%swap3A_212, %swap3A_213, %swap3A_214], %swap3A_217 {strides = array<i32>} : memref<16x64x512xf32, #tpu.memory_space<vmem>>, vector<1x64x512xf32>,
    %slice3A_218 = vector.extract_strided_slice %transpose3A_203 {offsets = [64, 0], sizes = [64, 512], strides = [1, 1]} : vector<128x512xf32> to vector<64x512xf32>
    %get3A_219 = arith.constant 13 : index
    %get3A_220 = arith.constant 0 : index
    %get3A_221 = vector.load %arg3[%get3A_219, %get3A_220] : memref<16x64xf32, #tpu.memory_space<vmem>>, vector<1x64xf32>
    %get3A_222 = vector.shape_cast %get3A_221 : vector<1x64xf32> to vector<64xf32>
    %broadcast_in_dim3A_223 = vector.shape_cast %get3A_222 : vector<64xf32> to vector<64x1xf32>
    %add3A_224 = vector.broadcast %broadcast_in_dim3A_223 : vector<64x1xf32> to vector<64x512xf32>
    %add3A_225 = arith.addf %slice3A_218, %add3A_224 : vector<64x512xf32>
    %swap3A_226 = arith.constant 13 : index
    %swap3A_227 = arith.constant 0 : index
    %swap3A_228 = arith.constant 0 : index
    %swap3A_229 = vector.load %arg4[%swap3A_226, %swap3A_227, %swap3A_228] : memref<16x64x512xf32, #tpu.memory_space<vmem>>, vector<1x64x512xf32>
    %swap3A_230 = vector.shape_cast %swap3A_229 : vector<1x64x512xf32> to vector<64x512xf32>
    %swap3A_231 = vector.shape_cast %add3A_225 : vector<64x512xf32> to vector<1x64x512xf32>
    tpu.vector_store %arg4[%swap3A_226, %swap3A_227, %swap3A_228], %swap3A_231 {strides = array<i32>} : memref<16x64x512xf32, #tpu.memory_space<vmem>>, vector<1x64x512xf32>,
    %get3A_232 = arith.constant 0 : index
    %get3A_233 = arith.constant 7 : index
    %get3A_234 = arith.constant 0 : index
    %get3A_235 = vector.load %arg2[%get3A_232, %get3A_233, %get3A_234] : memref<512x8x128xf32, #tpu.memory_space<vmem>>, vector<512x1x128xf32>
    %get3A_236 = vector.shape_cast %get3A_235 : vector<512x1x128xf32> to vector<512x128xf32>
    %transpose3A_237 = tpu.transpose %get3A_236, [1, 0] : vector<512x128xf32> -> vector<128x512xf32>
    %slice3A_238 = vector.extract_strided_slice %transpose3A_237 {offsets = [0, 0], sizes = [64, 512], strides = [1, 1]} : vector<128x512xf32> to vector<64x512xf32>
    %get3A_239 = arith.constant 14 : index
    %get3A_240 = arith.constant 0 : index
    %get3A_241 = vector.load %arg3[%get3A_239, %get3A_240] : memref<16x64xf32, #tpu.memory_space<vmem>>, vector<1x64xf32>
    %get3A_242 = vector.shape_cast %get3A_241 : vector<1x64xf32> to vector<64xf32>
    %broadcast_in_dim3A_243 = vector.shape_cast %get3A_242 : vector<64xf32> to vector<64x1xf32>
    %add3A_244 = vector.broadcast %broadcast_in_dim3A_243 : vector<64x1xf32> to vector<64x512xf32>
    %add3A_245 = arith.addf %slice3A_238, %add3A_244 : vector<64x512xf32>
    %swap3A_246 = arith.constant 14 : index
    %swap3A_247 = arith.constant 0 : index
    %swap3A_248 = arith.constant 0 : index
    %swap3A_249 = vector.load %arg4[%swap3A_246, %swap3A_247, %swap3A_248] : memref<16x64x512xf32, #tpu.memory_space<vmem>>, vector<1x64x512xf32>
    %swap3A_250 = vector.shape_cast %swap3A_249 : vector<1x64x512xf32> to vector<64x512xf32>
    %swap3A_251 = vector.shape_cast %add3A_245 : vector<64x512xf32> to vector<1x64x512xf32>
    tpu.vector_store %arg4[%swap3A_246, %swap3A_247, %swap3A_248], %swap3A_251 {strides = array<i32>} : memref<16x64x512xf32, #tpu.memory_space<vmem>>, vector<1x64x512xf32>,
    %slice3A_252 = vector.extract_strided_slice %transpose3A_237 {offsets = [64, 0], sizes = [64, 512], strides = [1, 1]} : vector<128x512xf32> to vector<64x512xf32>
    %get3A_253 = arith.constant 15 : index
    %get3A_254 = arith.constant 0 : index
    %get3A_255 = vector.load %arg3[%get3A_253, %get3A_254] : memref<16x64xf32, #tpu.memory_space<vmem>>, vector<1x64xf32>
    %get3A_256 = vector.shape_cast %get3A_255 : vector<1x64xf32> to vector<64xf32>
    %broadcast_in_dim3A_257 = vector.shape_cast %get3A_256 : vector<64xf32> to vector<64x1xf32>
    %add3A_258 = vector.broadcast %broadcast_in_dim3A_257 : vector<64x1xf32> to vector<64x512xf32>
    %add3A_259 = arith.addf %slice3A_252, %add3A_258 : vector<64x512xf32>
    %swap3A_260 = arith.constant 15 : index
    %swap3A_261 = arith.constant 0 : index
    %swap3A_262 = arith.constant 0 : index
    %swap3A_263 = vector.load %arg4[%swap3A_260, %swap3A_261, %swap3A_262] : memref<16x64x512xf32, #tpu.memory_space<vmem>>, vector<1x64x512xf32>
    %swap3A_264 = vector.shape_cast %swap3A_263 : vector<1x64x512xf32> to vector<64x512xf32>
    %swap3A_265 = vector.shape_cast %add3A_259 : vector<64x512xf32> to vector<1x64x512xf32>
    tpu.vector_store %arg4[%swap3A_260, %swap3A_261, %swap3A_262], %swap3A_265 {strides = array<i32>} : memref<16x64x512xf32, #tpu.memory_space<vmem>>, vector<1x64x512xf32>,
    return
  }
  func.func @transform_0(%arg0: i32, %arg1: i32) -> (i32, i32, i32) {
    %c0_i32 = arith.constant 0 : i32
    %c0_i32_0 = arith.constant 0 : i32
    return %arg0, %arg1, %c0_i32 : i32, i32, i32
  }
  func.func @transform_1(%arg0: i32, %arg1: i32) -> (i32, i32) {
    %c0_i32 = arith.constant 0 : i32
    %c0_i32_0 = arith.constant 0 : i32
    return %arg1, %c0_i32 : i32, i32
  }
  func.func @transform_2(%arg0: i32, %arg1: i32) -> (i32, i32, i32) {
    %add3A = arith.constant 0 : i32
    %add3A_0 = arith.addi %arg0, %add3A : i32
    %c0_i32 = arith.constant 0 : i32
    %c0_i32_1 = arith.constant 0 : i32
    return %arg1, %c0_i32, %add3A_0 : i32, i32, i32
  }
}

module attributes {stable_mosaic.version = 14 : i64} {
  func.func @_post_body1(%arg0: i32, %arg1: i32, %arg2: memref<512x8x128xf32, #tpu.memory_space<vmem>>, %arg3: memref<16x64xf32, #tpu.memory_space<vmem>>, %arg4: memref<200x64x4096xf32, #tpu.memory_space<any>>, %arg5: memref<16x64x512xf32, #tpu.memory_space<vmem>>) attributes {dimension_semantics = [#tpu.dimension_semantics<arbitrary>, #tpu.dimension_semantics<arbitrary>], iteration_bounds = array<i64: 2, 13>, scalar_prefetch = 0 : i64, scratch_operands = 0 : i64, tpu.core_type = #tpu.core_type<tc>, window_params = [{transform_indices = @transform_0, window_bounds = array<i64: 512, 8, 128>}, {transform_indices = @transform_1, window_bounds = array<i64: 16, 64>}, {}, {transform_indices = @transform_3, window_bounds = array<i64: 16, 64, 512>}]} {
    %get3A = arith.constant 0 : index
    %get3A_0 = arith.constant 0 : index
    %get3A_1 = arith.constant 0 : index
    %get3A_2 = vector.load %arg2[%get3A, %get3A_0, %get3A_1] : memref<512x8x128xf32, #tpu.memory_space<vmem>>, vector<512x1x128xf32>
    %get3A_3 = vector.shape_cast %get3A_2 : vector<512x1x128xf32> to vector<512x128xf32>
    %transpose3A = tpu.transpose %get3A_3, [1, 0] : vector<512x128xf32> -> vector<128x512xf32>
    %slice3A = vector.extract_strided_slice %transpose3A {offsets = [0, 0], sizes = [64, 512], strides = [1, 1]} : vector<128x512xf32> to vector<64x512xf32>
    %get3A_4 = arith.constant 0 : index
    %get3A_5 = arith.constant 0 : index
    %get3A_6 = vector.load %arg3[%get3A_4, %get3A_5] : memref<16x64xf32, #tpu.memory_space<vmem>>, vector<1x64xf32>
    %get3A_7 = vector.shape_cast %get3A_6 : vector<1x64xf32> to vector<64xf32>
    %broadcast_in_dim3A = vector.shape_cast %get3A_7 : vector<64xf32> to vector<64x1xf32>
    %add3A = vector.broadcast %broadcast_in_dim3A : vector<64x1xf32> to vector<64x512xf32>
    %add3A_8 = arith.addf %slice3A, %add3A : vector<64x512xf32>
    %swap3A = arith.constant 0 : index
    %swap3A_9 = arith.constant 0 : index
    %swap3A_10 = arith.constant 0 : index
    %swap3A_11 = vector.load %arg5[%swap3A, %swap3A_9, %swap3A_10] : memref<16x64x512xf32, #tpu.memory_space<vmem>>, vector<1x64x512xf32>
    %swap3A_12 = vector.shape_cast %swap3A_11 : vector<1x64x512xf32> to vector<64x512xf32>
    %swap3A_13 = vector.shape_cast %add3A_8 : vector<64x512xf32> to vector<1x64x512xf32>
    tpu.vector_store %arg5[%swap3A, %swap3A_9, %swap3A_10], %swap3A_13 {strides = array<i32>} : memref<16x64x512xf32, #tpu.memory_space<vmem>>, vector<1x64x512xf32>,
    %slice3A_14 = vector.extract_strided_slice %transpose3A {offsets = [64, 0], sizes = [64, 512], strides = [1, 1]} : vector<128x512xf32> to vector<64x512xf32>
    %get3A_15 = arith.constant 1 : index
    %get3A_16 = arith.constant 0 : index
    %get3A_17 = vector.load %arg3[%get3A_15, %get3A_16] : memref<16x64xf32, #tpu.memory_space<vmem>>, vector<1x64xf32>
    %get3A_18 = vector.shape_cast %get3A_17 : vector<1x64xf32> to vector<64xf32>
    %broadcast_in_dim3A_19 = vector.shape_cast %get3A_18 : vector<64xf32> to vector<64x1xf32>
    %add3A_20 = vector.broadcast %broadcast_in_dim3A_19 : vector<64x1xf32> to vector<64x512xf32>
    %add3A_21 = arith.addf %slice3A_14, %add3A_20 : vector<64x512xf32>
    %swap3A_22 = arith.constant 1 : index
    %swap3A_23 = arith.constant 0 : index
    %swap3A_24 = arith.constant 0 : index
    %swap3A_25 = vector.load %arg5[%swap3A_22, %swap3A_23, %swap3A_24] : memref<16x64x512xf32, #tpu.memory_space<vmem>>, vector<1x64x512xf32>
    %swap3A_26 = vector.shape_cast %swap3A_25 : vector<1x64x512xf32> to vector<64x512xf32>
    %swap3A_27 = vector.shape_cast %add3A_21 : vector<64x512xf32> to vector<1x64x512xf32>
    tpu.vector_store %arg5[%swap3A_22, %swap3A_23, %swap3A_24], %swap3A_27 {strides = array<i32>} : memref<16x64x512xf32, #tpu.memory_space<vmem>>, vector<1x64x512xf32>,
    %get3A_28 = arith.constant 0 : index
    %get3A_29 = arith.constant 1 : index
    %get3A_30 = arith.constant 0 : index
    %get3A_31 = vector.load %arg2[%get3A_28, %get3A_29, %get3A_30] : memref<512x8x128xf32, #tpu.memory_space<vmem>>, vector<512x1x128xf32>
    %get3A_32 = vector.shape_cast %get3A_31 : vector<512x1x128xf32> to vector<512x128xf32>
    %transpose3A_33 = tpu.transpose %get3A_32, [1, 0] : vector<512x128xf32> -> vector<128x512xf32>
    %slice3A_34 = vector.extract_strided_slice %transpose3A_33 {offsets = [0, 0], sizes = [64, 512], strides = [1, 1]} : vector<128x512xf32> to vector<64x512xf32>
    %get3A_35 = arith.constant 2 : index
    %get3A_36 = arith.constant 0 : index
    %get3A_37 = vector.load %arg3[%get3A_35, %get3A_36] : memref<16x64xf32, #tpu.memory_space<vmem>>, vector<1x64xf32>
    %get3A_38 = vector.shape_cast %get3A_37 : vector<1x64xf32> to vector<64xf32>
    %broadcast_in_dim3A_39 = vector.shape_cast %get3A_38 : vector<64xf32> to vector<64x1xf32>
    %add3A_40 = vector.broadcast %broadcast_in_dim3A_39 : vector<64x1xf32> to vector<64x512xf32>
    %add3A_41 = arith.addf %slice3A_34, %add3A_40 : vector<64x512xf32>
    %swap3A_42 = arith.constant 2 : index
    %swap3A_43 = arith.constant 0 : index
    %swap3A_44 = arith.constant 0 : index
    %swap3A_45 = vector.load %arg5[%swap3A_42, %swap3A_43, %swap3A_44] : memref<16x64x512xf32, #tpu.memory_space<vmem>>, vector<1x64x512xf32>
    %swap3A_46 = vector.shape_cast %swap3A_45 : vector<1x64x512xf32> to vector<64x512xf32>
    %swap3A_47 = vector.shape_cast %add3A_41 : vector<64x512xf32> to vector<1x64x512xf32>
    tpu.vector_store %arg5[%swap3A_42, %swap3A_43, %swap3A_44], %swap3A_47 {strides = array<i32>} : memref<16x64x512xf32, #tpu.memory_space<vmem>>, vector<1x64x512xf32>,
    %slice3A_48 = vector.extract_strided_slice %transpose3A_33 {offsets = [64, 0], sizes = [64, 512], strides = [1, 1]} : vector<128x512xf32> to vector<64x512xf32>
    %get3A_49 = arith.constant 3 : index
    %get3A_50 = arith.constant 0 : index
    %get3A_51 = vector.load %arg3[%get3A_49, %get3A_50] : memref<16x64xf32, #tpu.memory_space<vmem>>, vector<1x64xf32>
    %get3A_52 = vector.shape_cast %get3A_51 : vector<1x64xf32> to vector<64xf32>
    %broadcast_in_dim3A_53 = vector.shape_cast %get3A_52 : vector<64xf32> to vector<64x1xf32>
    %add3A_54 = vector.broadcast %broadcast_in_dim3A_53 : vector<64x1xf32> to vector<64x512xf32>
    %add3A_55 = arith.addf %slice3A_48, %add3A_54 : vector<64x512xf32>
    %swap3A_56 = arith.constant 3 : index
    %swap3A_57 = arith.constant 0 : index
    %swap3A_58 = arith.constant 0 : index
    %swap3A_59 = vector.load %arg5[%swap3A_56, %swap3A_57, %swap3A_58] : memref<16x64x512xf32, #tpu.memory_space<vmem>>, vector<1x64x512xf32>
    %swap3A_60 = vector.shape_cast %swap3A_59 : vector<1x64x512xf32> to vector<64x512xf32>
    %swap3A_61 = vector.shape_cast %add3A_55 : vector<64x512xf32> to vector<1x64x512xf32>
    tpu.vector_store %arg5[%swap3A_56, %swap3A_57, %swap3A_58], %swap3A_61 {strides = array<i32>} : memref<16x64x512xf32, #tpu.memory_space<vmem>>, vector<1x64x512xf32>,
    %get3A_62 = arith.constant 0 : index
    %get3A_63 = arith.constant 2 : index
    %get3A_64 = arith.constant 0 : index
    %get3A_65 = vector.load %arg2[%get3A_62, %get3A_63, %get3A_64] : memref<512x8x128xf32, #tpu.memory_space<vmem>>, vector<512x1x128xf32>
    %get3A_66 = vector.shape_cast %get3A_65 : vector<512x1x128xf32> to vector<512x128xf32>
    %transpose3A_67 = tpu.transpose %get3A_66, [1, 0] : vector<512x128xf32> -> vector<128x512xf32>
    %slice3A_68 = vector.extract_strided_slice %transpose3A_67 {offsets = [0, 0], sizes = [64, 512], strides = [1, 1]} : vector<128x512xf32> to vector<64x512xf32>
    %get3A_69 = arith.constant 4 : index
    %get3A_70 = arith.constant 0 : index
    %get3A_71 = vector.load %arg3[%get3A_69, %get3A_70] : memref<16x64xf32, #tpu.memory_space<vmem>>, vector<1x64xf32>
    %get3A_72 = vector.shape_cast %get3A_71 : vector<1x64xf32> to vector<64xf32>
    %broadcast_in_dim3A_73 = vector.shape_cast %get3A_72 : vector<64xf32> to vector<64x1xf32>
    %add3A_74 = vector.broadcast %broadcast_in_dim3A_73 : vector<64x1xf32> to vector<64x512xf32>
    %add3A_75 = arith.addf %slice3A_68, %add3A_74 : vector<64x512xf32>
    %swap3A_76 = arith.constant 4 : index
    %swap3A_77 = arith.constant 0 : index
    %swap3A_78 = arith.constant 0 : index
    %swap3A_79 = vector.load %arg5[%swap3A_76, %swap3A_77, %swap3A_78] : memref<16x64x512xf32, #tpu.memory_space<vmem>>, vector<1x64x512xf32>
    %swap3A_80 = vector.shape_cast %swap3A_79 : vector<1x64x512xf32> to vector<64x512xf32>
    %swap3A_81 = vector.shape_cast %add3A_75 : vector<64x512xf32> to vector<1x64x512xf32>
    tpu.vector_store %arg5[%swap3A_76, %swap3A_77, %swap3A_78], %swap3A_81 {strides = array<i32>} : memref<16x64x512xf32, #tpu.memory_space<vmem>>, vector<1x64x512xf32>,
    %slice3A_82 = vector.extract_strided_slice %transpose3A_67 {offsets = [64, 0], sizes = [64, 512], strides = [1, 1]} : vector<128x512xf32> to vector<64x512xf32>
    %get3A_83 = arith.constant 5 : index
    %get3A_84 = arith.constant 0 : index
    %get3A_85 = vector.load %arg3[%get3A_83, %get3A_84] : memref<16x64xf32, #tpu.memory_space<vmem>>, vector<1x64xf32>
    %get3A_86 = vector.shape_cast %get3A_85 : vector<1x64xf32> to vector<64xf32>
    %broadcast_in_dim3A_87 = vector.shape_cast %get3A_86 : vector<64xf32> to vector<64x1xf32>
    %add3A_88 = vector.broadcast %broadcast_in_dim3A_87 : vector<64x1xf32> to vector<64x512xf32>
    %add3A_89 = arith.addf %slice3A_82, %add3A_88 : vector<64x512xf32>
    %swap3A_90 = arith.constant 5 : index
    %swap3A_91 = arith.constant 0 : index
    %swap3A_92 = arith.constant 0 : index
    %swap3A_93 = vector.load %arg5[%swap3A_90, %swap3A_91, %swap3A_92] : memref<16x64x512xf32, #tpu.memory_space<vmem>>, vector<1x64x512xf32>
    %swap3A_94 = vector.shape_cast %swap3A_93 : vector<1x64x512xf32> to vector<64x512xf32>
    %swap3A_95 = vector.shape_cast %add3A_89 : vector<64x512xf32> to vector<1x64x512xf32>
    tpu.vector_store %arg5[%swap3A_90, %swap3A_91, %swap3A_92], %swap3A_95 {strides = array<i32>} : memref<16x64x512xf32, #tpu.memory_space<vmem>>, vector<1x64x512xf32>,
    %get3A_96 = arith.constant 0 : index
    %get3A_97 = arith.constant 3 : index
    %get3A_98 = arith.constant 0 : index
    %get3A_99 = vector.load %arg2[%get3A_96, %get3A_97, %get3A_98] : memref<512x8x128xf32, #tpu.memory_space<vmem>>, vector<512x1x128xf32>
    %get3A_100 = vector.shape_cast %get3A_99 : vector<512x1x128xf32> to vector<512x128xf32>
    %transpose3A_101 = tpu.transpose %get3A_100, [1, 0] : vector<512x128xf32> -> vector<128x512xf32>
    %slice3A_102 = vector.extract_strided_slice %transpose3A_101 {offsets = [0, 0], sizes = [64, 512], strides = [1, 1]} : vector<128x512xf32> to vector<64x512xf32>
    %get3A_103 = arith.constant 6 : index
    %get3A_104 = arith.constant 0 : index
    %get3A_105 = vector.load %arg3[%get3A_103, %get3A_104] : memref<16x64xf32, #tpu.memory_space<vmem>>, vector<1x64xf32>
    %get3A_106 = vector.shape_cast %get3A_105 : vector<1x64xf32> to vector<64xf32>
    %broadcast_in_dim3A_107 = vector.shape_cast %get3A_106 : vector<64xf32> to vector<64x1xf32>
    %add3A_108 = vector.broadcast %broadcast_in_dim3A_107 : vector<64x1xf32> to vector<64x512xf32>
    %add3A_109 = arith.addf %slice3A_102, %add3A_108 : vector<64x512xf32>
    %swap3A_110 = arith.constant 6 : index
    %swap3A_111 = arith.constant 0 : index
    %swap3A_112 = arith.constant 0 : index
    %swap3A_113 = vector.load %arg5[%swap3A_110, %swap3A_111, %swap3A_112] : memref<16x64x512xf32, #tpu.memory_space<vmem>>, vector<1x64x512xf32>
    %swap3A_114 = vector.shape_cast %swap3A_113 : vector<1x64x512xf32> to vector<64x512xf32>
    %swap3A_115 = vector.shape_cast %add3A_109 : vector<64x512xf32> to vector<1x64x512xf32>
    tpu.vector_store %arg5[%swap3A_110, %swap3A_111, %swap3A_112], %swap3A_115 {strides = array<i32>} : memref<16x64x512xf32, #tpu.memory_space<vmem>>, vector<1x64x512xf32>,
    %slice3A_116 = vector.extract_strided_slice %transpose3A_101 {offsets = [64, 0], sizes = [64, 512], strides = [1, 1]} : vector<128x512xf32> to vector<64x512xf32>
    %get3A_117 = arith.constant 7 : index
    %get3A_118 = arith.constant 0 : index
    %get3A_119 = vector.load %arg3[%get3A_117, %get3A_118] : memref<16x64xf32, #tpu.memory_space<vmem>>, vector<1x64xf32>
    %get3A_120 = vector.shape_cast %get3A_119 : vector<1x64xf32> to vector<64xf32>
    %broadcast_in_dim3A_121 = vector.shape_cast %get3A_120 : vector<64xf32> to vector<64x1xf32>
    %add3A_122 = vector.broadcast %broadcast_in_dim3A_121 : vector<64x1xf32> to vector<64x512xf32>
    %add3A_123 = arith.addf %slice3A_116, %add3A_122 : vector<64x512xf32>
    %swap3A_124 = arith.constant 7 : index
    %swap3A_125 = arith.constant 0 : index
    %swap3A_126 = arith.constant 0 : index
    %swap3A_127 = vector.load %arg5[%swap3A_124, %swap3A_125, %swap3A_126] : memref<16x64x512xf32, #tpu.memory_space<vmem>>, vector<1x64x512xf32>
    %swap3A_128 = vector.shape_cast %swap3A_127 : vector<1x64x512xf32> to vector<64x512xf32>
    %swap3A_129 = vector.shape_cast %add3A_123 : vector<64x512xf32> to vector<1x64x512xf32>
    tpu.vector_store %arg5[%swap3A_124, %swap3A_125, %swap3A_126], %swap3A_129 {strides = array<i32>} : memref<16x64x512xf32, #tpu.memory_space<vmem>>, vector<1x64x512xf32>,
    %get3A_130 = arith.constant 0 : index
    %get3A_131 = arith.constant 4 : index
    %get3A_132 = arith.constant 0 : index
    %get3A_133 = vector.load %arg2[%get3A_130, %get3A_131, %get3A_132] : memref<512x8x128xf32, #tpu.memory_space<vmem>>, vector<512x1x128xf32>
    %get3A_134 = vector.shape_cast %get3A_133 : vector<512x1x128xf32> to vector<512x128xf32>
    %transpose3A_135 = tpu.transpose %get3A_134, [1, 0] : vector<512x128xf32> -> vector<128x512xf32>
    %slice3A_136 = vector.extract_strided_slice %transpose3A_135 {offsets = [0, 0], sizes = [64, 512], strides = [1, 1]} : vector<128x512xf32> to vector<64x512xf32>
    %get3A_137 = arith.constant 8 : index
    %get3A_138 = arith.constant 0 : index
    %get3A_139 = vector.load %arg3[%get3A_137, %get3A_138] : memref<16x64xf32, #tpu.memory_space<vmem>>, vector<1x64xf32>
    %get3A_140 = vector.shape_cast %get3A_139 : vector<1x64xf32> to vector<64xf32>
    %broadcast_in_dim3A_141 = vector.shape_cast %get3A_140 : vector<64xf32> to vector<64x1xf32>
    %add3A_142 = vector.broadcast %broadcast_in_dim3A_141 : vector<64x1xf32> to vector<64x512xf32>
    %add3A_143 = arith.addf %slice3A_136, %add3A_142 : vector<64x512xf32>
    %swap3A_144 = arith.constant 8 : index
    %swap3A_145 = arith.constant 0 : index
    %swap3A_146 = arith.constant 0 : index
    %swap3A_147 = vector.load %arg5[%swap3A_144, %swap3A_145, %swap3A_146] : memref<16x64x512xf32, #tpu.memory_space<vmem>>, vector<1x64x512xf32>
    %swap3A_148 = vector.shape_cast %swap3A_147 : vector<1x64x512xf32> to vector<64x512xf32>
    %swap3A_149 = vector.shape_cast %add3A_143 : vector<64x512xf32> to vector<1x64x512xf32>
    tpu.vector_store %arg5[%swap3A_144, %swap3A_145, %swap3A_146], %swap3A_149 {strides = array<i32>} : memref<16x64x512xf32, #tpu.memory_space<vmem>>, vector<1x64x512xf32>,
    %slice3A_150 = vector.extract_strided_slice %transpose3A_135 {offsets = [64, 0], sizes = [64, 512], strides = [1, 1]} : vector<128x512xf32> to vector<64x512xf32>
    %get3A_151 = arith.constant 9 : index
    %get3A_152 = arith.constant 0 : index
    %get3A_153 = vector.load %arg3[%get3A_151, %get3A_152] : memref<16x64xf32, #tpu.memory_space<vmem>>, vector<1x64xf32>
    %get3A_154 = vector.shape_cast %get3A_153 : vector<1x64xf32> to vector<64xf32>
    %broadcast_in_dim3A_155 = vector.shape_cast %get3A_154 : vector<64xf32> to vector<64x1xf32>
    %add3A_156 = vector.broadcast %broadcast_in_dim3A_155 : vector<64x1xf32> to vector<64x512xf32>
    %add3A_157 = arith.addf %slice3A_150, %add3A_156 : vector<64x512xf32>
    %swap3A_158 = arith.constant 9 : index
    %swap3A_159 = arith.constant 0 : index
    %swap3A_160 = arith.constant 0 : index
    %swap3A_161 = vector.load %arg5[%swap3A_158, %swap3A_159, %swap3A_160] : memref<16x64x512xf32, #tpu.memory_space<vmem>>, vector<1x64x512xf32>
    %swap3A_162 = vector.shape_cast %swap3A_161 : vector<1x64x512xf32> to vector<64x512xf32>
    %swap3A_163 = vector.shape_cast %add3A_157 : vector<64x512xf32> to vector<1x64x512xf32>
    tpu.vector_store %arg5[%swap3A_158, %swap3A_159, %swap3A_160], %swap3A_163 {strides = array<i32>} : memref<16x64x512xf32, #tpu.memory_space<vmem>>, vector<1x64x512xf32>,
    %get3A_164 = arith.constant 0 : index
    %get3A_165 = arith.constant 5 : index
    %get3A_166 = arith.constant 0 : index
    %get3A_167 = vector.load %arg2[%get3A_164, %get3A_165, %get3A_166] : memref<512x8x128xf32, #tpu.memory_space<vmem>>, vector<512x1x128xf32>
    %get3A_168 = vector.shape_cast %get3A_167 : vector<512x1x128xf32> to vector<512x128xf32>
    %transpose3A_169 = tpu.transpose %get3A_168, [1, 0] : vector<512x128xf32> -> vector<128x512xf32>
    %slice3A_170 = vector.extract_strided_slice %transpose3A_169 {offsets = [0, 0], sizes = [64, 512], strides = [1, 1]} : vector<128x512xf32> to vector<64x512xf32>
    %get3A_171 = arith.constant 10 : index
    %get3A_172 = arith.constant 0 : index
    %get3A_173 = vector.load %arg3[%get3A_171, %get3A_172] : memref<16x64xf32, #tpu.memory_space<vmem>>, vector<1x64xf32>
    %get3A_174 = vector.shape_cast %get3A_173 : vector<1x64xf32> to vector<64xf32>
    %broadcast_in_dim3A_175 = vector.shape_cast %get3A_174 : vector<64xf32> to vector<64x1xf32>
    %add3A_176 = vector.broadcast %broadcast_in_dim3A_175 : vector<64x1xf32> to vector<64x512xf32>
    %add3A_177 = arith.addf %slice3A_170, %add3A_176 : vector<64x512xf32>
    %swap3A_178 = arith.constant 10 : index
    %swap3A_179 = arith.constant 0 : index
    %swap3A_180 = arith.constant 0 : index
    %swap3A_181 = vector.load %arg5[%swap3A_178, %swap3A_179, %swap3A_180] : memref<16x64x512xf32, #tpu.memory_space<vmem>>, vector<1x64x512xf32>
    %swap3A_182 = vector.shape_cast %swap3A_181 : vector<1x64x512xf32> to vector<64x512xf32>
    %swap3A_183 = vector.shape_cast %add3A_177 : vector<64x512xf32> to vector<1x64x512xf32>
    tpu.vector_store %arg5[%swap3A_178, %swap3A_179, %swap3A_180], %swap3A_183 {strides = array<i32>} : memref<16x64x512xf32, #tpu.memory_space<vmem>>, vector<1x64x512xf32>,
    %slice3A_184 = vector.extract_strided_slice %transpose3A_169 {offsets = [64, 0], sizes = [64, 512], strides = [1, 1]} : vector<128x512xf32> to vector<64x512xf32>
    %get3A_185 = arith.constant 11 : index
    %get3A_186 = arith.constant 0 : index
    %get3A_187 = vector.load %arg3[%get3A_185, %get3A_186] : memref<16x64xf32, #tpu.memory_space<vmem>>, vector<1x64xf32>
    %get3A_188 = vector.shape_cast %get3A_187 : vector<1x64xf32> to vector<64xf32>
    %broadcast_in_dim3A_189 = vector.shape_cast %get3A_188 : vector<64xf32> to vector<64x1xf32>
    %add3A_190 = vector.broadcast %broadcast_in_dim3A_189 : vector<64x1xf32> to vector<64x512xf32>
    %add3A_191 = arith.addf %slice3A_184, %add3A_190 : vector<64x512xf32>
    %swap3A_192 = arith.constant 11 : index
    %swap3A_193 = arith.constant 0 : index
    %swap3A_194 = arith.constant 0 : index
    %swap3A_195 = vector.load %arg5[%swap3A_192, %swap3A_193, %swap3A_194] : memref<16x64x512xf32, #tpu.memory_space<vmem>>, vector<1x64x512xf32>
    %swap3A_196 = vector.shape_cast %swap3A_195 : vector<1x64x512xf32> to vector<64x512xf32>
    %swap3A_197 = vector.shape_cast %add3A_191 : vector<64x512xf32> to vector<1x64x512xf32>
    tpu.vector_store %arg5[%swap3A_192, %swap3A_193, %swap3A_194], %swap3A_197 {strides = array<i32>} : memref<16x64x512xf32, #tpu.memory_space<vmem>>, vector<1x64x512xf32>,
    %get3A_198 = arith.constant 0 : index
    %get3A_199 = arith.constant 6 : index
    %get3A_200 = arith.constant 0 : index
    %get3A_201 = vector.load %arg2[%get3A_198, %get3A_199, %get3A_200] : memref<512x8x128xf32, #tpu.memory_space<vmem>>, vector<512x1x128xf32>
    %get3A_202 = vector.shape_cast %get3A_201 : vector<512x1x128xf32> to vector<512x128xf32>
    %transpose3A_203 = tpu.transpose %get3A_202, [1, 0] : vector<512x128xf32> -> vector<128x512xf32>
    %slice3A_204 = vector.extract_strided_slice %transpose3A_203 {offsets = [0, 0], sizes = [64, 512], strides = [1, 1]} : vector<128x512xf32> to vector<64x512xf32>
    %get3A_205 = arith.constant 12 : index
    %get3A_206 = arith.constant 0 : index
    %get3A_207 = vector.load %arg3[%get3A_205, %get3A_206] : memref<16x64xf32, #tpu.memory_space<vmem>>, vector<1x64xf32>
    %get3A_208 = vector.shape_cast %get3A_207 : vector<1x64xf32> to vector<64xf32>
    %broadcast_in_dim3A_209 = vector.shape_cast %get3A_208 : vector<64xf32> to vector<64x1xf32>
    %add3A_210 = vector.broadcast %broadcast_in_dim3A_209 : vector<64x1xf32> to vector<64x512xf32>
    %add3A_211 = arith.addf %slice3A_204, %add3A_210 : vector<64x512xf32>
    %swap3A_212 = arith.constant 12 : index
    %swap3A_213 = arith.constant 0 : index
    %swap3A_214 = arith.constant 0 : index
    %swap3A_215 = vector.load %arg5[%swap3A_212, %swap3A_213, %swap3A_214] : memref<16x64x512xf32, #tpu.memory_space<vmem>>, vector<1x64x512xf32>
    %swap3A_216 = vector.shape_cast %swap3A_215 : vector<1x64x512xf32> to vector<64x512xf32>
    %swap3A_217 = vector.shape_cast %add3A_211 : vector<64x512xf32> to vector<1x64x512xf32>
    tpu.vector_store %arg5[%swap3A_212, %swap3A_213, %swap3A_214], %swap3A_217 {strides = array<i32>} : memref<16x64x512xf32, #tpu.memory_space<vmem>>, vector<1x64x512xf32>,
    %slice3A_218 = vector.extract_strided_slice %transpose3A_203 {offsets = [64, 0], sizes = [64, 512], strides = [1, 1]} : vector<128x512xf32> to vector<64x512xf32>
    %get3A_219 = arith.constant 13 : index
    %get3A_220 = arith.constant 0 : index
    %get3A_221 = vector.load %arg3[%get3A_219, %get3A_220] : memref<16x64xf32, #tpu.memory_space<vmem>>, vector<1x64xf32>
    %get3A_222 = vector.shape_cast %get3A_221 : vector<1x64xf32> to vector<64xf32>
    %broadcast_in_dim3A_223 = vector.shape_cast %get3A_222 : vector<64xf32> to vector<64x1xf32>
    %add3A_224 = vector.broadcast %broadcast_in_dim3A_223 : vector<64x1xf32> to vector<64x512xf32>
    %add3A_225 = arith.addf %slice3A_218, %add3A_224 : vector<64x512xf32>
    %swap3A_226 = arith.constant 13 : index
    %swap3A_227 = arith.constant 0 : index
    %swap3A_228 = arith.constant 0 : index
    %swap3A_229 = vector.load %arg5[%swap3A_226, %swap3A_227, %swap3A_228] : memref<16x64x512xf32, #tpu.memory_space<vmem>>, vector<1x64x512xf32>
    %swap3A_230 = vector.shape_cast %swap3A_229 : vector<1x64x512xf32> to vector<64x512xf32>
    %swap3A_231 = vector.shape_cast %add3A_225 : vector<64x512xf32> to vector<1x64x512xf32>
    tpu.vector_store %arg5[%swap3A_226, %swap3A_227, %swap3A_228], %swap3A_231 {strides = array<i32>} : memref<16x64x512xf32, #tpu.memory_space<vmem>>, vector<1x64x512xf32>,
    %get3A_232 = arith.constant 0 : index
    %get3A_233 = arith.constant 7 : index
    %get3A_234 = arith.constant 0 : index
    %get3A_235 = vector.load %arg2[%get3A_232, %get3A_233, %get3A_234] : memref<512x8x128xf32, #tpu.memory_space<vmem>>, vector<512x1x128xf32>
    %get3A_236 = vector.shape_cast %get3A_235 : vector<512x1x128xf32> to vector<512x128xf32>
    %transpose3A_237 = tpu.transpose %get3A_236, [1, 0] : vector<512x128xf32> -> vector<128x512xf32>
    %slice3A_238 = vector.extract_strided_slice %transpose3A_237 {offsets = [0, 0], sizes = [64, 512], strides = [1, 1]} : vector<128x512xf32> to vector<64x512xf32>
    %get3A_239 = arith.constant 14 : index
    %get3A_240 = arith.constant 0 : index
    %get3A_241 = vector.load %arg3[%get3A_239, %get3A_240] : memref<16x64xf32, #tpu.memory_space<vmem>>, vector<1x64xf32>
    %get3A_242 = vector.shape_cast %get3A_241 : vector<1x64xf32> to vector<64xf32>
    %broadcast_in_dim3A_243 = vector.shape_cast %get3A_242 : vector<64xf32> to vector<64x1xf32>
    %add3A_244 = vector.broadcast %broadcast_in_dim3A_243 : vector<64x1xf32> to vector<64x512xf32>
    %add3A_245 = arith.addf %slice3A_238, %add3A_244 : vector<64x512xf32>
    %swap3A_246 = arith.constant 14 : index
    %swap3A_247 = arith.constant 0 : index
    %swap3A_248 = arith.constant 0 : index
    %swap3A_249 = vector.load %arg5[%swap3A_246, %swap3A_247, %swap3A_248] : memref<16x64x512xf32, #tpu.memory_space<vmem>>, vector<1x64x512xf32>
    %swap3A_250 = vector.shape_cast %swap3A_249 : vector<1x64x512xf32> to vector<64x512xf32>
    %swap3A_251 = vector.shape_cast %add3A_245 : vector<64x512xf32> to vector<1x64x512xf32>
    tpu.vector_store %arg5[%swap3A_246, %swap3A_247, %swap3A_248], %swap3A_251 {strides = array<i32>} : memref<16x64x512xf32, #tpu.memory_space<vmem>>, vector<1x64x512xf32>,
    %slice3A_252 = vector.extract_strided_slice %transpose3A_237 {offsets = [64, 0], sizes = [64, 512], strides = [1, 1]} : vector<128x512xf32> to vector<64x512xf32>
    %get3A_253 = arith.constant 15 : index
    %get3A_254 = arith.constant 0 : index
    %get3A_255 = vector.load %arg3[%get3A_253, %get3A_254] : memref<16x64xf32, #tpu.memory_space<vmem>>, vector<1x64xf32>
    %get3A_256 = vector.shape_cast %get3A_255 : vector<1x64xf32> to vector<64xf32>
    %broadcast_in_dim3A_257 = vector.shape_cast %get3A_256 : vector<64xf32> to vector<64x1xf32>
    %add3A_258 = vector.broadcast %broadcast_in_dim3A_257 : vector<64x1xf32> to vector<64x512xf32>
    %add3A_259 = arith.addf %slice3A_252, %add3A_258 : vector<64x512xf32>
    %swap3A_260 = arith.constant 15 : index
    %swap3A_261 = arith.constant 0 : index
    %swap3A_262 = arith.constant 0 : index
    %swap3A_263 = vector.load %arg5[%swap3A_260, %swap3A_261, %swap3A_262] : memref<16x64x512xf32, #tpu.memory_space<vmem>>, vector<1x64x512xf32>
    %swap3A_264 = vector.shape_cast %swap3A_263 : vector<1x64x512xf32> to vector<64x512xf32>
    %swap3A_265 = vector.shape_cast %add3A_259 : vector<64x512xf32> to vector<1x64x512xf32>
    tpu.vector_store %arg5[%swap3A_260, %swap3A_261, %swap3A_262], %swap3A_265 {strides = array<i32>} : memref<16x64x512xf32, #tpu.memory_space<vmem>>, vector<1x64x512xf32>,
    return
  }
  func.func @transform_0(%arg0: i32, %arg1: i32) -> (i32, i32, i32) {
    %c0_i32 = arith.constant 0 : i32
    %c0_i32_0 = arith.constant 0 : i32
    return %arg0, %arg1, %c0_i32 : i32, i32, i32
  }
  func.func @transform_1(%arg0: i32, %arg1: i32) -> (i32, i32) {
    %c0_i32 = arith.constant 0 : i32
    %c0_i32_0 = arith.constant 0 : i32
    return %arg1, %c0_i32 : i32, i32
  }
  func.func @transform_3(%arg0: i32, %arg1: i32) -> (i32, i32, i32) {
    %add3A = arith.constant 2 : i32
    %add3A_0 = arith.addi %arg0, %add3A : i32
    %c0_i32 = arith.constant 0 : i32
    %c0_i32_1 = arith.constant 0 : i32
    return %arg1, %c0_i32, %add3A_0 : i32, i32, i32
  }
}

module attributes {stable_mosaic.version = 14 : i64} {
  func.func @_post_body1(%arg0: i32, %arg1: i32, %arg2: memref<512x8x128xf32, #tpu.memory_space<vmem>>, %arg3: memref<16x64xf32, #tpu.memory_space<vmem>>, %arg4: memref<200x64x4096xf32, #tpu.memory_space<any>>, %arg5: memref<16x64x512xf32, #tpu.memory_space<vmem>>) attributes {dimension_semantics = [#tpu.dimension_semantics<arbitrary>, #tpu.dimension_semantics<arbitrary>], iteration_bounds = array<i64: 2, 13>, scalar_prefetch = 0 : i64, scratch_operands = 0 : i64, tpu.core_type = #tpu.core_type<tc>, window_params = [{transform_indices = @transform_0, window_bounds = array<i64: 512, 8, 128>}, {transform_indices = @transform_1, window_bounds = array<i64: 16, 64>}, {}, {transform_indices = @transform_3, window_bounds = array<i64: 16, 64, 512>}]} {
    %get3A = arith.constant 0 : index
    %get3A_0 = arith.constant 0 : index
    %get3A_1 = arith.constant 0 : index
    %get3A_2 = vector.load %arg2[%get3A, %get3A_0, %get3A_1] : memref<512x8x128xf32, #tpu.memory_space<vmem>>, vector<512x1x128xf32>
    %get3A_3 = vector.shape_cast %get3A_2 : vector<512x1x128xf32> to vector<512x128xf32>
    %transpose3A = tpu.transpose %get3A_3, [1, 0] : vector<512x128xf32> -> vector<128x512xf32>
    %slice3A = vector.extract_strided_slice %transpose3A {offsets = [0, 0], sizes = [64, 512], strides = [1, 1]} : vector<128x512xf32> to vector<64x512xf32>
    %get3A_4 = arith.constant 0 : index
    %get3A_5 = arith.constant 0 : index
    %get3A_6 = vector.load %arg3[%get3A_4, %get3A_5] : memref<16x64xf32, #tpu.memory_space<vmem>>, vector<1x64xf32>
    %get3A_7 = vector.shape_cast %get3A_6 : vector<1x64xf32> to vector<64xf32>
    %broadcast_in_dim3A = vector.shape_cast %get3A_7 : vector<64xf32> to vector<64x1xf32>
    %add3A = vector.broadcast %broadcast_in_dim3A : vector<64x1xf32> to vector<64x512xf32>
    %add3A_8 = arith.addf %slice3A, %add3A : vector<64x512xf32>
    %swap3A = arith.constant 0 : index
    %swap3A_9 = arith.constant 0 : index
    %swap3A_10 = arith.constant 0 : index
    %swap3A_11 = vector.load %arg5[%swap3A, %swap3A_9, %swap3A_10] : memref<16x64x512xf32, #tpu.memory_space<vmem>>, vector<1x64x512xf32>
    %swap3A_12 = vector.shape_cast %swap3A_11 : vector<1x64x512xf32> to vector<64x512xf32>
    %swap3A_13 = vector.shape_cast %add3A_8 : vector<64x512xf32> to vector<1x64x512xf32>
    tpu.vector_store %arg5[%swap3A, %swap3A_9, %swap3A_10], %swap3A_13 {strides = array<i32>} : memref<16x64x512xf32, #tpu.memory_space<vmem>>, vector<1x64x512xf32>,
    %slice3A_14 = vector.extract_strided_slice %transpose3A {offsets = [64, 0], sizes = [64, 512], strides = [1, 1]} : vector<128x512xf32> to vector<64x512xf32>
    %get3A_15 = arith.constant 1 : index
    %get3A_16 = arith.constant 0 : index
    %get3A_17 = vector.load %arg3[%get3A_15, %get3A_16] : memref<16x64xf32, #tpu.memory_space<vmem>>, vector<1x64xf32>
    %get3A_18 = vector.shape_cast %get3A_17 : vector<1x64xf32> to vector<64xf32>
    %broadcast_in_dim3A_19 = vector.shape_cast %get3A_18 : vector<64xf32> to vector<64x1xf32>
    %add3A_20 = vector.broadcast %broadcast_in_dim3A_19 : vector<64x1xf32> to vector<64x512xf32>
    %add3A_21 = arith.addf %slice3A_14, %add3A_20 : vector<64x512xf32>
    %swap3A_22 = arith.constant 1 : index
    %swap3A_23 = arith.constant 0 : index
    %swap3A_24 = arith.constant 0 : index
    %swap3A_25 = vector.load %arg5[%swap3A_22, %swap3A_23, %swap3A_24] : memref<16x64x512xf32, #tpu.memory_space<vmem>>, vector<1x64x512xf32>
    %swap3A_26 = vector.shape_cast %swap3A_25 : vector<1x64x512xf32> to vector<64x512xf32>
    %swap3A_27 = vector.shape_cast %add3A_21 : vector<64x512xf32> to vector<1x64x512xf32>
    tpu.vector_store %arg5[%swap3A_22, %swap3A_23, %swap3A_24], %swap3A_27 {strides = array<i32>} : memref<16x64x512xf32, #tpu.memory_space<vmem>>, vector<1x64x512xf32>,
    %get3A_28 = arith.constant 0 : index
    %get3A_29 = arith.constant 1 : index
    %get3A_30 = arith.constant 0 : index
    %get3A_31 = vector.load %arg2[%get3A_28, %get3A_29, %get3A_30] : memref<512x8x128xf32, #tpu.memory_space<vmem>>, vector<512x1x128xf32>
    %get3A_32 = vector.shape_cast %get3A_31 : vector<512x1x128xf32> to vector<512x128xf32>
    %transpose3A_33 = tpu.transpose %get3A_32, [1, 0] : vector<512x128xf32> -> vector<128x512xf32>
    %slice3A_34 = vector.extract_strided_slice %transpose3A_33 {offsets = [0, 0], sizes = [64, 512], strides = [1, 1]} : vector<128x512xf32> to vector<64x512xf32>
    %get3A_35 = arith.constant 2 : index
    %get3A_36 = arith.constant 0 : index
    %get3A_37 = vector.load %arg3[%get3A_35, %get3A_36] : memref<16x64xf32, #tpu.memory_space<vmem>>, vector<1x64xf32>
    %get3A_38 = vector.shape_cast %get3A_37 : vector<1x64xf32> to vector<64xf32>
    %broadcast_in_dim3A_39 = vector.shape_cast %get3A_38 : vector<64xf32> to vector<64x1xf32>
    %add3A_40 = vector.broadcast %broadcast_in_dim3A_39 : vector<64x1xf32> to vector<64x512xf32>
    %add3A_41 = arith.addf %slice3A_34, %add3A_40 : vector<64x512xf32>
    %swap3A_42 = arith.constant 2 : index
    %swap3A_43 = arith.constant 0 : index
    %swap3A_44 = arith.constant 0 : index
    %swap3A_45 = vector.load %arg5[%swap3A_42, %swap3A_43, %swap3A_44] : memref<16x64x512xf32, #tpu.memory_space<vmem>>, vector<1x64x512xf32>
    %swap3A_46 = vector.shape_cast %swap3A_45 : vector<1x64x512xf32> to vector<64x512xf32>
    %swap3A_47 = vector.shape_cast %add3A_41 : vector<64x512xf32> to vector<1x64x512xf32>
    tpu.vector_store %arg5[%swap3A_42, %swap3A_43, %swap3A_44], %swap3A_47 {strides = array<i32>} : memref<16x64x512xf32, #tpu.memory_space<vmem>>, vector<1x64x512xf32>,
    %slice3A_48 = vector.extract_strided_slice %transpose3A_33 {offsets = [64, 0], sizes = [64, 512], strides = [1, 1]} : vector<128x512xf32> to vector<64x512xf32>
    %get3A_49 = arith.constant 3 : index
    %get3A_50 = arith.constant 0 : index
    %get3A_51 = vector.load %arg3[%get3A_49, %get3A_50] : memref<16x64xf32, #tpu.memory_space<vmem>>, vector<1x64xf32>
    %get3A_52 = vector.shape_cast %get3A_51 : vector<1x64xf32> to vector<64xf32>
    %broadcast_in_dim3A_53 = vector.shape_cast %get3A_52 : vector<64xf32> to vector<64x1xf32>
    %add3A_54 = vector.broadcast %broadcast_in_dim3A_53 : vector<64x1xf32> to vector<64x512xf32>
    %add3A_55 = arith.addf %slice3A_48, %add3A_54 : vector<64x512xf32>
    %swap3A_56 = arith.constant 3 : index
    %swap3A_57 = arith.constant 0 : index
    %swap3A_58 = arith.constant 0 : index
    %swap3A_59 = vector.load %arg5[%swap3A_56, %swap3A_57, %swap3A_58] : memref<16x64x512xf32, #tpu.memory_space<vmem>>, vector<1x64x512xf32>
    %swap3A_60 = vector.shape_cast %swap3A_59 : vector<1x64x512xf32> to vector<64x512xf32>
    %swap3A_61 = vector.shape_cast %add3A_55 : vector<64x512xf32> to vector<1x64x512xf32>
    tpu.vector_store %arg5[%swap3A_56, %swap3A_57, %swap3A_58], %swap3A_61 {strides = array<i32>} : memref<16x64x512xf32, #tpu.memory_space<vmem>>, vector<1x64x512xf32>,
    %get3A_62 = arith.constant 0 : index
    %get3A_63 = arith.constant 2 : index
    %get3A_64 = arith.constant 0 : index
    %get3A_65 = vector.load %arg2[%get3A_62, %get3A_63, %get3A_64] : memref<512x8x128xf32, #tpu.memory_space<vmem>>, vector<512x1x128xf32>
    %get3A_66 = vector.shape_cast %get3A_65 : vector<512x1x128xf32> to vector<512x128xf32>
    %transpose3A_67 = tpu.transpose %get3A_66, [1, 0] : vector<512x128xf32> -> vector<128x512xf32>
    %slice3A_68 = vector.extract_strided_slice %transpose3A_67 {offsets = [0, 0], sizes = [64, 512], strides = [1, 1]} : vector<128x512xf32> to vector<64x512xf32>
    %get3A_69 = arith.constant 4 : index
    %get3A_70 = arith.constant 0 : index
    %get3A_71 = vector.load %arg3[%get3A_69, %get3A_70] : memref<16x64xf32, #tpu.memory_space<vmem>>, vector<1x64xf32>
    %get3A_72 = vector.shape_cast %get3A_71 : vector<1x64xf32> to vector<64xf32>
    %broadcast_in_dim3A_73 = vector.shape_cast %get3A_72 : vector<64xf32> to vector<64x1xf32>
    %add3A_74 = vector.broadcast %broadcast_in_dim3A_73 : vector<64x1xf32> to vector<64x512xf32>
    %add3A_75 = arith.addf %slice3A_68, %add3A_74 : vector<64x512xf32>
    %swap3A_76 = arith.constant 4 : index
    %swap3A_77 = arith.constant 0 : index
    %swap3A_78 = arith.constant 0 : index
    %swap3A_79 = vector.load %arg5[%swap3A_76, %swap3A_77, %swap3A_78] : memref<16x64x512xf32, #tpu.memory_space<vmem>>, vector<1x64x512xf32>
    %swap3A_80 = vector.shape_cast %swap3A_79 : vector<1x64x512xf32> to vector<64x512xf32>
    %swap3A_81 = vector.shape_cast %add3A_75 : vector<64x512xf32> to vector<1x64x512xf32>
    tpu.vector_store %arg5[%swap3A_76, %swap3A_77, %swap3A_78], %swap3A_81 {strides = array<i32>} : memref<16x64x512xf32, #tpu.memory_space<vmem>>, vector<1x64x512xf32>,
    %slice3A_82 = vector.extract_strided_slice %transpose3A_67 {offsets = [64, 0], sizes = [64, 512], strides = [1, 1]} : vector<128x512xf32> to vector<64x512xf32>
    %get3A_83 = arith.constant 5 : index
    %get3A_84 = arith.constant 0 : index
    %get3A_85 = vector.load %arg3[%get3A_83, %get3A_84] : memref<16x64xf32, #tpu.memory_space<vmem>>, vector<1x64xf32>
    %get3A_86 = vector.shape_cast %get3A_85 : vector<1x64xf32> to vector<64xf32>
    %broadcast_in_dim3A_87 = vector.shape_cast %get3A_86 : vector<64xf32> to vector<64x1xf32>
    %add3A_88 = vector.broadcast %broadcast_in_dim3A_87 : vector<64x1xf32> to vector<64x512xf32>
    %add3A_89 = arith.addf %slice3A_82, %add3A_88 : vector<64x512xf32>
    %swap3A_90 = arith.constant 5 : index
    %swap3A_91 = arith.constant 0 : index
    %swap3A_92 = arith.constant 0 : index
    %swap3A_93 = vector.load %arg5[%swap3A_90, %swap3A_91, %swap3A_92] : memref<16x64x512xf32, #tpu.memory_space<vmem>>, vector<1x64x512xf32>
    %swap3A_94 = vector.shape_cast %swap3A_93 : vector<1x64x512xf32> to vector<64x512xf32>
    %swap3A_95 = vector.shape_cast %add3A_89 : vector<64x512xf32> to vector<1x64x512xf32>
    tpu.vector_store %arg5[%swap3A_90, %swap3A_91, %swap3A_92], %swap3A_95 {strides = array<i32>} : memref<16x64x512xf32, #tpu.memory_space<vmem>>, vector<1x64x512xf32>,
    %get3A_96 = arith.constant 0 : index
    %get3A_97 = arith.constant 3 : index
    %get3A_98 = arith.constant 0 : index
    %get3A_99 = vector.load %arg2[%get3A_96, %get3A_97, %get3A_98] : memref<512x8x128xf32, #tpu.memory_space<vmem>>, vector<512x1x128xf32>
    %get3A_100 = vector.shape_cast %get3A_99 : vector<512x1x128xf32> to vector<512x128xf32>
    %transpose3A_101 = tpu.transpose %get3A_100, [1, 0] : vector<512x128xf32> -> vector<128x512xf32>
    %slice3A_102 = vector.extract_strided_slice %transpose3A_101 {offsets = [0, 0], sizes = [64, 512], strides = [1, 1]} : vector<128x512xf32> to vector<64x512xf32>
    %get3A_103 = arith.constant 6 : index
    %get3A_104 = arith.constant 0 : index
    %get3A_105 = vector.load %arg3[%get3A_103, %get3A_104] : memref<16x64xf32, #tpu.memory_space<vmem>>, vector<1x64xf32>
    %get3A_106 = vector.shape_cast %get3A_105 : vector<1x64xf32> to vector<64xf32>
    %broadcast_in_dim3A_107 = vector.shape_cast %get3A_106 : vector<64xf32> to vector<64x1xf32>
    %add3A_108 = vector.broadcast %broadcast_in_dim3A_107 : vector<64x1xf32> to vector<64x512xf32>
    %add3A_109 = arith.addf %slice3A_102, %add3A_108 : vector<64x512xf32>
    %swap3A_110 = arith.constant 6 : index
    %swap3A_111 = arith.constant 0 : index
    %swap3A_112 = arith.constant 0 : index
    %swap3A_113 = vector.load %arg5[%swap3A_110, %swap3A_111, %swap3A_112] : memref<16x64x512xf32, #tpu.memory_space<vmem>>, vector<1x64x512xf32>
    %swap3A_114 = vector.shape_cast %swap3A_113 : vector<1x64x512xf32> to vector<64x512xf32>
    %swap3A_115 = vector.shape_cast %add3A_109 : vector<64x512xf32> to vector<1x64x512xf32>
    tpu.vector_store %arg5[%swap3A_110, %swap3A_111, %swap3A_112], %swap3A_115 {strides = array<i32>} : memref<16x64x512xf32, #tpu.memory_space<vmem>>, vector<1x64x512xf32>,
    %slice3A_116 = vector.extract_strided_slice %transpose3A_101 {offsets = [64, 0], sizes = [64, 512], strides = [1, 1]} : vector<128x512xf32> to vector<64x512xf32>
    %get3A_117 = arith.constant 7 : index
    %get3A_118 = arith.constant 0 : index
    %get3A_119 = vector.load %arg3[%get3A_117, %get3A_118] : memref<16x64xf32, #tpu.memory_space<vmem>>, vector<1x64xf32>
    %get3A_120 = vector.shape_cast %get3A_119 : vector<1x64xf32> to vector<64xf32>
    %broadcast_in_dim3A_121 = vector.shape_cast %get3A_120 : vector<64xf32> to vector<64x1xf32>
    %add3A_122 = vector.broadcast %broadcast_in_dim3A_121 : vector<64x1xf32> to vector<64x512xf32>
    %add3A_123 = arith.addf %slice3A_116, %add3A_122 : vector<64x512xf32>
    %swap3A_124 = arith.constant 7 : index
    %swap3A_125 = arith.constant 0 : index
    %swap3A_126 = arith.constant 0 : index
    %swap3A_127 = vector.load %arg5[%swap3A_124, %swap3A_125, %swap3A_126] : memref<16x64x512xf32, #tpu.memory_space<vmem>>, vector<1x64x512xf32>
    %swap3A_128 = vector.shape_cast %swap3A_127 : vector<1x64x512xf32> to vector<64x512xf32>
    %swap3A_129 = vector.shape_cast %add3A_123 : vector<64x512xf32> to vector<1x64x512xf32>
    tpu.vector_store %arg5[%swap3A_124, %swap3A_125, %swap3A_126], %swap3A_129 {strides = array<i32>} : memref<16x64x512xf32, #tpu.memory_space<vmem>>, vector<1x64x512xf32>,
    %get3A_130 = arith.constant 0 : index
    %get3A_131 = arith.constant 4 : index
    %get3A_132 = arith.constant 0 : index
    %get3A_133 = vector.load %arg2[%get3A_130, %get3A_131, %get3A_132] : memref<512x8x128xf32, #tpu.memory_space<vmem>>, vector<512x1x128xf32>
    %get3A_134 = vector.shape_cast %get3A_133 : vector<512x1x128xf32> to vector<512x128xf32>
    %transpose3A_135 = tpu.transpose %get3A_134, [1, 0] : vector<512x128xf32> -> vector<128x512xf32>
    %slice3A_136 = vector.extract_strided_slice %transpose3A_135 {offsets = [0, 0], sizes = [64, 512], strides = [1, 1]} : vector<128x512xf32> to vector<64x512xf32>
    %get3A_137 = arith.constant 8 : index
    %get3A_138 = arith.constant 0 : index
    %get3A_139 = vector.load %arg3[%get3A_137, %get3A_138] : memref<16x64xf32, #tpu.memory_space<vmem>>, vector<1x64xf32>
    %get3A_140 = vector.shape_cast %get3A_139 : vector<1x64xf32> to vector<64xf32>
    %broadcast_in_dim3A_141 = vector.shape_cast %get3A_140 : vector<64xf32> to vector<64x1xf32>
    %add3A_142 = vector.broadcast %broadcast_in_dim3A_141 : vector<64x1xf32> to vector<64x512xf32>
    %add3A_143 = arith.addf %slice3A_136, %add3A_142 : vector<64x512xf32>
    %swap3A_144 = arith.constant 8 : index
    %swap3A_145 = arith.constant 0 : index
    %swap3A_146 = arith.constant 0 : index
    %swap3A_147 = vector.load %arg5[%swap3A_144, %swap3A_145, %swap3A_146] : memref<16x64x512xf32, #tpu.memory_space<vmem>>, vector<1x64x512xf32>
    %swap3A_148 = vector.shape_cast %swap3A_147 : vector<1x64x512xf32> to vector<64x512xf32>
    %swap3A_149 = vector.shape_cast %add3A_143 : vector<64x512xf32> to vector<1x64x512xf32>
    tpu.vector_store %arg5[%swap3A_144, %swap3A_145, %swap3A_146], %swap3A_149 {strides = array<i32>} : memref<16x64x512xf32, #tpu.memory_space<vmem>>, vector<1x64x512xf32>,
    %slice3A_150 = vector.extract_strided_slice %transpose3A_135 {offsets = [64, 0], sizes = [64, 512], strides = [1, 1]} : vector<128x512xf32> to vector<64x512xf32>
    %get3A_151 = arith.constant 9 : index
    %get3A_152 = arith.constant 0 : index
    %get3A_153 = vector.load %arg3[%get3A_151, %get3A_152] : memref<16x64xf32, #tpu.memory_space<vmem>>, vector<1x64xf32>
    %get3A_154 = vector.shape_cast %get3A_153 : vector<1x64xf32> to vector<64xf32>
    %broadcast_in_dim3A_155 = vector.shape_cast %get3A_154 : vector<64xf32> to vector<64x1xf32>
    %add3A_156 = vector.broadcast %broadcast_in_dim3A_155 : vector<64x1xf32> to vector<64x512xf32>
    %add3A_157 = arith.addf %slice3A_150, %add3A_156 : vector<64x512xf32>
    %swap3A_158 = arith.constant 9 : index
    %swap3A_159 = arith.constant 0 : index
    %swap3A_160 = arith.constant 0 : index
    %swap3A_161 = vector.load %arg5[%swap3A_158, %swap3A_159, %swap3A_160] : memref<16x64x512xf32, #tpu.memory_space<vmem>>, vector<1x64x512xf32>
    %swap3A_162 = vector.shape_cast %swap3A_161 : vector<1x64x512xf32> to vector<64x512xf32>
    %swap3A_163 = vector.shape_cast %add3A_157 : vector<64x512xf32> to vector<1x64x512xf32>
    tpu.vector_store %arg5[%swap3A_158, %swap3A_159, %swap3A_160], %swap3A_163 {strides = array<i32>} : memref<16x64x512xf32, #tpu.memory_space<vmem>>, vector<1x64x512xf32>,
    %get3A_164 = arith.constant 0 : index
    %get3A_165 = arith.constant 5 : index
    %get3A_166 = arith.constant 0 : index
    %get3A_167 = vector.load %arg2[%get3A_164, %get3A_165, %get3A_166] : memref<512x8x128xf32, #tpu.memory_space<vmem>>, vector<512x1x128xf32>
    %get3A_168 = vector.shape_cast %get3A_167 : vector<512x1x128xf32> to vector<512x128xf32>
    %transpose3A_169 = tpu.transpose %get3A_168, [1, 0] : vector<512x128xf32> -> vector<128x512xf32>
    %slice3A_170 = vector.extract_strided_slice %transpose3A_169 {offsets = [0, 0], sizes = [64, 512], strides = [1, 1]} : vector<128x512xf32> to vector<64x512xf32>
    %get3A_171 = arith.constant 10 : index
    %get3A_172 = arith.constant 0 : index
    %get3A_173 = vector.load %arg3[%get3A_171, %get3A_172] : memref<16x64xf32, #tpu.memory_space<vmem>>, vector<1x64xf32>
    %get3A_174 = vector.shape_cast %get3A_173 : vector<1x64xf32> to vector<64xf32>
    %broadcast_in_dim3A_175 = vector.shape_cast %get3A_174 : vector<64xf32> to vector<64x1xf32>
    %add3A_176 = vector.broadcast %broadcast_in_dim3A_175 : vector<64x1xf32> to vector<64x512xf32>
    %add3A_177 = arith.addf %slice3A_170, %add3A_176 : vector<64x512xf32>
    %swap3A_178 = arith.constant 10 : index
    %swap3A_179 = arith.constant 0 : index
    %swap3A_180 = arith.constant 0 : index
    %swap3A_181 = vector.load %arg5[%swap3A_178, %swap3A_179, %swap3A_180] : memref<16x64x512xf32, #tpu.memory_space<vmem>>, vector<1x64x512xf32>
    %swap3A_182 = vector.shape_cast %swap3A_181 : vector<1x64x512xf32> to vector<64x512xf32>
    %swap3A_183 = vector.shape_cast %add3A_177 : vector<64x512xf32> to vector<1x64x512xf32>
    tpu.vector_store %arg5[%swap3A_178, %swap3A_179, %swap3A_180], %swap3A_183 {strides = array<i32>} : memref<16x64x512xf32, #tpu.memory_space<vmem>>, vector<1x64x512xf32>,
    %slice3A_184 = vector.extract_strided_slice %transpose3A_169 {offsets = [64, 0], sizes = [64, 512], strides = [1, 1]} : vector<128x512xf32> to vector<64x512xf32>
    %get3A_185 = arith.constant 11 : index
    %get3A_186 = arith.constant 0 : index
    %get3A_187 = vector.load %arg3[%get3A_185, %get3A_186] : memref<16x64xf32, #tpu.memory_space<vmem>>, vector<1x64xf32>
    %get3A_188 = vector.shape_cast %get3A_187 : vector<1x64xf32> to vector<64xf32>
    %broadcast_in_dim3A_189 = vector.shape_cast %get3A_188 : vector<64xf32> to vector<64x1xf32>
    %add3A_190 = vector.broadcast %broadcast_in_dim3A_189 : vector<64x1xf32> to vector<64x512xf32>
    %add3A_191 = arith.addf %slice3A_184, %add3A_190 : vector<64x512xf32>
    %swap3A_192 = arith.constant 11 : index
    %swap3A_193 = arith.constant 0 : index
    %swap3A_194 = arith.constant 0 : index
    %swap3A_195 = vector.load %arg5[%swap3A_192, %swap3A_193, %swap3A_194] : memref<16x64x512xf32, #tpu.memory_space<vmem>>, vector<1x64x512xf32>
    %swap3A_196 = vector.shape_cast %swap3A_195 : vector<1x64x512xf32> to vector<64x512xf32>
    %swap3A_197 = vector.shape_cast %add3A_191 : vector<64x512xf32> to vector<1x64x512xf32>
    tpu.vector_store %arg5[%swap3A_192, %swap3A_193, %swap3A_194], %swap3A_197 {strides = array<i32>} : memref<16x64x512xf32, #tpu.memory_space<vmem>>, vector<1x64x512xf32>,
    %get3A_198 = arith.constant 0 : index
    %get3A_199 = arith.constant 6 : index
    %get3A_200 = arith.constant 0 : index
    %get3A_201 = vector.load %arg2[%get3A_198, %get3A_199, %get3A_200] : memref<512x8x128xf32, #tpu.memory_space<vmem>>, vector<512x1x128xf32>
    %get3A_202 = vector.shape_cast %get3A_201 : vector<512x1x128xf32> to vector<512x128xf32>
    %transpose3A_203 = tpu.transpose %get3A_202, [1, 0] : vector<512x128xf32> -> vector<128x512xf32>
    %slice3A_204 = vector.extract_strided_slice %transpose3A_203 {offsets = [0, 0], sizes = [64, 512], strides = [1, 1]} : vector<128x512xf32> to vector<64x512xf32>
    %get3A_205 = arith.constant 12 : index
    %get3A_206 = arith.constant 0 : index
    %get3A_207 = vector.load %arg3[%get3A_205, %get3A_206] : memref<16x64xf32, #tpu.memory_space<vmem>>, vector<1x64xf32>
    %get3A_208 = vector.shape_cast %get3A_207 : vector<1x64xf32> to vector<64xf32>
    %broadcast_in_dim3A_209 = vector.shape_cast %get3A_208 : vector<64xf32> to vector<64x1xf32>
    %add3A_210 = vector.broadcast %broadcast_in_dim3A_209 : vector<64x1xf32> to vector<64x512xf32>
    %add3A_211 = arith.addf %slice3A_204, %add3A_210 : vector<64x512xf32>
    %swap3A_212 = arith.constant 12 : index
    %swap3A_213 = arith.constant 0 : index
    %swap3A_214 = arith.constant 0 : index
    %swap3A_215 = vector.load %arg5[%swap3A_212, %swap3A_213, %swap3A_214] : memref<16x64x512xf32, #tpu.memory_space<vmem>>, vector<1x64x512xf32>
    %swap3A_216 = vector.shape_cast %swap3A_215 : vector<1x64x512xf32> to vector<64x512xf32>
    %swap3A_217 = vector.shape_cast %add3A_211 : vector<64x512xf32> to vector<1x64x512xf32>
    tpu.vector_store %arg5[%swap3A_212, %swap3A_213, %swap3A_214], %swap3A_217 {strides = array<i32>} : memref<16x64x512xf32, #tpu.memory_space<vmem>>, vector<1x64x512xf32>,
    %slice3A_218 = vector.extract_strided_slice %transpose3A_203 {offsets = [64, 0], sizes = [64, 512], strides = [1, 1]} : vector<128x512xf32> to vector<64x512xf32>
    %get3A_219 = arith.constant 13 : index
    %get3A_220 = arith.constant 0 : index
    %get3A_221 = vector.load %arg3[%get3A_219, %get3A_220] : memref<16x64xf32, #tpu.memory_space<vmem>>, vector<1x64xf32>
    %get3A_222 = vector.shape_cast %get3A_221 : vector<1x64xf32> to vector<64xf32>
    %broadcast_in_dim3A_223 = vector.shape_cast %get3A_222 : vector<64xf32> to vector<64x1xf32>
    %add3A_224 = vector.broadcast %broadcast_in_dim3A_223 : vector<64x1xf32> to vector<64x512xf32>
    %add3A_225 = arith.addf %slice3A_218, %add3A_224 : vector<64x512xf32>
    %swap3A_226 = arith.constant 13 : index
    %swap3A_227 = arith.constant 0 : index
    %swap3A_228 = arith.constant 0 : index
    %swap3A_229 = vector.load %arg5[%swap3A_226, %swap3A_227, %swap3A_228] : memref<16x64x512xf32, #tpu.memory_space<vmem>>, vector<1x64x512xf32>
    %swap3A_230 = vector.shape_cast %swap3A_229 : vector<1x64x512xf32> to vector<64x512xf32>
    %swap3A_231 = vector.shape_cast %add3A_225 : vector<64x512xf32> to vector<1x64x512xf32>
    tpu.vector_store %arg5[%swap3A_226, %swap3A_227, %swap3A_228], %swap3A_231 {strides = array<i32>} : memref<16x64x512xf32, #tpu.memory_space<vmem>>, vector<1x64x512xf32>,
    %get3A_232 = arith.constant 0 : index
    %get3A_233 = arith.constant 7 : index
    %get3A_234 = arith.constant 0 : index
    %get3A_235 = vector.load %arg2[%get3A_232, %get3A_233, %get3A_234] : memref<512x8x128xf32, #tpu.memory_space<vmem>>, vector<512x1x128xf32>
    %get3A_236 = vector.shape_cast %get3A_235 : vector<512x1x128xf32> to vector<512x128xf32>
    %transpose3A_237 = tpu.transpose %get3A_236, [1, 0] : vector<512x128xf32> -> vector<128x512xf32>
    %slice3A_238 = vector.extract_strided_slice %transpose3A_237 {offsets = [0, 0], sizes = [64, 512], strides = [1, 1]} : vector<128x512xf32> to vector<64x512xf32>
    %get3A_239 = arith.constant 14 : index
    %get3A_240 = arith.constant 0 : index
    %get3A_241 = vector.load %arg3[%get3A_239, %get3A_240] : memref<16x64xf32, #tpu.memory_space<vmem>>, vector<1x64xf32>
    %get3A_242 = vector.shape_cast %get3A_241 : vector<1x64xf32> to vector<64xf32>
    %broadcast_in_dim3A_243 = vector.shape_cast %get3A_242 : vector<64xf32> to vector<64x1xf32>
    %add3A_244 = vector.broadcast %broadcast_in_dim3A_243 : vector<64x1xf32> to vector<64x512xf32>
    %add3A_245 = arith.addf %slice3A_238, %add3A_244 : vector<64x512xf32>
    %swap3A_246 = arith.constant 14 : index
    %swap3A_247 = arith.constant 0 : index
    %swap3A_248 = arith.constant 0 : index
    %swap3A_249 = vector.load %arg5[%swap3A_246, %swap3A_247, %swap3A_248] : memref<16x64x512xf32, #tpu.memory_space<vmem>>, vector<1x64x512xf32>
    %swap3A_250 = vector.shape_cast %swap3A_249 : vector<1x64x512xf32> to vector<64x512xf32>
    %swap3A_251 = vector.shape_cast %add3A_245 : vector<64x512xf32> to vector<1x64x512xf32>
    tpu.vector_store %arg5[%swap3A_246, %swap3A_247, %swap3A_248], %swap3A_251 {strides = array<i32>} : memref<16x64x512xf32, #tpu.memory_space<vmem>>, vector<1x64x512xf32>,
    %slice3A_252 = vector.extract_strided_slice %transpose3A_237 {offsets = [64, 0], sizes = [64, 512], strides = [1, 1]} : vector<128x512xf32> to vector<64x512xf32>
    %get3A_253 = arith.constant 15 : index
    %get3A_254 = arith.constant 0 : index
    %get3A_255 = vector.load %arg3[%get3A_253, %get3A_254] : memref<16x64xf32, #tpu.memory_space<vmem>>, vector<1x64xf32>
    %get3A_256 = vector.shape_cast %get3A_255 : vector<1x64xf32> to vector<64xf32>
    %broadcast_in_dim3A_257 = vector.shape_cast %get3A_256 : vector<64xf32> to vector<64x1xf32>
    %add3A_258 = vector.broadcast %broadcast_in_dim3A_257 : vector<64x1xf32> to vector<64x512xf32>
    %add3A_259 = arith.addf %slice3A_252, %add3A_258 : vector<64x512xf32>
    %swap3A_260 = arith.constant 15 : index
    %swap3A_261 = arith.constant 0 : index
    %swap3A_262 = arith.constant 0 : index
    %swap3A_263 = vector.load %arg5[%swap3A_260, %swap3A_261, %swap3A_262] : memref<16x64x512xf32, #tpu.memory_space<vmem>>, vector<1x64x512xf32>
    %swap3A_264 = vector.shape_cast %swap3A_263 : vector<1x64x512xf32> to vector<64x512xf32>
    %swap3A_265 = vector.shape_cast %add3A_259 : vector<64x512xf32> to vector<1x64x512xf32>
    tpu.vector_store %arg5[%swap3A_260, %swap3A_261, %swap3A_262], %swap3A_265 {strides = array<i32>} : memref<16x64x512xf32, #tpu.memory_space<vmem>>, vector<1x64x512xf32>,
    return
  }
  func.func @transform_0(%arg0: i32, %arg1: i32) -> (i32, i32, i32) {
    %c0_i32 = arith.constant 0 : i32
    %c0_i32_0 = arith.constant 0 : i32
    return %arg0, %arg1, %c0_i32 : i32, i32, i32
  }
  func.func @transform_1(%arg0: i32, %arg1: i32) -> (i32, i32) {
    %c0_i32 = arith.constant 0 : i32
    %c0_i32_0 = arith.constant 0 : i32
    return %arg1, %c0_i32 : i32, i32
  }
  func.func @transform_3(%arg0: i32, %arg1: i32) -> (i32, i32, i32) {
    %add3A = arith.constant 4 : i32
    %add3A_0 = arith.addi %arg0, %add3A : i32
    %c0_i32 = arith.constant 0 : i32
    %c0_i32_1 = arith.constant 0 : i32
    return %arg1, %c0_i32, %add3A_0 : i32, i32, i32
  }
}

module attributes {stable_mosaic.version = 14 : i64} {
  func.func @_post_body1(%arg0: i32, %arg1: i32, %arg2: memref<512x8x128xf32, #tpu.memory_space<vmem>>, %arg3: memref<16x64xf32, #tpu.memory_space<vmem>>, %arg4: memref<200x64x4096xf32, #tpu.memory_space<any>>, %arg5: memref<16x64x512xf32, #tpu.memory_space<vmem>>) attributes {dimension_semantics = [#tpu.dimension_semantics<arbitrary>, #tpu.dimension_semantics<arbitrary>], iteration_bounds = array<i64: 2, 13>, scalar_prefetch = 0 : i64, scratch_operands = 0 : i64, tpu.core_type = #tpu.core_type<tc>, window_params = [{transform_indices = @transform_0, window_bounds = array<i64: 512, 8, 128>}, {transform_indices = @transform_1, window_bounds = array<i64: 16, 64>}, {}, {transform_indices = @transform_3, window_bounds = array<i64: 16, 64, 512>}]} {
    %get3A = arith.constant 0 : index
    %get3A_0 = arith.constant 0 : index
    %get3A_1 = arith.constant 0 : index
    %get3A_2 = vector.load %arg2[%get3A, %get3A_0, %get3A_1] : memref<512x8x128xf32, #tpu.memory_space<vmem>>, vector<512x1x128xf32>
    %get3A_3 = vector.shape_cast %get3A_2 : vector<512x1x128xf32> to vector<512x128xf32>
    %transpose3A = tpu.transpose %get3A_3, [1, 0] : vector<512x128xf32> -> vector<128x512xf32>
    %slice3A = vector.extract_strided_slice %transpose3A {offsets = [0, 0], sizes = [64, 512], strides = [1, 1]} : vector<128x512xf32> to vector<64x512xf32>
    %get3A_4 = arith.constant 0 : index
    %get3A_5 = arith.constant 0 : index
    %get3A_6 = vector.load %arg3[%get3A_4, %get3A_5] : memref<16x64xf32, #tpu.memory_space<vmem>>, vector<1x64xf32>
    %get3A_7 = vector.shape_cast %get3A_6 : vector<1x64xf32> to vector<64xf32>
    %broadcast_in_dim3A = vector.shape_cast %get3A_7 : vector<64xf32> to vector<64x1xf32>
    %add3A = vector.broadcast %broadcast_in_dim3A : vector<64x1xf32> to vector<64x512xf32>
    %add3A_8 = arith.addf %slice3A, %add3A : vector<64x512xf32>
    %swap3A = arith.constant 0 : index
    %swap3A_9 = arith.constant 0 : index
    %swap3A_10 = arith.constant 0 : index
    %swap3A_11 = vector.load %arg5[%swap3A, %swap3A_9, %swap3A_10] : memref<16x64x512xf32, #tpu.memory_space<vmem>>, vector<1x64x512xf32>
    %swap3A_12 = vector.shape_cast %swap3A_11 : vector<1x64x512xf32> to vector<64x512xf32>
    %swap3A_13 = vector.shape_cast %add3A_8 : vector<64x512xf32> to vector<1x64x512xf32>
    tpu.vector_store %arg5[%swap3A, %swap3A_9, %swap3A_10], %swap3A_13 {strides = array<i32>} : memref<16x64x512xf32, #tpu.memory_space<vmem>>, vector<1x64x512xf32>,
    %slice3A_14 = vector.extract_strided_slice %transpose3A {offsets = [64, 0], sizes = [64, 512], strides = [1, 1]} : vector<128x512xf32> to vector<64x512xf32>
    %get3A_15 = arith.constant 1 : index
    %get3A_16 = arith.constant 0 : index
    %get3A_17 = vector.load %arg3[%get3A_15, %get3A_16] : memref<16x64xf32, #tpu.memory_space<vmem>>, vector<1x64xf32>
    %get3A_18 = vector.shape_cast %get3A_17 : vector<1x64xf32> to vector<64xf32>
    %broadcast_in_dim3A_19 = vector.shape_cast %get3A_18 : vector<64xf32> to vector<64x1xf32>
    %add3A_20 = vector.broadcast %broadcast_in_dim3A_19 : vector<64x1xf32> to vector<64x512xf32>
    %add3A_21 = arith.addf %slice3A_14, %add3A_20 : vector<64x512xf32>
    %swap3A_22 = arith.constant 1 : index
    %swap3A_23 = arith.constant 0 : index
    %swap3A_24 = arith.constant 0 : index
    %swap3A_25 = vector.load %arg5[%swap3A_22, %swap3A_23, %swap3A_24] : memref<16x64x512xf32, #tpu.memory_space<vmem>>, vector<1x64x512xf32>
    %swap3A_26 = vector.shape_cast %swap3A_25 : vector<1x64x512xf32> to vector<64x512xf32>
    %swap3A_27 = vector.shape_cast %add3A_21 : vector<64x512xf32> to vector<1x64x512xf32>
    tpu.vector_store %arg5[%swap3A_22, %swap3A_23, %swap3A_24], %swap3A_27 {strides = array<i32>} : memref<16x64x512xf32, #tpu.memory_space<vmem>>, vector<1x64x512xf32>,
    %get3A_28 = arith.constant 0 : index
    %get3A_29 = arith.constant 1 : index
    %get3A_30 = arith.constant 0 : index
    %get3A_31 = vector.load %arg2[%get3A_28, %get3A_29, %get3A_30] : memref<512x8x128xf32, #tpu.memory_space<vmem>>, vector<512x1x128xf32>
    %get3A_32 = vector.shape_cast %get3A_31 : vector<512x1x128xf32> to vector<512x128xf32>
    %transpose3A_33 = tpu.transpose %get3A_32, [1, 0] : vector<512x128xf32> -> vector<128x512xf32>
    %slice3A_34 = vector.extract_strided_slice %transpose3A_33 {offsets = [0, 0], sizes = [64, 512], strides = [1, 1]} : vector<128x512xf32> to vector<64x512xf32>
    %get3A_35 = arith.constant 2 : index
    %get3A_36 = arith.constant 0 : index
    %get3A_37 = vector.load %arg3[%get3A_35, %get3A_36] : memref<16x64xf32, #tpu.memory_space<vmem>>, vector<1x64xf32>
    %get3A_38 = vector.shape_cast %get3A_37 : vector<1x64xf32> to vector<64xf32>
    %broadcast_in_dim3A_39 = vector.shape_cast %get3A_38 : vector<64xf32> to vector<64x1xf32>
    %add3A_40 = vector.broadcast %broadcast_in_dim3A_39 : vector<64x1xf32> to vector<64x512xf32>
    %add3A_41 = arith.addf %slice3A_34, %add3A_40 : vector<64x512xf32>
    %swap3A_42 = arith.constant 2 : index
    %swap3A_43 = arith.constant 0 : index
    %swap3A_44 = arith.constant 0 : index
    %swap3A_45 = vector.load %arg5[%swap3A_42, %swap3A_43, %swap3A_44] : memref<16x64x512xf32, #tpu.memory_space<vmem>>, vector<1x64x512xf32>
    %swap3A_46 = vector.shape_cast %swap3A_45 : vector<1x64x512xf32> to vector<64x512xf32>
    %swap3A_47 = vector.shape_cast %add3A_41 : vector<64x512xf32> to vector<1x64x512xf32>
    tpu.vector_store %arg5[%swap3A_42, %swap3A_43, %swap3A_44], %swap3A_47 {strides = array<i32>} : memref<16x64x512xf32, #tpu.memory_space<vmem>>, vector<1x64x512xf32>,
    %slice3A_48 = vector.extract_strided_slice %transpose3A_33 {offsets = [64, 0], sizes = [64, 512], strides = [1, 1]} : vector<128x512xf32> to vector<64x512xf32>
    %get3A_49 = arith.constant 3 : index
    %get3A_50 = arith.constant 0 : index
    %get3A_51 = vector.load %arg3[%get3A_49, %get3A_50] : memref<16x64xf32, #tpu.memory_space<vmem>>, vector<1x64xf32>
    %get3A_52 = vector.shape_cast %get3A_51 : vector<1x64xf32> to vector<64xf32>
    %broadcast_in_dim3A_53 = vector.shape_cast %get3A_52 : vector<64xf32> to vector<64x1xf32>
    %add3A_54 = vector.broadcast %broadcast_in_dim3A_53 : vector<64x1xf32> to vector<64x512xf32>
    %add3A_55 = arith.addf %slice3A_48, %add3A_54 : vector<64x512xf32>
    %swap3A_56 = arith.constant 3 : index
    %swap3A_57 = arith.constant 0 : index
    %swap3A_58 = arith.constant 0 : index
    %swap3A_59 = vector.load %arg5[%swap3A_56, %swap3A_57, %swap3A_58] : memref<16x64x512xf32, #tpu.memory_space<vmem>>, vector<1x64x512xf32>
    %swap3A_60 = vector.shape_cast %swap3A_59 : vector<1x64x512xf32> to vector<64x512xf32>
    %swap3A_61 = vector.shape_cast %add3A_55 : vector<64x512xf32> to vector<1x64x512xf32>
    tpu.vector_store %arg5[%swap3A_56, %swap3A_57, %swap3A_58], %swap3A_61 {strides = array<i32>} : memref<16x64x512xf32, #tpu.memory_space<vmem>>, vector<1x64x512xf32>,
    %get3A_62 = arith.constant 0 : index
    %get3A_63 = arith.constant 2 : index
    %get3A_64 = arith.constant 0 : index
    %get3A_65 = vector.load %arg2[%get3A_62, %get3A_63, %get3A_64] : memref<512x8x128xf32, #tpu.memory_space<vmem>>, vector<512x1x128xf32>
    %get3A_66 = vector.shape_cast %get3A_65 : vector<512x1x128xf32> to vector<512x128xf32>
    %transpose3A_67 = tpu.transpose %get3A_66, [1, 0] : vector<512x128xf32> -> vector<128x512xf32>
    %slice3A_68 = vector.extract_strided_slice %transpose3A_67 {offsets = [0, 0], sizes = [64, 512], strides = [1, 1]} : vector<128x512xf32> to vector<64x512xf32>
    %get3A_69 = arith.constant 4 : index
    %get3A_70 = arith.constant 0 : index
    %get3A_71 = vector.load %arg3[%get3A_69, %get3A_70] : memref<16x64xf32, #tpu.memory_space<vmem>>, vector<1x64xf32>
    %get3A_72 = vector.shape_cast %get3A_71 : vector<1x64xf32> to vector<64xf32>
    %broadcast_in_dim3A_73 = vector.shape_cast %get3A_72 : vector<64xf32> to vector<64x1xf32>
    %add3A_74 = vector.broadcast %broadcast_in_dim3A_73 : vector<64x1xf32> to vector<64x512xf32>
    %add3A_75 = arith.addf %slice3A_68, %add3A_74 : vector<64x512xf32>
    %swap3A_76 = arith.constant 4 : index
    %swap3A_77 = arith.constant 0 : index
    %swap3A_78 = arith.constant 0 : index
    %swap3A_79 = vector.load %arg5[%swap3A_76, %swap3A_77, %swap3A_78] : memref<16x64x512xf32, #tpu.memory_space<vmem>>, vector<1x64x512xf32>
    %swap3A_80 = vector.shape_cast %swap3A_79 : vector<1x64x512xf32> to vector<64x512xf32>
    %swap3A_81 = vector.shape_cast %add3A_75 : vector<64x512xf32> to vector<1x64x512xf32>
    tpu.vector_store %arg5[%swap3A_76, %swap3A_77, %swap3A_78], %swap3A_81 {strides = array<i32>} : memref<16x64x512xf32, #tpu.memory_space<vmem>>, vector<1x64x512xf32>,
    %slice3A_82 = vector.extract_strided_slice %transpose3A_67 {offsets = [64, 0], sizes = [64, 512], strides = [1, 1]} : vector<128x512xf32> to vector<64x512xf32>
    %get3A_83 = arith.constant 5 : index
    %get3A_84 = arith.constant 0 : index
    %get3A_85 = vector.load %arg3[%get3A_83, %get3A_84] : memref<16x64xf32, #tpu.memory_space<vmem>>, vector<1x64xf32>
    %get3A_86 = vector.shape_cast %get3A_85 : vector<1x64xf32> to vector<64xf32>
    %broadcast_in_dim3A_87 = vector.shape_cast %get3A_86 : vector<64xf32> to vector<64x1xf32>
    %add3A_88 = vector.broadcast %broadcast_in_dim3A_87 : vector<64x1xf32> to vector<64x512xf32>
    %add3A_89 = arith.addf %slice3A_82, %add3A_88 : vector<64x512xf32>
    %swap3A_90 = arith.constant 5 : index
    %swap3A_91 = arith.constant 0 : index
    %swap3A_92 = arith.constant 0 : index
    %swap3A_93 = vector.load %arg5[%swap3A_90, %swap3A_91, %swap3A_92] : memref<16x64x512xf32, #tpu.memory_space<vmem>>, vector<1x64x512xf32>
    %swap3A_94 = vector.shape_cast %swap3A_93 : vector<1x64x512xf32> to vector<64x512xf32>
    %swap3A_95 = vector.shape_cast %add3A_89 : vector<64x512xf32> to vector<1x64x512xf32>
    tpu.vector_store %arg5[%swap3A_90, %swap3A_91, %swap3A_92], %swap3A_95 {strides = array<i32>} : memref<16x64x512xf32, #tpu.memory_space<vmem>>, vector<1x64x512xf32>,
    %get3A_96 = arith.constant 0 : index
    %get3A_97 = arith.constant 3 : index
    %get3A_98 = arith.constant 0 : index
    %get3A_99 = vector.load %arg2[%get3A_96, %get3A_97, %get3A_98] : memref<512x8x128xf32, #tpu.memory_space<vmem>>, vector<512x1x128xf32>
    %get3A_100 = vector.shape_cast %get3A_99 : vector<512x1x128xf32> to vector<512x128xf32>
    %transpose3A_101 = tpu.transpose %get3A_100, [1, 0] : vector<512x128xf32> -> vector<128x512xf32>
    %slice3A_102 = vector.extract_strided_slice %transpose3A_101 {offsets = [0, 0], sizes = [64, 512], strides = [1, 1]} : vector<128x512xf32> to vector<64x512xf32>
    %get3A_103 = arith.constant 6 : index
    %get3A_104 = arith.constant 0 : index
    %get3A_105 = vector.load %arg3[%get3A_103, %get3A_104] : memref<16x64xf32, #tpu.memory_space<vmem>>, vector<1x64xf32>
    %get3A_106 = vector.shape_cast %get3A_105 : vector<1x64xf32> to vector<64xf32>
    %broadcast_in_dim3A_107 = vector.shape_cast %get3A_106 : vector<64xf32> to vector<64x1xf32>
    %add3A_108 = vector.broadcast %broadcast_in_dim3A_107 : vector<64x1xf32> to vector<64x512xf32>
    %add3A_109 = arith.addf %slice3A_102, %add3A_108 : vector<64x512xf32>
    %swap3A_110 = arith.constant 6 : index
    %swap3A_111 = arith.constant 0 : index
    %swap3A_112 = arith.constant 0 : index
    %swap3A_113 = vector.load %arg5[%swap3A_110, %swap3A_111, %swap3A_112] : memref<16x64x512xf32, #tpu.memory_space<vmem>>, vector<1x64x512xf32>
    %swap3A_114 = vector.shape_cast %swap3A_113 : vector<1x64x512xf32> to vector<64x512xf32>
    %swap3A_115 = vector.shape_cast %add3A_109 : vector<64x512xf32> to vector<1x64x512xf32>
    tpu.vector_store %arg5[%swap3A_110, %swap3A_111, %swap3A_112], %swap3A_115 {strides = array<i32>} : memref<16x64x512xf32, #tpu.memory_space<vmem>>, vector<1x64x512xf32>,
    %slice3A_116 = vector.extract_strided_slice %transpose3A_101 {offsets = [64, 0], sizes = [64, 512], strides = [1, 1]} : vector<128x512xf32> to vector<64x512xf32>
    %get3A_117 = arith.constant 7 : index
    %get3A_118 = arith.constant 0 : index
    %get3A_119 = vector.load %arg3[%get3A_117, %get3A_118] : memref<16x64xf32, #tpu.memory_space<vmem>>, vector<1x64xf32>
    %get3A_120 = vector.shape_cast %get3A_119 : vector<1x64xf32> to vector<64xf32>
    %broadcast_in_dim3A_121 = vector.shape_cast %get3A_120 : vector<64xf32> to vector<64x1xf32>
    %add3A_122 = vector.broadcast %broadcast_in_dim3A_121 : vector<64x1xf32> to vector<64x512xf32>
    %add3A_123 = arith.addf %slice3A_116, %add3A_122 : vector<64x512xf32>
    %swap3A_124 = arith.constant 7 : index
    %swap3A_125 = arith.constant 0 : index
    %swap3A_126 = arith.constant 0 : index
    %swap3A_127 = vector.load %arg5[%swap3A_124, %swap3A_125, %swap3A_126] : memref<16x64x512xf32, #tpu.memory_space<vmem>>, vector<1x64x512xf32>
    %swap3A_128 = vector.shape_cast %swap3A_127 : vector<1x64x512xf32> to vector<64x512xf32>
    %swap3A_129 = vector.shape_cast %add3A_123 : vector<64x512xf32> to vector<1x64x512xf32>
    tpu.vector_store %arg5[%swap3A_124, %swap3A_125, %swap3A_126], %swap3A_129 {strides = array<i32>} : memref<16x64x512xf32, #tpu.memory_space<vmem>>, vector<1x64x512xf32>,
    %get3A_130 = arith.constant 0 : index
    %get3A_131 = arith.constant 4 : index
    %get3A_132 = arith.constant 0 : index
    %get3A_133 = vector.load %arg2[%get3A_130, %get3A_131, %get3A_132] : memref<512x8x128xf32, #tpu.memory_space<vmem>>, vector<512x1x128xf32>
    %get3A_134 = vector.shape_cast %get3A_133 : vector<512x1x128xf32> to vector<512x128xf32>
    %transpose3A_135 = tpu.transpose %get3A_134, [1, 0] : vector<512x128xf32> -> vector<128x512xf32>
    %slice3A_136 = vector.extract_strided_slice %transpose3A_135 {offsets = [0, 0], sizes = [64, 512], strides = [1, 1]} : vector<128x512xf32> to vector<64x512xf32>
    %get3A_137 = arith.constant 8 : index
    %get3A_138 = arith.constant 0 : index
    %get3A_139 = vector.load %arg3[%get3A_137, %get3A_138] : memref<16x64xf32, #tpu.memory_space<vmem>>, vector<1x64xf32>
    %get3A_140 = vector.shape_cast %get3A_139 : vector<1x64xf32> to vector<64xf32>
    %broadcast_in_dim3A_141 = vector.shape_cast %get3A_140 : vector<64xf32> to vector<64x1xf32>
    %add3A_142 = vector.broadcast %broadcast_in_dim3A_141 : vector<64x1xf32> to vector<64x512xf32>
    %add3A_143 = arith.addf %slice3A_136, %add3A_142 : vector<64x512xf32>
    %swap3A_144 = arith.constant 8 : index
    %swap3A_145 = arith.constant 0 : index
    %swap3A_146 = arith.constant 0 : index
    %swap3A_147 = vector.load %arg5[%swap3A_144, %swap3A_145, %swap3A_146] : memref<16x64x512xf32, #tpu.memory_space<vmem>>, vector<1x64x512xf32>
    %swap3A_148 = vector.shape_cast %swap3A_147 : vector<1x64x512xf32> to vector<64x512xf32>
    %swap3A_149 = vector.shape_cast %add3A_143 : vector<64x512xf32> to vector<1x64x512xf32>
    tpu.vector_store %arg5[%swap3A_144, %swap3A_145, %swap3A_146], %swap3A_149 {strides = array<i32>} : memref<16x64x512xf32, #tpu.memory_space<vmem>>, vector<1x64x512xf32>,
    %slice3A_150 = vector.extract_strided_slice %transpose3A_135 {offsets = [64, 0], sizes = [64, 512], strides = [1, 1]} : vector<128x512xf32> to vector<64x512xf32>
    %get3A_151 = arith.constant 9 : index
    %get3A_152 = arith.constant 0 : index
    %get3A_153 = vector.load %arg3[%get3A_151, %get3A_152] : memref<16x64xf32, #tpu.memory_space<vmem>>, vector<1x64xf32>
    %get3A_154 = vector.shape_cast %get3A_153 : vector<1x64xf32> to vector<64xf32>
    %broadcast_in_dim3A_155 = vector.shape_cast %get3A_154 : vector<64xf32> to vector<64x1xf32>
    %add3A_156 = vector.broadcast %broadcast_in_dim3A_155 : vector<64x1xf32> to vector<64x512xf32>
    %add3A_157 = arith.addf %slice3A_150, %add3A_156 : vector<64x512xf32>
    %swap3A_158 = arith.constant 9 : index
    %swap3A_159 = arith.constant 0 : index
    %swap3A_160 = arith.constant 0 : index
    %swap3A_161 = vector.load %arg5[%swap3A_158, %swap3A_159, %swap3A_160] : memref<16x64x512xf32, #tpu.memory_space<vmem>>, vector<1x64x512xf32>
    %swap3A_162 = vector.shape_cast %swap3A_161 : vector<1x64x512xf32> to vector<64x512xf32>
    %swap3A_163 = vector.shape_cast %add3A_157 : vector<64x512xf32> to vector<1x64x512xf32>
    tpu.vector_store %arg5[%swap3A_158, %swap3A_159, %swap3A_160], %swap3A_163 {strides = array<i32>} : memref<16x64x512xf32, #tpu.memory_space<vmem>>, vector<1x64x512xf32>,
    %get3A_164 = arith.constant 0 : index
    %get3A_165 = arith.constant 5 : index
    %get3A_166 = arith.constant 0 : index
    %get3A_167 = vector.load %arg2[%get3A_164, %get3A_165, %get3A_166] : memref<512x8x128xf32, #tpu.memory_space<vmem>>, vector<512x1x128xf32>
    %get3A_168 = vector.shape_cast %get3A_167 : vector<512x1x128xf32> to vector<512x128xf32>
    %transpose3A_169 = tpu.transpose %get3A_168, [1, 0] : vector<512x128xf32> -> vector<128x512xf32>
    %slice3A_170 = vector.extract_strided_slice %transpose3A_169 {offsets = [0, 0], sizes = [64, 512], strides = [1, 1]} : vector<128x512xf32> to vector<64x512xf32>
    %get3A_171 = arith.constant 10 : index
    %get3A_172 = arith.constant 0 : index
    %get3A_173 = vector.load %arg3[%get3A_171, %get3A_172] : memref<16x64xf32, #tpu.memory_space<vmem>>, vector<1x64xf32>
    %get3A_174 = vector.shape_cast %get3A_173 : vector<1x64xf32> to vector<64xf32>
    %broadcast_in_dim3A_175 = vector.shape_cast %get3A_174 : vector<64xf32> to vector<64x1xf32>
    %add3A_176 = vector.broadcast %broadcast_in_dim3A_175 : vector<64x1xf32> to vector<64x512xf32>
    %add3A_177 = arith.addf %slice3A_170, %add3A_176 : vector<64x512xf32>
    %swap3A_178 = arith.constant 10 : index
    %swap3A_179 = arith.constant 0 : index
    %swap3A_180 = arith.constant 0 : index
    %swap3A_181 = vector.load %arg5[%swap3A_178, %swap3A_179, %swap3A_180] : memref<16x64x512xf32, #tpu.memory_space<vmem>>, vector<1x64x512xf32>
    %swap3A_182 = vector.shape_cast %swap3A_181 : vector<1x64x512xf32> to vector<64x512xf32>
    %swap3A_183 = vector.shape_cast %add3A_177 : vector<64x512xf32> to vector<1x64x512xf32>
    tpu.vector_store %arg5[%swap3A_178, %swap3A_179, %swap3A_180], %swap3A_183 {strides = array<i32>} : memref<16x64x512xf32, #tpu.memory_space<vmem>>, vector<1x64x512xf32>,
    %slice3A_184 = vector.extract_strided_slice %transpose3A_169 {offsets = [64, 0], sizes = [64, 512], strides = [1, 1]} : vector<128x512xf32> to vector<64x512xf32>
    %get3A_185 = arith.constant 11 : index
    %get3A_186 = arith.constant 0 : index
    %get3A_187 = vector.load %arg3[%get3A_185, %get3A_186] : memref<16x64xf32, #tpu.memory_space<vmem>>, vector<1x64xf32>
    %get3A_188 = vector.shape_cast %get3A_187 : vector<1x64xf32> to vector<64xf32>
    %broadcast_in_dim3A_189 = vector.shape_cast %get3A_188 : vector<64xf32> to vector<64x1xf32>
    %add3A_190 = vector.broadcast %broadcast_in_dim3A_189 : vector<64x1xf32> to vector<64x512xf32>
    %add3A_191 = arith.addf %slice3A_184, %add3A_190 : vector<64x512xf32>
    %swap3A_192 = arith.constant 11 : index
    %swap3A_193 = arith.constant 0 : index
    %swap3A_194 = arith.constant 0 : index
    %swap3A_195 = vector.load %arg5[%swap3A_192, %swap3A_193, %swap3A_194] : memref<16x64x512xf32, #tpu.memory_space<vmem>>, vector<1x64x512xf32>
    %swap3A_196 = vector.shape_cast %swap3A_195 : vector<1x64x512xf32> to vector<64x512xf32>
    %swap3A_197 = vector.shape_cast %add3A_191 : vector<64x512xf32> to vector<1x64x512xf32>
    tpu.vector_store %arg5[%swap3A_192, %swap3A_193, %swap3A_194], %swap3A_197 {strides = array<i32>} : memref<16x64x512xf32, #tpu.memory_space<vmem>>, vector<1x64x512xf32>,
    %get3A_198 = arith.constant 0 : index
    %get3A_199 = arith.constant 6 : index
    %get3A_200 = arith.constant 0 : index
    %get3A_201 = vector.load %arg2[%get3A_198, %get3A_199, %get3A_200] : memref<512x8x128xf32, #tpu.memory_space<vmem>>, vector<512x1x128xf32>
    %get3A_202 = vector.shape_cast %get3A_201 : vector<512x1x128xf32> to vector<512x128xf32>
    %transpose3A_203 = tpu.transpose %get3A_202, [1, 0] : vector<512x128xf32> -> vector<128x512xf32>
    %slice3A_204 = vector.extract_strided_slice %transpose3A_203 {offsets = [0, 0], sizes = [64, 512], strides = [1, 1]} : vector<128x512xf32> to vector<64x512xf32>
    %get3A_205 = arith.constant 12 : index
    %get3A_206 = arith.constant 0 : index
    %get3A_207 = vector.load %arg3[%get3A_205, %get3A_206] : memref<16x64xf32, #tpu.memory_space<vmem>>, vector<1x64xf32>
    %get3A_208 = vector.shape_cast %get3A_207 : vector<1x64xf32> to vector<64xf32>
    %broadcast_in_dim3A_209 = vector.shape_cast %get3A_208 : vector<64xf32> to vector<64x1xf32>
    %add3A_210 = vector.broadcast %broadcast_in_dim3A_209 : vector<64x1xf32> to vector<64x512xf32>
    %add3A_211 = arith.addf %slice3A_204, %add3A_210 : vector<64x512xf32>
    %swap3A_212 = arith.constant 12 : index
    %swap3A_213 = arith.constant 0 : index
    %swap3A_214 = arith.constant 0 : index
    %swap3A_215 = vector.load %arg5[%swap3A_212, %swap3A_213, %swap3A_214] : memref<16x64x512xf32, #tpu.memory_space<vmem>>, vector<1x64x512xf32>
    %swap3A_216 = vector.shape_cast %swap3A_215 : vector<1x64x512xf32> to vector<64x512xf32>
    %swap3A_217 = vector.shape_cast %add3A_211 : vector<64x512xf32> to vector<1x64x512xf32>
    tpu.vector_store %arg5[%swap3A_212, %swap3A_213, %swap3A_214], %swap3A_217 {strides = array<i32>} : memref<16x64x512xf32, #tpu.memory_space<vmem>>, vector<1x64x512xf32>,
    %slice3A_218 = vector.extract_strided_slice %transpose3A_203 {offsets = [64, 0], sizes = [64, 512], strides = [1, 1]} : vector<128x512xf32> to vector<64x512xf32>
    %get3A_219 = arith.constant 13 : index
    %get3A_220 = arith.constant 0 : index
    %get3A_221 = vector.load %arg3[%get3A_219, %get3A_220] : memref<16x64xf32, #tpu.memory_space<vmem>>, vector<1x64xf32>
    %get3A_222 = vector.shape_cast %get3A_221 : vector<1x64xf32> to vector<64xf32>
    %broadcast_in_dim3A_223 = vector.shape_cast %get3A_222 : vector<64xf32> to vector<64x1xf32>
    %add3A_224 = vector.broadcast %broadcast_in_dim3A_223 : vector<64x1xf32> to vector<64x512xf32>
    %add3A_225 = arith.addf %slice3A_218, %add3A_224 : vector<64x512xf32>
    %swap3A_226 = arith.constant 13 : index
    %swap3A_227 = arith.constant 0 : index
    %swap3A_228 = arith.constant 0 : index
    %swap3A_229 = vector.load %arg5[%swap3A_226, %swap3A_227, %swap3A_228] : memref<16x64x512xf32, #tpu.memory_space<vmem>>, vector<1x64x512xf32>
    %swap3A_230 = vector.shape_cast %swap3A_229 : vector<1x64x512xf32> to vector<64x512xf32>
    %swap3A_231 = vector.shape_cast %add3A_225 : vector<64x512xf32> to vector<1x64x512xf32>
    tpu.vector_store %arg5[%swap3A_226, %swap3A_227, %swap3A_228], %swap3A_231 {strides = array<i32>} : memref<16x64x512xf32, #tpu.memory_space<vmem>>, vector<1x64x512xf32>,
    %get3A_232 = arith.constant 0 : index
    %get3A_233 = arith.constant 7 : index
    %get3A_234 = arith.constant 0 : index
    %get3A_235 = vector.load %arg2[%get3A_232, %get3A_233, %get3A_234] : memref<512x8x128xf32, #tpu.memory_space<vmem>>, vector<512x1x128xf32>
    %get3A_236 = vector.shape_cast %get3A_235 : vector<512x1x128xf32> to vector<512x128xf32>
    %transpose3A_237 = tpu.transpose %get3A_236, [1, 0] : vector<512x128xf32> -> vector<128x512xf32>
    %slice3A_238 = vector.extract_strided_slice %transpose3A_237 {offsets = [0, 0], sizes = [64, 512], strides = [1, 1]} : vector<128x512xf32> to vector<64x512xf32>
    %get3A_239 = arith.constant 14 : index
    %get3A_240 = arith.constant 0 : index
    %get3A_241 = vector.load %arg3[%get3A_239, %get3A_240] : memref<16x64xf32, #tpu.memory_space<vmem>>, vector<1x64xf32>
    %get3A_242 = vector.shape_cast %get3A_241 : vector<1x64xf32> to vector<64xf32>
    %broadcast_in_dim3A_243 = vector.shape_cast %get3A_242 : vector<64xf32> to vector<64x1xf32>
    %add3A_244 = vector.broadcast %broadcast_in_dim3A_243 : vector<64x1xf32> to vector<64x512xf32>
    %add3A_245 = arith.addf %slice3A_238, %add3A_244 : vector<64x512xf32>
    %swap3A_246 = arith.constant 14 : index
    %swap3A_247 = arith.constant 0 : index
    %swap3A_248 = arith.constant 0 : index
    %swap3A_249 = vector.load %arg5[%swap3A_246, %swap3A_247, %swap3A_248] : memref<16x64x512xf32, #tpu.memory_space<vmem>>, vector<1x64x512xf32>
    %swap3A_250 = vector.shape_cast %swap3A_249 : vector<1x64x512xf32> to vector<64x512xf32>
    %swap3A_251 = vector.shape_cast %add3A_245 : vector<64x512xf32> to vector<1x64x512xf32>
    tpu.vector_store %arg5[%swap3A_246, %swap3A_247, %swap3A_248], %swap3A_251 {strides = array<i32>} : memref<16x64x512xf32, #tpu.memory_space<vmem>>, vector<1x64x512xf32>,
    %slice3A_252 = vector.extract_strided_slice %transpose3A_237 {offsets = [64, 0], sizes = [64, 512], strides = [1, 1]} : vector<128x512xf32> to vector<64x512xf32>
    %get3A_253 = arith.constant 15 : index
    %get3A_254 = arith.constant 0 : index
    %get3A_255 = vector.load %arg3[%get3A_253, %get3A_254] : memref<16x64xf32, #tpu.memory_space<vmem>>, vector<1x64xf32>
    %get3A_256 = vector.shape_cast %get3A_255 : vector<1x64xf32> to vector<64xf32>
    %broadcast_in_dim3A_257 = vector.shape_cast %get3A_256 : vector<64xf32> to vector<64x1xf32>
    %add3A_258 = vector.broadcast %broadcast_in_dim3A_257 : vector<64x1xf32> to vector<64x512xf32>
    %add3A_259 = arith.addf %slice3A_252, %add3A_258 : vector<64x512xf32>
    %swap3A_260 = arith.constant 15 : index
    %swap3A_261 = arith.constant 0 : index
    %swap3A_262 = arith.constant 0 : index
    %swap3A_263 = vector.load %arg5[%swap3A_260, %swap3A_261, %swap3A_262] : memref<16x64x512xf32, #tpu.memory_space<vmem>>, vector<1x64x512xf32>
    %swap3A_264 = vector.shape_cast %swap3A_263 : vector<1x64x512xf32> to vector<64x512xf32>
    %swap3A_265 = vector.shape_cast %add3A_259 : vector<64x512xf32> to vector<1x64x512xf32>
    tpu.vector_store %arg5[%swap3A_260, %swap3A_261, %swap3A_262], %swap3A_265 {strides = array<i32>} : memref<16x64x512xf32, #tpu.memory_space<vmem>>, vector<1x64x512xf32>,
    return
  }
  func.func @transform_0(%arg0: i32, %arg1: i32) -> (i32, i32, i32) {
    %c0_i32 = arith.constant 0 : i32
    %c0_i32_0 = arith.constant 0 : i32
    return %arg0, %arg1, %c0_i32 : i32, i32, i32
  }
  func.func @transform_1(%arg0: i32, %arg1: i32) -> (i32, i32) {
    %c0_i32 = arith.constant 0 : i32
    %c0_i32_0 = arith.constant 0 : i32
    return %arg1, %c0_i32 : i32, i32
  }
  func.func @transform_3(%arg0: i32, %arg1: i32) -> (i32, i32, i32) {
    %add3A = arith.constant 6 : i32
    %add3A_0 = arith.addi %arg0, %add3A : i32
    %c0_i32 = arith.constant 0 : i32
    %c0_i32_1 = arith.constant 0 : i32
    return %arg1, %c0_i32, %add3A_0 : i32, i32, i32
  }
}

</mosaic_0001>

<sc_bundles>
// kernel: kernel.11.cloned.1.call-start
scs
__scs_entry_jumppad:
0x0: {  	(pc) =	sbr.rel $0x88, $3  }
0x1: {  	(tag) =	ssettag $0x0;
	lr =	simm.s32 $0x1  }
0x2: {  	[smem:$0x3F9E] =	sst lr;
	_ =	strace $0xD0000000  }
0x3: {  	_ = 	snop  }
0x4: {  	_ = 	snop  }
0x5: {  	_ = 	snop  }
0x6: {  	_ = 	snop  }
0x7: {  	_ = 	snop  }
__scs_overlays_trampoline_lowered:
0x8: {  	[smem:$0x3FAD] =	sst s0  }
0x9: {  	[smem:$0x3FAE] =	sst s1  }
0xa: {  	[smem:$0x3FAF] =	sst s2  }
0xb: {  	[smem:$0x3FB0] =	sst s3  }
0xc: {  	[smem:$0x3FB1] =	sst s4  }
0xd: {  	[smem:$0x3FB2] =	sst s5  }
0xe: {  	[smem:$0x3FB3] =	sst s6  }
0xf: {  	[smem:$0x3FB4] =	sst s7  }
0x10: {  	[smem:$0x3FB5] =	sst s8  }
0x11: {  	[smem:$0x3FB6] =	sst s9;
	s0 =	simm.s32 @!p0 $0x0  }
0x12: {  	s1 =	sld [smem:$0x3F9C];
	s0 =	simm.s32 @p0 $0x1  }
0x13: {  	[smem:$0x3FB7] =	sst s0;
	s0 =	simm.s32 @!p1 $0x0  }
0x14: {  	s2 =	sld [smem:$0x3F9B];
	s0 =	simm.s32 @p1 $0x1  }
0x15: {  	[smem:$0x3FB8] =	sst s0;
	s0 =	simm.s32 @!p2 $0x0  }
0x16: {  	s3 =	sld [smem:$0x3FDB];
	s0 =	simm.s32 @p2 $0x1  }
0x17: {  	s4 =	simm.s32 $0x1BF5;
	[smem:$0x3FBA] =	sst s0  }
0x18: {  	s0 =	sld [smem:$0x3F9D];
	_ =	swait.ge [sflag:s4], $0x0  }
0x19: {  	s7 =	sld [smem:$0x3F9E]  }
0x1a: {  	s8 =	sadd.s32 $0xFFFFE003, lr  }
0x1b: {  	s9 =	sadd.s32 $0xFFFFFEF7, lr;
	s5 =	simm.s32 $0xFFFFFFFF;
	p2 =	slt.u32 s8, $0xFFFFF086  }
0x1c: {  	p1 =	slt.u32 s9, $0xF7A;
	s5 =	simm.s32 @!p2 $0x0  }
0x1d: {  	s5 =	simm.s32 @p1 $0x1;
	p0 =	seq.s32 s7, s2  }
0x1e: {  	s7 =	smul.u32 @!p0 $0xF7A, s2;
	p2 =	seq.s32 @!p0 s5, $0x0  }
0x1f: {  	s9 =	smul.u32 $0xF7A, s1;
	s8 =	simm.s32 @!p0 $0x1BF5;
	p2 =	por !p2, p0  }
0x20: {  	[sflag:s8] =	ssyncset.s32 @!p0 $0xFFFFF086;
	s6 =	sadd.s32 @!p0 s3, s7;
	s7 =	simm.s32 @!p0 $0x108  }
0x21: {  	s3 =	sadd.s32 s3, s9;
	s6 =	sadd.s32 @!p0 $0x88, s6;
	s7 =	simm.s32 @p2 $0x1082  }
0x22: {  	[simem:s7], [sflag:s8] =	dma.local @!p0 [hbm:s6], $0xF7A  }
0x23: {  	s9 =	sor.u32 $0xD0000000, s2;
	s6 =	simm.s32 $0x108;
	_ =	swait.ge @!p0 [sflag:s8], $0x0  }
0x24: {  	s3 =	sadd.s32 $0x88, s3;
	s6 =	simm.s32 @!p1 $0x1082;
	[sflag:s4] =	ssyncset.s32 $0xFFFFF086  }
0x25: {  	[simem:s6], [sflag:s4] =	dma.local [hbm:s3], $0xF7A  }
0x26: {  	[smem:$0x3F9E] =	sst s1;
	(tag) =	ssettag s2;
	_ =	strace s9  }
0x27: {  	s1 =	sld [smem:$0x3FAE]  }
0x28: {  	s2 =	sld [smem:$0x3FAF]  }
0x29: {  	s4 =	sld [smem:$0x3FB1]  }
0x2a: {  	p0 =	seq.s32 s5, $0x0;
	s5 =	sld [smem:$0x3FB2]  }
0x2b: {  	s6 =	sld [smem:$0x3FB3]  }
0x2c: {  	s7 =	sld [smem:$0x3FB4]  }
0x2d: {  	s3 =	simm.s32 $0x108;
	s8 =	sld [smem:$0x3FB5]  }
0x2e: {  	s3 =	simm.s32 @!p0 $0x1082;
	s9 =	sld [smem:$0x3FB6]  }
0x2f: {  	lr =	sadd.s32 s0, s3;
	s0 =	sld [smem:$0x3FAD]  }
0x30: {  	s3 =	sld [smem:$0x3FB0]  }
0x31: {  	[smem:$0x3FB9] =	sst s10  }
0x32: {  	s10 =	sld [smem:$0x3FB7];
	_ =	sdelay $0x3  }
0x33: {  	p0 =	seq.s32 s10, $0x1;
	s10 =	sld [smem:$0x3FB9];
	_ =	sdelay $0x3  }
0x34: {  	[smem:$0x3FB9] =	sst s10  }
0x35: {  	s10 =	sld [smem:$0x3FB8];
	_ =	sdelay $0x3  }
0x36: {  	p1 =	seq.s32 s10, $0x1;
	s10 =	sld [smem:$0x3FB9];
	_ =	sdelay $0x3  }
0x37: {  	[smem:$0x3FB9] =	sst s10  }
0x38: {  	s10 =	sld [smem:$0x3FBA]  }
0x39: {  	_ = 	snop;
	(pc) =	sbr.ind lr, $3  }
0x3a: {  	_ = 	snop  }
0x3b: {  	_ = 	snop  }
0x3c: {  	p2 =	seq.s32 s10, $0x1;
	s10 =	sld [smem:$0x3FB9]  }
0x3d: {  	_ =	shalt  }
0x3e: {  	_ =	shalt  }
0x3f: {  	_ =	shalt  }
0x40: {  	_ =	shalt  }
0x41: {  	_ =	shalt  }
0x42: {  	_ =	shalt  }
0x43: {  	_ =	shalt  }
0x44: {  	_ =	shalt  }
0x45: {  	_ =	shalt  }
0x46: {  	_ =	shalt  }
0x47: {  	_ =	shalt  }
0x48: {  	_ =	shalt  }
0x49: {  	_ =	shalt  }
0x4a: {  	_ =	shalt  }
0x4b: {  	_ =	shalt  }
0x4c: {  	_ =	shalt  }
0x4d: {  	_ =	shalt  }
0x4e: {  	_ =	shalt  }
0x4f: {  	_ =	shalt  }
0x50: {  	_ =	shalt  }
0x51: {  	_ =	shalt  }
0x52: {  	_ =	shalt  }
0x53: {  	_ =	shalt  }
0x54: {  	_ =	shalt  }
0x55: {  	_ =	shalt  }
0x56: {  	_ =	shalt  }
0x57: {  	_ =	shalt  }
0x58: {  	_ =	shalt  }
0x59: {  	_ =	shalt  }
0x5a: {  	_ =	shalt  }
0x5b: {  	_ =	shalt  }
0x5c: {  	_ =	shalt  }
0x5d: {  	_ =	shalt  }
0x5e: {  	_ =	shalt  }
0x5f: {  	_ =	shalt  }
0x60: {  	_ =	shalt  }
0x61: {  	_ =	shalt  }
0x62: {  	_ =	shalt  }
0x63: {  	_ =	shalt  }
0x64: {  	_ =	shalt  }
0x65: {  	_ =	shalt  }
0x66: {  	_ =	shalt  }
0x67: {  	_ =	shalt  }
0x68: {  	_ =	shalt  }
0x69: {  	_ =	shalt  }
0x6a: {  	_ =	shalt  }
0x6b: {  	_ =	shalt  }
0x6c: {  	_ =	shalt  }
0x6d: {  	_ =	shalt  }
0x6e: {  	_ =	shalt  }
0x6f: {  	_ =	shalt  }
0x70: {  	_ =	shalt  }
0x71: {  	_ =	shalt  }
0x72: {  	_ =	shalt  }
0x73: {  	_ =	shalt  }
0x74: {  	_ =	shalt  }
0x75: {  	_ =	shalt  }
0x76: {  	_ =	shalt  }
0x77: {  	_ =	shalt  }
0x78: {  	_ =	shalt  }
0x79: {  	_ =	shalt  }
0x7a: {  	_ =	shalt  }
0x7b: {  	_ =	shalt  }
0x7c: {  	_ =	shalt  }
0x7d: {  	_ =	shalt  }
0x7e: {  	_ =	shalt  }
0x7f: {  	_ =	shalt  }
0x80: {  	_ =	shalt  }
0x81: {  	_ =	shalt  }
0x82: {  	_ =	shalt  }
0x83: {  	_ =	shalt  }
0x84: {  	_ =	shalt  }
0x85: {  	_ =	shalt  }
0x86: {  	_ =	shalt  }
0x87: {  	_ =	shalt  }
.Lfunc_end0:
.L_simem_size_0:
called_computation_lowered:
.L_overlay_start_0:
0x88: {  	s2 =	sld [smem:$0x3FD9]  }
0x89: {  	s3 =	sld [smem:$0x3FFE];
	_ =	sdelay $0x1  }
0x8a: {  	s1 =	srdreg.scid  }
0x8b: {  	s0 =	sand.u32 $0x1, s1  }
0x8c: {  	s16 =	sshll.u32 s0, $0xA;
	s2 =	sadd.s32 s3, s2  }
0x8d: {  	s2 =	sadd.s32 s2, s16  }
0x8e: {  	[smem:$0x3FC5] =	sst s2  }
0x8f: {  	_ = 	snop  }
0x90: {  	(tm) =	ssettm $0x1  }
0x91: {  	s17 =	sld [smem:$0x3FFB];
	_ =	sdelay $0x3  }
0x92: {  	_ =	strace s17  }
0x93: {  	s2 =	sld [smem:$0x3FFC];
	_ =	sdelay $0x3  }
0x94: {  	_ =	strace s2  }
0x95: {  	s2 =	sld [smem:$0x3FFD];
	_ =	sdelay $0x3  }
0x96: {  	_ =	strace s2  }
0x97: {  	_ =	strace $0x8FFFFFFF  }
0x98: {  	s18 =	sld [smem:$0x3FDB];
	_ =	sdelay $0x1  }
0x99: {  	s19 =	simm.s32 $_scs_section_size  }
0x9a: {  	s4 =	simm.s32 $_size__tile_overlayer_lowered;
	s5 =	simm.s32 $_tile_overlayer_lowered  }
0x9b: {  	s22 =	simm.s32 $0x1BFF;
	s21 =	sshll.u32 s5, $0x1;
	s2 =	sadd.s32 s19, s18  }
0x9c: {  	s6 =	simm.s32 $0x0;
	s20 =	sshll.u32 s4, $0x1;
	s4 =	sadd.s32 s21, s2  }
0x9d: {  	[timem:s6], [sflag:s22] =	dma.local [hbm:s4], s20  }
0x9e: {  	_ =	swait.ge [sflag:s22], s20  }
0x9f: {  	s3 =	ssub.s32 $0x0, s20;
	[sflag:s22] =	ssyncset.done $0x0  }
0xa0: {  	[sflag:s22] =	ssyncadd.s32 s3;
	_ =	sdelay $0x1  }
0xa1: {  	s23 =	simm.s32 $0x1B8B  }
0xa2: {  	_ =	swait.ge [sflag:s23], $0x1  }
0xa3: {  	[sflag:s23] =	ssyncset.done $0x0  }
0xa4: {  	s25 =	simm.s32 $0x1B8E;
	s24 =	sld [smem:$0x3FFE];
	[sflag:s23] =	ssyncadd.s32 $0xFFFFFFFF  }
0xa5: {  	s26 =	simm.s32 $execute0_lowered;
	[smem:$0x3FD2] =	sst s25  }
0xa6: {  	s4 =	sshll.u32 s26, $0x1;
	_ =	strace $0x80000046;
	[dreg:$0x1] =	wrdreg $0xFFFFFFFF  }
0xa7: {  	s28 =	simm.s32 $_size_execute0_lowered;
	s2 =	sadd.s32 s2, s4;
	[dreg:$0x0] =	wrdreg $0x0  }
0xa8: {  	s4 =	sshll.u32 s28, $0x1;
	[dreg:$0x2] =	wrdreg s2  }
0xa9: {  	[dreg:$0x3] =	wrdreg s4  }
0xaa: {  	[dreg:$0x4] =	wrdreg $0xC0  }
0xab: {  	_ =	task [dreg:s6], $0x5FFFF  }
0xac: {  	[dreg:$0x1] =	wrdreg $0xFFFFFFFF  }
0xad: {  	[dreg:$0x0] =	wrdreg $0x60  }
0xae: {  	[dreg:$0x2] =	wrdreg s24  }
0xaf: {  	[dreg:$0x3] =	wrdreg $0x9  }
0xb0: {  	_ =	task.clear_ibuf [dreg:s6], $0x4FFFF;
	_ =	strace $0x90000046  }
0xb1: {  	s29 =	simm.s32 $0x9;
	_ =	strace $0x80000048  }
0xb2: {  	_ =	swait.ge [sflag:s29], $0x1  }
0xb3: {  	[sflag:s29] =	ssyncadd.s32 $0xFFFFFFFF  }
0xb4: {  	_ =	strace $0x90000048  }
0xb5: {  	_ =	sfence  }
0xb6: {  	s30 =	sld [smem:$0x0];
	_ =	sdelay $0x2  }
0xb7: {  	s31 =	sshll.u32 s1, $0xD;
	s1 =	sshrl.u32 s1, $0x2  }
0xb8: {  	s3 =	sand.u32 $0x4000, s31;
	s1 =	sadd.s32 s1, s30  }
0xb9: {  	s0 =	sor.u32 s3, s0;
	s1 =	sshll.u32 s1, $0x11  }
0xba: {  	s0 =	sor.u32 s1, s0  }
0xbb: {  	s0 =	sadd.s32 $0x8F2B, s0  }
0xbc: {  	[sflag:s0] =	ssyncadd.remote.s32 $0x1  }
0xbd: {  	_ =	sfence.sel $0xFFFF  }
0xbe: {  	[dreg:$0x0] =	wrdreg $0xFFFFFFFF;
	(pc) =	sbr.abs _section_cstart, $3  }
0xbf: {  	[dreg:$0x1] =	wrdreg $0xFFFFFFFF  }
0xc0: {  	_ =	task.clear_ibuf [dreg:s6], $0x2FFFF;
	_ =	strace $0x9FFFFFFF  }
0xc1: {  	(tm) =	ssettm $0x7FFFFFFF  }
tec
execute0_lowered:
.L_overlay_start_1:
0x0: {  	(tag) =	ssettag $0x1  }
0x1: {  	s0 =	srdreg.scid  }
0x2: {  	s13 =	stileid.u32;
	s4 =	rddreg [dreg:$0x0];
	s2 =	simm.s32 $0x0  }
0x3: {  	s14 =	simm.s32 $0x64;
	s15 =	simm.s32 $0x1A00;
	s17 =	simm.s32 $0x3300  }
0x4: {  	s19 =	simm.s32 $0x4C00;
	s28 =	simm.s32 $0xB000;
	s29 =	simm.s32 $0x2D8  }
0x5: {  	s30 =	simm.s32 $0xC900;
	s31 =	simm.s32 $0x1;
	s10 =	smul.u32 $0xD0000, s13  }
0x6: {  	s0 =	sand.u32 $0x1, s0;
	s1 =	sshll.u32 s13, $0x1;
	s13 =	smul.u32 $0x1A000, s13  }
0x7: {  	[smem:$0x7FF] =	sst s2;
	s12 =	sadd.s32 $0x7A9400, s4;
	s11 =	smul.u32 $0x68000, s0  }
0x8: {  	s1 =	sor.u32 s0, s1;
	s7 =	ssub.s32 $0x2, s0;
	s0 =	smul.u32 $0xD000, s0  }
0x9: {  	_ =	strace $0x80000047;
	s3 =	smul.u32 $0x340, s1;
	s1 =	sshll.u32 s1, $0x5  }
0xa: {  	s9 =	sshrl.u32 s7, $0x1;
	s24 =	sadd.s32 s13, s12;
	s6 =	sor.u32 $0x1C, s1  }
0xb: {  	s13 =	simm.s32 $0x3;
	s1 =	sor.u32 $0x1E, s1;
	s8 =	smul.u32 $0x680, s6  }
0xc: {  	s7 =	ssub.s32 s7, s9;
	s10 =	sadd.s32 s11, s10;
	s6 =	smul.u32 $0x3400, s6  }
0xd: {  	s0 =	sadd.s32 s0, s24;
	s5 =	sadd.s32 s3, s4;
	s21 =	smul.u32 $0x680, s1  }
0xe: {  	s3 =	sadd.s32 $0x8200, s4;
	s1 =	smul.u32 $0x3400, s1;
	s23 =	sadd.s32 $0x9C00, s10  }
0xf: {  	s25 =	sor.u32 $0x3400, s10;
	s11 =	sadd.s32 $0xD00, s0;
	s0 =	simm.s32 $0x0  }
0x10: {  	s4 =	sadd.s32 $0x1A00, s5;
	s5 =	smax.u32 s7, $0x1;
	s26 =	sshrl.u32 s25, $0x3  }
0x11: {  	s25 =	simm.s32 $0x9700;
	s6 =	sshrl.u32 s6, $0x3;
	s1 =	sshrl.u32 s1, $0x3  }
0x12: {  	s22 =	sadd.s32 s12, s6;
	s6 =	sadd.s32 s12, s8;
	s8 =	sadd.s32 s12, s21  }
0x13: {  	s1 =	sadd.s32 s12, s1;
	s21 =	simm.s32 $0x6500;
	s7 =	sadd.s32 $0x680, s22  }
0x14: {  	s9 =	sadd.s32 $0x680, s1;
	s1 =	sshrl.u32 s23, $0x3;
	s23 =	simm.s32 $0x7E00  }
0x15: {  	s10 =	sadd.s32 s1, s12;
	s12 =	sadd.s32 s26, s12;
	s1 =	simm.s32 $0x2  }
.LBB2_1:
0x16: {  	[tilespmem:s2], [sflag:$0x3] =	stream.linear.gather [hbm4b:s4+s2], $0x1A00, $0x38;
	[tilespmem:$0xE200] =	vst v63  }
0x17: {  	_ =	swait.ge [sflag:s13], $0x1A00  }
0x18: {  	[sflag:s13] =	ssyncset.done $0x0  }
0x19: {  	[sflag:s13] =	ssyncadd.s32 $0xFFFFE600  }
0x1a: {  	[tilespmem:s15], [sflag:$0x1] =	stream.indirect.gather [hbm4b:s3+s14], $0x40, s2, s14, $0xb8;
	[tilespmem:$0xE200] =	vst v63  }
0x1b: {  	s16 =	simm.s32 $0x68  }
0x1c: {  	[tilespmem:s17], [sflag:$0x1] =	stream.indirect.gather [hbm4b:s3+s14], $0x40, s16, s14, $0xb8;
	[tilespmem:$0xE200] =	vst v63  }
0x1d: {  	s22 =	simm.s32 $0xD0  }
0x1e: {  	[tilespmem:s19], [sflag:$0x1] =	stream.indirect.gather [hbm4b:s3+s14], $0x40, s22, s14, $0xb8;
	[tilespmem:$0xE200] =	vst v63  }
0x1f: {  	s24 =	simm.s32 $0x138  }
0x20: {  	[tilespmem:s21], [sflag:$0x1] =	stream.indirect.gather [hbm4b:s3+s14], $0x40, s24, s14, $0xb8;
	[tilespmem:$0xE200] =	vst v63  }
0x21: {  	s26 =	simm.s32 $0x1A0  }
0x22: {  	[tilespmem:s23], [sflag:$0x2] =	stream.indirect.gather [hbm4b:s3+s14], $0x40, s26, s14, $0xb8;
	[tilespmem:$0xE200] =	vst v63  }
0x23: {  	s18 =	simm.s32 $0x208  }
0x24: {  	[tilespmem:s25], [sflag:$0x2] =	stream.indirect.gather [hbm4b:s3+s14], $0x40, s18, s14, $0xb8;
	[tilespmem:$0xE200] =	vst v63  }
0x25: {  	s20 =	simm.s32 $0x270  }
0x26: {  	[tilespmem:s28], [sflag:$0x2] =	stream.indirect.gather [hbm4b:s3+s14], $0x40, s20, s14, $0xb8;
	[tilespmem:$0xE200] =	vst v63  }
0x27: {  	_ = 	snop  }
0x28: {  	[tilespmem:s30], [sflag:$0x2] =	stream.indirect.gather [hbm4b:s3+s14], $0x40, s29, s14, $0xb8;
	[tilespmem:$0xE200] =	vst v63  }
0x29: {  	_ =	swait.ge [sflag:s31], $0x6400  }
0x2a: {  	[sflag:s31] =	ssyncset.done $0x0  }
0x2b: {  	s22 =	sadd.s32 $0xFFFFF300, s11;
	[sflag:s31] =	ssyncadd.s32 $0xFFFF9C00  }
0x2c: {  	[hbm4b:s22+s2] =	stream.linear.scatter [tilespmem:s15], [sflag:$0x3], $0x3200, $0x38;
	[tilespmem:$0xE200] =	vst v63  }
0x2d: {  	_ =	swait.ge [sflag:s13], $0x3200  }
0x2e: {  	[sflag:s13] =	ssyncset.done $0x0  }
0x2f: {  	[sflag:s13] =	ssyncadd.s32 $0xFFFFCE00  }
0x30: {  	[hbm4b:s12+s2] =	stream.linear.scatter [tilespmem:s19], [sflag:$0x3], $0x3200, $0x38;
	[tilespmem:$0xE200] =	vst v63  }
0x31: {  	_ =	swait.ge [sflag:s13], $0x3200  }
0x32: {  	[sflag:s13] =	ssyncset.done $0x0  }
0x33: {  	s24 =	simm.s32 $0x340;
	[sflag:s13] =	ssyncadd.s32 $0xFFFFCE00  }
0x34: {  	[tilespmem:s15], [sflag:$0x1] =	stream.indirect.gather [hbm4b:s3+s14], $0x40, s24, s14, $0xb8;
	[tilespmem:$0xE200] =	vst v63  }
0x35: {  	s26 =	simm.s32 $0x3A8  }
0x36: {  	[tilespmem:s17], [sflag:$0x1] =	stream.indirect.gather [hbm4b:s3+s14], $0x40, s26, s14, $0xb8;
	[tilespmem:$0xE200] =	vst v63  }
0x37: {  	s18 =	simm.s32 $0x410  }
0x38: {  	[tilespmem:s19], [sflag:$0x1] =	stream.indirect.gather [hbm4b:s3+s14], $0x40, s18, s14, $0xb8;
	[tilespmem:$0xE200] =	vst v63  }
0x39: {  	s20 =	simm.s32 $0x478  }
0x3a: {  	[tilespmem:s21], [sflag:$0x1] =	stream.indirect.gather [hbm4b:s3+s14], $0x40, s20, s14, $0xb8;
	[tilespmem:$0xE200] =	vst v63  }
0x3b: {  	_ =	swait.ge [sflag:s1], $0x6400  }
0x3c: {  	[sflag:s1] =	ssyncset.done $0x0  }
0x3d: {  	[sflag:s1] =	ssyncadd.s32 $0xFFFF9C00  }
0x3e: {  	[hbm4b:s11+s2] =	stream.linear.scatter [tilespmem:s23], [sflag:$0x3], $0x3200, $0x38;
	[tilespmem:$0xE200] =	vst v63  }
0x3f: {  	_ =	swait.ge [sflag:s13], $0x3200  }
0x40: {  	[sflag:s13] =	ssyncset.done $0x0  }
0x41: {  	[sflag:s13] =	ssyncadd.s32 $0xFFFFCE00  }
0x42: {  	[hbm4b:s10+s2] =	stream.linear.scatter [tilespmem:s28], [sflag:$0x3], $0x3200, $0x38;
	[tilespmem:$0xE200] =	vst v63  }
0x43: {  	_ =	swait.ge [sflag:s13], $0x3200  }
0x44: {  	[sflag:s13] =	ssyncset.done $0x0  }
0x45: {  	s16 =	simm.s32 $0xD00;
	s22 =	simm.s32 $0x4E0;
	[sflag:s13] =	ssyncadd.s32 $0xFFFFCE00  }
0x46: {  	[tilespmem:s23], [sflag:$0x2] =	stream.indirect.gather [hbm4b:s3+s14], $0x40, s22, s14, $0xb8;
	[tilespmem:$0xE200] =	vst v63  }
0x47: {  	s24 =	simm.s32 $0x548;
	s26 =	simm.s32 $0x5B0;
	s18 =	sadd.s32 $0x1A00, s12  }
0x48: {  	[tilespmem:s25], [sflag:$0x2] =	stream.indirect.gather [hbm4b:s3+s14], $0x40, s24, s14, $0xb8;
	[tilespmem:$0xE200] =	vst v63  }
0x49: {  	s20 =	sadd.s32 $0x1A00, s10;
	s22 =	sadd.s32 $0x1A00, s11;
	s24 =	simm.s32 $0x618  }
0x4a: {  	[tilespmem:s28], [sflag:$0x2] =	stream.indirect.gather [hbm4b:s3+s14], $0x40, s26, s14, $0xb8;
	[tilespmem:$0xE200] =	vst v63  }
.LBB2_2:
0x4b: {  	[tilespmem:s30], [sflag:$0x2] =	stream.indirect.gather [hbm4b:s3+s14], $0x40, s24, s14, $0xb8;
	[tilespmem:$0xE200] =	vst v63  }
0x4c: {  	s24 =	smov.u32 s16  }
0x4d: {  	p0 =	sne.s32 s16, $0x4E00;
	s16 =	sadd.s32 $0xD00, s16;
	_ =	swait.ge [sflag:s31], $0x6400  }
0x4e: {  	[sflag:s31] =	ssyncset.done $0x0  }
0x4f: {  	s26 =	sadd.s32 $0xFFFFF300, s22;
	[sflag:s31] =	ssyncadd.s32 $0xFFFF9C00  }
0x50: {  	[hbm4b:s26+s2] =	stream.linear.scatter [tilespmem:s15], [sflag:$0x3], $0x3200, $0x38;
	[tilespmem:$0xE200] =	vst v63  }
0x51: {  	_ =	swait.ge [sflag:s13], $0x3200  }
0x52: {  	[sflag:s13] =	ssyncset.done $0x0  }
0x53: {  	[sflag:s13] =	ssyncadd.s32 $0xFFFFCE00  }
0x54: {  	[hbm4b:s18+s2] =	stream.linear.scatter [tilespmem:s19], [sflag:$0x3], $0x3200, $0x38;
	[tilespmem:$0xE200] =	vst v63  }
0x55: {  	_ =	swait.ge [sflag:s13], $0x3200  }
0x56: {  	s24 =	sshra.s32 s24, $0x2;
	[sflag:s13] =	ssyncset.done $0x0  }
0x57: {  	s26 =	sadd.s32 $0x340, s24;
	[sflag:s13] =	ssyncadd.s32 $0xFFFFCE00  }
0x58: {  	[tilespmem:s15], [sflag:$0x1] =	stream.indirect.gather [hbm4b:s3+s14], $0x40, s26, s14, $0xb8;
	[tilespmem:$0xE200] =	vst v63  }
0x59: {  	s26 =	sadd.s32 $0x3A8, s24  }
0x5a: {  	[tilespmem:s17], [sflag:$0x1] =	stream.indirect.gather [hbm4b:s3+s14], $0x40, s26, s14, $0xb8;
	[tilespmem:$0xE200] =	vst v63  }
0x5b: {  	s26 =	sadd.s32 $0x410, s24  }
0x5c: {  	[tilespmem:s19], [sflag:$0x1] =	stream.indirect.gather [hbm4b:s3+s14], $0x40, s26, s14, $0xb8;
	[tilespmem:$0xE200] =	vst v63  }
0x5d: {  	s26 =	sadd.s32 $0x478, s24  }
0x5e: {  	[tilespmem:s21], [sflag:$0x1] =	stream.indirect.gather [hbm4b:s3+s14], $0x40, s26, s14, $0xb8;
	[tilespmem:$0xE200] =	vst v63  }
0x5f: {  	_ =	swait.ge [sflag:s1], $0x6400  }
0x60: {  	[sflag:s1] =	ssyncset.done $0x0  }
0x61: {  	[sflag:s1] =	ssyncadd.s32 $0xFFFF9C00  }
0x62: {  	[hbm4b:s22+s2] =	stream.linear.scatter [tilespmem:s23], [sflag:$0x3], $0x3200, $0x38;
	[tilespmem:$0xE200] =	vst v63  }
0x63: {  	_ =	swait.ge [sflag:s13], $0x3200  }
0x64: {  	[sflag:s13] =	ssyncset.done $0x0  }
0x65: {  	[sflag:s13] =	ssyncadd.s32 $0xFFFFCE00  }
0x66: {  	[hbm4b:s20+s2] =	stream.linear.scatter [tilespmem:s28], [sflag:$0x3], $0x3200, $0x38;
	[tilespmem:$0xE200] =	vst v63  }
0x67: {  	_ =	swait.ge [sflag:s13], $0x3200  }
0x68: {  	[sflag:s13] =	ssyncset.done $0x0  }
0x69: {  	s26 =	sadd.s32 $0x4E0, s24;
	[sflag:s13] =	ssyncadd.s32 $0xFFFFCE00  }
0x6a: {  	[tilespmem:s23], [sflag:$0x2] =	stream.indirect.gather [hbm4b:s3+s14], $0x40, s26, s14, $0xb8;
	[tilespmem:$0xE200] =	vst v63  }
.Ltmp0:
0x6b: {  	s26 =	sadd.s32 $0x548, s24;
	(pc) =	sbr.rel @p0 .LBB2_2-.Ltmp0, $4  }
0x6c: {  	[tilespmem:s25], [sflag:$0x2] =	stream.indirect.gather [hbm4b:s3+s14], $0x40, s26, s14, $0xb8;
	[tilespmem:$0xE200] =	vst v63  }
0x6d: {  	s18 =	sadd.s32 $0x1A00, s18;
	s26 =	sadd.s32 $0x5B0, s24  }
0x6e: {  	[tilespmem:s28], [sflag:$0x2] =	stream.indirect.gather [hbm4b:s3+s14], $0x40, s26, s14, $0xb8;
	[tilespmem:$0xE200] =	vst v63  }
0x6f: {  	s22 =	sadd.s32 $0x1A00, s22;
	s20 =	sadd.s32 $0x1A00, s20;
	s24 =	sadd.s32 $0x618, s24  }
0x70: {  	[tilespmem:s30], [sflag:$0x2] =	stream.indirect.gather [hbm4b:s3+s14], $0x40, s24, s14, $0xb8;
	[tilespmem:$0xE200] =	vst v63  }
0x71: {  	_ =	swait.ge [sflag:s31], $0x6400  }
0x72: {  	[sflag:s31] =	ssyncset.done $0x0  }
0x73: {  	[sflag:s31] =	ssyncadd.s32 $0xFFFF9C00  }
0x74: {  	[hbm4b:s6+s2] =	stream.linear.scatter [tilespmem:s15], [sflag:$0x3], $0x3200, $0x38;
	[tilespmem:$0xE200] =	vst v63  }
0x75: {  	_ =	swait.ge [sflag:s13], $0x3200  }
0x76: {  	[sflag:s13] =	ssyncset.done $0x0  }
0x77: {  	[sflag:s13] =	ssyncadd.s32 $0xFFFFCE00  }
0x78: {  	[hbm4b:s7+s2] =	stream.linear.scatter [tilespmem:s19], [sflag:$0x3], $0x3200, $0x38;
	[tilespmem:$0xE200] =	vst v63  }
0x79: {  	_ =	swait.ge [sflag:s13], $0x3200  }
0x7a: {  	[sflag:s13] =	ssyncset.done $0x0  }
0x7b: {  	[sflag:s13] =	ssyncadd.s32 $0xFFFFCE00  }
0x7c: {  	_ =	swait.ge [sflag:s1], $0x6400  }
0x7d: {  	[sflag:s1] =	ssyncset.done $0x0  }
0x7e: {  	[sflag:s1] =	ssyncadd.s32 $0xFFFF9C00  }
0x7f: {  	[hbm4b:s8+s2] =	stream.linear.scatter [tilespmem:s23], [sflag:$0x3], $0x3200, $0x38;
	[tilespmem:$0xE200] =	vst v63  }
0x80: {  	s0 =	sadd.s32 $0x1, s0;
	_ =	swait.ge [sflag:s13], $0x3200  }
0x81: {  	p0 =	sne.s32 s0, s5;
	[sflag:s13] =	ssyncset.done $0x0  }
.Ltmp1:
0x82: {  	[sflag:s13] =	ssyncadd.s32 $0xFFFFCE00;
	(pc) =	sbr.rel @p0 .LBB2_1-.Ltmp1, $4  }
0x83: {  	[hbm4b:s9+s2] =	stream.linear.scatter [tilespmem:s28], [sflag:$0x3], $0x3200, $0x38;
	[tilespmem:$0xE200] =	vst v63  }
0x84: {  	_ =	swait.ge [sflag:s13], $0x3200  }
0x85: {  	[sflag:s13] =	ssyncset.done $0x0  }
0x86: {  	[sflag:s13] =	ssyncadd.s32 $0xFFFFCE00  }
0x87: {  	_ =	sfence.sel $0x180000  }
0x88: {  	[bflag:$0x0] =	sbarrier.arrive $0xFFFF  }
0x89: {  	_ =	strace $0x90000047  }
0x8a: {  	s0 =	stileid.u32;
	[bflag:$0x2] =	sbarrier.arrive $0xFFFF  }
0x8b: {  	p0 =	sne.s32 s0, $0x0;
	s0 =	rddreg [dreg:$0x1]  }
0x8c: {  	s0 =	sadd.s32 @!p0 $0x100000, s0  }
0x8d: {  	[sflag:s0] =	ssyncadd.tile.s32 @!p0 $0x1;
	_ =	shalt  }
.Lfunc_end2:
_tile_overlayer_lowered:
.L_overlay_start_2:
0x8e: {  	(tag) =	ssettag $0x2  }
0x8f: {  	s0 =	rddreg [dreg:$0x0];
	s2 =	stileid.u32  }
0x90: {  	s1 =	rddreg [dreg:$0x1];
	p0 =	sne.s32 s2, $0x0  }
0x91: {  	s3 =	rddreg [dreg:$0x2];
	[bflag:$0x3] =	sbarrier.arrive $0xFFFF;
	s2 =	simm.s32 @!p0 $0x1C03  }
0x92: {  	[timem:s3], [sflag:s2] =	dma.local @!p0 [hbm:s0], s1  }
0x93: {  	s0 =	simm.s32 @!p0 $0x3  }
0x94: {  	_ =	swait.ge @!p0 [sflag:s0], s1  }
0x95: {  	s1 =	ssub.s32 @!p0 $0x0, s1;
	[sflag:s0] =	ssyncset.done @!p0 $0x0  }
0x96: {  	[sflag:s0] =	ssyncadd.s32 @!p0 s1  }
0x97: {  	[bflag:$0x3] =	sbarrier.arrive $0xFFFF  }
0x98: {  	_ =	shalt  }

// kernel: kernel.14.cloned.1.call-start
scs
__scs_entry_jumppad:
0x0: {  	(pc) =	sbr.rel $0x88, $3  }
0x1: {  	(tag) =	ssettag $0x0;
	lr =	simm.s32 $0x1  }
0x2: {  	[smem:$0x3F9E] =	sst lr;
	_ =	strace $0xD0000000  }
0x3: {  	_ = 	snop  }
0x4: {  	_ = 	snop  }
0x5: {  	_ = 	snop  }
0x6: {  	_ = 	snop  }
0x7: {  	_ = 	snop  }
__scs_overlays_trampoline_lowered:
0x8: {  	[smem:$0x3FAD] =	sst s0  }
0x9: {  	[smem:$0x3FAE] =	sst s1  }
0xa: {  	[smem:$0x3FAF] =	sst s2  }
0xb: {  	[smem:$0x3FB0] =	sst s3  }
0xc: {  	[smem:$0x3FB1] =	sst s4  }
0xd: {  	[smem:$0x3FB2] =	sst s5  }
0xe: {  	[smem:$0x3FB3] =	sst s6  }
0xf: {  	[smem:$0x3FB4] =	sst s7  }
0x10: {  	[smem:$0x3FB5] =	sst s8  }
0x11: {  	[smem:$0x3FB6] =	sst s9;
	s0 =	simm.s32 @!p0 $0x0  }
0x12: {  	s1 =	sld [smem:$0x3F9C];
	s0 =	simm.s32 @p0 $0x1  }
0x13: {  	[smem:$0x3FB7] =	sst s0;
	s0 =	simm.s32 @!p1 $0x0  }
0x14: {  	s2 =	sld [smem:$0x3F9B];
	s0 =	simm.s32 @p1 $0x1  }
0x15: {  	[smem:$0x3FB8] =	sst s0;
	s0 =	simm.s32 @!p2 $0x0  }
0x16: {  	s3 =	sld [smem:$0x3FDB];
	s0 =	simm.s32 @p2 $0x1  }
0x17: {  	s4 =	simm.s32 $0x1BF5;
	[smem:$0x3FBA] =	sst s0  }
0x18: {  	s0 =	sld [smem:$0x3F9D];
	_ =	swait.ge [sflag:s4], $0x0  }
0x19: {  	s7 =	sld [smem:$0x3F9E]  }
0x1a: {  	s8 =	sadd.s32 $0xFFFFE003, lr  }
0x1b: {  	s9 =	sadd.s32 $0xFFFFFEF7, lr;
	s5 =	simm.s32 $0xFFFFFFFF;
	p2 =	slt.u32 s8, $0xFFFFF086  }
0x1c: {  	p1 =	slt.u32 s9, $0xF7A;
	s5 =	simm.s32 @!p2 $0x0  }
0x1d: {  	s5 =	simm.s32 @p1 $0x1;
	p0 =	seq.s32 s7, s2  }
0x1e: {  	s7 =	smul.u32 @!p0 $0xF7A, s2;
	p2 =	seq.s32 @!p0 s5, $0x0  }
0x1f: {  	s9 =	smul.u32 $0xF7A, s1;
	s8 =	simm.s32 @!p0 $0x1BF5;
	p2 =	por !p2, p0  }
0x20: {  	[sflag:s8] =	ssyncset.s32 @!p0 $0xFFFFF086;
	s6 =	sadd.s32 @!p0 s3, s7;
	s7 =	simm.s32 @!p0 $0x108  }
0x21: {  	s3 =	sadd.s32 s3, s9;
	s6 =	sadd.s32 @!p0 $0x88, s6;
	s7 =	simm.s32 @p2 $0x1082  }
0x22: {  	[simem:s7], [sflag:s8] =	dma.local @!p0 [hbm:s6], $0xF7A  }
0x23: {  	s9 =	sor.u32 $0xD0000000, s2;
	s6 =	simm.s32 $0x108;
	_ =	swait.ge @!p0 [sflag:s8], $0x0  }
0x24: {  	s3 =	sadd.s32 $0x88, s3;
	s6 =	simm.s32 @!p1 $0x1082;
	[sflag:s4] =	ssyncset.s32 $0xFFFFF086  }
0x25: {  	[simem:s6], [sflag:s4] =	dma.local [hbm:s3], $0xF7A  }
0x26: {  	[smem:$0x3F9E] =	sst s1;
	(tag) =	ssettag s2;
	_ =	strace s9  }
0x27: {  	s1 =	sld [smem:$0x3FAE]  }
0x28: {  	s2 =	sld [smem:$0x3FAF]  }
0x29: {  	s4 =	sld [smem:$0x3FB1]  }
0x2a: {  	p0 =	seq.s32 s5, $0x0;
	s5 =	sld [smem:$0x3FB2]  }
0x2b: {  	s6 =	sld [smem:$0x3FB3]  }
0x2c: {  	s7 =	sld [smem:$0x3FB4]  }
0x2d: {  	s3 =	simm.s32 $0x108;
	s8 =	sld [smem:$0x3FB5]  }
0x2e: {  	s3 =	simm.s32 @!p0 $0x1082;
	s9 =	sld [smem:$0x3FB6]  }
0x2f: {  	lr =	sadd.s32 s0, s3;
	s0 =	sld [smem:$0x3FAD]  }
0x30: {  	s3 =	sld [smem:$0x3FB0]  }
0x31: {  	[smem:$0x3FB9] =	sst s10  }
0x32: {  	s10 =	sld [smem:$0x3FB7];
	_ =	sdelay $0x3  }
0x33: {  	p0 =	seq.s32 s10, $0x1;
	s10 =	sld [smem:$0x3FB9];
	_ =	sdelay $0x3  }
0x34: {  	[smem:$0x3FB9] =	sst s10  }
0x35: {  	s10 =	sld [smem:$0x3FB8];
	_ =	sdelay $0x3  }
0x36: {  	p1 =	seq.s32 s10, $0x1;
	s10 =	sld [smem:$0x3FB9];
	_ =	sdelay $0x3  }
0x37: {  	[smem:$0x3FB9] =	sst s10  }
0x38: {  	s10 =	sld [smem:$0x3FBA]  }
0x39: {  	_ = 	snop;
	(pc) =	sbr.ind lr, $3  }
0x3a: {  	_ = 	snop  }
0x3b: {  	_ = 	snop  }
0x3c: {  	p2 =	seq.s32 s10, $0x1;
	s10 =	sld [smem:$0x3FB9]  }
0x3d: {  	_ =	shalt  }
0x3e: {  	_ =	shalt  }
0x3f: {  	_ =	shalt  }
0x40: {  	_ =	shalt  }
0x41: {  	_ =	shalt  }
0x42: {  	_ =	shalt  }
0x43: {  	_ =	shalt  }
0x44: {  	_ =	shalt  }
0x45: {  	_ =	shalt  }
0x46: {  	_ =	shalt  }
0x47: {  	_ =	shalt  }
0x48: {  	_ =	shalt  }
0x49: {  	_ =	shalt  }
0x4a: {  	_ =	shalt  }
0x4b: {  	_ =	shalt  }
0x4c: {  	_ =	shalt  }
0x4d: {  	_ =	shalt  }
0x4e: {  	_ =	shalt  }
0x4f: {  	_ =	shalt  }
0x50: {  	_ =	shalt  }
0x51: {  	_ =	shalt  }
0x52: {  	_ =	shalt  }
0x53: {  	_ =	shalt  }
0x54: {  	_ =	shalt  }
0x55: {  	_ =	shalt  }
0x56: {  	_ =	shalt  }
0x57: {  	_ =	shalt  }
0x58: {  	_ =	shalt  }
0x59: {  	_ =	shalt  }
0x5a: {  	_ =	shalt  }
0x5b: {  	_ =	shalt  }
0x5c: {  	_ =	shalt  }
0x5d: {  	_ =	shalt  }
0x5e: {  	_ =	shalt  }
0x5f: {  	_ =	shalt  }
0x60: {  	_ =	shalt  }
0x61: {  	_ =	shalt  }
0x62: {  	_ =	shalt  }
0x63: {  	_ =	shalt  }
0x64: {  	_ =	shalt  }
0x65: {  	_ =	shalt  }
0x66: {  	_ =	shalt  }
0x67: {  	_ =	shalt  }
0x68: {  	_ =	shalt  }
0x69: {  	_ =	shalt  }
0x6a: {  	_ =	shalt  }
0x6b: {  	_ =	shalt  }
0x6c: {  	_ =	shalt  }
0x6d: {  	_ =	shalt  }
0x6e: {  	_ =	shalt  }
0x6f: {  	_ =	shalt  }
0x70: {  	_ =	shalt  }
0x71: {  	_ =	shalt  }
0x72: {  	_ =	shalt  }
0x73: {  	_ =	shalt  }
0x74: {  	_ =	shalt  }
0x75: {  	_ =	shalt  }
0x76: {  	_ =	shalt  }
0x77: {  	_ =	shalt  }
0x78: {  	_ =	shalt  }
0x79: {  	_ =	shalt  }
0x7a: {  	_ =	shalt  }
0x7b: {  	_ =	shalt  }
0x7c: {  	_ =	shalt  }
0x7d: {  	_ =	shalt  }
0x7e: {  	_ =	shalt  }
0x7f: {  	_ =	shalt  }
0x80: {  	_ =	shalt  }
0x81: {  	_ =	shalt  }
0x82: {  	_ =	shalt  }
0x83: {  	_ =	shalt  }
0x84: {  	_ =	shalt  }
0x85: {  	_ =	shalt  }
0x86: {  	_ =	shalt  }
0x87: {  	_ =	shalt  }
.Lfunc_end0:
.L_simem_size_0:
called_computation.1_lowered:
.L_overlay_start_0:
0x88: {  	s2 =	sld [smem:$0x3FD9]  }
0x89: {  	s3 =	sld [smem:$0x3FFE];
	_ =	sdelay $0x1  }
0x8a: {  	s1 =	srdreg.scid  }
0x8b: {  	s0 =	sand.u32 $0x1, s1  }
0x8c: {  	s17 =	sshll.u32 s0, $0xA;
	s2 =	sadd.s32 s3, s2  }
0x8d: {  	s2 =	sadd.s32 s2, s17  }
0x8e: {  	[smem:$0x3FC5] =	sst s2  }
0x8f: {  	_ = 	snop  }
0x90: {  	(tm) =	ssettm $0x1  }
0x91: {  	s18 =	sld [smem:$0x3FFB];
	_ =	sdelay $0x3  }
0x92: {  	_ =	strace s18  }
0x93: {  	s2 =	sld [smem:$0x3FFC];
	_ =	sdelay $0x3  }
0x94: {  	_ =	strace s2  }
0x95: {  	s2 =	sld [smem:$0x3FFD];
	_ =	sdelay $0x3  }
0x96: {  	_ =	strace s2  }
0x97: {  	_ =	strace $0x8FFFFFFF  }
0x98: {  	s19 =	sld [smem:$0x3FDB];
	_ =	sdelay $0x1  }
0x99: {  	s20 =	simm.s32 $_scs_section_size  }
0x9a: {  	s4 =	simm.s32 $_size__tile_overlayer_lowered;
	s5 =	simm.s32 $_tile_overlayer_lowered  }
0x9b: {  	s6 =	simm.s32 $0x1BFF;
	s21 =	sshll.u32 s5, $0x1;
	s3 =	sadd.s32 s20, s19  }
0x9c: {  	s22 =	simm.s32 $0x0;
	s4 =	sshll.u32 s4, $0x1;
	s5 =	sadd.s32 s21, s3  }
0x9d: {  	[timem:s22], [sflag:s6] =	dma.local [hbm:s5], s4  }
0x9e: {  	_ =	swait.ge [sflag:s6], s4  }
0x9f: {  	s4 =	ssub.s32 $0x0, s4;
	[sflag:s6] =	ssyncset.done $0x0  }
0xa0: {  	[sflag:s6] =	ssyncadd.s32 s4;
	_ =	sdelay $0x1  }
0xa1: {  	s23 =	simm.s32 $0x1B8B  }
0xa2: {  	_ =	swait.ge [sflag:s23], $0x1  }
0xa3: {  	[sflag:s23] =	ssyncset.done $0x0  }
0xa4: {  	[sflag:s23] =	ssyncadd.s32 $0xFFFFFFFF  }
0xa5: {  	s4 =	sld [smem:$0x0]  }
0xa6: {  	s5 =	sand.u32 $0xFFFFFFFE, s1  }
0xa7: {  	p0 =	sne.s32 s1, s5  }
0xa8: {  	s5 =	sshll.u32 @p0 s5, $0xE  }
0xa9: {  	s5 =	sadd.s32 @p0 $0x11B8D, s5;
	s6 =	sshll.u32 @p0 s4, $0x11  }
0xaa: {  	s5 =	sor.u32 @p0 s6, s5  }
0xab: {  	[sflag:s5] =	ssyncadd.remote.s32 @p0 $0x1;
	_ =	sdelay $0x1  }
0xac: {  	s5 =	simm.s32 @p0 $0x1B8D  }
0xad: {  	_ =	swait.eq @p0 [sflag:s5], $0x1  }
0xae: {  	[sflag:s5] =	ssyncadd.s32 @p0 $0xFFFFFFFF  }
0xaf: {  	s6 =	sshll.u32 @!p0 s1, $0xE  }
0xb0: {  	s6 =	sor.u32 @!p0 $0x4000, s6;
	s5 =	simm.s32 @!p0 $0x1B8D  }
0xb1: {  	s4 =	sshll.u32 @!p0 s4, $0x11;
	s6 =	sadd.s32 @!p0 $0x11B8D, s6;
	_ =	swait.eq @!p0 [sflag:s5], $0x1  }
0xb2: {  	s4 =	sor.u32 @!p0 s4, s6;
	[sflag:s5] =	ssyncadd.s32 @!p0 $0xFFFFFFFF  }
0xb3: {  	s25 =	simm.s32 $0x1B8E;
	s24 =	sld [smem:$0x3FFE];
	[sflag:s4] =	ssyncadd.remote.s32 @!p0 $0x1  }
0xb4: {  	s26 =	simm.s32 $execute0_lowered;
	[smem:$0x3FD2] =	sst s25  }
0xb5: {  	s5 =	sshll.u32 s26, $0x1;
	_ =	strace $0x80000049;
	[dreg:$0x1] =	wrdreg $0xFFFFFFFF  }
0xb6: {  	s28 =	simm.s32 $_size_execute0_lowered;
	s3 =	sadd.s32 s3, s5;
	[dreg:$0x0] =	wrdreg $0x0  }
0xb7: {  	s5 =	sshll.u32 s28, $0x1;
	[dreg:$0x2] =	wrdreg s3  }
0xb8: {  	[dreg:$0x3] =	wrdreg s5  }
0xb9: {  	[dreg:$0x4] =	wrdreg $0xC0  }
0xba: {  	_ =	task [dreg:s22], $0x5FFFF  }
0xbb: {  	[dreg:$0x1] =	wrdreg $0xFFFFFFFF  }
0xbc: {  	[dreg:$0x0] =	wrdreg $0x60  }
0xbd: {  	[dreg:$0x2] =	wrdreg s24  }
0xbe: {  	[dreg:$0x3] =	wrdreg $0xA  }
0xbf: {  	_ =	task.clear_ibuf [dreg:s22], $0x4FFFF;
	_ =	strace $0x90000049  }
0xc0: {  	s29 =	simm.s32 $0xA;
	_ =	strace $0x8000004B  }
0xc1: {  	_ =	swait.ge [sflag:s29], $0x1  }
0xc2: {  	[sflag:s29] =	ssyncadd.s32 $0xFFFFFFFF  }
0xc3: {  	_ =	strace $0x9000004B  }
0xc4: {  	_ =	sfence  }
0xc5: {  	s30 =	sld [smem:$0x0];
	_ =	sdelay $0x2  }
0xc6: {  	s31 =	sshll.u32 s1, $0xD;
	s1 =	sshrl.u32 s1, $0x2  }
0xc7: {  	s4 =	sand.u32 $0x4000, s31;
	s1 =	sadd.s32 s1, s30  }
0xc8: {  	s0 =	sor.u32 s4, s0;
	s1 =	sshll.u32 s1, $0x11  }
0xc9: {  	s0 =	sor.u32 s1, s0  }
0xca: {  	s0 =	sadd.s32 $0x8F2B, s0  }
0xcb: {  	[sflag:s0] =	ssyncadd.remote.s32 $0x1  }
0xcc: {  	_ =	sfence.sel $0xFFFF  }
0xcd: {  	[dreg:$0x0] =	wrdreg $0xFFFFFFFF;
	(pc) =	sbr.abs _section_cstart, $3  }
0xce: {  	[dreg:$0x1] =	wrdreg $0xFFFFFFFF  }
0xcf: {  	_ =	task.clear_ibuf [dreg:s22], $0x2FFFF;
	_ =	strace $0x9FFFFFFF  }
0xd0: {  	(tm) =	ssettm $0x7FFFFFFF  }
0xd1: {  	_ =	shalt  }
tec
execute0_lowered:
.L_overlay_start_1:
0x0: {  	(tag) =	ssettag $0x1  }
0x1: {  	s0 =	srdreg.scid  }
0x2: {  	s13 =	stileid.u32;
	s4 =	rddreg [dreg:$0x0];
	s2 =	simm.s32 $0x0  }
0x3: {  	s14 =	simm.s32 $0x64;
	s15 =	simm.s32 $0x1A00;
	s17 =	simm.s32 $0x3300  }
0x4: {  	s19 =	simm.s32 $0x4C00;
	s28 =	simm.s32 $0xB000;
	s29 =	simm.s32 $0x2D8  }
0x5: {  	s30 =	simm.s32 $0xC900;
	s31 =	simm.s32 $0x1;
	s10 =	smul.u32 $0xD0000, s13  }
0x6: {  	s0 =	sand.u32 $0x1, s0;
	s1 =	sshll.u32 s13, $0x1;
	s13 =	smul.u32 $0x1A000, s13  }
0x7: {  	[smem:$0x7FF] =	sst s2;
	s12 =	sadd.s32 $0x957C00, s4;
	s11 =	smul.u32 $0x68000, s0  }
0x8: {  	s1 =	sor.u32 s0, s1;
	s7 =	ssub.s32 $0x2, s0;
	s0 =	smul.u32 $0xD000, s0  }
0x9: {  	_ =	strace $0x8000004A;
	s3 =	smul.u32 $0x340, s1;
	s1 =	sshll.u32 s1, $0x5  }
0xa: {  	s9 =	sshrl.u32 s7, $0x1;
	s24 =	sadd.s32 s13, s12;
	s6 =	sor.u32 $0x1C, s1  }
0xb: {  	s13 =	simm.s32 $0x3;
	s1 =	sor.u32 $0x1E, s1;
	s8 =	smul.u32 $0x680, s6  }
0xc: {  	s7 =	ssub.s32 s7, s9;
	s10 =	sadd.s32 s11, s10;
	s6 =	smul.u32 $0x3400, s6  }
0xd: {  	s0 =	sadd.s32 s0, s24;
	s5 =	sadd.s32 s3, s4;
	s21 =	smul.u32 $0x680, s1  }
0xe: {  	s3 =	sadd.s32 $0x8200, s4;
	s1 =	smul.u32 $0x3400, s1;
	s23 =	sadd.s32 $0x9C00, s10  }
0xf: {  	s25 =	sor.u32 $0x3400, s10;
	s11 =	sadd.s32 $0xD00, s0;
	s0 =	simm.s32 $0x0  }
0x10: {  	s4 =	sadd.s32 $0x951400, s5;
	s5 =	smax.u32 s7, $0x1;
	s26 =	sshrl.u32 s25, $0x3  }
0x11: {  	s25 =	simm.s32 $0x9700;
	s6 =	sshrl.u32 s6, $0x3;
	s1 =	sshrl.u32 s1, $0x3  }
0x12: {  	s22 =	sadd.s32 s12, s6;
	s6 =	sadd.s32 s12, s8;
	s8 =	sadd.s32 s12, s21  }
0x13: {  	s1 =	sadd.s32 s12, s1;
	s21 =	simm.s32 $0x6500;
	s7 =	sadd.s32 $0x680, s22  }
0x14: {  	s9 =	sadd.s32 $0x680, s1;
	s1 =	sshrl.u32 s23, $0x3;
	s23 =	simm.s32 $0x7E00  }
0x15: {  	s10 =	sadd.s32 s1, s12;
	s12 =	sadd.s32 s26, s12;
	s1 =	simm.s32 $0x2  }
.LBB2_1:
0x16: {  	[tilespmem:s2], [sflag:$0x3] =	stream.linear.gather [hbm4b:s4+s2], $0x1A00, $0x38;
	[tilespmem:$0xE200] =	vst v63  }
0x17: {  	_ =	swait.ge [sflag:s13], $0x1A00  }
0x18: {  	[sflag:s13] =	ssyncset.done $0x0  }
0x19: {  	[sflag:s13] =	ssyncadd.s32 $0xFFFFE600  }
0x1a: {  	[tilespmem:s15], [sflag:$0x1] =	stream.indirect.gather [hbm4b:s3+s14], $0x40, s2, s14, $0xb8;
	[tilespmem:$0xE200] =	vst v63  }
0x1b: {  	s16 =	simm.s32 $0x68  }
0x1c: {  	[tilespmem:s17], [sflag:$0x1] =	stream.indirect.gather [hbm4b:s3+s14], $0x40, s16, s14, $0xb8;
	[tilespmem:$0xE200] =	vst v63  }
0x1d: {  	s22 =	simm.s32 $0xD0  }
0x1e: {  	[tilespmem:s19], [sflag:$0x1] =	stream.indirect.gather [hbm4b:s3+s14], $0x40, s22, s14, $0xb8;
	[tilespmem:$0xE200] =	vst v63  }
0x1f: {  	s24 =	simm.s32 $0x138  }
0x20: {  	[tilespmem:s21], [sflag:$0x1] =	stream.indirect.gather [hbm4b:s3+s14], $0x40, s24, s14, $0xb8;
	[tilespmem:$0xE200] =	vst v63  }
0x21: {  	s26 =	simm.s32 $0x1A0  }
0x22: {  	[tilespmem:s23], [sflag:$0x2] =	stream.indirect.gather [hbm4b:s3+s14], $0x40, s26, s14, $0xb8;
	[tilespmem:$0xE200] =	vst v63  }
0x23: {  	s18 =	simm.s32 $0x208  }
0x24: {  	[tilespmem:s25], [sflag:$0x2] =	stream.indirect.gather [hbm4b:s3+s14], $0x40, s18, s14, $0xb8;
	[tilespmem:$0xE200] =	vst v63  }
0x25: {  	s20 =	simm.s32 $0x270  }
0x26: {  	[tilespmem:s28], [sflag:$0x2] =	stream.indirect.gather [hbm4b:s3+s14], $0x40, s20, s14, $0xb8;
	[tilespmem:$0xE200] =	vst v63  }
0x27: {  	_ = 	snop  }
0x28: {  	[tilespmem:s30], [sflag:$0x2] =	stream.indirect.gather [hbm4b:s3+s14], $0x40, s29, s14, $0xb8;
	[tilespmem:$0xE200] =	vst v63  }
0x29: {  	_ =	swait.ge [sflag:s31], $0x6400  }
0x2a: {  	[sflag:s31] =	ssyncset.done $0x0  }
0x2b: {  	s22 =	sadd.s32 $0xFFFFF300, s11;
	[sflag:s31] =	ssyncadd.s32 $0xFFFF9C00  }
0x2c: {  	[hbm4b:s22+s2] =	stream.linear.scatter [tilespmem:s15], [sflag:$0x3], $0x3200, $0x38;
	[tilespmem:$0xE200] =	vst v63  }
0x2d: {  	_ =	swait.ge [sflag:s13], $0x3200  }
0x2e: {  	[sflag:s13] =	ssyncset.done $0x0  }
0x2f: {  	[sflag:s13] =	ssyncadd.s32 $0xFFFFCE00  }
0x30: {  	[hbm4b:s12+s2] =	stream.linear.scatter [tilespmem:s19], [sflag:$0x3], $0x3200, $0x38;
	[tilespmem:$0xE200] =	vst v63  }
0x31: {  	_ =	swait.ge [sflag:s13], $0x3200  }
0x32: {  	[sflag:s13] =	ssyncset.done $0x0  }
0x33: {  	s24 =	simm.s32 $0x340;
	[sflag:s13] =	ssyncadd.s32 $0xFFFFCE00  }
0x34: {  	[tilespmem:s15], [sflag:$0x1] =	stream.indirect.gather [hbm4b:s3+s14], $0x40, s24, s14, $0xb8;
	[tilespmem:$0xE200] =	vst v63  }
0x35: {  	s26 =	simm.s32 $0x3A8  }
0x36: {  	[tilespmem:s17], [sflag:$0x1] =	stream.indirect.gather [hbm4b:s3+s14], $0x40, s26, s14, $0xb8;
	[tilespmem:$0xE200] =	vst v63  }
0x37: {  	s18 =	simm.s32 $0x410  }
0x38: {  	[tilespmem:s19], [sflag:$0x1] =	stream.indirect.gather [hbm4b:s3+s14], $0x40, s18, s14, $0xb8;
	[tilespmem:$0xE200] =	vst v63  }
0x39: {  	s20 =	simm.s32 $0x478  }
0x3a: {  	[tilespmem:s21], [sflag:$0x1] =	stream.indirect.gather [hbm4b:s3+s14], $0x40, s20, s14, $0xb8;
	[tilespmem:$0xE200] =	vst v63  }
0x3b: {  	_ =	swait.ge [sflag:s1], $0x6400  }
0x3c: {  	[sflag:s1] =	ssyncset.done $0x0  }
0x3d: {  	[sflag:s1] =	ssyncadd.s32 $0xFFFF9C00  }
0x3e: {  	[hbm4b:s11+s2] =	stream.linear.scatter [tilespmem:s23], [sflag:$0x3], $0x3200, $0x38;
	[tilespmem:$0xE200] =	vst v63  }
0x3f: {  	_ =	swait.ge [sflag:s13], $0x3200  }
0x40: {  	[sflag:s13] =	ssyncset.done $0x0  }
0x41: {  	[sflag:s13] =	ssyncadd.s32 $0xFFFFCE00  }
0x42: {  	[hbm4b:s10+s2] =	stream.linear.scatter [tilespmem:s28], [sflag:$0x3], $0x3200, $0x38;
	[tilespmem:$0xE200] =	vst v63  }
0x43: {  	_ =	swait.ge [sflag:s13], $0x3200  }
0x44: {  	[sflag:s13] =	ssyncset.done $0x0  }
0x45: {  	s16 =	simm.s32 $0xD00;
	s22 =	simm.s32 $0x4E0;
	[sflag:s13] =	ssyncadd.s32 $0xFFFFCE00  }
0x46: {  	[tilespmem:s23], [sflag:$0x2] =	stream.indirect.gather [hbm4b:s3+s14], $0x40, s22, s14, $0xb8;
	[tilespmem:$0xE200] =	vst v63  }
0x47: {  	s24 =	simm.s32 $0x548;
	s26 =	simm.s32 $0x5B0;
	s18 =	sadd.s32 $0x1A00, s12  }
0x48: {  	[tilespmem:s25], [sflag:$0x2] =	stream.indirect.gather [hbm4b:s3+s14], $0x40, s24, s14, $0xb8;
	[tilespmem:$0xE200] =	vst v63  }
0x49: {  	s20 =	sadd.s32 $0x1A00, s10;
	s22 =	sadd.s32 $0x1A00, s11;
	s24 =	simm.s32 $0x618  }
0x4a: {  	[tilespmem:s28], [sflag:$0x2] =	stream.indirect.gather [hbm4b:s3+s14], $0x40, s26, s14, $0xb8;
	[tilespmem:$0xE200] =	vst v63  }
.LBB2_2:
0x4b: {  	[tilespmem:s30], [sflag:$0x2] =	stream.indirect.gather [hbm4b:s3+s14], $0x40, s24, s14, $0xb8;
	[tilespmem:$0xE200] =	vst v63  }
0x4c: {  	s24 =	smov.u32 s16  }
0x4d: {  	p0 =	sne.s32 s16, $0x4E00;
	s16 =	sadd.s32 $0xD00, s16;
	_ =	swait.ge [sflag:s31], $0x6400  }
0x4e: {  	[sflag:s31] =	ssyncset.done $0x0  }
0x4f: {  	s26 =	sadd.s32 $0xFFFFF300, s22;
	[sflag:s31] =	ssyncadd.s32 $0xFFFF9C00  }
0x50: {  	[hbm4b:s26+s2] =	stream.linear.scatter [tilespmem:s15], [sflag:$0x3], $0x3200, $0x38;
	[tilespmem:$0xE200] =	vst v63  }
0x51: {  	_ =	swait.ge [sflag:s13], $0x3200  }
0x52: {  	[sflag:s13] =	ssyncset.done $0x0  }
0x53: {  	[sflag:s13] =	ssyncadd.s32 $0xFFFFCE00  }
0x54: {  	[hbm4b:s18+s2] =	stream.linear.scatter [tilespmem:s19], [sflag:$0x3], $0x3200, $0x38;
	[tilespmem:$0xE200] =	vst v63  }
0x55: {  	_ =	swait.ge [sflag:s13], $0x3200  }
0x56: {  	s24 =	sshra.s32 s24, $0x2;
	[sflag:s13] =	ssyncset.done $0x0  }
0x57: {  	s26 =	sadd.s32 $0x340, s24;
	[sflag:s13] =	ssyncadd.s32 $0xFFFFCE00  }
0x58: {  	[tilespmem:s15], [sflag:$0x1] =	stream.indirect.gather [hbm4b:s3+s14], $0x40, s26, s14, $0xb8;
	[tilespmem:$0xE200] =	vst v63  }
0x59: {  	s26 =	sadd.s32 $0x3A8, s24  }
0x5a: {  	[tilespmem:s17], [sflag:$0x1] =	stream.indirect.gather [hbm4b:s3+s14], $0x40, s26, s14, $0xb8;
	[tilespmem:$0xE200] =	vst v63  }
0x5b: {  	s26 =	sadd.s32 $0x410, s24  }
0x5c: {  	[tilespmem:s19], [sflag:$0x1] =	stream.indirect.gather [hbm4b:s3+s14], $0x40, s26, s14, $0xb8;
	[tilespmem:$0xE200] =	vst v63  }
0x5d: {  	s26 =	sadd.s32 $0x478, s24  }
0x5e: {  	[tilespmem:s21], [sflag:$0x1] =	stream.indirect.gather [hbm4b:s3+s14], $0x40, s26, s14, $0xb8;
	[tilespmem:$0xE200] =	vst v63  }
0x5f: {  	_ =	swait.ge [sflag:s1], $0x6400  }
0x60: {  	[sflag:s1] =	ssyncset.done $0x0  }
0x61: {  	[sflag:s1] =	ssyncadd.s32 $0xFFFF9C00  }
0x62: {  	[hbm4b:s22+s2] =	stream.linear.scatter [tilespmem:s23], [sflag:$0x3], $0x3200, $0x38;
	[tilespmem:$0xE200] =	vst v63  }
0x63: {  	_ =	swait.ge [sflag:s13], $0x3200  }
0x64: {  	[sflag:s13] =	ssyncset.done $0x0  }
0x65: {  	[sflag:s13] =	ssyncadd.s32 $0xFFFFCE00  }
0x66: {  	[hbm4b:s20+s2] =	stream.linear.scatter [tilespmem:s28], [sflag:$0x3], $0x3200, $0x38;
	[tilespmem:$0xE200] =	vst v63  }
0x67: {  	_ =	swait.ge [sflag:s13], $0x3200  }
0x68: {  	[sflag:s13] =	ssyncset.done $0x0  }
0x69: {  	s26 =	sadd.s32 $0x4E0, s24;
	[sflag:s13] =	ssyncadd.s32 $0xFFFFCE00  }
0x6a: {  	[tilespmem:s23], [sflag:$0x2] =	stream.indirect.gather [hbm4b:s3+s14], $0x40, s26, s14, $0xb8;
	[tilespmem:$0xE200] =	vst v63  }
.Ltmp0:
0x6b: {  	s26 =	sadd.s32 $0x548, s24;
	(pc) =	sbr.rel @p0 .LBB2_2-.Ltmp0, $4  }
0x6c: {  	[tilespmem:s25], [sflag:$0x2] =	stream.indirect.gather [hbm4b:s3+s14], $0x40, s26, s14, $0xb8;
	[tilespmem:$0xE200] =	vst v63  }
0x6d: {  	s18 =	sadd.s32 $0x1A00, s18;
	s26 =	sadd.s32 $0x5B0, s24  }
0x6e: {  	[tilespmem:s28], [sflag:$0x2] =	stream.indirect.gather [hbm4b:s3+s14], $0x40, s26, s14, $0xb8;
	[tilespmem:$0xE200] =	vst v63  }
0x6f: {  	s22 =	sadd.s32 $0x1A00, s22;
	s20 =	sadd.s32 $0x1A00, s20;
	s24 =	sadd.s32 $0x618, s24  }
0x70: {  	[tilespmem:s30], [sflag:$0x2] =	stream.indirect.gather [hbm4b:s3+s14], $0x40, s24, s14, $0xb8;
	[tilespmem:$0xE200] =	vst v63  }
0x71: {  	_ =	swait.ge [sflag:s31], $0x6400  }
0x72: {  	[sflag:s31] =	ssyncset.done $0x0  }
0x73: {  	[sflag:s31] =	ssyncadd.s32 $0xFFFF9C00  }
0x74: {  	[hbm4b:s6+s2] =	stream.linear.scatter [tilespmem:s15], [sflag:$0x3], $0x3200, $0x38;
	[tilespmem:$0xE200] =	vst v63  }
0x75: {  	_ =	swait.ge [sflag:s13], $0x3200  }
0x76: {  	[sflag:s13] =	ssyncset.done $0x0  }
0x77: {  	[sflag:s13] =	ssyncadd.s32 $0xFFFFCE00  }
0x78: {  	[hbm4b:s7+s2] =	stream.linear.scatter [tilespmem:s19], [sflag:$0x3], $0x3200, $0x38;
	[tilespmem:$0xE200] =	vst v63  }
0x79: {  	_ =	swait.ge [sflag:s13], $0x3200  }
0x7a: {  	[sflag:s13] =	ssyncset.done $0x0  }
0x7b: {  	[sflag:s13] =	ssyncadd.s32 $0xFFFFCE00  }
0x7c: {  	_ =	swait.ge [sflag:s1], $0x6400  }
0x7d: {  	[sflag:s1] =	ssyncset.done $0x0  }
0x7e: {  	[sflag:s1] =	ssyncadd.s32 $0xFFFF9C00  }
0x7f: {  	[hbm4b:s8+s2] =	stream.linear.scatter [tilespmem:s23], [sflag:$0x3], $0x3200, $0x38;
	[tilespmem:$0xE200] =	vst v63  }
0x80: {  	s0 =	sadd.s32 $0x1, s0;
	_ =	swait.ge [sflag:s13], $0x3200  }
0x81: {  	p0 =	sne.s32 s0, s5;
	[sflag:s13] =	ssyncset.done $0x0  }
.Ltmp1:
0x82: {  	[sflag:s13] =	ssyncadd.s32 $0xFFFFCE00;
	(pc) =	sbr.rel @p0 .LBB2_1-.Ltmp1, $4  }
0x83: {  	[hbm4b:s9+s2] =	stream.linear.scatter [tilespmem:s28], [sflag:$0x3], $0x3200, $0x38;
	[tilespmem:$0xE200] =	vst v63  }
0x84: {  	_ =	swait.ge [sflag:s13], $0x3200  }
0x85: {  	[sflag:s13] =	ssyncset.done $0x0  }
0x86: {  	[sflag:s13] =	ssyncadd.s32 $0xFFFFCE00  }
0x87: {  	_ =	sfence.sel $0x180000  }
0x88: {  	[bflag:$0x0] =	sbarrier.arrive $0xFFFF  }
0x89: {  	_ =	strace $0x9000004A  }
0x8a: {  	s0 =	stileid.u32;
	[bflag:$0x2] =	sbarrier.arrive $0xFFFF  }
0x8b: {  	p0 =	sne.s32 s0, $0x0;
	s0 =	rddreg [dreg:$0x1]  }
0x8c: {  	s0 =	sadd.s32 @!p0 $0x100000, s0  }
0x8d: {  	[sflag:s0] =	ssyncadd.tile.s32 @!p0 $0x1;
	_ =	shalt  }
.Lfunc_end2:
_tile_overlayer_lowered:
.L_overlay_start_2:
0x8e: {  	(tag) =	ssettag $0x2  }
0x8f: {  	s0 =	rddreg [dreg:$0x0];
	s2 =	stileid.u32  }
0x90: {  	s1 =	rddreg [dreg:$0x1];
	p0 =	sne.s32 s2, $0x0  }
0x91: {  	s3 =	rddreg [dreg:$0x2];
	[bflag:$0x3] =	sbarrier.arrive $0xFFFF;
	s2 =	simm.s32 @!p0 $0x1C03  }
0x92: {  	[timem:s3], [sflag:s2] =	dma.local @!p0 [hbm:s0], s1  }
0x93: {  	s0 =	simm.s32 @!p0 $0x3  }
0x94: {  	_ =	swait.ge @!p0 [sflag:s0], s1  }
0x95: {  	s1 =	ssub.s32 @!p0 $0x0, s1;
	[sflag:s0] =	ssyncset.done @!p0 $0x0  }
0x96: {  	[sflag:s0] =	ssyncadd.s32 @!p0 s1  }
0x97: {  	[bflag:$0x3] =	sbarrier.arrive $0xFFFF  }
0x98: {  	_ =	shalt  }

// kernel: kernel.17.cloned.1.call-start
scs
__scs_entry_jumppad:
0x0: {  	(pc) =	sbr.rel $0x88, $3  }
0x1: {  	(tag) =	ssettag $0x0;
	lr =	simm.s32 $0x1  }
0x2: {  	[smem:$0x3F9E] =	sst lr;
	_ =	strace $0xD0000000  }
0x3: {  	_ = 	snop  }
0x4: {  	_ = 	snop  }
0x5: {  	_ = 	snop  }
0x6: {  	_ = 	snop  }
0x7: {  	_ = 	snop  }
__scs_overlays_trampoline_lowered:
0x8: {  	[smem:$0x3FAD] =	sst s0  }
0x9: {  	[smem:$0x3FAE] =	sst s1  }
0xa: {  	[smem:$0x3FAF] =	sst s2  }
0xb: {  	[smem:$0x3FB0] =	sst s3  }
0xc: {  	[smem:$0x3FB1] =	sst s4  }
0xd: {  	[smem:$0x3FB2] =	sst s5  }
0xe: {  	[smem:$0x3FB3] =	sst s6  }
0xf: {  	[smem:$0x3FB4] =	sst s7  }
0x10: {  	[smem:$0x3FB5] =	sst s8  }
0x11: {  	[smem:$0x3FB6] =	sst s9;
	s0 =	simm.s32 @!p0 $0x0  }
0x12: {  	s1 =	sld [smem:$0x3F9C];
	s0 =	simm.s32 @p0 $0x1  }
0x13: {  	[smem:$0x3FB7] =	sst s0;
	s0 =	simm.s32 @!p1 $0x0  }
0x14: {  	s2 =	sld [smem:$0x3F9B];
	s0 =	simm.s32 @p1 $0x1  }
0x15: {  	[smem:$0x3FB8] =	sst s0;
	s0 =	simm.s32 @!p2 $0x0  }
0x16: {  	s3 =	sld [smem:$0x3FDB];
	s0 =	simm.s32 @p2 $0x1  }
0x17: {  	s4 =	simm.s32 $0x1BF5;
	[smem:$0x3FBA] =	sst s0  }
0x18: {  	s0 =	sld [smem:$0x3F9D];
	_ =	swait.ge [sflag:s4], $0x0  }
0x19: {  	s7 =	sld [smem:$0x3F9E]  }
0x1a: {  	s8 =	sadd.s32 $0xFFFFE003, lr  }
0x1b: {  	s9 =	sadd.s32 $0xFFFFFEF7, lr;
	s5 =	simm.s32 $0xFFFFFFFF;
	p2 =	slt.u32 s8, $0xFFFFF086  }
0x1c: {  	p1 =	slt.u32 s9, $0xF7A;
	s5 =	simm.s32 @!p2 $0x0  }
0x1d: {  	s5 =	simm.s32 @p1 $0x1;
	p0 =	seq.s32 s7, s2  }
0x1e: {  	s7 =	smul.u32 @!p0 $0xF7A, s2;
	p2 =	seq.s32 @!p0 s5, $0x0  }
0x1f: {  	s9 =	smul.u32 $0xF7A, s1;
	s8 =	simm.s32 @!p0 $0x1BF5;
	p2 =	por !p2, p0  }
0x20: {  	[sflag:s8] =	ssyncset.s32 @!p0 $0xFFFFF086;
	s6 =	sadd.s32 @!p0 s3, s7;
	s7 =	simm.s32 @!p0 $0x108  }
0x21: {  	s3 =	sadd.s32 s3, s9;
	s6 =	sadd.s32 @!p0 $0x88, s6;
	s7 =	simm.s32 @p2 $0x1082  }
0x22: {  	[simem:s7], [sflag:s8] =	dma.local @!p0 [hbm:s6], $0xF7A  }
0x23: {  	s9 =	sor.u32 $0xD0000000, s2;
	s6 =	simm.s32 $0x108;
	_ =	swait.ge @!p0 [sflag:s8], $0x0  }
0x24: {  	s3 =	sadd.s32 $0x88, s3;
	s6 =	simm.s32 @!p1 $0x1082;
	[sflag:s4] =	ssyncset.s32 $0xFFFFF086  }
0x25: {  	[simem:s6], [sflag:s4] =	dma.local [hbm:s3], $0xF7A  }
0x26: {  	[smem:$0x3F9E] =	sst s1;
	(tag) =	ssettag s2;
	_ =	strace s9  }
0x27: {  	s1 =	sld [smem:$0x3FAE]  }
0x28: {  	s2 =	sld [smem:$0x3FAF]  }
0x29: {  	s4 =	sld [smem:$0x3FB1]  }
0x2a: {  	p0 =	seq.s32 s5, $0x0;
	s5 =	sld [smem:$0x3FB2]  }
0x2b: {  	s6 =	sld [smem:$0x3FB3]  }
0x2c: {  	s7 =	sld [smem:$0x3FB4]  }
0x2d: {  	s3 =	simm.s32 $0x108;
	s8 =	sld [smem:$0x3FB5]  }
0x2e: {  	s3 =	simm.s32 @!p0 $0x1082;
	s9 =	sld [smem:$0x3FB6]  }
0x2f: {  	lr =	sadd.s32 s0, s3;
	s0 =	sld [smem:$0x3FAD]  }
0x30: {  	s3 =	sld [smem:$0x3FB0]  }
0x31: {  	[smem:$0x3FB9] =	sst s10  }
0x32: {  	s10 =	sld [smem:$0x3FB7];
	_ =	sdelay $0x3  }
0x33: {  	p0 =	seq.s32 s10, $0x1;
	s10 =	sld [smem:$0x3FB9];
	_ =	sdelay $0x3  }
0x34: {  	[smem:$0x3FB9] =	sst s10  }
0x35: {  	s10 =	sld [smem:$0x3FB8];
	_ =	sdelay $0x3  }
0x36: {  	p1 =	seq.s32 s10, $0x1;
	s10 =	sld [smem:$0x3FB9];
	_ =	sdelay $0x3  }
0x37: {  	[smem:$0x3FB9] =	sst s10  }
0x38: {  	s10 =	sld [smem:$0x3FBA]  }
0x39: {  	_ = 	snop;
	(pc) =	sbr.ind lr, $3  }
0x3a: {  	_ = 	snop  }
0x3b: {  	_ = 	snop  }
0x3c: {  	p2 =	seq.s32 s10, $0x1;
	s10 =	sld [smem:$0x3FB9]  }
0x3d: {  	_ =	shalt  }
0x3e: {  	_ =	shalt  }
0x3f: {  	_ =	shalt  }
0x40: {  	_ =	shalt  }
0x41: {  	_ =	shalt  }
0x42: {  	_ =	shalt  }
0x43: {  	_ =	shalt  }
0x44: {  	_ =	shalt  }
0x45: {  	_ =	shalt  }
0x46: {  	_ =	shalt  }
0x47: {  	_ =	shalt  }
0x48: {  	_ =	shalt  }
0x49: {  	_ =	shalt  }
0x4a: {  	_ =	shalt  }
0x4b: {  	_ =	shalt  }
0x4c: {  	_ =	shalt  }
0x4d: {  	_ =	shalt  }
0x4e: {  	_ =	shalt  }
0x4f: {  	_ =	shalt  }
0x50: {  	_ =	shalt  }
0x51: {  	_ =	shalt  }
0x52: {  	_ =	shalt  }
0x53: {  	_ =	shalt  }
0x54: {  	_ =	shalt  }
0x55: {  	_ =	shalt  }
0x56: {  	_ =	shalt  }
0x57: {  	_ =	shalt  }
0x58: {  	_ =	shalt  }
0x59: {  	_ =	shalt  }
0x5a: {  	_ =	shalt  }
0x5b: {  	_ =	shalt  }
0x5c: {  	_ =	shalt  }
0x5d: {  	_ =	shalt  }
0x5e: {  	_ =	shalt  }
0x5f: {  	_ =	shalt  }
0x60: {  	_ =	shalt  }
0x61: {  	_ =	shalt  }
0x62: {  	_ =	shalt  }
0x63: {  	_ =	shalt  }
0x64: {  	_ =	shalt  }
0x65: {  	_ =	shalt  }
0x66: {  	_ =	shalt  }
0x67: {  	_ =	shalt  }
0x68: {  	_ =	shalt  }
0x69: {  	_ =	shalt  }
0x6a: {  	_ =	shalt  }
0x6b: {  	_ =	shalt  }
0x6c: {  	_ =	shalt  }
0x6d: {  	_ =	shalt  }
0x6e: {  	_ =	shalt  }
0x6f: {  	_ =	shalt  }
0x70: {  	_ =	shalt  }
0x71: {  	_ =	shalt  }
0x72: {  	_ =	shalt  }
0x73: {  	_ =	shalt  }
0x74: {  	_ =	shalt  }
0x75: {  	_ =	shalt  }
0x76: {  	_ =	shalt  }
0x77: {  	_ =	shalt  }
0x78: {  	_ =	shalt  }
0x79: {  	_ =	shalt  }
0x7a: {  	_ =	shalt  }
0x7b: {  	_ =	shalt  }
0x7c: {  	_ =	shalt  }
0x7d: {  	_ =	shalt  }
0x7e: {  	_ =	shalt  }
0x7f: {  	_ =	shalt  }
0x80: {  	_ =	shalt  }
0x81: {  	_ =	shalt  }
0x82: {  	_ =	shalt  }
0x83: {  	_ =	shalt  }
0x84: {  	_ =	shalt  }
0x85: {  	_ =	shalt  }
0x86: {  	_ =	shalt  }
0x87: {  	_ =	shalt  }
.Lfunc_end0:
.L_simem_size_0:
called_computation.2_lowered:
.L_overlay_start_0:
0x88: {  	s2 =	sld [smem:$0x3FD9]  }
0x89: {  	s3 =	sld [smem:$0x3FFE];
	_ =	sdelay $0x1  }
0x8a: {  	s1 =	srdreg.scid  }
0x8b: {  	s0 =	sand.u32 $0x1, s1  }
0x8c: {  	s17 =	sshll.u32 s0, $0xA;
	s2 =	sadd.s32 s3, s2  }
0x8d: {  	s2 =	sadd.s32 s2, s17  }
0x8e: {  	[smem:$0x3FC5] =	sst s2  }
0x8f: {  	_ = 	snop  }
0x90: {  	(tm) =	ssettm $0x1  }
0x91: {  	s18 =	sld [smem:$0x3FFB];
	_ =	sdelay $0x3  }
0x92: {  	_ =	strace s18  }
0x93: {  	s2 =	sld [smem:$0x3FFC];
	_ =	sdelay $0x3  }
0x94: {  	_ =	strace s2  }
0x95: {  	s2 =	sld [smem:$0x3FFD];
	_ =	sdelay $0x3  }
0x96: {  	_ =	strace s2  }
0x97: {  	_ =	strace $0x8FFFFFFF  }
0x98: {  	s19 =	sld [smem:$0x3FDB];
	_ =	sdelay $0x1  }
0x99: {  	s20 =	simm.s32 $_scs_section_size  }
0x9a: {  	s4 =	simm.s32 $_size__tile_overlayer_lowered;
	s5 =	simm.s32 $_tile_overlayer_lowered  }
0x9b: {  	s6 =	simm.s32 $0x1BFF;
	s21 =	sshll.u32 s5, $0x1;
	s3 =	sadd.s32 s20, s19  }
0x9c: {  	s22 =	simm.s32 $0x0;
	s4 =	sshll.u32 s4, $0x1;
	s5 =	sadd.s32 s21, s3  }
0x9d: {  	[timem:s22], [sflag:s6] =	dma.local [hbm:s5], s4  }
0x9e: {  	_ =	swait.ge [sflag:s6], s4  }
0x9f: {  	s4 =	ssub.s32 $0x0, s4;
	[sflag:s6] =	ssyncset.done $0x0  }
0xa0: {  	[sflag:s6] =	ssyncadd.s32 s4;
	_ =	sdelay $0x1  }
0xa1: {  	s23 =	simm.s32 $0x1B8B  }
0xa2: {  	_ =	swait.ge [sflag:s23], $0x1  }
0xa3: {  	[sflag:s23] =	ssyncset.done $0x0  }
0xa4: {  	[sflag:s23] =	ssyncadd.s32 $0xFFFFFFFF  }
0xa5: {  	s4 =	sld [smem:$0x0]  }
0xa6: {  	s5 =	sand.u32 $0xFFFFFFFE, s1  }
0xa7: {  	p0 =	sne.s32 s1, s5  }
0xa8: {  	s5 =	sshll.u32 @p0 s5, $0xE  }
0xa9: {  	s5 =	sadd.s32 @p0 $0x11B8D, s5;
	s6 =	sshll.u32 @p0 s4, $0x11  }
0xaa: {  	s5 =	sor.u32 @p0 s6, s5  }
0xab: {  	[sflag:s5] =	ssyncadd.remote.s32 @p0 $0x1;
	_ =	sdelay $0x1  }
0xac: {  	s5 =	simm.s32 @p0 $0x1B8D  }
0xad: {  	_ =	swait.eq @p0 [sflag:s5], $0x1  }
0xae: {  	[sflag:s5] =	ssyncadd.s32 @p0 $0xFFFFFFFF  }
0xaf: {  	s6 =	sshll.u32 @!p0 s1, $0xE  }
0xb0: {  	s6 =	sor.u32 @!p0 $0x4000, s6;
	s5 =	simm.s32 @!p0 $0x1B8D  }
0xb1: {  	s4 =	sshll.u32 @!p0 s4, $0x11;
	s6 =	sadd.s32 @!p0 $0x11B8D, s6;
	_ =	swait.eq @!p0 [sflag:s5], $0x1  }
0xb2: {  	s4 =	sor.u32 @!p0 s4, s6;
	[sflag:s5] =	ssyncadd.s32 @!p0 $0xFFFFFFFF  }
0xb3: {  	s25 =	simm.s32 $0x1B8E;
	s24 =	sld [smem:$0x3FFE];
	[sflag:s4] =	ssyncadd.remote.s32 @!p0 $0x1  }
0xb4: {  	s26 =	simm.s32 $execute0_lowered;
	[smem:$0x3FD2] =	sst s25  }
0xb5: {  	s5 =	sshll.u32 s26, $0x1;
	_ =	strace $0x8000004C;
	[dreg:$0x1] =	wrdreg $0xFFFFFFFF  }
0xb6: {  	s28 =	simm.s32 $_size_execute0_lowered;
	s3 =	sadd.s32 s3, s5;
	[dreg:$0x0] =	wrdreg $0x0  }
0xb7: {  	s5 =	sshll.u32 s28, $0x1;
	[dreg:$0x2] =	wrdreg s3  }
0xb8: {  	[dreg:$0x3] =	wrdreg s5  }
0xb9: {  	[dreg:$0x4] =	wrdreg $0xC0  }
0xba: {  	_ =	task [dreg:s22], $0x5FFFF  }
0xbb: {  	[dreg:$0x1] =	wrdreg $0xFFFFFFFF  }
0xbc: {  	[dreg:$0x0] =	wrdreg $0x60  }
0xbd: {  	[dreg:$0x2] =	wrdreg s24  }
0xbe: {  	[dreg:$0x3] =	wrdreg $0xB  }
0xbf: {  	_ =	task.clear_ibuf [dreg:s22], $0x4FFFF;
	_ =	strace $0x9000004C  }
0xc0: {  	s29 =	simm.s32 $0xB;
	_ =	strace $0x8000004E  }
0xc1: {  	_ =	swait.ge [sflag:s29], $0x1  }
0xc2: {  	[sflag:s29] =	ssyncadd.s32 $0xFFFFFFFF  }
0xc3: {  	_ =	strace $0x9000004E  }
0xc4: {  	_ =	sfence  }
0xc5: {  	s30 =	sld [smem:$0x0];
	_ =	sdelay $0x2  }
0xc6: {  	s31 =	sshll.u32 s1, $0xD;
	s1 =	sshrl.u32 s1, $0x2  }
0xc7: {  	s4 =	sand.u32 $0x4000, s31;
	s1 =	sadd.s32 s1, s30  }
0xc8: {  	s0 =	sor.u32 s4, s0;
	s1 =	sshll.u32 s1, $0x11  }
0xc9: {  	s0 =	sor.u32 s1, s0  }
0xca: {  	s0 =	sadd.s32 $0x8F2B, s0  }
0xcb: {  	[sflag:s0] =	ssyncadd.remote.s32 $0x1  }
0xcc: {  	_ =	sfence.sel $0xFFFF  }
0xcd: {  	[dreg:$0x0] =	wrdreg $0xFFFFFFFF;
	(pc) =	sbr.abs _section_cstart, $3  }
0xce: {  	[dreg:$0x1] =	wrdreg $0xFFFFFFFF  }
0xcf: {  	_ =	task.clear_ibuf [dreg:s22], $0x2FFFF;
	_ =	strace $0x9FFFFFFF  }
0xd0: {  	(tm) =	ssettm $0x7FFFFFFF  }
0xd1: {  	_ =	shalt  }
tec
execute0_lowered:
.L_overlay_start_1:
0x0: {  	(tag) =	ssettag $0x1  }
0x1: {  	s0 =	srdreg.scid  }
0x2: {  	s13 =	stileid.u32;
	s4 =	rddreg [dreg:$0x0];
	s2 =	simm.s32 $0x0  }
0x3: {  	s14 =	simm.s32 $0x64;
	s15 =	simm.s32 $0x1A00;
	s17 =	simm.s32 $0x3300  }
0x4: {  	s19 =	simm.s32 $0x4C00;
	s28 =	simm.s32 $0xB000;
	s29 =	simm.s32 $0x2D8  }
0x5: {  	s30 =	simm.s32 $0xC900;
	s31 =	simm.s32 $0x1;
	s10 =	smul.u32 $0xD0000, s13  }
0x6: {  	s0 =	sand.u32 $0x1, s0;
	s1 =	sshll.u32 s13, $0x1;
	s13 =	smul.u32 $0x1A000, s13  }
0x7: {  	[smem:$0x7FF] =	sst s2;
	s12 =	sadd.s32 $0xAFE400, s4;
	s11 =	smul.u32 $0x68000, s0  }
0x8: {  	s1 =	sor.u32 s0, s1;
	s7 =	ssub.s32 $0x2, s0;
	s0 =	smul.u32 $0xD000, s0  }
0x9: {  	_ =	strace $0x8000004D;
	s3 =	smul.u32 $0x340, s1;
	s1 =	sshll.u32 s1, $0x5  }
0xa: {  	s9 =	sshrl.u32 s7, $0x1;
	s24 =	sadd.s32 s13, s12;
	s6 =	sor.u32 $0x1C, s1  }
0xb: {  	s13 =	simm.s32 $0x3;
	s1 =	sor.u32 $0x1E, s1;
	s8 =	smul.u32 $0x680, s6  }
0xc: {  	s7 =	ssub.s32 s7, s9;
	s10 =	sadd.s32 s11, s10;
	s6 =	smul.u32 $0x3400, s6  }
0xd: {  	s0 =	sadd.s32 s0, s24;
	s5 =	sadd.s32 s3, s4;
	s21 =	smul.u32 $0x680, s1  }
0xe: {  	s3 =	sadd.s32 $0x8200, s4;
	s1 =	smul.u32 $0x3400, s1;
	s23 =	sadd.s32 $0x9C00, s10  }
0xf: {  	s25 =	sor.u32 $0x3400, s10;
	s11 =	sadd.s32 $0xD00, s0;
	s0 =	simm.s32 $0x0  }
0x10: {  	s4 =	sadd.s32 $0xAF7C00, s5;
	s5 =	smax.u32 s7, $0x1;
	s26 =	sshrl.u32 s25, $0x3  }
0x11: {  	s25 =	simm.s32 $0x9700;
	s6 =	sshrl.u32 s6, $0x3;
	s1 =	sshrl.u32 s1, $0x3  }
0x12: {  	s22 =	sadd.s32 s12, s6;
	s6 =	sadd.s32 s12, s8;
	s8 =	sadd.s32 s12, s21  }
0x13: {  	s1 =	sadd.s32 s12, s1;
	s21 =	simm.s32 $0x6500;
	s7 =	sadd.s32 $0x680, s22  }
0x14: {  	s9 =	sadd.s32 $0x680, s1;
	s1 =	sshrl.u32 s23, $0x3;
	s23 =	simm.s32 $0x7E00  }
0x15: {  	s10 =	sadd.s32 s1, s12;
	s12 =	sadd.s32 s26, s12;
	s1 =	simm.s32 $0x2  }
.LBB2_1:
0x16: {  	[tilespmem:s2], [sflag:$0x3] =	stream.linear.gather [hbm4b:s4+s2], $0x1A00, $0x38;
	[tilespmem:$0xE200] =	vst v63  }
0x17: {  	_ =	swait.ge [sflag:s13], $0x1A00  }
0x18: {  	[sflag:s13] =	ssyncset.done $0x0  }
0x19: {  	[sflag:s13] =	ssyncadd.s32 $0xFFFFE600  }
0x1a: {  	[tilespmem:s15], [sflag:$0x1] =	stream.indirect.gather [hbm4b:s3+s14], $0x40, s2, s14, $0xb8;
	[tilespmem:$0xE200] =	vst v63  }
0x1b: {  	s16 =	simm.s32 $0x68  }
0x1c: {  	[tilespmem:s17], [sflag:$0x1] =	stream.indirect.gather [hbm4b:s3+s14], $0x40, s16, s14, $0xb8;
	[tilespmem:$0xE200] =	vst v63  }
0x1d: {  	s22 =	simm.s32 $0xD0  }
0x1e: {  	[tilespmem:s19], [sflag:$0x1] =	stream.indirect.gather [hbm4b:s3+s14], $0x40, s22, s14, $0xb8;
	[tilespmem:$0xE200] =	vst v63  }
0x1f: {  	s24 =	simm.s32 $0x138  }
0x20: {  	[tilespmem:s21], [sflag:$0x1] =	stream.indirect.gather [hbm4b:s3+s14], $0x40, s24, s14, $0xb8;
	[tilespmem:$0xE200] =	vst v63  }
0x21: {  	s26 =	simm.s32 $0x1A0  }
0x22: {  	[tilespmem:s23], [sflag:$0x2] =	stream.indirect.gather [hbm4b:s3+s14], $0x40, s26, s14, $0xb8;
	[tilespmem:$0xE200] =	vst v63  }
0x23: {  	s18 =	simm.s32 $0x208  }
0x24: {  	[tilespmem:s25], [sflag:$0x2] =	stream.indirect.gather [hbm4b:s3+s14], $0x40, s18, s14, $0xb8;
	[tilespmem:$0xE200] =	vst v63  }
0x25: {  	s20 =	simm.s32 $0x270  }
0x26: {  	[tilespmem:s28], [sflag:$0x2] =	stream.indirect.gather [hbm4b:s3+s14], $0x40, s20, s14, $0xb8;
	[tilespmem:$0xE200] =	vst v63  }
0x27: {  	_ = 	snop  }
0x28: {  	[tilespmem:s30], [sflag:$0x2] =	stream.indirect.gather [hbm4b:s3+s14], $0x40, s29, s14, $0xb8;
	[tilespmem:$0xE200] =	vst v63  }
0x29: {  	_ =	swait.ge [sflag:s31], $0x6400  }
0x2a: {  	[sflag:s31] =	ssyncset.done $0x0  }
0x2b: {  	s22 =	sadd.s32 $0xFFFFF300, s11;
	[sflag:s31] =	ssyncadd.s32 $0xFFFF9C00  }
0x2c: {  	[hbm4b:s22+s2] =	stream.linear.scatter [tilespmem:s15], [sflag:$0x3], $0x3200, $0x38;
	[tilespmem:$0xE200] =	vst v63  }
0x2d: {  	_ =	swait.ge [sflag:s13], $0x3200  }
0x2e: {  	[sflag:s13] =	ssyncset.done $0x0  }
0x2f: {  	[sflag:s13] =	ssyncadd.s32 $0xFFFFCE00  }
0x30: {  	[hbm4b:s12+s2] =	stream.linear.scatter [tilespmem:s19], [sflag:$0x3], $0x3200, $0x38;
	[tilespmem:$0xE200] =	vst v63  }
0x31: {  	_ =	swait.ge [sflag:s13], $0x3200  }
0x32: {  	[sflag:s13] =	ssyncset.done $0x0  }
0x33: {  	s24 =	simm.s32 $0x340;
	[sflag:s13] =	ssyncadd.s32 $0xFFFFCE00  }
0x34: {  	[tilespmem:s15], [sflag:$0x1] =	stream.indirect.gather [hbm4b:s3+s14], $0x40, s24, s14, $0xb8;
	[tilespmem:$0xE200] =	vst v63  }
0x35: {  	s26 =	simm.s32 $0x3A8  }
0x36: {  	[tilespmem:s17], [sflag:$0x1] =	stream.indirect.gather [hbm4b:s3+s14], $0x40, s26, s14, $0xb8;
	[tilespmem:$0xE200] =	vst v63  }
0x37: {  	s18 =	simm.s32 $0x410  }
0x38: {  	[tilespmem:s19], [sflag:$0x1] =	stream.indirect.gather [hbm4b:s3+s14], $0x40, s18, s14, $0xb8;
	[tilespmem:$0xE200] =	vst v63  }
0x39: {  	s20 =	simm.s32 $0x478  }
0x3a: {  	[tilespmem:s21], [sflag:$0x1] =	stream.indirect.gather [hbm4b:s3+s14], $0x40, s20, s14, $0xb8;
	[tilespmem:$0xE200] =	vst v63  }
0x3b: {  	_ =	swait.ge [sflag:s1], $0x6400  }
0x3c: {  	[sflag:s1] =	ssyncset.done $0x0  }
0x3d: {  	[sflag:s1] =	ssyncadd.s32 $0xFFFF9C00  }
0x3e: {  	[hbm4b:s11+s2] =	stream.linear.scatter [tilespmem:s23], [sflag:$0x3], $0x3200, $0x38;
	[tilespmem:$0xE200] =	vst v63  }
0x3f: {  	_ =	swait.ge [sflag:s13], $0x3200  }
0x40: {  	[sflag:s13] =	ssyncset.done $0x0  }
0x41: {  	[sflag:s13] =	ssyncadd.s32 $0xFFFFCE00  }
0x42: {  	[hbm4b:s10+s2] =	stream.linear.scatter [tilespmem:s28], [sflag:$0x3], $0x3200, $0x38;
	[tilespmem:$0xE200] =	vst v63  }
0x43: {  	_ =	swait.ge [sflag:s13], $0x3200  }
0x44: {  	[sflag:s13] =	ssyncset.done $0x0  }
0x45: {  	s16 =	simm.s32 $0xD00;
	s22 =	simm.s32 $0x4E0;
	[sflag:s13] =	ssyncadd.s32 $0xFFFFCE00  }
0x46: {  	[tilespmem:s23], [sflag:$0x2] =	stream.indirect.gather [hbm4b:s3+s14], $0x40, s22, s14, $0xb8;
	[tilespmem:$0xE200] =	vst v63  }
0x47: {  	s24 =	simm.s32 $0x548;
	s26 =	simm.s32 $0x5B0;
	s18 =	sadd.s32 $0x1A00, s12  }
0x48: {  	[tilespmem:s25], [sflag:$0x2] =	stream.indirect.gather [hbm4b:s3+s14], $0x40, s24, s14, $0xb8;
	[tilespmem:$0xE200] =	vst v63  }
0x49: {  	s20 =	sadd.s32 $0x1A00, s10;
	s22 =	sadd.s32 $0x1A00, s11;
	s24 =	simm.s32 $0x618  }
0x4a: {  	[tilespmem:s28], [sflag:$0x2] =	stream.indirect.gather [hbm4b:s3+s14], $0x40, s26, s14, $0xb8;
	[tilespmem:$0xE200] =	vst v63  }
.LBB2_2:
0x4b: {  	[tilespmem:s30], [sflag:$0x2] =	stream.indirect.gather [hbm4b:s3+s14], $0x40, s24, s14, $0xb8;
	[tilespmem:$0xE200] =	vst v63  }
0x4c: {  	s24 =	smov.u32 s16  }
0x4d: {  	p0 =	sne.s32 s16, $0x4E00;
	s16 =	sadd.s32 $0xD00, s16;
	_ =	swait.ge [sflag:s31], $0x6400  }
0x4e: {  	[sflag:s31] =	ssyncset.done $0x0  }
0x4f: {  	s26 =	sadd.s32 $0xFFFFF300, s22;
	[sflag:s31] =	ssyncadd.s32 $0xFFFF9C00  }
0x50: {  	[hbm4b:s26+s2] =	stream.linear.scatter [tilespmem:s15], [sflag:$0x3], $0x3200, $0x38;
	[tilespmem:$0xE200] =	vst v63  }
0x51: {  	_ =	swait.ge [sflag:s13], $0x3200  }
0x52: {  	[sflag:s13] =	ssyncset.done $0x0  }
0x53: {  	[sflag:s13] =	ssyncadd.s32 $0xFFFFCE00  }
0x54: {  	[hbm4b:s18+s2] =	stream.linear.scatter [tilespmem:s19], [sflag:$0x3], $0x3200, $0x38;
	[tilespmem:$0xE200] =	vst v63  }
0x55: {  	_ =	swait.ge [sflag:s13], $0x3200  }
0x56: {  	s24 =	sshra.s32 s24, $0x2;
	[sflag:s13] =	ssyncset.done $0x0  }
0x57: {  	s26 =	sadd.s32 $0x340, s24;
	[sflag:s13] =	ssyncadd.s32 $0xFFFFCE00  }
0x58: {  	[tilespmem:s15], [sflag:$0x1] =	stream.indirect.gather [hbm4b:s3+s14], $0x40, s26, s14, $0xb8;
	[tilespmem:$0xE200] =	vst v63  }
0x59: {  	s26 =	sadd.s32 $0x3A8, s24  }
0x5a: {  	[tilespmem:s17], [sflag:$0x1] =	stream.indirect.gather [hbm4b:s3+s14], $0x40, s26, s14, $0xb8;
	[tilespmem:$0xE200] =	vst v63  }
0x5b: {  	s26 =	sadd.s32 $0x410, s24  }
0x5c: {  	[tilespmem:s19], [sflag:$0x1] =	stream.indirect.gather [hbm4b:s3+s14], $0x40, s26, s14, $0xb8;
	[tilespmem:$0xE200] =	vst v63  }
0x5d: {  	s26 =	sadd.s32 $0x478, s24  }
0x5e: {  	[tilespmem:s21], [sflag:$0x1] =	stream.indirect.gather [hbm4b:s3+s14], $0x40, s26, s14, $0xb8;
	[tilespmem:$0xE200] =	vst v63  }
0x5f: {  	_ =	swait.ge [sflag:s1], $0x6400  }
0x60: {  	[sflag:s1] =	ssyncset.done $0x0  }
0x61: {  	[sflag:s1] =	ssyncadd.s32 $0xFFFF9C00  }
0x62: {  	[hbm4b:s22+s2] =	stream.linear.scatter [tilespmem:s23], [sflag:$0x3], $0x3200, $0x38;
	[tilespmem:$0xE200] =	vst v63  }
0x63: {  	_ =	swait.ge [sflag:s13], $0x3200  }
0x64: {  	[sflag:s13] =	ssyncset.done $0x0  }
0x65: {  	[sflag:s13] =	ssyncadd.s32 $0xFFFFCE00  }
0x66: {  	[hbm4b:s20+s2] =	stream.linear.scatter [tilespmem:s28], [sflag:$0x3], $0x3200, $0x38;
	[tilespmem:$0xE200] =	vst v63  }
0x67: {  	_ =	swait.ge [sflag:s13], $0x3200  }
0x68: {  	[sflag:s13] =	ssyncset.done $0x0  }
0x69: {  	s26 =	sadd.s32 $0x4E0, s24;
	[sflag:s13] =	ssyncadd.s32 $0xFFFFCE00  }
0x6a: {  	[tilespmem:s23], [sflag:$0x2] =	stream.indirect.gather [hbm4b:s3+s14], $0x40, s26, s14, $0xb8;
	[tilespmem:$0xE200] =	vst v63  }
.Ltmp0:
0x6b: {  	s26 =	sadd.s32 $0x548, s24;
	(pc) =	sbr.rel @p0 .LBB2_2-.Ltmp0, $4  }
0x6c: {  	[tilespmem:s25], [sflag:$0x2] =	stream.indirect.gather [hbm4b:s3+s14], $0x40, s26, s14, $0xb8;
	[tilespmem:$0xE200] =	vst v63  }
0x6d: {  	s18 =	sadd.s32 $0x1A00, s18;
	s26 =	sadd.s32 $0x5B0, s24  }
0x6e: {  	[tilespmem:s28], [sflag:$0x2] =	stream.indirect.gather [hbm4b:s3+s14], $0x40, s26, s14, $0xb8;
	[tilespmem:$0xE200] =	vst v63  }
0x6f: {  	s22 =	sadd.s32 $0x1A00, s22;
	s20 =	sadd.s32 $0x1A00, s20;
	s24 =	sadd.s32 $0x618, s24  }
0x70: {  	[tilespmem:s30], [sflag:$0x2] =	stream.indirect.gather [hbm4b:s3+s14], $0x40, s24, s14, $0xb8;
	[tilespmem:$0xE200] =	vst v63  }
0x71: {  	_ =	swait.ge [sflag:s31], $0x6400  }
0x72: {  	[sflag:s31] =	ssyncset.done $0x0  }
0x73: {  	[sflag:s31] =	ssyncadd.s32 $0xFFFF9C00  }
0x74: {  	[hbm4b:s6+s2] =	stream.linear.scatter [tilespmem:s15], [sflag:$0x3], $0x3200, $0x38;
	[tilespmem:$0xE200] =	vst v63  }
0x75: {  	_ =	swait.ge [sflag:s13], $0x3200  }
0x76: {  	[sflag:s13] =	ssyncset.done $0x0  }
0x77: {  	[sflag:s13] =	ssyncadd.s32 $0xFFFFCE00  }
0x78: {  	[hbm4b:s7+s2] =	stream.linear.scatter [tilespmem:s19], [sflag:$0x3], $0x3200, $0x38;
	[tilespmem:$0xE200] =	vst v63  }
0x79: {  	_ =	swait.ge [sflag:s13], $0x3200  }
0x7a: {  	[sflag:s13] =	ssyncset.done $0x0  }
0x7b: {  	[sflag:s13] =	ssyncadd.s32 $0xFFFFCE00  }
0x7c: {  	_ =	swait.ge [sflag:s1], $0x6400  }
0x7d: {  	[sflag:s1] =	ssyncset.done $0x0  }
0x7e: {  	[sflag:s1] =	ssyncadd.s32 $0xFFFF9C00  }
0x7f: {  	[hbm4b:s8+s2] =	stream.linear.scatter [tilespmem:s23], [sflag:$0x3], $0x3200, $0x38;
	[tilespmem:$0xE200] =	vst v63  }
0x80: {  	s0 =	sadd.s32 $0x1, s0;
	_ =	swait.ge [sflag:s13], $0x3200  }
0x81: {  	p0 =	sne.s32 s0, s5;
	[sflag:s13] =	ssyncset.done $0x0  }
.Ltmp1:
0x82: {  	[sflag:s13] =	ssyncadd.s32 $0xFFFFCE00;
	(pc) =	sbr.rel @p0 .LBB2_1-.Ltmp1, $4  }
0x83: {  	[hbm4b:s9+s2] =	stream.linear.scatter [tilespmem:s28], [sflag:$0x3], $0x3200, $0x38;
	[tilespmem:$0xE200] =	vst v63  }
0x84: {  	_ =	swait.ge [sflag:s13], $0x3200  }
0x85: {  	[sflag:s13] =	ssyncset.done $0x0  }
0x86: {  	[sflag:s13] =	ssyncadd.s32 $0xFFFFCE00  }
0x87: {  	_ =	sfence.sel $0x180000  }
0x88: {  	[bflag:$0x0] =	sbarrier.arrive $0xFFFF  }
0x89: {  	_ =	strace $0x9000004D  }
0x8a: {  	s0 =	stileid.u32;
	[bflag:$0x2] =	sbarrier.arrive $0xFFFF  }
0x8b: {  	p0 =	sne.s32 s0, $0x0;
	s0 =	rddreg [dreg:$0x1]  }
0x8c: {  	s0 =	sadd.s32 @!p0 $0x100000, s0  }
0x8d: {  	[sflag:s0] =	ssyncadd.tile.s32 @!p0 $0x1;
	_ =	shalt  }
.Lfunc_end2:
_tile_overlayer_lowered:
.L_overlay_start_2:
0x8e: {  	(tag) =	ssettag $0x2  }
0x8f: {  	s0 =	rddreg [dreg:$0x0];
	s2 =	stileid.u32  }
0x90: {  	s1 =	rddreg [dreg:$0x1];
	p0 =	sne.s32 s2, $0x0  }
0x91: {  	s3 =	rddreg [dreg:$0x2];
	[bflag:$0x3] =	sbarrier.arrive $0xFFFF;
	s2 =	simm.s32 @!p0 $0x1C03  }
0x92: {  	[timem:s3], [sflag:s2] =	dma.local @!p0 [hbm:s0], s1  }
0x93: {  	s0 =	simm.s32 @!p0 $0x3  }
0x94: {  	_ =	swait.ge @!p0 [sflag:s0], s1  }
0x95: {  	s1 =	ssub.s32 @!p0 $0x0, s1;
	[sflag:s0] =	ssyncset.done @!p0 $0x0  }
0x96: {  	[sflag:s0] =	ssyncadd.s32 @!p0 s1  }
0x97: {  	[bflag:$0x3] =	sbarrier.arrive $0xFFFF  }
0x98: {  	_ =	shalt  }

// kernel: kernel.20.cloned.1.call-start
scs
__scs_entry_jumppad:
0x0: {  	(pc) =	sbr.rel $0x88, $3  }
0x1: {  	(tag) =	ssettag $0x0;
	lr =	simm.s32 $0x1  }
0x2: {  	[smem:$0x3F9E] =	sst lr;
	_ =	strace $0xD0000000  }
0x3: {  	_ = 	snop  }
0x4: {  	_ = 	snop  }
0x5: {  	_ = 	snop  }
0x6: {  	_ = 	snop  }
0x7: {  	_ = 	snop  }
__scs_overlays_trampoline_lowered:
0x8: {  	[smem:$0x3FAD] =	sst s0  }
0x9: {  	[smem:$0x3FAE] =	sst s1  }
0xa: {  	[smem:$0x3FAF] =	sst s2  }
0xb: {  	[smem:$0x3FB0] =	sst s3  }
0xc: {  	[smem:$0x3FB1] =	sst s4  }
0xd: {  	[smem:$0x3FB2] =	sst s5  }
0xe: {  	[smem:$0x3FB3] =	sst s6  }
0xf: {  	[smem:$0x3FB4] =	sst s7  }
0x10: {  	[smem:$0x3FB5] =	sst s8  }
0x11: {  	[smem:$0x3FB6] =	sst s9;
	s0 =	simm.s32 @!p0 $0x0  }
0x12: {  	s1 =	sld [smem:$0x3F9C];
	s0 =	simm.s32 @p0 $0x1  }
0x13: {  	[smem:$0x3FB7] =	sst s0;
	s0 =	simm.s32 @!p1 $0x0  }
0x14: {  	s2 =	sld [smem:$0x3F9B];
	s0 =	simm.s32 @p1 $0x1  }
0x15: {  	[smem:$0x3FB8] =	sst s0;
	s0 =	simm.s32 @!p2 $0x0  }
0x16: {  	s3 =	sld [smem:$0x3FDB];
	s0 =	simm.s32 @p2 $0x1  }
0x17: {  	s4 =	simm.s32 $0x1BF5;
	[smem:$0x3FBA] =	sst s0  }
0x18: {  	s0 =	sld [smem:$0x3F9D];
	_ =	swait.ge [sflag:s4], $0x0  }
0x19: {  	s7 =	sld [smem:$0x3F9E]  }
0x1a: {  	s8 =	sadd.s32 $0xFFFFE003, lr  }
0x1b: {  	s9 =	sadd.s32 $0xFFFFFEF7, lr;
	s5 =	simm.s32 $0xFFFFFFFF;
	p2 =	slt.u32 s8, $0xFFFFF086  }
0x1c: {  	p1 =	slt.u32 s9, $0xF7A;
	s5 =	simm.s32 @!p2 $0x0  }
0x1d: {  	s5 =	simm.s32 @p1 $0x1;
	p0 =	seq.s32 s7, s2  }
0x1e: {  	s7 =	smul.u32 @!p0 $0xF7A, s2;
	p2 =	seq.s32 @!p0 s5, $0x0  }
0x1f: {  	s9 =	smul.u32 $0xF7A, s1;
	s8 =	simm.s32 @!p0 $0x1BF5;
	p2 =	por !p2, p0  }
0x20: {  	[sflag:s8] =	ssyncset.s32 @!p0 $0xFFFFF086;
	s6 =	sadd.s32 @!p0 s3, s7;
	s7 =	simm.s32 @!p0 $0x108  }
0x21: {  	s3 =	sadd.s32 s3, s9;
	s6 =	sadd.s32 @!p0 $0x88, s6;
	s7 =	simm.s32 @p2 $0x1082  }
0x22: {  	[simem:s7], [sflag:s8] =	dma.local @!p0 [hbm:s6], $0xF7A  }
0x23: {  	s9 =	sor.u32 $0xD0000000, s2;
	s6 =	simm.s32 $0x108;
	_ =	swait.ge @!p0 [sflag:s8], $0x0  }
0x24: {  	s3 =	sadd.s32 $0x88, s3;
	s6 =	simm.s32 @!p1 $0x1082;
	[sflag:s4] =	ssyncset.s32 $0xFFFFF086  }
0x25: {  	[simem:s6], [sflag:s4] =	dma.local [hbm:s3], $0xF7A  }
0x26: {  	[smem:$0x3F9E] =	sst s1;
	(tag) =	ssettag s2;
	_ =	strace s9  }
0x27: {  	s1 =	sld [smem:$0x3FAE]  }
0x28: {  	s2 =	sld [smem:$0x3FAF]  }
0x29: {  	s4 =	sld [smem:$0x3FB1]  }
0x2a: {  	p0 =	seq.s32 s5, $0x0;
	s5 =	sld [smem:$0x3FB2]  }
0x2b: {  	s6 =	sld [smem:$0x3FB3]  }
0x2c: {  	s7 =	sld [smem:$0x3FB4]  }
0x2d: {  	s3 =	simm.s32 $0x108;
	s8 =	sld [smem:$0x3FB5]  }
0x2e: {  	s3 =	simm.s32 @!p0 $0x1082;
	s9 =	sld [smem:$0x3FB6]  }
0x2f: {  	lr =	sadd.s32 s0, s3;
	s0 =	sld [smem:$0x3FAD]  }
0x30: {  	s3 =	sld [smem:$0x3FB0]  }
0x31: {  	[smem:$0x3FB9] =	sst s10  }
0x32: {  	s10 =	sld [smem:$0x3FB7];
	_ =	sdelay $0x3  }
0x33: {  	p0 =	seq.s32 s10, $0x1;
	s10 =	sld [smem:$0x3FB9];
	_ =	sdelay $0x3  }
0x34: {  	[smem:$0x3FB9] =	sst s10  }
0x35: {  	s10 =	sld [smem:$0x3FB8];
	_ =	sdelay $0x3  }
0x36: {  	p1 =	seq.s32 s10, $0x1;
	s10 =	sld [smem:$0x3FB9];
	_ =	sdelay $0x3  }
0x37: {  	[smem:$0x3FB9] =	sst s10  }
0x38: {  	s10 =	sld [smem:$0x3FBA]  }
0x39: {  	_ = 	snop;
	(pc) =	sbr.ind lr, $3  }
0x3a: {  	_ = 	snop  }
0x3b: {  	_ = 	snop  }
0x3c: {  	p2 =	seq.s32 s10, $0x1;
	s10 =	sld [smem:$0x3FB9]  }
0x3d: {  	_ =	shalt  }
0x3e: {  	_ =	shalt  }
0x3f: {  	_ =	shalt  }
0x40: {  	_ =	shalt  }
0x41: {  	_ =	shalt  }
0x42: {  	_ =	shalt  }
0x43: {  	_ =	shalt  }
0x44: {  	_ =	shalt  }
0x45: {  	_ =	shalt  }
0x46: {  	_ =	shalt  }
0x47: {  	_ =	shalt  }
0x48: {  	_ =	shalt  }
0x49: {  	_ =	shalt  }
0x4a: {  	_ =	shalt  }
0x4b: {  	_ =	shalt  }
0x4c: {  	_ =	shalt  }
0x4d: {  	_ =	shalt  }
0x4e: {  	_ =	shalt  }
0x4f: {  	_ =	shalt  }
0x50: {  	_ =	shalt  }
0x51: {  	_ =	shalt  }
0x52: {  	_ =	shalt  }
0x53: {  	_ =	shalt  }
0x54: {  	_ =	shalt  }
0x55: {  	_ =	shalt  }
0x56: {  	_ =	shalt  }
0x57: {  	_ =	shalt  }
0x58: {  	_ =	shalt  }
0x59: {  	_ =	shalt  }
0x5a: {  	_ =	shalt  }
0x5b: {  	_ =	shalt  }
0x5c: {  	_ =	shalt  }
0x5d: {  	_ =	shalt  }
0x5e: {  	_ =	shalt  }
0x5f: {  	_ =	shalt  }
0x60: {  	_ =	shalt  }
0x61: {  	_ =	shalt  }
0x62: {  	_ =	shalt  }
0x63: {  	_ =	shalt  }
0x64: {  	_ =	shalt  }
0x65: {  	_ =	shalt  }
0x66: {  	_ =	shalt  }
0x67: {  	_ =	shalt  }
0x68: {  	_ =	shalt  }
0x69: {  	_ =	shalt  }
0x6a: {  	_ =	shalt  }
0x6b: {  	_ =	shalt  }
0x6c: {  	_ =	shalt  }
0x6d: {  	_ =	shalt  }
0x6e: {  	_ =	shalt  }
0x6f: {  	_ =	shalt  }
0x70: {  	_ =	shalt  }
0x71: {  	_ =	shalt  }
0x72: {  	_ =	shalt  }
0x73: {  	_ =	shalt  }
0x74: {  	_ =	shalt  }
0x75: {  	_ =	shalt  }
0x76: {  	_ =	shalt  }
0x77: {  	_ =	shalt  }
0x78: {  	_ =	shalt  }
0x79: {  	_ =	shalt  }
0x7a: {  	_ =	shalt  }
0x7b: {  	_ =	shalt  }
0x7c: {  	_ =	shalt  }
0x7d: {  	_ =	shalt  }
0x7e: {  	_ =	shalt  }
0x7f: {  	_ =	shalt  }
0x80: {  	_ =	shalt  }
0x81: {  	_ =	shalt  }
0x82: {  	_ =	shalt  }
0x83: {  	_ =	shalt  }
0x84: {  	_ =	shalt  }
0x85: {  	_ =	shalt  }
0x86: {  	_ =	shalt  }
0x87: {  	_ =	shalt  }
.Lfunc_end0:
.L_simem_size_0:
called_computation.3_lowered:
.L_overlay_start_0:
0x88: {  	s2 =	sld [smem:$0x3FD9]  }
0x89: {  	s3 =	sld [smem:$0x3FFE];
	_ =	sdelay $0x1  }
0x8a: {  	s1 =	srdreg.scid  }
0x8b: {  	s0 =	sand.u32 $0x1, s1  }
0x8c: {  	s17 =	sshll.u32 s0, $0xA;
	s2 =	sadd.s32 s3, s2  }
0x8d: {  	s2 =	sadd.s32 s2, s17  }
0x8e: {  	[smem:$0x3FC5] =	sst s2  }
0x8f: {  	_ = 	snop  }
0x90: {  	(tm) =	ssettm $0x1  }
0x91: {  	s18 =	sld [smem:$0x3FFB];
	_ =	sdelay $0x3  }
0x92: {  	_ =	strace s18  }
0x93: {  	s2 =	sld [smem:$0x3FFC];
	_ =	sdelay $0x3  }
0x94: {  	_ =	strace s2  }
0x95: {  	s2 =	sld [smem:$0x3FFD];
	_ =	sdelay $0x3  }
0x96: {  	_ =	strace s2  }
0x97: {  	_ =	strace $0x8FFFFFFF  }
0x98: {  	s19 =	sld [smem:$0x3FDB];
	_ =	sdelay $0x1  }
0x99: {  	s20 =	simm.s32 $_scs_section_size  }
0x9a: {  	s4 =	simm.s32 $_size__tile_overlayer_lowered;
	s5 =	simm.s32 $_tile_overlayer_lowered  }
0x9b: {  	s6 =	simm.s32 $0x1BFF;
	s21 =	sshll.u32 s5, $0x1;
	s3 =	sadd.s32 s20, s19  }
0x9c: {  	s22 =	simm.s32 $0x0;
	s4 =	sshll.u32 s4, $0x1;
	s5 =	sadd.s32 s21, s3  }
0x9d: {  	[timem:s22], [sflag:s6] =	dma.local [hbm:s5], s4  }
0x9e: {  	_ =	swait.ge [sflag:s6], s4  }
0x9f: {  	s4 =	ssub.s32 $0x0, s4;
	[sflag:s6] =	ssyncset.done $0x0  }
0xa0: {  	[sflag:s6] =	ssyncadd.s32 s4;
	_ =	sdelay $0x1  }
0xa1: {  	s23 =	simm.s32 $0x1B8B  }
0xa2: {  	_ =	swait.ge [sflag:s23], $0x1  }
0xa3: {  	[sflag:s23] =	ssyncset.done $0x0  }
0xa4: {  	[sflag:s23] =	ssyncadd.s32 $0xFFFFFFFF  }
0xa5: {  	s4 =	sld [smem:$0x0]  }
0xa6: {  	s5 =	sand.u32 $0xFFFFFFFE, s1  }
0xa7: {  	p0 =	sne.s32 s1, s5  }
0xa8: {  	s5 =	sshll.u32 @p0 s5, $0xE  }
0xa9: {  	s5 =	sadd.s32 @p0 $0x11B8D, s5;
	s6 =	sshll.u32 @p0 s4, $0x11  }
0xaa: {  	s5 =	sor.u32 @p0 s6, s5  }
0xab: {  	[sflag:s5] =	ssyncadd.remote.s32 @p0 $0x1;
	_ =	sdelay $0x1  }
0xac: {  	s5 =	simm.s32 @p0 $0x1B8D  }
0xad: {  	_ =	swait.eq @p0 [sflag:s5], $0x1  }
0xae: {  	[sflag:s5] =	ssyncadd.s32 @p0 $0xFFFFFFFF  }
0xaf: {  	s6 =	sshll.u32 @!p0 s1, $0xE  }
0xb0: {  	s6 =	sor.u32 @!p0 $0x4000, s6;
	s5 =	simm.s32 @!p0 $0x1B8D  }
0xb1: {  	s4 =	sshll.u32 @!p0 s4, $0x11;
	s6 =	sadd.s32 @!p0 $0x11B8D, s6;
	_ =	swait.eq @!p0 [sflag:s5], $0x1  }
0xb2: {  	s4 =	sor.u32 @!p0 s4, s6;
	[sflag:s5] =	ssyncadd.s32 @!p0 $0xFFFFFFFF  }
0xb3: {  	s25 =	simm.s32 $0x1B8E;
	s24 =	sld [smem:$0x3FFE];
	[sflag:s4] =	ssyncadd.remote.s32 @!p0 $0x1  }
0xb4: {  	s26 =	simm.s32 $execute0_lowered;
	[smem:$0x3FD2] =	sst s25  }
0xb5: {  	s5 =	sshll.u32 s26, $0x1;
	_ =	strace $0x8000004F;
	[dreg:$0x1] =	wrdreg $0xFFFFFFFF  }
0xb6: {  	s28 =	simm.s32 $_size_execute0_lowered;
	s3 =	sadd.s32 s3, s5;
	[dreg:$0x0] =	wrdreg $0x0  }
0xb7: {  	s5 =	sshll.u32 s28, $0x1;
	[dreg:$0x2] =	wrdreg s3  }
0xb8: {  	[dreg:$0x3] =	wrdreg s5  }
0xb9: {  	[dreg:$0x4] =	wrdreg $0xC0  }
0xba: {  	_ =	task [dreg:s22], $0x5FFFF  }
0xbb: {  	[dreg:$0x1] =	wrdreg $0xFFFFFFFF  }
0xbc: {  	[dreg:$0x0] =	wrdreg $0x60  }
0xbd: {  	[dreg:$0x2] =	wrdreg s24  }
0xbe: {  	[dreg:$0x3] =	wrdreg $0xC  }
0xbf: {  	_ =	task.clear_ibuf [dreg:s22], $0x4FFFF;
	_ =	strace $0x9000004F  }
0xc0: {  	s29 =	simm.s32 $0xC;
	_ =	strace $0x80000051  }
0xc1: {  	_ =	swait.ge [sflag:s29], $0x1  }
0xc2: {  	[sflag:s29] =	ssyncadd.s32 $0xFFFFFFFF  }
0xc3: {  	_ =	strace $0x90000051  }
0xc4: {  	_ =	sfence  }
0xc5: {  	s30 =	sld [smem:$0x0];
	_ =	sdelay $0x2  }
0xc6: {  	s31 =	sshll.u32 s1, $0xD;
	s1 =	sshrl.u32 s1, $0x2  }
0xc7: {  	s4 =	sand.u32 $0x4000, s31;
	s1 =	sadd.s32 s1, s30  }
0xc8: {  	s0 =	sor.u32 s4, s0;
	s1 =	sshll.u32 s1, $0x11  }
0xc9: {  	s0 =	sor.u32 s1, s0  }
0xca: {  	s0 =	sadd.s32 $0x8F2B, s0  }
0xcb: {  	[sflag:s0] =	ssyncadd.remote.s32 $0x1  }
0xcc: {  	_ =	sfence.sel $0xFFFF  }
0xcd: {  	[dreg:$0x0] =	wrdreg $0xFFFFFFFF;
	(pc) =	sbr.abs _section_cstart, $3  }
0xce: {  	[dreg:$0x1] =	wrdreg $0xFFFFFFFF  }
0xcf: {  	_ =	task.clear_ibuf [dreg:s22], $0x2FFFF;
	_ =	strace $0x9FFFFFFF  }
0xd0: {  	(tm) =	ssettm $0x7FFFFFFF  }
0xd1: {  	_ =	shalt  }
tec
execute0_lowered:
.L_overlay_start_1:
0x0: {  	(tag) =	ssettag $0x1  }
0x1: {  	s0 =	srdreg.scid  }
0x2: {  	s13 =	stileid.u32;
	s4 =	rddreg [dreg:$0x0];
	s2 =	simm.s32 $0x0  }
0x3: {  	s14 =	simm.s32 $0x64;
	s15 =	simm.s32 $0x1A00;
	s17 =	simm.s32 $0x3300  }
0x4: {  	s19 =	simm.s32 $0x4C00;
	s28 =	simm.s32 $0xB000;
	s29 =	simm.s32 $0x2D8  }
0x5: {  	s30 =	simm.s32 $0xC900;
	s31 =	simm.s32 $0x1;
	s10 =	smul.u32 $0xD0000, s13  }
0x6: {  	s0 =	sand.u32 $0x1, s0;
	s1 =	sshll.u32 s13, $0x1;
	s13 =	smul.u32 $0x1A000, s13  }
0x7: {  	[smem:$0x7FF] =	sst s2;
	s12 =	sadd.s32 $0xC9E400, s4;
	s11 =	smul.u32 $0x68000, s0  }
0x8: {  	s1 =	sor.u32 s0, s1;
	s7 =	ssub.s32 $0x2, s0;
	s0 =	smul.u32 $0xD000, s0  }
0x9: {  	_ =	strace $0x80000050;
	s3 =	smul.u32 $0x340, s1;
	s1 =	sshll.u32 s1, $0x5  }
0xa: {  	s9 =	sshrl.u32 s7, $0x1;
	s24 =	sadd.s32 s13, s12;
	s6 =	sor.u32 $0x1C, s1  }
0xb: {  	s13 =	simm.s32 $0x3;
	s1 =	sor.u32 $0x1E, s1;
	s8 =	smul.u32 $0x680, s6  }
0xc: {  	s7 =	ssub.s32 s7, s9;
	s10 =	sadd.s32 s11, s10;
	s6 =	smul.u32 $0x3400, s6  }
0xd: {  	s0 =	sadd.s32 s0, s24;
	s5 =	sadd.s32 s3, s4;
	s21 =	smul.u32 $0x680, s1  }
0xe: {  	s3 =	sadd.s32 $0x8200, s4;
	s1 =	smul.u32 $0x3400, s1;
	s23 =	sadd.s32 $0x9C00, s10  }
0xf: {  	s25 =	sor.u32 $0x3400, s10;
	s11 =	sadd.s32 $0xD00, s0;
	s0 =	simm.s32 $0x0  }
0x10: {  	s4 =	sadd.s32 $0x949400, s5;
	s5 =	smax.u32 s7, $0x1;
	s26 =	sshrl.u32 s25, $0x3  }
0x11: {  	s25 =	simm.s32 $0x9700;
	s6 =	sshrl.u32 s6, $0x3;
	s1 =	sshrl.u32 s1, $0x3  }
0x12: {  	s22 =	sadd.s32 s12, s6;
	s6 =	sadd.s32 s12, s8;
	s8 =	sadd.s32 s12, s21  }
0x13: {  	s1 =	sadd.s32 s12, s1;
	s21 =	simm.s32 $0x6500;
	s7 =	sadd.s32 $0x680, s22  }
0x14: {  	s9 =	sadd.s32 $0x680, s1;
	s1 =	sshrl.u32 s23, $0x3;
	s23 =	simm.s32 $0x7E00  }
0x15: {  	s10 =	sadd.s32 s1, s12;
	s12 =	sadd.s32 s26, s12;
	s1 =	simm.s32 $0x2  }
.LBB2_1:
0x16: {  	[tilespmem:s2], [sflag:$0x3] =	stream.linear.gather [hbm4b:s4+s2], $0x1A00, $0x38;
	[tilespmem:$0xE200] =	vst v63  }
0x17: {  	_ =	swait.ge [sflag:s13], $0x1A00  }
0x18: {  	[sflag:s13] =	ssyncset.done $0x0  }
0x19: {  	[sflag:s13] =	ssyncadd.s32 $0xFFFFE600  }
0x1a: {  	[tilespmem:s15], [sflag:$0x1] =	stream.indirect.gather [hbm4b:s3+s14], $0x40, s2, s14, $0xb8;
	[tilespmem:$0xE200] =	vst v63  }
0x1b: {  	s16 =	simm.s32 $0x68  }
0x1c: {  	[tilespmem:s17], [sflag:$0x1] =	stream.indirect.gather [hbm4b:s3+s14], $0x40, s16, s14, $0xb8;
	[tilespmem:$0xE200] =	vst v63  }
0x1d: {  	s22 =	simm.s32 $0xD0  }
0x1e: {  	[tilespmem:s19], [sflag:$0x1] =	stream.indirect.gather [hbm4b:s3+s14], $0x40, s22, s14, $0xb8;
	[tilespmem:$0xE200] =	vst v63  }
0x1f: {  	s24 =	simm.s32 $0x138  }
0x20: {  	[tilespmem:s21], [sflag:$0x1] =	stream.indirect.gather [hbm4b:s3+s14], $0x40, s24, s14, $0xb8;
	[tilespmem:$0xE200] =	vst v63  }
0x21: {  	s26 =	simm.s32 $0x1A0  }
0x22: {  	[tilespmem:s23], [sflag:$0x2] =	stream.indirect.gather [hbm4b:s3+s14], $0x40, s26, s14, $0xb8;
	[tilespmem:$0xE200] =	vst v63  }
0x23: {  	s18 =	simm.s32 $0x208  }
0x24: {  	[tilespmem:s25], [sflag:$0x2] =	stream.indirect.gather [hbm4b:s3+s14], $0x40, s18, s14, $0xb8;
	[tilespmem:$0xE200] =	vst v63  }
0x25: {  	s20 =	simm.s32 $0x270  }
0x26: {  	[tilespmem:s28], [sflag:$0x2] =	stream.indirect.gather [hbm4b:s3+s14], $0x40, s20, s14, $0xb8;
	[tilespmem:$0xE200] =	vst v63  }
0x27: {  	_ = 	snop  }
0x28: {  	[tilespmem:s30], [sflag:$0x2] =	stream.indirect.gather [hbm4b:s3+s14], $0x40, s29, s14, $0xb8;
	[tilespmem:$0xE200] =	vst v63  }
0x29: {  	_ =	swait.ge [sflag:s31], $0x6400  }
0x2a: {  	[sflag:s31] =	ssyncset.done $0x0  }
0x2b: {  	s22 =	sadd.s32 $0xFFFFF300, s11;
	[sflag:s31] =	ssyncadd.s32 $0xFFFF9C00  }
0x2c: {  	[hbm4b:s22+s2] =	stream.linear.scatter [tilespmem:s15], [sflag:$0x3], $0x3200, $0x38;
	[tilespmem:$0xE200] =	vst v63  }
0x2d: {  	_ =	swait.ge [sflag:s13], $0x3200  }
0x2e: {  	[sflag:s13] =	ssyncset.done $0x0  }
0x2f: {  	[sflag:s13] =	ssyncadd.s32 $0xFFFFCE00  }
0x30: {  	[hbm4b:s12+s2] =	stream.linear.scatter [tilespmem:s19], [sflag:$0x3], $0x3200, $0x38;
	[tilespmem:$0xE200] =	vst v63  }
0x31: {  	_ =	swait.ge [sflag:s13], $0x3200  }
0x32: {  	[sflag:s13] =	ssyncset.done $0x0  }
0x33: {  	s24 =	simm.s32 $0x340;
	[sflag:s13] =	ssyncadd.s32 $0xFFFFCE00  }
0x34: {  	[tilespmem:s15], [sflag:$0x1] =	stream.indirect.gather [hbm4b:s3+s14], $0x40, s24, s14, $0xb8;
	[tilespmem:$0xE200] =	vst v63  }
0x35: {  	s26 =	simm.s32 $0x3A8  }
0x36: {  	[tilespmem:s17], [sflag:$0x1] =	stream.indirect.gather [hbm4b:s3+s14], $0x40, s26, s14, $0xb8;
	[tilespmem:$0xE200] =	vst v63  }
0x37: {  	s18 =	simm.s32 $0x410  }
0x38: {  	[tilespmem:s19], [sflag:$0x1] =	stream.indirect.gather [hbm4b:s3+s14], $0x40, s18, s14, $0xb8;
	[tilespmem:$0xE200] =	vst v63  }
0x39: {  	s20 =	simm.s32 $0x478  }
0x3a: {  	[tilespmem:s21], [sflag:$0x1] =	stream.indirect.gather [hbm4b:s3+s14], $0x40, s20, s14, $0xb8;
	[tilespmem:$0xE200] =	vst v63  }
0x3b: {  	_ =	swait.ge [sflag:s1], $0x6400  }
0x3c: {  	[sflag:s1] =	ssyncset.done $0x0  }
0x3d: {  	[sflag:s1] =	ssyncadd.s32 $0xFFFF9C00  }
0x3e: {  	[hbm4b:s11+s2] =	stream.linear.scatter [tilespmem:s23], [sflag:$0x3], $0x3200, $0x38;
	[tilespmem:$0xE200] =	vst v63  }
0x3f: {  	_ =	swait.ge [sflag:s13], $0x3200  }
0x40: {  	[sflag:s13] =	ssyncset.done $0x0  }
0x41: {  	[sflag:s13] =	ssyncadd.s32 $0xFFFFCE00  }
0x42: {  	[hbm4b:s10+s2] =	stream.linear.scatter [tilespmem:s28], [sflag:$0x3], $0x3200, $0x38;
	[tilespmem:$0xE200] =	vst v63  }
0x43: {  	_ =	swait.ge [sflag:s13], $0x3200  }
0x44: {  	[sflag:s13] =	ssyncset.done $0x0  }
0x45: {  	s16 =	simm.s32 $0xD00;
	s22 =	simm.s32 $0x4E0;
	[sflag:s13] =	ssyncadd.s32 $0xFFFFCE00  }
0x46: {  	[tilespmem:s23], [sflag:$0x2] =	stream.indirect.gather [hbm4b:s3+s14], $0x40, s22, s14, $0xb8;
	[tilespmem:$0xE200] =	vst v63  }
0x47: {  	s24 =	simm.s32 $0x548;
	s26 =	simm.s32 $0x5B0;
	s18 =	sadd.s32 $0x1A00, s12  }
0x48: {  	[tilespmem:s25], [sflag:$0x2] =	stream.indirect.gather [hbm4b:s3+s14], $0x40, s24, s14, $0xb8;
	[tilespmem:$0xE200] =	vst v63  }
0x49: {  	s20 =	sadd.s32 $0x1A00, s10;
	s22 =	sadd.s32 $0x1A00, s11;
	s24 =	simm.s32 $0x618  }
0x4a: {  	[tilespmem:s28], [sflag:$0x2] =	stream.indirect.gather [hbm4b:s3+s14], $0x40, s26, s14, $0xb8;
	[tilespmem:$0xE200] =	vst v63  }
.LBB2_2:
0x4b: {  	[tilespmem:s30], [sflag:$0x2] =	stream.indirect.gather [hbm4b:s3+s14], $0x40, s24, s14, $0xb8;
	[tilespmem:$0xE200] =	vst v63  }
0x4c: {  	s24 =	smov.u32 s16  }
0x4d: {  	p0 =	sne.s32 s16, $0x4E00;
	s16 =	sadd.s32 $0xD00, s16;
	_ =	swait.ge [sflag:s31], $0x6400  }
0x4e: {  	[sflag:s31] =	ssyncset.done $0x0  }
0x4f: {  	s26 =	sadd.s32 $0xFFFFF300, s22;
	[sflag:s31] =	ssyncadd.s32 $0xFFFF9C00  }
0x50: {  	[hbm4b:s26+s2] =	stream.linear.scatter [tilespmem:s15], [sflag:$0x3], $0x3200, $0x38;
	[tilespmem:$0xE200] =	vst v63  }
0x51: {  	_ =	swait.ge [sflag:s13], $0x3200  }
0x52: {  	[sflag:s13] =	ssyncset.done $0x0  }
0x53: {  	[sflag:s13] =	ssyncadd.s32 $0xFFFFCE00  }
0x54: {  	[hbm4b:s18+s2] =	stream.linear.scatter [tilespmem:s19], [sflag:$0x3], $0x3200, $0x38;
	[tilespmem:$0xE200] =	vst v63  }
0x55: {  	_ =	swait.ge [sflag:s13], $0x3200  }
0x56: {  	s24 =	sshra.s32 s24, $0x2;
	[sflag:s13] =	ssyncset.done $0x0  }
0x57: {  	s26 =	sadd.s32 $0x340, s24;
	[sflag:s13] =	ssyncadd.s32 $0xFFFFCE00  }
0x58: {  	[tilespmem:s15], [sflag:$0x1] =	stream.indirect.gather [hbm4b:s3+s14], $0x40, s26, s14, $0xb8;
	[tilespmem:$0xE200] =	vst v63  }
0x59: {  	s26 =	sadd.s32 $0x3A8, s24  }
0x5a: {  	[tilespmem:s17], [sflag:$0x1] =	stream.indirect.gather [hbm4b:s3+s14], $0x40, s26, s14, $0xb8;
	[tilespmem:$0xE200] =	vst v63  }
0x5b: {  	s26 =	sadd.s32 $0x410, s24  }
0x5c: {  	[tilespmem:s19], [sflag:$0x1] =	stream.indirect.gather [hbm4b:s3+s14], $0x40, s26, s14, $0xb8;
	[tilespmem:$0xE200] =	vst v63  }
0x5d: {  	s26 =	sadd.s32 $0x478, s24  }
0x5e: {  	[tilespmem:s21], [sflag:$0x1] =	stream.indirect.gather [hbm4b:s3+s14], $0x40, s26, s14, $0xb8;
	[tilespmem:$0xE200] =	vst v63  }
0x5f: {  	_ =	swait.ge [sflag:s1], $0x6400  }
0x60: {  	[sflag:s1] =	ssyncset.done $0x0  }
0x61: {  	[sflag:s1] =	ssyncadd.s32 $0xFFFF9C00  }
0x62: {  	[hbm4b:s22+s2] =	stream.linear.scatter [tilespmem:s23], [sflag:$0x3], $0x3200, $0x38;
	[tilespmem:$0xE200] =	vst v63  }
0x63: {  	_ =	swait.ge [sflag:s13], $0x3200  }
0x64: {  	[sflag:s13] =	ssyncset.done $0x0  }
0x65: {  	[sflag:s13] =	ssyncadd.s32 $0xFFFFCE00  }
0x66: {  	[hbm4b:s20+s2] =	stream.linear.scatter [tilespmem:s28], [sflag:$0x3], $0x3200, $0x38;
	[tilespmem:$0xE200] =	vst v63  }
0x67: {  	_ =	swait.ge [sflag:s13], $0x3200  }
0x68: {  	[sflag:s13] =	ssyncset.done $0x0  }
0x69: {  	s26 =	sadd.s32 $0x4E0, s24;
	[sflag:s13] =	ssyncadd.s32 $0xFFFFCE00  }
0x6a: {  	[tilespmem:s23], [sflag:$0x2] =	stream.indirect.gather [hbm4b:s3+s14], $0x40, s26, s14, $0xb8;
	[tilespmem:$0xE200] =	vst v63  }
.Ltmp0:
0x6b: {  	s26 =	sadd.s32 $0x548, s24;
	(pc) =	sbr.rel @p0 .LBB2_2-.Ltmp0, $4  }
0x6c: {  	[tilespmem:s25], [sflag:$0x2] =	stream.indirect.gather [hbm4b:s3+s14], $0x40, s26, s14, $0xb8;
	[tilespmem:$0xE200] =	vst v63  }
0x6d: {  	s18 =	sadd.s32 $0x1A00, s18;
	s26 =	sadd.s32 $0x5B0, s24  }
0x6e: {  	[tilespmem:s28], [sflag:$0x2] =	stream.indirect.gather [hbm4b:s3+s14], $0x40, s26, s14, $0xb8;
	[tilespmem:$0xE200] =	vst v63  }
0x6f: {  	s22 =	sadd.s32 $0x1A00, s22;
	s20 =	sadd.s32 $0x1A00, s20;
	s24 =	sadd.s32 $0x618, s24  }
0x70: {  	[tilespmem:s30], [sflag:$0x2] =	stream.indirect.gather [hbm4b:s3+s14], $0x40, s24, s14, $0xb8;
	[tilespmem:$0xE200] =	vst v63  }
0x71: {  	_ =	swait.ge [sflag:s31], $0x6400  }
0x72: {  	[sflag:s31] =	ssyncset.done $0x0  }
0x73: {  	[sflag:s31] =	ssyncadd.s32 $0xFFFF9C00  }
0x74: {  	[hbm4b:s6+s2] =	stream.linear.scatter [tilespmem:s15], [sflag:$0x3], $0x3200, $0x38;
	[tilespmem:$0xE200] =	vst v63  }
0x75: {  	_ =	swait.ge [sflag:s13], $0x3200  }
0x76: {  	[sflag:s13] =	ssyncset.done $0x0  }
0x77: {  	[sflag:s13] =	ssyncadd.s32 $0xFFFFCE00  }
0x78: {  	[hbm4b:s7+s2] =	stream.linear.scatter [tilespmem:s19], [sflag:$0x3], $0x3200, $0x38;
	[tilespmem:$0xE200] =	vst v63  }
0x79: {  	_ =	swait.ge [sflag:s13], $0x3200  }
0x7a: {  	[sflag:s13] =	ssyncset.done $0x0  }
0x7b: {  	[sflag:s13] =	ssyncadd.s32 $0xFFFFCE00  }
0x7c: {  	_ =	swait.ge [sflag:s1], $0x6400  }
0x7d: {  	[sflag:s1] =	ssyncset.done $0x0  }
0x7e: {  	[sflag:s1] =	ssyncadd.s32 $0xFFFF9C00  }
0x7f: {  	[hbm4b:s8+s2] =	stream.linear.scatter [tilespmem:s23], [sflag:$0x3], $0x3200, $0x38;
	[tilespmem:$0xE200] =	vst v63  }
0x80: {  	s0 =	sadd.s32 $0x1, s0;
	_ =	swait.ge [sflag:s13], $0x3200  }
0x81: {  	p0 =	sne.s32 s0, s5;
	[sflag:s13] =	ssyncset.done $0x0  }
.Ltmp1:
0x82: {  	[sflag:s13] =	ssyncadd.s32 $0xFFFFCE00;
	(pc) =	sbr.rel @p0 .LBB2_1-.Ltmp1, $4  }
0x83: {  	[hbm4b:s9+s2] =	stream.linear.scatter [tilespmem:s28], [sflag:$0x3], $0x3200, $0x38;
	[tilespmem:$0xE200] =	vst v63  }
0x84: {  	_ =	swait.ge [sflag:s13], $0x3200  }
0x85: {  	[sflag:s13] =	ssyncset.done $0x0  }
0x86: {  	[sflag:s13] =	ssyncadd.s32 $0xFFFFCE00  }
0x87: {  	_ =	sfence.sel $0x180000  }
0x88: {  	[bflag:$0x0] =	sbarrier.arrive $0xFFFF  }
0x89: {  	_ =	strace $0x90000050  }
0x8a: {  	s0 =	stileid.u32;
	[bflag:$0x2] =	sbarrier.arrive $0xFFFF  }
0x8b: {  	p0 =	sne.s32 s0, $0x0;
	s0 =	rddreg [dreg:$0x1]  }
0x8c: {  	s0 =	sadd.s32 @!p0 $0x100000, s0  }
0x8d: {  	[sflag:s0] =	ssyncadd.tile.s32 @!p0 $0x1;
	_ =	shalt  }
.Lfunc_end2:
_tile_overlayer_lowered:
.L_overlay_start_2:
0x8e: {  	(tag) =	ssettag $0x2  }
0x8f: {  	s0 =	rddreg [dreg:$0x0];
	s2 =	stileid.u32  }
0x90: {  	s1 =	rddreg [dreg:$0x1];
	p0 =	sne.s32 s2, $0x0  }
0x91: {  	s3 =	rddreg [dreg:$0x2];
	[bflag:$0x3] =	sbarrier.arrive $0xFFFF;
	s2 =	simm.s32 @!p0 $0x1C03  }
0x92: {  	[timem:s3], [sflag:s2] =	dma.local @!p0 [hbm:s0], s1  }
0x93: {  	s0 =	simm.s32 @!p0 $0x3  }
0x94: {  	_ =	swait.ge @!p0 [sflag:s0], s1  }
0x95: {  	s1 =	ssub.s32 @!p0 $0x0, s1;
	[sflag:s0] =	ssyncset.done @!p0 $0x0  }
0x96: {  	[sflag:s0] =	ssyncadd.s32 @!p0 s1  }
0x97: {  	[bflag:$0x3] =	sbarrier.arrive $0xFFFF  }
0x98: {  	_ =	shalt  }

</sc_bundles>
